<compile_context>
chip_gen: v7x
topology: tpu7x:2x2x1
jax: 0.10.2.dev20260603
libtpu: 0.0.44.dev20260713+nightly
codegen_flags: <defaults>
</compile_context>

<pallas_src>
import functools

import jax
import jax.numpy as jnp
from jax import lax
from jax.experimental import pallas as pl
from jax.experimental.pallas import tpu as pltpu
from jax.experimental.pallas import tpu_sc as plsc

N = 10000
E = 320000
H = 128

NC = 2
NS = 16
NW = NC * NS
F = H // NW
CH = 6400
NCH = E // CH
L = 16


def _enc_body(x_ref, we_ref, be_ref, wm_ref, bm_ref, h_ref, hm_ref):
    x = x_ref[...]
    h = lax.dot_general(x, we_ref[...], (((1,), (1,)), ((), ())),
                        preferred_element_type=jnp.float32)
    h = jnp.maximum(h + be_ref[...], 0.0)
    h_ref[...] = h
    hm = lax.dot_general(h, wm_ref[...], (((1,), (1,)), ((), ())),
                         preferred_element_type=jnp.float32)
    hm_ref[...] = hm + bm_ref[...]


def _encode(x, W_enc, b_enc, Wm1, b_msg):
    blk = 1000
    grid = N // blk
    return pl.pallas_call(
        _enc_body,
        grid=(grid,),
        in_specs=[
            pl.BlockSpec((blk, H), lambda i: (i, 0)),
            pl.BlockSpec((H, H), lambda i: (0, 0)),
            pl.BlockSpec((1, H), lambda i: (0, 0)),
            pl.BlockSpec((H, H), lambda i: (0, 0)),
            pl.BlockSpec((1, H), lambda i: (0, 0)),
        ],
        out_specs=[
            pl.BlockSpec((blk, H), lambda i: (i, 0)),
            pl.BlockSpec((blk, H), lambda i: (i, 0)),
        ],
        out_shape=[
            jax.ShapeDtypeStruct((N, H), jnp.float32),
            jax.ShapeDtypeStruct((N, H), jnp.float32),
        ],
    )(x, W_enc, b_enc.reshape(1, H), Wm1, b_msg.reshape(1, H))


def _perm16(x, idx):
    return lax.gather(
        x, idx.reshape(L, 1),
        lax.GatherDimensionNumbers(
            offset_dims=(), collapsed_slice_dims=(0,), start_index_map=(0,)),
        (1,),
        mode=lax.GatherScatterMode.PROMISE_IN_BOUNDS)


def _segmin_body(hmfs_hbm, src_hbm, dst_hbm, ea_hbm, wcol_hbm, out_hbm,
                 acc0, acc1, acc2, acc3, hmf0, hmf1, hmf2, hmf3,
                 db, db2, sb, sb2, ab, ab2, wcolv,
                 sems):
    cid = lax.axis_index("c")
    sid = lax.axis_index("s")
    wid = sid * NC + cid
    accs = (acc0, acc1, acc2, acc3)
    hmfs_ = (hmf0, hmf1, hmf2, hmf3)

    pltpu.sync_copy(wcol_hbm, wcolv)
    for t in range(F):
        pltpu.sync_copy(
            hmfs_hbm.at[pl.ds(pl.multiple_of((wid * F + t) * N, 8), N)],
            hmfs_[t])

    wsp = [plsc.load_gather(
        wcolv, [jnp.zeros((L,), jnp.int32) + (wid * F + t)])
        for t in range(F)]

    inf16 = jnp.full((L,), jnp.inf, dtype=jnp.float32)

    def _init_acc(i, c):
        for t in range(F):
            accs[t][pl.ds(i * L, L)] = inf16
        return c

    lax.fori_loop(0, N // L, _init_acc, 0)

    iota = lax.iota(jnp.int32, L)
    sidx = [jnp.maximum(iota - s, 0) for s in (1, 2, 4, 8)]
    smask = [iota >= s for s in (1, 2, 4, 8)]
    nidx = jnp.minimum(iota + 1, L - 1)
    last = iota == (L - 1)

    dbs = (db, db2)
    sbs = (sb, sb2)
    abs_ = (ab, ab2)

    for b in range(2):
        ebase = b * CH
        pltpu.async_copy(dst_hbm.at[pl.ds(ebase, CH)], dbs[b], sems.at[3 * b])
        pltpu.async_copy(src_hbm.at[pl.ds(ebase, CH)], sbs[b],
                         sems.at[3 * b + 1])
        pltpu.async_copy(ea_hbm.at[pl.ds(ebase, CH)], abs_[b],
                         sems.at[3 * b + 2])

    def _one(k, dbuf, sbuf, abuf):
        dv = dbuf[pl.ds(k * L, L)]
        sv = sbuf[pl.ds(k * L, L)]
        av = abuf[pl.ds(k * L, L)]
        _, ulast = plsc.scan_count(dv)
        upop = plsc.all_reduce_population_count(ulast)

        for t in range(F):
            g = plsc.load_gather(hmfs_[t], [sv])
            msg = g + av * wsp[t]
            cur = plsc.load_gather(accs[t], [dv])
            plsc.store_scatter(accs[t], [dv], jnp.minimum(cur, msg))

        @pl.when(upop[0] < L)
        def _slow():
            dk, perm = plsc.sort_key_val(dv, iota)
            svp = _perm16(sv, perm)
            avp = _perm16(av, perm)
            tail = last | (dk != _perm16(dk, nidx))
            eq = [smask[i] & (dk == _perm16(dk, sidx[i])) for i in range(4)]
            for t in range(F):
                g = plsc.load_gather(hmfs_[t], [svp])
                msg = g + avp * wsp[t]
                for i in range(4):
                    sh = _perm16(msg, sidx[i])
                    msg = jnp.where(eq[i], jnp.minimum(msg, sh), msg)
                cur = plsc.load_gather(accs[t], [dk])
                plsc.store_scatter(accs[t], [dk],
                                   jnp.minimum(cur, msg), mask=tail)

    def _vreg8(k8, c, dbuf, sbuf, abuf):
        for u in range(8):
            _one(k8 * 8 + u, dbuf, sbuf, abuf)
        return c

    def _pair(g2, carry):
        for b in range(2):
            ci = g2 * 2 + b
            dbuf, sbuf, abuf = dbs[b], sbs[b], abs_[b]
            pltpu.make_async_copy(dst_hbm.at[pl.ds(0, CH)], dbuf,
                                  sems.at[3 * b]).wait()
            pltpu.make_async_copy(src_hbm.at[pl.ds(0, CH)], sbuf,
                                  sems.at[3 * b + 1]).wait()
            pltpu.make_async_copy(ea_hbm.at[pl.ds(0, CH)], abuf,
                                  sems.at[3 * b + 2]).wait()

            body = functools.partial(_vreg8, dbuf=dbuf, sbuf=sbuf, abuf=abuf)
            lax.fori_loop(0, CH // (8 * L), body, 0)

            @pl.when(ci + 2 < NCH)
            def _pf():
                nxt = pl.multiple_of((ci + 2) * CH, 8)
                pltpu.async_copy(dst_hbm.at[pl.ds(nxt, CH)], dbuf,
                                 sems.at[3 * b])
                pltpu.async_copy(src_hbm.at[pl.ds(nxt, CH)], sbuf,
                                 sems.at[3 * b + 1])
                pltpu.async_copy(ea_hbm.at[pl.ds(nxt, CH)], abuf,
                                 sems.at[3 * b + 2])
        return carry

    lax.fori_loop(0, NCH // 2, _pair, 0)

    for t in range(F):
        pltpu.sync_copy(
            accs[t],
            out_hbm.at[pl.ds(pl.multiple_of((wid * F + t) * N, 8), N)])


def _segment_min(hmfs, src, dst, ea, wcol):
    mesh = plsc.VectorSubcoreMesh(core_axis_name="c", subcore_axis_name="s",
                                  num_cores=NC, num_subcores=NS)
    f = pl.kernel(
        _segmin_body,
        out_type=jax.ShapeDtypeStruct((NW * N * F,), jnp.float32),
        mesh=mesh,
        compiler_params=pltpu.CompilerParams(needs_layout_passes=False),
        scratch_types=(
            [pltpu.VMEM((N,), jnp.float32)] * 4 +
            [pltpu.VMEM((N,), jnp.float32)] * 4 +
            [
                pltpu.VMEM((CH,), jnp.int32),
                pltpu.VMEM((CH,), jnp.int32),
                pltpu.VMEM((CH,), jnp.int32),
                pltpu.VMEM((CH,), jnp.int32),
                pltpu.VMEM((CH,), jnp.float32),
                pltpu.VMEM((CH,), jnp.float32),
                pltpu.VMEM((H,), jnp.float32),
                pltpu.SemaphoreType.DMA((6,)),
            ]),
    )
    out = f(hmfs, src, dst, ea, wcol)
    return out.reshape(H, N).T


def _dec_body(h_ref, ag_ref, wu1_ref, wu2_ref, bu_ref, wd_ref, bd_ref, o_ref):
    upd = lax.dot_general(h_ref[...], wu1_ref[...], (((1,), (1,)), ((), ())),
                          preferred_element_type=jnp.float32)
    upd = upd + lax.dot_general(ag_ref[...], wu2_ref[...],
                                (((1,), (1,)), ((), ())),
                                preferred_element_type=jnp.float32)
    upd = upd + bu_ref[...]
    o = jnp.sum(upd * wd_ref[...], axis=1, keepdims=True)
    o_ref[...] = jax.nn.sigmoid(o + bd_ref[0, 0])


def _decode(h, aggr, Wu1, Wu2, b_upd, W_dec, b_dec):
    blk = 1000
    grid = N // blk
    return pl.pallas_call(
        _dec_body,
        grid=(grid,),
        in_specs=[
            pl.BlockSpec((blk, H), lambda i: (i, 0)),
            pl.BlockSpec((blk, H), lambda i: (i, 0)),
            pl.BlockSpec((H, H), lambda i: (0, 0)),
            pl.BlockSpec((H, H), lambda i: (0, 0)),
            pl.BlockSpec((1, H), lambda i: (0, 0)),
            pl.BlockSpec((1, H), lambda i: (0, 0)),
            pl.BlockSpec((1, 1), lambda i: (0, 0)),
        ],
        out_specs=pl.BlockSpec((blk, 1), lambda i: (i, 0)),
        out_shape=jax.ShapeDtypeStruct((N, 1), jnp.float32),
    )(h, aggr, Wu1, Wu2, b_upd.reshape(1, H), W_dec, b_dec.reshape(1, 1))


def kernel(x, edge_index, edge_attr, W_enc, b_enc, W_msg, b_msg,
           W_upd, b_upd, W_dec, b_dec):
    src = edge_index[0]
    dst = edge_index[1]
    Wm1 = W_msg[:, :H]
    wcol = W_msg[:, H]
    Wu1 = W_upd[:, :H]
    Wu2 = W_upd[:, H:]

    h, hm = _encode(x, W_enc, b_enc, Wm1, b_msg)
    hmfs = hm.T.reshape(H * N)
    aggr = _segment_min(hmfs, src, dst, edge_attr, wcol)
    return _decode(h, aggr, Wu1, Wu2, b_upd, W_dec, b_dec)

# --- scband reference (transcript-rebuilt; emitter-appended) ---
"""Pipeline reference for scband-encode-process-decode-84293028151463 (READ-ONLY COPY).

The authoritative reference and input builder live on the scoring server;
editing this copy changes nothing except your own understanding.
"""

import jax, jax.numpy as jnp
import numpy as np

N = 10000
E = 320000
D_IN = 128
H = 128


def setup_inputs(seed: int = 0) -> dict:
    key = jax.random.key(seed)
    ks = jax.random.split(key, 12)
    x = jax.random.normal(ks[0], (N, D_IN), dtype=jnp.float32)
    edge_index = jax.random.randint(ks[1], (2, E), 0, N, dtype=jnp.int32)
    edge_attr = jax.random.uniform(ks[2], (E,), dtype=jnp.float32)
    # learned parameters (PyTorch Linear convention: y = x @ W.T + b)
    W_enc = jax.random.normal(ks[3], (H, D_IN), dtype=jnp.float32) * 0.05
    b_enc = jnp.zeros((H,), dtype=jnp.float32)
    W_msg = jax.random.normal(ks[4], (H, H + 1), dtype=jnp.float32) * 0.05
    b_msg = jnp.zeros((H,), dtype=jnp.float32)
    W_upd = jax.random.normal(ks[5], (H, H + H), dtype=jnp.float32) * 0.05
    b_upd = jnp.zeros((H,), dtype=jnp.float32)
    W_dec = jax.random.normal(ks[6], (1, H), dtype=jnp.float32) * 0.05
    b_dec = jnp.zeros((1,), dtype=jnp.float32)
    return {
        "x": x,
        "edge_index": edge_index,
        "edge_attr": edge_attr,
        "W_enc": W_enc,
        "b_enc": b_enc,
        "W_msg": W_msg,
        "b_msg": b_msg,
        "W_upd": W_upd,
        "b_upd": b_upd,
        "W_dec": W_dec,
        "b_dec": b_dec,
    }


def reference(x, edge_index, edge_attr, W_enc, b_enc, W_msg, b_msg, W_upd, b_upd, W_dec, b_dec):
    # encoder + relu
    h = jax.nn.relu(x @ W_enc.T + b_enc)
    src = edge_index[0]
    dst = edge_index[1]
    # message: linear(concat[x_j (source node feats), edge_attr[:, None]])
    x_j = jnp.take(h, src, axis=0)
    msg_in = jnp.concatenate([x_j, edge_attr[:, None]], axis=-1)
    msg = msg_in @ W_msg.T + b_msg
    # aggr='min' over destination nodes
    aggr = jax.ops.segment_min(msg, dst, num_segments=N)
    # update: linear(concat[x, aggr_out])
    upd = jnp.concatenate([h, aggr], axis=-1) @ W_upd.T + b_upd
    # decoder + sigmoid
    out = jax.nn.sigmoid(upd @ W_dec.T + b_dec)
    return out

if __name__ == "__main__":
    import jax
    _d = setup_inputs()
    print(jax.jit(kernel)(*tuple(_d.values())))

</pallas_src>

<mosaic_0001>
#map = affine_map<(d0, d1) -> (0)>
module attributes {stable_mosaic.version = 14 : i64} {
  func.func @_segmin_body(%arg0: i32, %arg1: i32, %arg2: memref<1280000xf32, #tpu.memory_space<hbm>>, %arg3: memref<320000xi32, #tpu.memory_space<hbm>>, %arg4: memref<320000xi32, #tpu.memory_space<hbm>>, %arg5: memref<320000xf32, #tpu.memory_space<hbm>>, %arg6: memref<128xf32, #tpu.memory_space<hbm>>, %arg7: memref<1280000xf32, #tpu.memory_space<hbm>>, %arg8: memref<10000xf32, #tpu.memory_space<vmem>>, %arg9: memref<10000xf32, #tpu.memory_space<vmem>>, %arg10: memref<10000xf32, #tpu.memory_space<vmem>>, %arg11: memref<10000xf32, #tpu.memory_space<vmem>>, %arg12: memref<10000xf32, #tpu.memory_space<vmem>>, %arg13: memref<10000xf32, #tpu.memory_space<vmem>>, %arg14: memref<10000xf32, #tpu.memory_space<vmem>>, %arg15: memref<10000xf32, #tpu.memory_space<vmem>>, %arg16: memref<6400xi32, #tpu.memory_space<vmem>>, %arg17: memref<6400xi32, #tpu.memory_space<vmem>>, %arg18: memref<6400xi32, #tpu.memory_space<vmem>>, %arg19: memref<6400xi32, #tpu.memory_space<vmem>>, %arg20: memref<6400xf32, #tpu.memory_space<vmem>>, %arg21: memref<6400xf32, #tpu.memory_space<vmem>>, %arg22: memref<128xf32, #tpu.memory_space<vmem>>, %arg23: memref<6x!tpu.dma_semaphore, #tpu.memory_space<semaphore_mem>>) attributes {dimension_semantics = [#tpu.dimension_semantics<core_parallel>, #tpu.dimension_semantics<subcore_parallel>], iteration_bounds = array<i64: 2, 16>, scalar_prefetch = 0 : i64, scratch_operands = 16 : i64, tpu.core_type = #tpu.core_type<sc_vector_subcore>, window_params = [{transform_indices = #map}, {transform_indices = #map}, {transform_indices = #map}, {transform_indices = #map}, {transform_indices = #map}, {transform_indices = #map}]} {
    %mul3A = arith.constant 2 : i32
    %mul3A_0 = arith.muli %arg1, %mul3A : i32
    %add3A = arith.addi %mul3A_0, %arg0 : i32
    "tpu.region"() ({
      %run_scoped3A = tpu.sem_alloc : memref<!tpu.dma_semaphore, #tpu.memory_space<semaphore_mem>>
      tpu.enqueue_dma source(%arg6 : memref<128xf32, #tpu.memory_space<hbm>>) target(%arg22 : memref<128xf32, #tpu.memory_space<vmem>>) target_semaphore(%run_scoped3A : memref<!tpu.dma_semaphore, #tpu.memory_space<semaphore_mem>>)
      tpu.wait_dma2 semaphore(%run_scoped3A : memref<!tpu.dma_semaphore, #tpu.memory_space<semaphore_mem>>) src(%arg6 : memref<128xf32, #tpu.memory_space<hbm>>) dst(%arg22 : memref<128xf32, #tpu.memory_space<vmem>>)
      tpu.yield
    }) : () -> ()
    %mul3A_1 = arith.constant 4 : i32
    %mul3A_2 = arith.muli %add3A, %mul3A_1 : i32
    %add3A_3 = arith.constant 0 : i32
    %add3A_4 = arith.addi %mul3A_2, %add3A_3 : i32
    %mul3A_5 = arith.constant 10000 : i32
    %mul3A_6 = arith.muli %add3A_4, %mul3A_5 : i32
    %multiple_of3A = tpu.assume_multiple %mul3A_6, 8 : i32
    "tpu.region"() ({
      %run_scoped3A = tpu.sem_alloc : memref<!tpu.dma_semaphore, #tpu.memory_space<semaphore_mem>>
      %dma_start3A_184 = tpu.memref_slice %arg2[%multiple_of3A] : memref<1280000xf32, #tpu.memory_space<hbm>> -> memref<10000xf32, #tpu.memory_space<hbm>>
      %dma_start3A_185 = tpu.memref_slice %arg2[%multiple_of3A] : memref<1280000xf32, #tpu.memory_space<hbm>> -> memref<10000xf32, #tpu.memory_space<hbm>>
      tpu.enqueue_dma source(%dma_start3A_185 : memref<10000xf32, #tpu.memory_space<hbm>>) target(%arg12 : memref<10000xf32, #tpu.memory_space<vmem>>) target_semaphore(%run_scoped3A : memref<!tpu.dma_semaphore, #tpu.memory_space<semaphore_mem>>)
      %dma_wait3A = tpu.memref_slice %arg2[%multiple_of3A] : memref<1280000xf32, #tpu.memory_space<hbm>> -> memref<10000xf32, #tpu.memory_space<hbm>>
      %dma_wait3A_186 = tpu.memref_slice %arg2[%multiple_of3A] : memref<1280000xf32, #tpu.memory_space<hbm>> -> memref<10000xf32, #tpu.memory_space<hbm>>
      tpu.wait_dma2 semaphore(%run_scoped3A : memref<!tpu.dma_semaphore, #tpu.memory_space<semaphore_mem>>) src(%dma_wait3A_186 : memref<10000xf32, #tpu.memory_space<hbm>>) dst(%arg12 : memref<10000xf32, #tpu.memory_space<vmem>>)
      tpu.yield
    }) : () -> ()
    %mul3A_7 = arith.constant 4 : i32
    %mul3A_8 = arith.muli %add3A, %mul3A_7 : i32
    %add3A_9 = arith.constant 1 : i32
    %add3A_10 = arith.addi %mul3A_8, %add3A_9 : i32
    %mul3A_11 = arith.constant 10000 : i32
    %mul3A_12 = arith.muli %add3A_10, %mul3A_11 : i32
    %multiple_of3A_13 = tpu.assume_multiple %mul3A_12, 8 : i32
    "tpu.region"() ({
      %run_scoped3A = tpu.sem_alloc : memref<!tpu.dma_semaphore, #tpu.memory_space<semaphore_mem>>
      %dma_start3A_184 = tpu.memref_slice %arg2[%multiple_of3A_13] : memref<1280000xf32, #tpu.memory_space<hbm>> -> memref<10000xf32, #tpu.memory_space<hbm>>
      %dma_start3A_185 = tpu.memref_slice %arg2[%multiple_of3A_13] : memref<1280000xf32, #tpu.memory_space<hbm>> -> memref<10000xf32, #tpu.memory_space<hbm>>
      tpu.enqueue_dma source(%dma_start3A_185 : memref<10000xf32, #tpu.memory_space<hbm>>) target(%arg13 : memref<10000xf32, #tpu.memory_space<vmem>>) target_semaphore(%run_scoped3A : memref<!tpu.dma_semaphore, #tpu.memory_space<semaphore_mem>>)
      %dma_wait3A = tpu.memref_slice %arg2[%multiple_of3A_13] : memref<1280000xf32, #tpu.memory_space<hbm>> -> memref<10000xf32, #tpu.memory_space<hbm>>
      %dma_wait3A_186 = tpu.memref_slice %arg2[%multiple_of3A_13] : memref<1280000xf32, #tpu.memory_space<hbm>> -> memref<10000xf32, #tpu.memory_space<hbm>>
      tpu.wait_dma2 semaphore(%run_scoped3A : memref<!tpu.dma_semaphore, #tpu.memory_space<semaphore_mem>>) src(%dma_wait3A_186 : memref<10000xf32, #tpu.memory_space<hbm>>) dst(%arg13 : memref<10000xf32, #tpu.memory_space<vmem>>)
      tpu.yield
    }) : () -> ()
    %mul3A_14 = arith.constant 4 : i32
    %mul3A_15 = arith.muli %add3A, %mul3A_14 : i32
    %add3A_16 = arith.constant 2 : i32
    %add3A_17 = arith.addi %mul3A_15, %add3A_16 : i32
    %mul3A_18 = arith.constant 10000 : i32
    %mul3A_19 = arith.muli %add3A_17, %mul3A_18 : i32
    %multiple_of3A_20 = tpu.assume_multiple %mul3A_19, 8 : i32
    "tpu.region"() ({
      %run_scoped3A = tpu.sem_alloc : memref<!tpu.dma_semaphore, #tpu.memory_space<semaphore_mem>>
      %dma_start3A_184 = tpu.memref_slice %arg2[%multiple_of3A_20] : memref<1280000xf32, #tpu.memory_space<hbm>> -> memref<10000xf32, #tpu.memory_space<hbm>>
      %dma_start3A_185 = tpu.memref_slice %arg2[%multiple_of3A_20] : memref<1280000xf32, #tpu.memory_space<hbm>> -> memref<10000xf32, #tpu.memory_space<hbm>>
      tpu.enqueue_dma source(%dma_start3A_185 : memref<10000xf32, #tpu.memory_space<hbm>>) target(%arg14 : memref<10000xf32, #tpu.memory_space<vmem>>) target_semaphore(%run_scoped3A : memref<!tpu.dma_semaphore, #tpu.memory_space<semaphore_mem>>)
      %dma_wait3A = tpu.memref_slice %arg2[%multiple_of3A_20] : memref<1280000xf32, #tpu.memory_space<hbm>> -> memref<10000xf32, #tpu.memory_space<hbm>>
      %dma_wait3A_186 = tpu.memref_slice %arg2[%multiple_of3A_20] : memref<1280000xf32, #tpu.memory_space<hbm>> -> memref<10000xf32, #tpu.memory_space<hbm>>
      tpu.wait_dma2 semaphore(%run_scoped3A : memref<!tpu.dma_semaphore, #tpu.memory_space<semaphore_mem>>) src(%dma_wait3A_186 : memref<10000xf32, #tpu.memory_space<hbm>>) dst(%arg14 : memref<10000xf32, #tpu.memory_space<vmem>>)
      tpu.yield
    }) : () -> ()
    %mul3A_21 = arith.constant 4 : i32
    %mul3A_22 = arith.muli %add3A, %mul3A_21 : i32
    %add3A_23 = arith.constant 3 : i32
    %add3A_24 = arith.addi %mul3A_22, %add3A_23 : i32
    %mul3A_25 = arith.constant 10000 : i32
    %mul3A_26 = arith.muli %add3A_24, %mul3A_25 : i32
    %multiple_of3A_27 = tpu.assume_multiple %mul3A_26, 8 : i32
    "tpu.region"() ({
      %run_scoped3A = tpu.sem_alloc : memref<!tpu.dma_semaphore, #tpu.memory_space<semaphore_mem>>
      %dma_start3A_184 = tpu.memref_slice %arg2[%multiple_of3A_27] : memref<1280000xf32, #tpu.memory_space<hbm>> -> memref<10000xf32, #tpu.memory_space<hbm>>
      %dma_start3A_185 = tpu.memref_slice %arg2[%multiple_of3A_27] : memref<1280000xf32, #tpu.memory_space<hbm>> -> memref<10000xf32, #tpu.memory_space<hbm>>
      tpu.enqueue_dma source(%dma_start3A_185 : memref<10000xf32, #tpu.memory_space<hbm>>) target(%arg15 : memref<10000xf32, #tpu.memory_space<vmem>>) target_semaphore(%run_scoped3A : memref<!tpu.dma_semaphore, #tpu.memory_space<semaphore_mem>>)
      %dma_wait3A = tpu.memref_slice %arg2[%multiple_of3A_27] : memref<1280000xf32, #tpu.memory_space<hbm>> -> memref<10000xf32, #tpu.memory_space<hbm>>
      %dma_wait3A_186 = tpu.memref_slice %arg2[%multiple_of3A_27] : memref<1280000xf32, #tpu.memory_space<hbm>> -> memref<10000xf32, #tpu.memory_space<hbm>>
      tpu.wait_dma2 semaphore(%run_scoped3A : memref<!tpu.dma_semaphore, #tpu.memory_space<semaphore_mem>>) src(%dma_wait3A_186 : memref<10000xf32, #tpu.memory_space<hbm>>) dst(%arg15 : memref<10000xf32, #tpu.memory_space<vmem>>)
      tpu.yield
    }) : () -> ()
    %broadcast_in_dim3A = arith.constant 0 : i32
    %broadcast_in_dim3A_28 = vector.broadcast %broadcast_in_dim3A : i32 to vector<16xi32>
    %mul3A_29 = arith.constant 4 : i32
    %mul3A_30 = arith.muli %add3A, %mul3A_29 : i32
    %add3A_31 = arith.constant 0 : i32
    %add3A_32 = arith.addi %mul3A_30, %add3A_31 : i32
    %add3A_33 = vector.broadcast %add3A_32 : i32 to vector<16xi32>
    %add3A_34 = arith.addi %broadcast_in_dim3A_28, %add3A_33 : vector<16xi32>
    %gather3A = tpu.vector_load_idx %arg22[%add3A_34] : memref<128xf32, #tpu.memory_space<vmem>>[vector<16xi32>], vector<16xf32>,
    %broadcast_in_dim3A_35 = arith.constant 0 : i32
    %broadcast_in_dim3A_36 = vector.broadcast %broadcast_in_dim3A_35 : i32 to vector<16xi32>
    %mul3A_37 = arith.constant 4 : i32
    %mul3A_38 = arith.muli %add3A, %mul3A_37 : i32
    %add3A_39 = arith.constant 1 : i32
    %add3A_40 = arith.addi %mul3A_38, %add3A_39 : i32
    %add3A_41 = vector.broadcast %add3A_40 : i32 to vector<16xi32>
    %add3A_42 = arith.addi %broadcast_in_dim3A_36, %add3A_41 : vector<16xi32>
    %gather3A_43 = tpu.vector_load_idx %arg22[%add3A_42] : memref<128xf32, #tpu.memory_space<vmem>>[vector<16xi32>], vector<16xf32>,
    %broadcast_in_dim3A_44 = arith.constant 0 : i32
    %broadcast_in_dim3A_45 = vector.broadcast %broadcast_in_dim3A_44 : i32 to vector<16xi32>
    %mul3A_46 = arith.constant 4 : i32
    %mul3A_47 = arith.muli %add3A, %mul3A_46 : i32
    %add3A_48 = arith.constant 2 : i32
    %add3A_49 = arith.addi %mul3A_47, %add3A_48 : i32
    %add3A_50 = vector.broadcast %add3A_49 : i32 to vector<16xi32>
    %add3A_51 = arith.addi %broadcast_in_dim3A_45, %add3A_50 : vector<16xi32>
    %gather3A_52 = tpu.vector_load_idx %arg22[%add3A_51] : memref<128xf32, #tpu.memory_space<vmem>>[vector<16xi32>], vector<16xf32>,
    %broadcast_in_dim3A_53 = arith.constant 0 : i32
    %broadcast_in_dim3A_54 = vector.broadcast %broadcast_in_dim3A_53 : i32 to vector<16xi32>
    %mul3A_55 = arith.constant 4 : i32
    %mul3A_56 = arith.muli %add3A, %mul3A_55 : i32
    %add3A_57 = arith.constant 3 : i32
    %add3A_58 = arith.addi %mul3A_56, %add3A_57 : i32
    %add3A_59 = vector.broadcast %add3A_58 : i32 to vector<16xi32>
    %add3A_60 = arith.addi %broadcast_in_dim3A_54, %add3A_59 : vector<16xi32>
    %gather3A_61 = tpu.vector_load_idx %arg22[%add3A_60] : memref<128xf32, #tpu.memory_space<vmem>>[vector<16xi32>], vector<16xf32>,
    %broadcast_in_dim3A_62 = arith.constant 0x7F800000 : f32
    %broadcast_in_dim3A_63 = vector.broadcast %broadcast_in_dim3A_62 : f32 to vector<16xf32>
    %scan3A = arith.constant 0 : i32
    %scan3A_64 = arith.constant 0 : i32
    %scan3A_65 = arith.constant 625 : i32
    %scan3A_66 = arith.addi %scan3A_64, %scan3A_65 : i32
    %scan3A_67 = arith.constant 1 : i32
    scf.for %scan3A_184 = %scan3A_64 to %scan3A_66 step %scan3A_67  : i32 {
      %mul3A_185 = arith.constant 16 : i32
      %mul3A_186 = arith.muli %scan3A_184, %mul3A_185 : i32
      %swap3A = arith.index_cast %mul3A_186 : i32 to index
      %swap3A_187 = tpu.vector_load %arg8[%swap3A] {strides = array<i32>} : memref<10000xf32, #tpu.memory_space<vmem>>, vector<16xf32>,
      tpu.vector_store %arg8[%swap3A], %broadcast_in_dim3A_63 {strides = array<i32>} : memref<10000xf32, #tpu.memory_space<vmem>>, vector<16xf32>,
      %mul3A_188 = arith.constant 16 : i32
      %mul3A_189 = arith.muli %scan3A_184, %mul3A_188 : i32
      %swap3A_190 = arith.index_cast %mul3A_189 : i32 to index
      %swap3A_191 = tpu.vector_load %arg9[%swap3A_190] {strides = array<i32>} : memref<10000xf32, #tpu.memory_space<vmem>>, vector<16xf32>,
      tpu.vector_store %arg9[%swap3A_190], %broadcast_in_dim3A_63 {strides = array<i32>} : memref<10000xf32, #tpu.memory_space<vmem>>, vector<16xf32>,
      %mul3A_192 = arith.constant 16 : i32
      %mul3A_193 = arith.muli %scan3A_184, %mul3A_192 : i32
      %swap3A_194 = arith.index_cast %mul3A_193 : i32 to index
      %swap3A_195 = tpu.vector_load %arg10[%swap3A_194] {strides = array<i32>} : memref<10000xf32, #tpu.memory_space<vmem>>, vector<16xf32>,
      tpu.vector_store %arg10[%swap3A_194], %broadcast_in_dim3A_63 {strides = array<i32>} : memref<10000xf32, #tpu.memory_space<vmem>>, vector<16xf32>,
      %mul3A_196 = arith.constant 16 : i32
      %mul3A_197 = arith.muli %scan3A_184, %mul3A_196 : i32
      %swap3A_198 = arith.index_cast %mul3A_197 : i32 to index
      %swap3A_199 = tpu.vector_load %arg11[%swap3A_198] {strides = array<i32>} : memref<10000xf32, #tpu.memory_space<vmem>>, vector<16xf32>,
      tpu.vector_store %arg11[%swap3A_198], %broadcast_in_dim3A_63 {strides = array<i32>} : memref<10000xf32, #tpu.memory_space<vmem>>, vector<16xf32>,
    }
    %scan3A_68 = arith.constant 625 : i32
    %iota3A = tpu.iota {dimensions = array<i32: 0>} : vector<16xi32>
    %sub3A = arith.constant 1 : i32
    %sub3A_69 = vector.broadcast %sub3A : i32 to vector<16xi32>
    %sub3A_70 = arith.subi %iota3A, %sub3A_69 : vector<16xi32>
    %max3A = arith.constant 0 : i32
    %max3A_71 = vector.broadcast %max3A : i32 to vector<16xi32>
    %max3A_72 = arith.maxsi %sub3A_70, %max3A_71 : vector<16xi32>
    %sub3A_73 = arith.constant 2 : i32
    %sub3A_74 = vector.broadcast %sub3A_73 : i32 to vector<16xi32>
    %sub3A_75 = arith.subi %iota3A, %sub3A_74 : vector<16xi32>
    %max3A_76 = arith.constant 0 : i32
    %max3A_77 = vector.broadcast %max3A_76 : i32 to vector<16xi32>
    %max3A_78 = arith.maxsi %sub3A_75, %max3A_77 : vector<16xi32>
    %sub3A_79 = arith.constant 4 : i32
    %sub3A_80 = vector.broadcast %sub3A_79 : i32 to vector<16xi32>
    %sub3A_81 = arith.subi %iota3A, %sub3A_80 : vector<16xi32>
    %max3A_82 = arith.constant 0 : i32
    %max3A_83 = vector.broadcast %max3A_82 : i32 to vector<16xi32>
    %max3A_84 = arith.maxsi %sub3A_81, %max3A_83 : vector<16xi32>
    %sub3A_85 = arith.constant 8 : i32
    %sub3A_86 = vector.broadcast %sub3A_85 : i32 to vector<16xi32>
    %sub3A_87 = arith.subi %iota3A, %sub3A_86 : vector<16xi32>
    %max3A_88 = arith.constant 0 : i32
    %max3A_89 = vector.broadcast %max3A_88 : i32 to vector<16xi32>
    %max3A_90 = arith.maxsi %sub3A_87, %max3A_89 : vector<16xi32>
    %ge3A = arith.constant 1 : i32
    %ge3A_91 = vector.broadcast %ge3A : i32 to vector<16xi32>
    %ge3A_92 = arith.cmpi sge, %iota3A, %ge3A_91 : vector<16xi32>
    %ge3A_93 = arith.constant 2 : i32
    %ge3A_94 = vector.broadcast %ge3A_93 : i32 to vector<16xi32>
    %ge3A_95 = arith.cmpi sge, %iota3A, %ge3A_94 : vector<16xi32>
    %ge3A_96 = arith.constant 4 : i32
    %ge3A_97 = vector.broadcast %ge3A_96 : i32 to vector<16xi32>
    %ge3A_98 = arith.cmpi sge, %iota3A, %ge3A_97 : vector<16xi32>
    %ge3A_99 = arith.constant 8 : i32
    %ge3A_100 = vector.broadcast %ge3A_99 : i32 to vector<16xi32>
    %ge3A_101 = arith.cmpi sge, %iota3A, %ge3A_100 : vector<16xi32>
    %add3A_102 = arith.constant 1 : i32
    %add3A_103 = vector.broadcast %add3A_102 : i32 to vector<16xi32>
    %add3A_104 = arith.addi %iota3A, %add3A_103 : vector<16xi32>
    %min3A = arith.constant 15 : i32
    %min3A_105 = vector.broadcast %min3A : i32 to vector<16xi32>
    %min3A_106 = arith.minsi %add3A_104, %min3A_105 : vector<16xi32>
    %eq3A = arith.constant 15 : i32
    %eq3A_107 = vector.broadcast %eq3A : i32 to vector<16xi32>
    %eq3A_108 = arith.cmpi eq, %iota3A, %eq3A_107 : vector<16xi32>
    %dma_start3A = arith.constant 0 : i32
    %dma_start3A_109 = arith.constant 0 : i32
    %dma_start3A_110 = tpu.memref_slice %arg4[%dma_start3A_109] : memref<320000xi32, #tpu.memory_space<hbm>> -> memref<6400xi32, #tpu.memory_space<hbm>>
    %dma_start3A_111 = tpu.memref_slice %arg23[%dma_start3A] : memref<6x!tpu.dma_semaphore, #tpu.memory_space<semaphore_mem>> -> memref<1x!tpu.dma_semaphore, #tpu.memory_space<semaphore_mem>>
    %dma_start3A_112 = tpu.memref_squeeze %dma_start3A_111 : memref<1x!tpu.dma_semaphore, #tpu.memory_space<semaphore_mem>> -> memref<!tpu.dma_semaphore, #tpu.memory_space<semaphore_mem>>
    %dma_start3A_113 = arith.constant 0 : i32
    %dma_start3A_114 = tpu.memref_slice %arg4[%dma_start3A_113] : memref<320000xi32, #tpu.memory_space<hbm>> -> memref<6400xi32, #tpu.memory_space<hbm>>
    tpu.enqueue_dma source(%dma_start3A_114 : memref<6400xi32, #tpu.memory_space<hbm>>) target(%arg16 : memref<6400xi32, #tpu.memory_space<vmem>>) target_semaphore(%dma_start3A_112 : memref<!tpu.dma_semaphore, #tpu.memory_space<semaphore_mem>>)
    %dma_start3A_115 = arith.constant 1 : i32
    %dma_start3A_116 = arith.constant 0 : i32
    %dma_start3A_117 = tpu.memref_slice %arg3[%dma_start3A_116] : memref<320000xi32, #tpu.memory_space<hbm>> -> memref<6400xi32, #tpu.memory_space<hbm>>
    %dma_start3A_118 = tpu.memref_slice %arg23[%dma_start3A_115] : memref<6x!tpu.dma_semaphore, #tpu.memory_space<semaphore_mem>> -> memref<1x!tpu.dma_semaphore, #tpu.memory_space<semaphore_mem>>
    %dma_start3A_119 = tpu.memref_squeeze %dma_start3A_118 : memref<1x!tpu.dma_semaphore, #tpu.memory_space<semaphore_mem>> -> memref<!tpu.dma_semaphore, #tpu.memory_space<semaphore_mem>>
    %dma_start3A_120 = arith.constant 0 : i32
    %dma_start3A_121 = tpu.memref_slice %arg3[%dma_start3A_120] : memref<320000xi32, #tpu.memory_space<hbm>> -> memref<6400xi32, #tpu.memory_space<hbm>>
    tpu.enqueue_dma source(%dma_start3A_121 : memref<6400xi32, #tpu.memory_space<hbm>>) target(%arg18 : memref<6400xi32, #tpu.memory_space<vmem>>) target_semaphore(%dma_start3A_119 : memref<!tpu.dma_semaphore, #tpu.memory_space<semaphore_mem>>)
    %dma_start3A_122 = arith.constant 2 : i32
    %dma_start3A_123 = arith.constant 0 : i32
    %dma_start3A_124 = tpu.memref_slice %arg5[%dma_start3A_123] : memref<320000xf32, #tpu.memory_space<hbm>> -> memref<6400xf32, #tpu.memory_space<hbm>>
    %dma_start3A_125 = tpu.memref_slice %arg23[%dma_start3A_122] : memref<6x!tpu.dma_semaphore, #tpu.memory_space<semaphore_mem>> -> memref<1x!tpu.dma_semaphore, #tpu.memory_space<semaphore_mem>>
    %dma_start3A_126 = tpu.memref_squeeze %dma_start3A_125 : memref<1x!tpu.dma_semaphore, #tpu.memory_space<semaphore_mem>> -> memref<!tpu.dma_semaphore, #tpu.memory_space<semaphore_mem>>
    %dma_start3A_127 = arith.constant 0 : i32
    %dma_start3A_128 = tpu.memref_slice %arg5[%dma_start3A_127] : memref<320000xf32, #tpu.memory_space<hbm>> -> memref<6400xf32, #tpu.memory_space<hbm>>
    tpu.enqueue_dma source(%dma_start3A_128 : memref<6400xf32, #tpu.memory_space<hbm>>) target(%arg20 : memref<6400xf32, #tpu.memory_space<vmem>>) target_semaphore(%dma_start3A_126 : memref<!tpu.dma_semaphore, #tpu.memory_space<semaphore_mem>>)
    %dma_start3A_129 = arith.constant 3 : i32
    %dma_start3A_130 = arith.constant 6400 : i32
    %dma_start3A_131 = tpu.memref_slice %arg4[%dma_start3A_130] : memref<320000xi32, #tpu.memory_space<hbm>> -> memref<6400xi32, #tpu.memory_space<hbm>>
    %dma_start3A_132 = tpu.memref_slice %arg23[%dma_start3A_129] : memref<6x!tpu.dma_semaphore, #tpu.memory_space<semaphore_mem>> -> memref<1x!tpu.dma_semaphore, #tpu.memory_space<semaphore_mem>>
    %dma_start3A_133 = tpu.memref_squeeze %dma_start3A_132 : memref<1x!tpu.dma_semaphore, #tpu.memory_space<semaphore_mem>> -> memref<!tpu.dma_semaphore, #tpu.memory_space<semaphore_mem>>
    %dma_start3A_134 = arith.constant 6400 : i32
    %dma_start3A_135 = tpu.memref_slice %arg4[%dma_start3A_134] : memref<320000xi32, #tpu.memory_space<hbm>> -> memref<6400xi32, #tpu.memory_space<hbm>>
    tpu.enqueue_dma source(%dma_start3A_135 : memref<6400xi32, #tpu.memory_space<hbm>>) target(%arg17 : memref<6400xi32, #tpu.memory_space<vmem>>) target_semaphore(%dma_start3A_133 : memref<!tpu.dma_semaphore, #tpu.memory_space<semaphore_mem>>)
    %dma_start3A_136 = arith.constant 4 : i32
    %dma_start3A_137 = arith.constant 6400 : i32
    %dma_start3A_138 = tpu.memref_slice %arg3[%dma_start3A_137] : memref<320000xi32, #tpu.memory_space<hbm>> -> memref<6400xi32, #tpu.memory_space<hbm>>
    %dma_start3A_139 = tpu.memref_slice %arg23[%dma_start3A_136] : memref<6x!tpu.dma_semaphore, #tpu.memory_space<semaphore_mem>> -> memref<1x!tpu.dma_semaphore, #tpu.memory_space<semaphore_mem>>
    %dma_start3A_140 = tpu.memref_squeeze %dma_start3A_139 : memref<1x!tpu.dma_semaphore, #tpu.memory_space<semaphore_mem>> -> memref<!tpu.dma_semaphore, #tpu.memory_space<semaphore_mem>>
    %dma_start3A_141 = arith.constant 6400 : i32
    %dma_start3A_142 = tpu.memref_slice %arg3[%dma_start3A_141] : memref<320000xi32, #tpu.memory_space<hbm>> -> memref<6400xi32, #tpu.memory_space<hbm>>
    tpu.enqueue_dma source(%dma_start3A_142 : memref<6400xi32, #tpu.memory_space<hbm>>) target(%arg19 : memref<6400xi32, #tpu.memory_space<vmem>>) target_semaphore(%dma_start3A_140 : memref<!tpu.dma_semaphore, #tpu.memory_space<semaphore_mem>>)
    %dma_start3A_143 = arith.constant 5 : i32
    %dma_start3A_144 = arith.constant 6400 : i32
    %dma_start3A_145 = tpu.memref_slice %arg5[%dma_start3A_144] : memref<320000xf32, #tpu.memory_space<hbm>> -> memref<6400xf32, #tpu.memory_space<hbm>>
    %dma_start3A_146 = tpu.memref_slice %arg23[%dma_start3A_143] : memref<6x!tpu.dma_semaphore, #tpu.memory_space<semaphore_mem>> -> memref<1x!tpu.dma_semaphore, #tpu.memory_space<semaphore_mem>>
    %dma_start3A_147 = tpu.memref_squeeze %dma_start3A_146 : memref<1x!tpu.dma_semaphore, #tpu.memory_space<semaphore_mem>> -> memref<!tpu.dma_semaphore, #tpu.memory_space<semaphore_mem>>
    %dma_start3A_148 = arith.constant 6400 : i32
    %dma_start3A_149 = tpu.memref_slice %arg5[%dma_start3A_148] : memref<320000xf32, #tpu.memory_space<hbm>> -> memref<6400xf32, #tpu.memory_space<hbm>>
    tpu.enqueue_dma source(%dma_start3A_149 : memref<6400xf32, #tpu.memory_space<hbm>>) target(%arg21 : memref<6400xf32, #tpu.memory_space<vmem>>) target_semaphore(%dma_start3A_147 : memref<!tpu.dma_semaphore, #tpu.memory_space<semaphore_mem>>)
    %scan3A_150 = arith.constant 0 : i32
    %scan3A_151 = arith.constant 0 : i32
    %scan3A_152 = arith.constant 25 : i32
    %scan3A_153 = arith.addi %scan3A_151, %scan3A_152 : i32
    %scan3A_154 = arith.constant 1 : i32
    scf.for %scan3A_184 = %scan3A_151 to %scan3A_153 step %scan3A_154  : i32 {
      %mul3A_185 = arith.constant 2 : i32
      %mul3A_186 = arith.muli %scan3A_184, %mul3A_185 : i32
      %add3A_187 = arith.constant 0 : i32
      %add3A_188 = arith.addi %mul3A_186, %add3A_187 : i32
      %dma_wait3A = arith.constant 0 : i32
      %dma_wait3A_189 = arith.constant 0 : i32
      %dma_wait3A_190 = tpu.memref_slice %arg4[%dma_wait3A_189] : memref<320000xi32, #tpu.memory_space<hbm>> -> memref<6400xi32, #tpu.memory_space<hbm>>
      %dma_wait3A_191 = tpu.memref_slice %arg23[%dma_wait3A] : memref<6x!tpu.dma_semaphore, #tpu.memory_space<semaphore_mem>> -> memref<1x!tpu.dma_semaphore, #tpu.memory_space<semaphore_mem>>
      %dma_wait3A_192 = tpu.memref_squeeze %dma_wait3A_191 : memref<1x!tpu.dma_semaphore, #tpu.memory_space<semaphore_mem>> -> memref<!tpu.dma_semaphore, #tpu.memory_space<semaphore_mem>>
      %dma_wait3A_193 = arith.constant 0 : i32
      %dma_wait3A_194 = tpu.memref_slice %arg4[%dma_wait3A_193] : memref<320000xi32, #tpu.memory_space<hbm>> -> memref<6400xi32, #tpu.memory_space<hbm>>
      tpu.wait_dma2 semaphore(%dma_wait3A_192 : memref<!tpu.dma_semaphore, #tpu.memory_space<semaphore_mem>>) src(%dma_wait3A_194 : memref<6400xi32, #tpu.memory_space<hbm>>) dst(%arg16 : memref<6400xi32, #tpu.memory_space<vmem>>)
      %dma_wait3A_195 = arith.constant 1 : i32
      %dma_wait3A_196 = arith.constant 0 : i32
      %dma_wait3A_197 = tpu.memref_slice %arg3[%dma_wait3A_196] : memref<320000xi32, #tpu.memory_space<hbm>> -> memref<6400xi32, #tpu.memory_space<hbm>>
      %dma_wait3A_198 = tpu.memref_slice %arg23[%dma_wait3A_195] : memref<6x!tpu.dma_semaphore, #tpu.memory_space<semaphore_mem>> -> memref<1x!tpu.dma_semaphore, #tpu.memory_space<semaphore_mem>>
      %dma_wait3A_199 = tpu.memref_squeeze %dma_wait3A_198 : memref<1x!tpu.dma_semaphore, #tpu.memory_space<semaphore_mem>> -> memref<!tpu.dma_semaphore, #tpu.memory_space<semaphore_mem>>
      %dma_wait3A_200 = arith.constant 0 : i32
      %dma_wait3A_201 = tpu.memref_slice %arg3[%dma_wait3A_200] : memref<320000xi32, #tpu.memory_space<hbm>> -> memref<6400xi32, #tpu.memory_space<hbm>>
      tpu.wait_dma2 semaphore(%dma_wait3A_199 : memref<!tpu.dma_semaphore, #tpu.memory_space<semaphore_mem>>) src(%dma_wait3A_201 : memref<6400xi32, #tpu.memory_space<hbm>>) dst(%arg18 : memref<6400xi32, #tpu.memory_space<vmem>>)
      %dma_wait3A_202 = arith.constant 2 : i32
      %dma_wait3A_203 = arith.constant 0 : i32
      %dma_wait3A_204 = tpu.memref_slice %arg5[%dma_wait3A_203] : memref<320000xf32, #tpu.memory_space<hbm>> -> memref<6400xf32, #tpu.memory_space<hbm>>
      %dma_wait3A_205 = tpu.memref_slice %arg23[%dma_wait3A_202] : memref<6x!tpu.dma_semaphore, #tpu.memory_space<semaphore_mem>> -> memref<1x!tpu.dma_semaphore, #tpu.memory_space<semaphore_mem>>
      %dma_wait3A_206 = tpu.memref_squeeze %dma_wait3A_205 : memref<1x!tpu.dma_semaphore, #tpu.memory_space<semaphore_mem>> -> memref<!tpu.dma_semaphore, #tpu.memory_space<semaphore_mem>>
      %dma_wait3A_207 = arith.constant 0 : i32
      %dma_wait3A_208 = tpu.memref_slice %arg5[%dma_wait3A_207] : memref<320000xf32, #tpu.memory_space<hbm>> -> memref<6400xf32, #tpu.memory_space<hbm>>
      tpu.wait_dma2 semaphore(%dma_wait3A_206 : memref<!tpu.dma_semaphore, #tpu.memory_space<semaphore_mem>>) src(%dma_wait3A_208 : memref<6400xf32, #tpu.memory_space<hbm>>) dst(%arg20 : memref<6400xf32, #tpu.memory_space<vmem>>)
      %scan3A_209 = arith.constant 0 : i32
      %scan3A_210 = arith.constant 0 : i32
      %scan3A_211 = arith.constant 50 : i32
      %scan3A_212 = arith.addi %scan3A_210, %scan3A_211 : i32
      %scan3A_213 = arith.constant 1 : i32
      scf.for %scan3A_257 = %scan3A_210 to %scan3A_212 step %scan3A_213  : i32 {
        %mul3A_258 = arith.constant 8 : i32
        %mul3A_259 = arith.muli %scan3A_257, %mul3A_258 : i32
        %add3A_260 = arith.constant 0 : i32
        %add3A_261 = arith.addi %mul3A_259, %add3A_260 : i32
        %mul3A_262 = arith.constant 16 : i32
        %mul3A_263 = arith.muli %add3A_261, %mul3A_262 : i32
        %get3A = arith.index_cast %mul3A_263 : i32 to index
        %get3A_264 = tpu.vector_load %arg16[%get3A] {strides = array<i32>} : memref<6400xi32, #tpu.memory_space<vmem>>, vector<16xi32>,
        %mul3A_265 = arith.constant 16 : i32
        %mul3A_266 = arith.muli %add3A_261, %mul3A_265 : i32
        %get3A_267 = arith.index_cast %mul3A_266 : i32 to index
        %get3A_268 = tpu.vector_load %arg18[%get3A_267] {strides = array<i32>} : memref<6400xi32, #tpu.memory_space<vmem>>, vector<16xi32>,
        %mul3A_269 = arith.constant 16 : i32
        %mul3A_270 = arith.muli %add3A_261, %mul3A_269 : i32
        %get3A_271 = arith.index_cast %mul3A_270 : i32 to index
        %get3A_272 = tpu.vector_load %arg20[%get3A_271] {strides = array<i32>} : memref<6400xf32, #tpu.memory_space<vmem>>, vector<16xf32>,
        %broadcast_in_dim3A_273 = arith.constant true
        %broadcast_in_dim3A_274 = vector.broadcast %broadcast_in_dim3A_273 : i1 to vector<16xi1>
        %unique3A, %unique3A_275 = tpu.scan_count mask(%broadcast_in_dim3A_274 : vector<16xi1>) value(%get3A_264 : vector<16xi32>) : vector<16xi1>, vector<16xi32>
        %all_reduce_population_count3A = tpu.all_reduce %unique3A {dim = 0 : i64, kind = #tpu.reduction_kind<sum>} : vector<16xi1> -> vector<16xi32>
        %gather3A_276 = tpu.vector_load_idx %arg12[%get3A_268] : memref<10000xf32, #tpu.memory_space<vmem>>[vector<16xi32>], vector<16xf32>,
        %mul3A_277 = arith.mulf %get3A_272, %gather3A : vector<16xf32>
        %add3A_278 = arith.addf %gather3A_276, %mul3A_277 : vector<16xf32>
        %gather3A_279 = tpu.vector_load_idx %arg8[%get3A_264] : memref<10000xf32, #tpu.memory_space<vmem>>[vector<16xi32>], vector<16xf32>,
        %min3A_280 = arith.minimumf %gather3A_279, %add3A_278 : vector<16xf32>
        tpu.vector_store_idx %arg8[%get3A_264], %min3A_280 : memref<10000xf32, #tpu.memory_space<vmem>>[vector<16xi32>], vector<16xf32>,
        %gather3A_281 = tpu.vector_load_idx %arg13[%get3A_268] : memref<10000xf32, #tpu.memory_space<vmem>>[vector<16xi32>], vector<16xf32>,
        %mul3A_282 = arith.mulf %get3A_272, %gather3A_43 : vector<16xf32>
        %add3A_283 = arith.addf %gather3A_281, %mul3A_282 : vector<16xf32>
        %gather3A_284 = tpu.vector_load_idx %arg9[%get3A_264] : memref<10000xf32, #tpu.memory_space<vmem>>[vector<16xi32>], vector<16xf32>,
        %min3A_285 = arith.minimumf %gather3A_284, %add3A_283 : vector<16xf32>
        tpu.vector_store_idx %arg9[%get3A_264], %min3A_285 : memref<10000xf32, #tpu.memory_space<vmem>>[vector<16xi32>], vector<16xf32>,
        %gather3A_286 = tpu.vector_load_idx %arg14[%get3A_268] : memref<10000xf32, #tpu.memory_space<vmem>>[vector<16xi32>], vector<16xf32>,
        %mul3A_287 = arith.mulf %get3A_272, %gather3A_52 : vector<16xf32>
        %add3A_288 = arith.addf %gather3A_286, %mul3A_287 : vector<16xf32>
        %gather3A_289 = tpu.vector_load_idx %arg10[%get3A_264] : memref<10000xf32, #tpu.memory_space<vmem>>[vector<16xi32>], vector<16xf32>,
        %min3A_290 = arith.minimumf %gather3A_289, %add3A_288 : vector<16xf32>
        tpu.vector_store_idx %arg10[%get3A_264], %min3A_290 : memref<10000xf32, #tpu.memory_space<vmem>>[vector<16xi32>], vector<16xf32>,
        %gather3A_291 = tpu.vector_load_idx %arg15[%get3A_268] : memref<10000xf32, #tpu.memory_space<vmem>>[vector<16xi32>], vector<16xf32>,
        %mul3A_292 = arith.mulf %get3A_272, %gather3A_61 : vector<16xf32>
        %add3A_293 = arith.addf %gather3A_291, %mul3A_292 : vector<16xf32>
        %gather3A_294 = tpu.vector_load_idx %arg11[%get3A_264] : memref<10000xf32, #tpu.memory_space<vmem>>[vector<16xi32>], vector<16xf32>,
        %min3A_295 = arith.minimumf %gather3A_294, %add3A_293 : vector<16xf32>
        tpu.vector_store_idx %arg11[%get3A_264], %min3A_295 : memref<10000xf32, #tpu.memory_space<vmem>>[vector<16xi32>], vector<16xf32>,
        %slice3A = vector.extract_strided_slice %all_reduce_population_count3A {offsets = [0], sizes = [1], strides = [1]} : vector<16xi32> to vector<1xi32>
        %squeeze3A = vector.extract %slice3A[0] : i32 from vector<1xi32>
        %lt3A_296 = arith.constant 16 : i32
        %lt3A_297 = arith.cmpi slt, %squeeze3A, %lt3A_296 : i32
        %convert_element_type3A_298 = arith.extui %lt3A_297 : i1 to i32
        %cond3A_299 = arith.constant 0 : i32
        %cond3A_300 = arith.cmpi ne, %convert_element_type3A_298, %cond3A_299 : i32
        scf.if %cond3A_300 {
          %masked_sort3A = arith.constant dense<true> : vector<16xi1>
          %masked_sort3A_637 = arith.constant -2147483648 : i32
          %masked_sort3A_638 = vector.broadcast %masked_sort3A_637 : i32 to vector<16xi32>
          %masked_sort3A_639 = arith.xori %get3A_264, %masked_sort3A_638 : vector<16xi32>
          %masked_sort3A_640, %masked_sort3A_641, %masked_sort3A_642 = tpu.sort %masked_sort3A_639, %iota3A masked %masked_sort3A : (vector<16xi32>, vector<16xi32>, vector<16xi1>) -> (vector<16xi1>, vector<16xi32>, vector<16xi32>)
          %masked_sort3A_643 = arith.xori %masked_sort3A_641, %masked_sort3A_638 : vector<16xi32>
          %reshape3A = vector.shape_cast %masked_sort3A_642 : vector<16xi32> to vector<16x1xi32>
          %gather3A_644 = vector.shape_cast %reshape3A : vector<16x1xi32> to vector<16xi32>
          %gather3A_645 = tpu.dynamic_gather %get3A_268[%gather3A_644] in [0] : vector<16xi32>, vector<16xi32> -> vector<16xi32>
          %reshape3A_646 = vector.shape_cast %masked_sort3A_642 : vector<16xi32> to vector<16x1xi32>
          %gather3A_647 = vector.shape_cast %reshape3A_646 : vector<16x1xi32> to vector<16xi32>
          %gather3A_648 = tpu.dynamic_gather %get3A_272[%gather3A_647] in [0] : vector<16xf32>, vector<16xi32> -> vector<16xf32>
          %reshape3A_649 = vector.shape_cast %min3A_106 : vector<16xi32> to vector<16x1xi32>
          %gather3A_650 = vector.shape_cast %reshape3A_649 : vector<16x1xi32> to vector<16xi32>
          %gather3A_651 = tpu.dynamic_gather %masked_sort3A_643[%gather3A_650] in [0] : vector<16xi32>, vector<16xi32> -> vector<16xi32>
          %ne3A = arith.cmpi ne, %masked_sort3A_643, %gather3A_651 : vector<16xi32>
          %or3A = arith.ori %eq3A_108, %ne3A : vector<16xi1>
          %reshape3A_652 = vector.shape_cast %max3A_72 : vector<16xi32> to vector<16x1xi32>
          %gather3A_653 = vector.shape_cast %reshape3A_652 : vector<16x1xi32> to vector<16xi32>
          %gather3A_654 = tpu.dynamic_gather %masked_sort3A_643[%gather3A_653] in [0] : vector<16xi32>, vector<16xi32> -> vector<16xi32>
          %eq3A_655 = arith.cmpi eq, %masked_sort3A_643, %gather3A_654 : vector<16xi32>
          %and3A = arith.andi %ge3A_92, %eq3A_655 : vector<16xi1>
          %reshape3A_656 = vector.shape_cast %max3A_78 : vector<16xi32> to vector<16x1xi32>
          %gather3A_657 = vector.shape_cast %reshape3A_656 : vector<16x1xi32> to vector<16xi32>
          %gather3A_658 = tpu.dynamic_gather %masked_sort3A_643[%gather3A_657] in [0] : vector<16xi32>, vector<16xi32> -> vector<16xi32>
          %eq3A_659 = arith.cmpi eq, %masked_sort3A_643, %gather3A_658 : vector<16xi32>
          %and3A_660 = arith.andi %ge3A_95, %eq3A_659 : vector<16xi1>
          %reshape3A_661 = vector.shape_cast %max3A_84 : vector<16xi32> to vector<16x1xi32>
          %gather3A_662 = vector.shape_cast %reshape3A_661 : vector<16x1xi32> to vector<16xi32>
          %gather3A_663 = tpu.dynamic_gather %masked_sort3A_643[%gather3A_662] in [0] : vector<16xi32>, vector<16xi32> -> vector<16xi32>
          %eq3A_664 = arith.cmpi eq, %masked_sort3A_643, %gather3A_663 : vector<16xi32>
          %and3A_665 = arith.andi %ge3A_98, %eq3A_664 : vector<16xi1>
          %reshape3A_666 = vector.shape_cast %max3A_90 : vector<16xi32> to vector<16x1xi32>
          %gather3A_667 = vector.shape_cast %reshape3A_666 : vector<16x1xi32> to vector<16xi32>
          %gather3A_668 = tpu.dynamic_gather %masked_sort3A_643[%gather3A_667] in [0] : vector<16xi32>, vector<16xi32> -> vector<16xi32>
          %eq3A_669 = arith.cmpi eq, %masked_sort3A_643, %gather3A_668 : vector<16xi32>
          %and3A_670 = arith.andi %ge3A_101, %eq3A_669 : vector<16xi1>
          %gather3A_671 = tpu.vector_load_idx %arg12[%gather3A_645] : memref<10000xf32, #tpu.memory_space<vmem>>[vector<16xi32>], vector<16xf32>,
          %mul3A_672 = arith.mulf %gather3A_648, %gather3A : vector<16xf32>
          %add3A_673 = arith.addf %gather3A_671, %mul3A_672 : vector<16xf32>
          %reshape3A_674 = vector.shape_cast %max3A_72 : vector<16xi32> to vector<16x1xi32>
          %gather3A_675 = vector.shape_cast %reshape3A_674 : vector<16x1xi32> to vector<16xi32>
          %gather3A_676 = tpu.dynamic_gather %add3A_673[%gather3A_675] in [0] : vector<16xf32>, vector<16xi32> -> vector<16xf32>
          %min3A_677 = arith.minimumf %add3A_673, %gather3A_676 : vector<16xf32>
          %select_n3A = arith.select %and3A, %min3A_677, %add3A_673 : vector<16xi1>, vector<16xf32>
          %reshape3A_678 = vector.shape_cast %max3A_78 : vector<16xi32> to vector<16x1xi32>
          %gather3A_679 = vector.shape_cast %reshape3A_678 : vector<16x1xi32> to vector<16xi32>
          %gather3A_680 = tpu.dynamic_gather %select_n3A[%gather3A_679] in [0] : vector<16xf32>, vector<16xi32> -> vector<16xf32>
          %min3A_681 = arith.minimumf %select_n3A, %gather3A_680 : vector<16xf32>
          %select_n3A_682 = arith.select %and3A_660, %min3A_681, %select_n3A : vector<16xi1>, vector<16xf32>
          %reshape3A_683 = vector.shape_cast %max3A_84 : vector<16xi32> to vector<16x1xi32>
          %gather3A_684 = vector.shape_cast %reshape3A_683 : vector<16x1xi32> to vector<16xi32>
          %gather3A_685 = tpu.dynamic_gather %select_n3A_682[%gather3A_684] in [0] : vector<16xf32>, vector<16xi32> -> vector<16xf32>
          %min3A_686 = arith.minimumf %select_n3A_682, %gather3A_685 : vector<16xf32>
          %select_n3A_687 = arith.select %and3A_665, %min3A_686, %select_n3A_682 : vector<16xi1>, vector<16xf32>
          %reshape3A_688 = vector.shape_cast %max3A_90 : vector<16xi32> to vector<16x1xi32>
          %gather3A_689 = vector.shape_cast %reshape3A_688 : vector<16x1xi32> to vector<16xi32>
          %gather3A_690 = tpu.dynamic_gather %select_n3A_687[%gather3A_689] in [0] : vector<16xf32>, vector<16xi32> -> vector<16xf32>
          %min3A_691 = arith.minimumf %select_n3A_687, %gather3A_690 : vector<16xf32>
          %select_n3A_692 = arith.select %and3A_670, %min3A_691, %select_n3A_687 : vector<16xi1>, vector<16xf32>
          %gather3A_693 = tpu.vector_load_idx %arg8[%masked_sort3A_643] : memref<10000xf32, #tpu.memory_space<vmem>>[vector<16xi32>], vector<16xf32>,
          %min3A_694 = arith.minimumf %gather3A_693, %select_n3A_692 : vector<16xf32>
          tpu.vector_store_idx %arg8[%masked_sort3A_643], %min3A_694 masked %or3A : memref<10000xf32, #tpu.memory_space<vmem>>[vector<16xi32>], vector<16xf32>, vector<16xi1>
          %gather3A_695 = tpu.vector_load_idx %arg13[%gather3A_645] : memref<10000xf32, #tpu.memory_space<vmem>>[vector<16xi32>], vector<16xf32>,
          %mul3A_696 = arith.mulf %gather3A_648, %gather3A_43 : vector<16xf32>
          %add3A_697 = arith.addf %gather3A_695, %mul3A_696 : vector<16xf32>
          %reshape3A_698 = vector.shape_cast %max3A_72 : vector<16xi32> to vector<16x1xi32>
          %gather3A_699 = vector.shape_cast %reshape3A_698 : vector<16x1xi32> to vector<16xi32>
          %gather3A_700 = tpu.dynamic_gather %add3A_697[%gather3A_699] in [0] : vector<16xf32>, vector<16xi32> -> vector<16xf32>
          %min3A_701 = arith.minimumf %add3A_697, %gather3A_700 : vector<16xf32>
          %select_n3A_702 = arith.select %and3A, %min3A_701, %add3A_697 : vector<16xi1>, vector<16xf32>
          %reshape3A_703 = vector.shape_cast %max3A_78 : vector<16xi32> to vector<16x1xi32>
          %gather3A_704 = vector.shape_cast %reshape3A_703 : vector<16x1xi32> to vector<16xi32>
          %gather3A_705 = tpu.dynamic_gather %select_n3A_702[%gather3A_704] in [0] : vector<16xf32>, vector<16xi32> -> vector<16xf32>
          %min3A_706 = arith.minimumf %select_n3A_702, %gather3A_705 : vector<16xf32>
          %select_n3A_707 = arith.select %and3A_660, %min3A_706, %select_n3A_702 : vector<16xi1>, vector<16xf32>
          %reshape3A_708 = vector.shape_cast %max3A_84 : vector<16xi32> to vector<16x1xi32>
          %gather3A_709 = vector.shape_cast %reshape3A_708 : vector<16x1xi32> to vector<16xi32>
          %gather3A_710 = tpu.dynamic_gather %select_n3A_707[%gather3A_709] in [0] : vector<16xf32>, vector<16xi32> -> vector<16xf32>
          %min3A_711 = arith.minimumf %select_n3A_707, %gather3A_710 : vector<16xf32>
          %select_n3A_712 = arith.select %and3A_665, %min3A_711, %select_n3A_707 : vector<16xi1>, vector<16xf32>
          %reshape3A_713 = vector.shape_cast %max3A_90 : vector<16xi32> to vector<16x1xi32>
          %gather3A_714 = vector.shape_cast %reshape3A_713 : vector<16x1xi32> to vector<16xi32>
          %gather3A_715 = tpu.dynamic_gather %select_n3A_712[%gather3A_714] in [0] : vector<16xf32>, vector<16xi32> -> vector<16xf32>
          %min3A_716 = arith.minimumf %select_n3A_712, %gather3A_715 : vector<16xf32>
          %select_n3A_717 = arith.select %and3A_670, %min3A_716, %select_n3A_712 : vector<16xi1>, vector<16xf32>
          %gather3A_718 = tpu.vector_load_idx %arg9[%masked_sort3A_643] : memref<10000xf32, #tpu.memory_space<vmem>>[vector<16xi32>], vector<16xf32>,
          %min3A_719 = arith.minimumf %gather3A_718, %select_n3A_717 : vector<16xf32>
          tpu.vector_store_idx %arg9[%masked_sort3A_643], %min3A_719 masked %or3A : memref<10000xf32, #tpu.memory_space<vmem>>[vector<16xi32>], vector<16xf32>, vector<16xi1>
          %gather3A_720 = tpu.vector_load_idx %arg14[%gather3A_645] : memref<10000xf32, #tpu.memory_space<vmem>>[vector<16xi32>], vector<16xf32>,
          %mul3A_721 = arith.mulf %gather3A_648, %gather3A_52 : vector<16xf32>
          %add3A_722 = arith.addf %gather3A_720, %mul3A_721 : vector<16xf32>
          %reshape3A_723 = vector.shape_cast %max3A_72 : vector<16xi32> to vector<16x1xi32>
          %gather3A_724 = vector.shape_cast %reshape3A_723 : vector<16x1xi32> to vector<16xi32>
          %gather3A_725 = tpu.dynamic_gather %add3A_722[%gather3A_724] in [0] : vector<16xf32>, vector<16xi32> -> vector<16xf32>
          %min3A_726 = arith.minimumf %add3A_722, %gather3A_725 : vector<16xf32>
          %select_n3A_727 = arith.select %and3A, %min3A_726, %add3A_722 : vector<16xi1>, vector<16xf32>
          %reshape3A_728 = vector.shape_cast %max3A_78 : vector<16xi32> to vector<16x1xi32>
          %gather3A_729 = vector.shape_cast %reshape3A_728 : vector<16x1xi32> to vector<16xi32>
          %gather3A_730 = tpu.dynamic_gather %select_n3A_727[%gather3A_729] in [0] : vector<16xf32>, vector<16xi32> -> vector<16xf32>
          %min3A_731 = arith.minimumf %select_n3A_727, %gather3A_730 : vector<16xf32>
          %select_n3A_732 = arith.select %and3A_660, %min3A_731, %select_n3A_727 : vector<16xi1>, vector<16xf32>
          %reshape3A_733 = vector.shape_cast %max3A_84 : vector<16xi32> to vector<16x1xi32>
          %gather3A_734 = vector.shape_cast %reshape3A_733 : vector<16x1xi32> to vector<16xi32>
          %gather3A_735 = tpu.dynamic_gather %select_n3A_732[%gather3A_734] in [0] : vector<16xf32>, vector<16xi32> -> vector<16xf32>
          %min3A_736 = arith.minimumf %select_n3A_732, %gather3A_735 : vector<16xf32>
          %select_n3A_737 = arith.select %and3A_665, %min3A_736, %select_n3A_732 : vector<16xi1>, vector<16xf32>
          %reshape3A_738 = vector.shape_cast %max3A_90 : vector<16xi32> to vector<16x1xi32>
          %gather3A_739 = vector.shape_cast %reshape3A_738 : vector<16x1xi32> to vector<16xi32>
          %gather3A_740 = tpu.dynamic_gather %select_n3A_737[%gather3A_739] in [0] : vector<16xf32>, vector<16xi32> -> vector<16xf32>
          %min3A_741 = arith.minimumf %select_n3A_737, %gather3A_740 : vector<16xf32>
          %select_n3A_742 = arith.select %and3A_670, %min3A_741, %select_n3A_737 : vector<16xi1>, vector<16xf32>
          %gather3A_743 = tpu.vector_load_idx %arg10[%masked_sort3A_643] : memref<10000xf32, #tpu.memory_space<vmem>>[vector<16xi32>], vector<16xf32>,
          %min3A_744 = arith.minimumf %gather3A_743, %select_n3A_742 : vector<16xf32>
          tpu.vector_store_idx %arg10[%masked_sort3A_643], %min3A_744 masked %or3A : memref<10000xf32, #tpu.memory_space<vmem>>[vector<16xi32>], vector<16xf32>, vector<16xi1>
          %gather3A_745 = tpu.vector_load_idx %arg15[%gather3A_645] : memref<10000xf32, #tpu.memory_space<vmem>>[vector<16xi32>], vector<16xf32>,
          %mul3A_746 = arith.mulf %gather3A_648, %gather3A_61 : vector<16xf32>
          %add3A_747 = arith.addf %gather3A_745, %mul3A_746 : vector<16xf32>
          %reshape3A_748 = vector.shape_cast %max3A_72 : vector<16xi32> to vector<16x1xi32>
          %gather3A_749 = vector.shape_cast %reshape3A_748 : vector<16x1xi32> to vector<16xi32>
          %gather3A_750 = tpu.dynamic_gather %add3A_747[%gather3A_749] in [0] : vector<16xf32>, vector<16xi32> -> vector<16xf32>
          %min3A_751 = arith.minimumf %add3A_747, %gather3A_750 : vector<16xf32>
          %select_n3A_752 = arith.select %and3A, %min3A_751, %add3A_747 : vector<16xi1>, vector<16xf32>
          %reshape3A_753 = vector.shape_cast %max3A_78 : vector<16xi32> to vector<16x1xi32>
          %gather3A_754 = vector.shape_cast %reshape3A_753 : vector<16x1xi32> to vector<16xi32>
          %gather3A_755 = tpu.dynamic_gather %select_n3A_752[%gather3A_754] in [0] : vector<16xf32>, vector<16xi32> -> vector<16xf32>
          %min3A_756 = arith.minimumf %select_n3A_752, %gather3A_755 : vector<16xf32>
          %select_n3A_757 = arith.select %and3A_660, %min3A_756, %select_n3A_752 : vector<16xi1>, vector<16xf32>
          %reshape3A_758 = vector.shape_cast %max3A_84 : vector<16xi32> to vector<16x1xi32>
          %gather3A_759 = vector.shape_cast %reshape3A_758 : vector<16x1xi32> to vector<16xi32>
          %gather3A_760 = tpu.dynamic_gather %select_n3A_757[%gather3A_759] in [0] : vector<16xf32>, vector<16xi32> -> vector<16xf32>
          %min3A_761 = arith.minimumf %select_n3A_757, %gather3A_760 : vector<16xf32>
          %select_n3A_762 = arith.select %and3A_665, %min3A_761, %select_n3A_757 : vector<16xi1>, vector<16xf32>
          %reshape3A_763 = vector.shape_cast %max3A_90 : vector<16xi32> to vector<16x1xi32>
          %gather3A_764 = vector.shape_cast %reshape3A_763 : vector<16x1xi32> to vector<16xi32>
          %gather3A_765 = tpu.dynamic_gather %select_n3A_762[%gather3A_764] in [0] : vector<16xf32>, vector<16xi32> -> vector<16xf32>
          %min3A_766 = arith.minimumf %select_n3A_762, %gather3A_765 : vector<16xf32>
          %select_n3A_767 = arith.select %and3A_670, %min3A_766, %select_n3A_762 : vector<16xi1>, vector<16xf32>
          %gather3A_768 = tpu.vector_load_idx %arg11[%masked_sort3A_643] : memref<10000xf32, #tpu.memory_space<vmem>>[vector<16xi32>], vector<16xf32>,
          %min3A_769 = arith.minimumf %gather3A_768, %select_n3A_767 : vector<16xf32>
          tpu.vector_store_idx %arg11[%masked_sort3A_643], %min3A_769 masked %or3A : memref<10000xf32, #tpu.memory_space<vmem>>[vector<16xi32>], vector<16xf32>, vector<16xi1>
        } else {
        }
        %mul3A_301 = arith.constant 8 : i32
        %mul3A_302 = arith.muli %scan3A_257, %mul3A_301 : i32
        %add3A_303 = arith.constant 1 : i32
        %add3A_304 = arith.addi %mul3A_302, %add3A_303 : i32
        %mul3A_305 = arith.constant 16 : i32
        %mul3A_306 = arith.muli %add3A_304, %mul3A_305 : i32
        %get3A_307 = arith.index_cast %mul3A_306 : i32 to index
        %get3A_308 = tpu.vector_load %arg16[%get3A_307] {strides = array<i32>} : memref<6400xi32, #tpu.memory_space<vmem>>, vector<16xi32>,
        %mul3A_309 = arith.constant 16 : i32
        %mul3A_310 = arith.muli %add3A_304, %mul3A_309 : i32
        %get3A_311 = arith.index_cast %mul3A_310 : i32 to index
        %get3A_312 = tpu.vector_load %arg18[%get3A_311] {strides = array<i32>} : memref<6400xi32, #tpu.memory_space<vmem>>, vector<16xi32>,
        %mul3A_313 = arith.constant 16 : i32
        %mul3A_314 = arith.muli %add3A_304, %mul3A_313 : i32
        %get3A_315 = arith.index_cast %mul3A_314 : i32 to index
        %get3A_316 = tpu.vector_load %arg20[%get3A_315] {strides = array<i32>} : memref<6400xf32, #tpu.memory_space<vmem>>, vector<16xf32>,
        %broadcast_in_dim3A_317 = arith.constant true
        %broadcast_in_dim3A_318 = vector.broadcast %broadcast_in_dim3A_317 : i1 to vector<16xi1>
        %unique3A_319, %unique3A_320 = tpu.scan_count mask(%broadcast_in_dim3A_318 : vector<16xi1>) value(%get3A_308 : vector<16xi32>) : vector<16xi1>, vector<16xi32>
        %all_reduce_population_count3A_321 = tpu.all_reduce %unique3A_319 {dim = 0 : i64, kind = #tpu.reduction_kind<sum>} : vector<16xi1> -> vector<16xi32>
        %gather3A_322 = tpu.vector_load_idx %arg12[%get3A_312] : memref<10000xf32, #tpu.memory_space<vmem>>[vector<16xi32>], vector<16xf32>,
        %mul3A_323 = arith.mulf %get3A_316, %gather3A : vector<16xf32>
        %add3A_324 = arith.addf %gather3A_322, %mul3A_323 : vector<16xf32>
        %gather3A_325 = tpu.vector_load_idx %arg8[%get3A_308] : memref<10000xf32, #tpu.memory_space<vmem>>[vector<16xi32>], vector<16xf32>,
        %min3A_326 = arith.minimumf %gather3A_325, %add3A_324 : vector<16xf32>
        tpu.vector_store_idx %arg8[%get3A_308], %min3A_326 : memref<10000xf32, #tpu.memory_space<vmem>>[vector<16xi32>], vector<16xf32>,
        %gather3A_327 = tpu.vector_load_idx %arg13[%get3A_312] : memref<10000xf32, #tpu.memory_space<vmem>>[vector<16xi32>], vector<16xf32>,
        %mul3A_328 = arith.mulf %get3A_316, %gather3A_43 : vector<16xf32>
        %add3A_329 = arith.addf %gather3A_327, %mul3A_328 : vector<16xf32>
        %gather3A_330 = tpu.vector_load_idx %arg9[%get3A_308] : memref<10000xf32, #tpu.memory_space<vmem>>[vector<16xi32>], vector<16xf32>,
        %min3A_331 = arith.minimumf %gather3A_330, %add3A_329 : vector<16xf32>
        tpu.vector_store_idx %arg9[%get3A_308], %min3A_331 : memref<10000xf32, #tpu.memory_space<vmem>>[vector<16xi32>], vector<16xf32>,
        %gather3A_332 = tpu.vector_load_idx %arg14[%get3A_312] : memref<10000xf32, #tpu.memory_space<vmem>>[vector<16xi32>], vector<16xf32>,
        %mul3A_333 = arith.mulf %get3A_316, %gather3A_52 : vector<16xf32>
        %add3A_334 = arith.addf %gather3A_332, %mul3A_333 : vector<16xf32>
        %gather3A_335 = tpu.vector_load_idx %arg10[%get3A_308] : memref<10000xf32, #tpu.memory_space<vmem>>[vector<16xi32>], vector<16xf32>,
        %min3A_336 = arith.minimumf %gather3A_335, %add3A_334 : vector<16xf32>
        tpu.vector_store_idx %arg10[%get3A_308], %min3A_336 : memref<10000xf32, #tpu.memory_space<vmem>>[vector<16xi32>], vector<16xf32>,
        %gather3A_337 = tpu.vector_load_idx %arg15[%get3A_312] : memref<10000xf32, #tpu.memory_space<vmem>>[vector<16xi32>], vector<16xf32>,
        %mul3A_338 = arith.mulf %get3A_316, %gather3A_61 : vector<16xf32>
        %add3A_339 = arith.addf %gather3A_337, %mul3A_338 : vector<16xf32>
        %gather3A_340 = tpu.vector_load_idx %arg11[%get3A_308] : memref<10000xf32, #tpu.memory_space<vmem>>[vector<16xi32>], vector<16xf32>,
        %min3A_341 = arith.minimumf %gather3A_340, %add3A_339 : vector<16xf32>
        tpu.vector_store_idx %arg11[%get3A_308], %min3A_341 : memref<10000xf32, #tpu.memory_space<vmem>>[vector<16xi32>], vector<16xf32>,
        %slice3A_342 = vector.extract_strided_slice %all_reduce_population_count3A_321 {offsets = [0], sizes = [1], strides = [1]} : vector<16xi32> to vector<1xi32>
        %squeeze3A_343 = vector.extract %slice3A_342[0] : i32 from vector<1xi32>
        %lt3A_344 = arith.constant 16 : i32
        %lt3A_345 = arith.cmpi slt, %squeeze3A_343, %lt3A_344 : i32
        %convert_element_type3A_346 = arith.extui %lt3A_345 : i1 to i32
        %cond3A_347 = arith.constant 0 : i32
        %cond3A_348 = arith.cmpi ne, %convert_element_type3A_346, %cond3A_347 : i32
        scf.if %cond3A_348 {
          %masked_sort3A = arith.constant dense<true> : vector<16xi1>
          %masked_sort3A_637 = arith.constant -2147483648 : i32
          %masked_sort3A_638 = vector.broadcast %masked_sort3A_637 : i32 to vector<16xi32>
          %masked_sort3A_639 = arith.xori %get3A_308, %masked_sort3A_638 : vector<16xi32>
          %masked_sort3A_640, %masked_sort3A_641, %masked_sort3A_642 = tpu.sort %masked_sort3A_639, %iota3A masked %masked_sort3A : (vector<16xi32>, vector<16xi32>, vector<16xi1>) -> (vector<16xi1>, vector<16xi32>, vector<16xi32>)
          %masked_sort3A_643 = arith.xori %masked_sort3A_641, %masked_sort3A_638 : vector<16xi32>
          %reshape3A = vector.shape_cast %masked_sort3A_642 : vector<16xi32> to vector<16x1xi32>
          %gather3A_644 = vector.shape_cast %reshape3A : vector<16x1xi32> to vector<16xi32>
          %gather3A_645 = tpu.dynamic_gather %get3A_312[%gather3A_644] in [0] : vector<16xi32>, vector<16xi32> -> vector<16xi32>
          %reshape3A_646 = vector.shape_cast %masked_sort3A_642 : vector<16xi32> to vector<16x1xi32>
          %gather3A_647 = vector.shape_cast %reshape3A_646 : vector<16x1xi32> to vector<16xi32>
          %gather3A_648 = tpu.dynamic_gather %get3A_316[%gather3A_647] in [0] : vector<16xf32>, vector<16xi32> -> vector<16xf32>
          %reshape3A_649 = vector.shape_cast %min3A_106 : vector<16xi32> to vector<16x1xi32>
          %gather3A_650 = vector.shape_cast %reshape3A_649 : vector<16x1xi32> to vector<16xi32>
          %gather3A_651 = tpu.dynamic_gather %masked_sort3A_643[%gather3A_650] in [0] : vector<16xi32>, vector<16xi32> -> vector<16xi32>
          %ne3A = arith.cmpi ne, %masked_sort3A_643, %gather3A_651 : vector<16xi32>
          %or3A = arith.ori %eq3A_108, %ne3A : vector<16xi1>
          %reshape3A_652 = vector.shape_cast %max3A_72 : vector<16xi32> to vector<16x1xi32>
          %gather3A_653 = vector.shape_cast %reshape3A_652 : vector<16x1xi32> to vector<16xi32>
          %gather3A_654 = tpu.dynamic_gather %masked_sort3A_643[%gather3A_653] in [0] : vector<16xi32>, vector<16xi32> -> vector<16xi32>
          %eq3A_655 = arith.cmpi eq, %masked_sort3A_643, %gather3A_654 : vector<16xi32>
          %and3A = arith.andi %ge3A_92, %eq3A_655 : vector<16xi1>
          %reshape3A_656 = vector.shape_cast %max3A_78 : vector<16xi32> to vector<16x1xi32>
          %gather3A_657 = vector.shape_cast %reshape3A_656 : vector<16x1xi32> to vector<16xi32>
          %gather3A_658 = tpu.dynamic_gather %masked_sort3A_643[%gather3A_657] in [0] : vector<16xi32>, vector<16xi32> -> vector<16xi32>
          %eq3A_659 = arith.cmpi eq, %masked_sort3A_643, %gather3A_658 : vector<16xi32>
          %and3A_660 = arith.andi %ge3A_95, %eq3A_659 : vector<16xi1>
          %reshape3A_661 = vector.shape_cast %max3A_84 : vector<16xi32> to vector<16x1xi32>
          %gather3A_662 = vector.shape_cast %reshape3A_661 : vector<16x1xi32> to vector<16xi32>
          %gather3A_663 = tpu.dynamic_gather %masked_sort3A_643[%gather3A_662] in [0] : vector<16xi32>, vector<16xi32> -> vector<16xi32>
          %eq3A_664 = arith.cmpi eq, %masked_sort3A_643, %gather3A_663 : vector<16xi32>
          %and3A_665 = arith.andi %ge3A_98, %eq3A_664 : vector<16xi1>
          %reshape3A_666 = vector.shape_cast %max3A_90 : vector<16xi32> to vector<16x1xi32>
          %gather3A_667 = vector.shape_cast %reshape3A_666 : vector<16x1xi32> to vector<16xi32>
          %gather3A_668 = tpu.dynamic_gather %masked_sort3A_643[%gather3A_667] in [0] : vector<16xi32>, vector<16xi32> -> vector<16xi32>
          %eq3A_669 = arith.cmpi eq, %masked_sort3A_643, %gather3A_668 : vector<16xi32>
          %and3A_670 = arith.andi %ge3A_101, %eq3A_669 : vector<16xi1>
          %gather3A_671 = tpu.vector_load_idx %arg12[%gather3A_645] : memref<10000xf32, #tpu.memory_space<vmem>>[vector<16xi32>], vector<16xf32>,
          %mul3A_672 = arith.mulf %gather3A_648, %gather3A : vector<16xf32>
          %add3A_673 = arith.addf %gather3A_671, %mul3A_672 : vector<16xf32>
          %reshape3A_674 = vector.shape_cast %max3A_72 : vector<16xi32> to vector<16x1xi32>
          %gather3A_675 = vector.shape_cast %reshape3A_674 : vector<16x1xi32> to vector<16xi32>
          %gather3A_676 = tpu.dynamic_gather %add3A_673[%gather3A_675] in [0] : vector<16xf32>, vector<16xi32> -> vector<16xf32>
          %min3A_677 = arith.minimumf %add3A_673, %gather3A_676 : vector<16xf32>
          %select_n3A = arith.select %and3A, %min3A_677, %add3A_673 : vector<16xi1>, vector<16xf32>
          %reshape3A_678 = vector.shape_cast %max3A_78 : vector<16xi32> to vector<16x1xi32>
          %gather3A_679 = vector.shape_cast %reshape3A_678 : vector<16x1xi32> to vector<16xi32>
          %gather3A_680 = tpu.dynamic_gather %select_n3A[%gather3A_679] in [0] : vector<16xf32>, vector<16xi32> -> vector<16xf32>
          %min3A_681 = arith.minimumf %select_n3A, %gather3A_680 : vector<16xf32>
          %select_n3A_682 = arith.select %and3A_660, %min3A_681, %select_n3A : vector<16xi1>, vector<16xf32>
          %reshape3A_683 = vector.shape_cast %max3A_84 : vector<16xi32> to vector<16x1xi32>
          %gather3A_684 = vector.shape_cast %reshape3A_683 : vector<16x1xi32> to vector<16xi32>
          %gather3A_685 = tpu.dynamic_gather %select_n3A_682[%gather3A_684] in [0] : vector<16xf32>, vector<16xi32> -> vector<16xf32>
          %min3A_686 = arith.minimumf %select_n3A_682, %gather3A_685 : vector<16xf32>
          %select_n3A_687 = arith.select %and3A_665, %min3A_686, %select_n3A_682 : vector<16xi1>, vector<16xf32>
          %reshape3A_688 = vector.shape_cast %max3A_90 : vector<16xi32> to vector<16x1xi32>
          %gather3A_689 = vector.shape_cast %reshape3A_688 : vector<16x1xi32> to vector<16xi32>
          %gather3A_690 = tpu.dynamic_gather %select_n3A_687[%gather3A_689] in [0] : vector<16xf32>, vector<16xi32> -> vector<16xf32>
          %min3A_691 = arith.minimumf %select_n3A_687, %gather3A_690 : vector<16xf32>
          %select_n3A_692 = arith.select %and3A_670, %min3A_691, %select_n3A_687 : vector<16xi1>, vector<16xf32>
          %gather3A_693 = tpu.vector_load_idx %arg8[%masked_sort3A_643] : memref<10000xf32, #tpu.memory_space<vmem>>[vector<16xi32>], vector<16xf32>,
          %min3A_694 = arith.minimumf %gather3A_693, %select_n3A_692 : vector<16xf32>
          tpu.vector_store_idx %arg8[%masked_sort3A_643], %min3A_694 masked %or3A : memref<10000xf32, #tpu.memory_space<vmem>>[vector<16xi32>], vector<16xf32>, vector<16xi1>
          %gather3A_695 = tpu.vector_load_idx %arg13[%gather3A_645] : memref<10000xf32, #tpu.memory_space<vmem>>[vector<16xi32>], vector<16xf32>,
          %mul3A_696 = arith.mulf %gather3A_648, %gather3A_43 : vector<16xf32>
          %add3A_697 = arith.addf %gather3A_695, %mul3A_696 : vector<16xf32>
          %reshape3A_698 = vector.shape_cast %max3A_72 : vector<16xi32> to vector<16x1xi32>
          %gather3A_699 = vector.shape_cast %reshape3A_698 : vector<16x1xi32> to vector<16xi32>
          %gather3A_700 = tpu.dynamic_gather %add3A_697[%gather3A_699] in [0] : vector<16xf32>, vector<16xi32> -> vector<16xf32>
          %min3A_701 = arith.minimumf %add3A_697, %gather3A_700 : vector<16xf32>
          %select_n3A_702 = arith.select %and3A, %min3A_701, %add3A_697 : vector<16xi1>, vector<16xf32>
          %reshape3A_703 = vector.shape_cast %max3A_78 : vector<16xi32> to vector<16x1xi32>
          %gather3A_704 = vector.shape_cast %reshape3A_703 : vector<16x1xi32> to vector<16xi32>
          %gather3A_705 = tpu.dynamic_gather %select_n3A_702[%gather3A_704] in [0] : vector<16xf32>, vector<16xi32> -> vector<16xf32>
          %min3A_706 = arith.minimumf %select_n3A_702, %gather3A_705 : vector<16xf32>
          %select_n3A_707 = arith.select %and3A_660, %min3A_706, %select_n3A_702 : vector<16xi1>, vector<16xf32>
          %reshape3A_708 = vector.shape_cast %max3A_84 : vector<16xi32> to vector<16x1xi32>
          %gather3A_709 = vector.shape_cast %reshape3A_708 : vector<16x1xi32> to vector<16xi32>
          %gather3A_710 = tpu.dynamic_gather %select_n3A_707[%gather3A_709] in [0] : vector<16xf32>, vector<16xi32> -> vector<16xf32>
          %min3A_711 = arith.minimumf %select_n3A_707, %gather3A_710 : vector<16xf32>
          %select_n3A_712 = arith.select %and3A_665, %min3A_711, %select_n3A_707 : vector<16xi1>, vector<16xf32>
          %reshape3A_713 = vector.shape_cast %max3A_90 : vector<16xi32> to vector<16x1xi32>
          %gather3A_714 = vector.shape_cast %reshape3A_713 : vector<16x1xi32> to vector<16xi32>
          %gather3A_715 = tpu.dynamic_gather %select_n3A_712[%gather3A_714] in [0] : vector<16xf32>, vector<16xi32> -> vector<16xf32>
          %min3A_716 = arith.minimumf %select_n3A_712, %gather3A_715 : vector<16xf32>
          %select_n3A_717 = arith.select %and3A_670, %min3A_716, %select_n3A_712 : vector<16xi1>, vector<16xf32>
          %gather3A_718 = tpu.vector_load_idx %arg9[%masked_sort3A_643] : memref<10000xf32, #tpu.memory_space<vmem>>[vector<16xi32>], vector<16xf32>,
          %min3A_719 = arith.minimumf %gather3A_718, %select_n3A_717 : vector<16xf32>
          tpu.vector_store_idx %arg9[%masked_sort3A_643], %min3A_719 masked %or3A : memref<10000xf32, #tpu.memory_space<vmem>>[vector<16xi32>], vector<16xf32>, vector<16xi1>
          %gather3A_720 = tpu.vector_load_idx %arg14[%gather3A_645] : memref<10000xf32, #tpu.memory_space<vmem>>[vector<16xi32>], vector<16xf32>,
          %mul3A_721 = arith.mulf %gather3A_648, %gather3A_52 : vector<16xf32>
          %add3A_722 = arith.addf %gather3A_720, %mul3A_721 : vector<16xf32>
          %reshape3A_723 = vector.shape_cast %max3A_72 : vector<16xi32> to vector<16x1xi32>
          %gather3A_724 = vector.shape_cast %reshape3A_723 : vector<16x1xi32> to vector<16xi32>
          %gather3A_725 = tpu.dynamic_gather %add3A_722[%gather3A_724] in [0] : vector<16xf32>, vector<16xi32> -> vector<16xf32>
          %min3A_726 = arith.minimumf %add3A_722, %gather3A_725 : vector<16xf32>
          %select_n3A_727 = arith.select %and3A, %min3A_726, %add3A_722 : vector<16xi1>, vector<16xf32>
          %reshape3A_728 = vector.shape_cast %max3A_78 : vector<16xi32> to vector<16x1xi32>
          %gather3A_729 = vector.shape_cast %reshape3A_728 : vector<16x1xi32> to vector<16xi32>
          %gather3A_730 = tpu.dynamic_gather %select_n3A_727[%gather3A_729] in [0] : vector<16xf32>, vector<16xi32> -> vector<16xf32>
          %min3A_731 = arith.minimumf %select_n3A_727, %gather3A_730 : vector<16xf32>
          %select_n3A_732 = arith.select %and3A_660, %min3A_731, %select_n3A_727 : vector<16xi1>, vector<16xf32>
          %reshape3A_733 = vector.shape_cast %max3A_84 : vector<16xi32> to vector<16x1xi32>
          %gather3A_734 = vector.shape_cast %reshape3A_733 : vector<16x1xi32> to vector<16xi32>
          %gather3A_735 = tpu.dynamic_gather %select_n3A_732[%gather3A_734] in [0] : vector<16xf32>, vector<16xi32> -> vector<16xf32>
          %min3A_736 = arith.minimumf %select_n3A_732, %gather3A_735 : vector<16xf32>
          %select_n3A_737 = arith.select %and3A_665, %min3A_736, %select_n3A_732 : vector<16xi1>, vector<16xf32>
          %reshape3A_738 = vector.shape_cast %max3A_90 : vector<16xi32> to vector<16x1xi32>
          %gather3A_739 = vector.shape_cast %reshape3A_738 : vector<16x1xi32> to vector<16xi32>
          %gather3A_740 = tpu.dynamic_gather %select_n3A_737[%gather3A_739] in [0] : vector<16xf32>, vector<16xi32> -> vector<16xf32>
          %min3A_741 = arith.minimumf %select_n3A_737, %gather3A_740 : vector<16xf32>
          %select_n3A_742 = arith.select %and3A_670, %min3A_741, %select_n3A_737 : vector<16xi1>, vector<16xf32>
          %gather3A_743 = tpu.vector_load_idx %arg10[%masked_sort3A_643] : memref<10000xf32, #tpu.memory_space<vmem>>[vector<16xi32>], vector<16xf32>,
          %min3A_744 = arith.minimumf %gather3A_743, %select_n3A_742 : vector<16xf32>
          tpu.vector_store_idx %arg10[%masked_sort3A_643], %min3A_744 masked %or3A : memref<10000xf32, #tpu.memory_space<vmem>>[vector<16xi32>], vector<16xf32>, vector<16xi1>
          %gather3A_745 = tpu.vector_load_idx %arg15[%gather3A_645] : memref<10000xf32, #tpu.memory_space<vmem>>[vector<16xi32>], vector<16xf32>,
          %mul3A_746 = arith.mulf %gather3A_648, %gather3A_61 : vector<16xf32>
          %add3A_747 = arith.addf %gather3A_745, %mul3A_746 : vector<16xf32>
          %reshape3A_748 = vector.shape_cast %max3A_72 : vector<16xi32> to vector<16x1xi32>
          %gather3A_749 = vector.shape_cast %reshape3A_748 : vector<16x1xi32> to vector<16xi32>
          %gather3A_750 = tpu.dynamic_gather %add3A_747[%gather3A_749] in [0] : vector<16xf32>, vector<16xi32> -> vector<16xf32>
          %min3A_751 = arith.minimumf %add3A_747, %gather3A_750 : vector<16xf32>
          %select_n3A_752 = arith.select %and3A, %min3A_751, %add3A_747 : vector<16xi1>, vector<16xf32>
          %reshape3A_753 = vector.shape_cast %max3A_78 : vector<16xi32> to vector<16x1xi32>
          %gather3A_754 = vector.shape_cast %reshape3A_753 : vector<16x1xi32> to vector<16xi32>
          %gather3A_755 = tpu.dynamic_gather %select_n3A_752[%gather3A_754] in [0] : vector<16xf32>, vector<16xi32> -> vector<16xf32>
          %min3A_756 = arith.minimumf %select_n3A_752, %gather3A_755 : vector<16xf32>
          %select_n3A_757 = arith.select %and3A_660, %min3A_756, %select_n3A_752 : vector<16xi1>, vector<16xf32>
          %reshape3A_758 = vector.shape_cast %max3A_84 : vector<16xi32> to vector<16x1xi32>
          %gather3A_759 = vector.shape_cast %reshape3A_758 : vector<16x1xi32> to vector<16xi32>
          %gather3A_760 = tpu.dynamic_gather %select_n3A_757[%gather3A_759] in [0] : vector<16xf32>, vector<16xi32> -> vector<16xf32>
          %min3A_761 = arith.minimumf %select_n3A_757, %gather3A_760 : vector<16xf32>
          %select_n3A_762 = arith.select %and3A_665, %min3A_761, %select_n3A_757 : vector<16xi1>, vector<16xf32>
          %reshape3A_763 = vector.shape_cast %max3A_90 : vector<16xi32> to vector<16x1xi32>
          %gather3A_764 = vector.shape_cast %reshape3A_763 : vector<16x1xi32> to vector<16xi32>
          %gather3A_765 = tpu.dynamic_gather %select_n3A_762[%gather3A_764] in [0] : vector<16xf32>, vector<16xi32> -> vector<16xf32>
          %min3A_766 = arith.minimumf %select_n3A_762, %gather3A_765 : vector<16xf32>
          %select_n3A_767 = arith.select %and3A_670, %min3A_766, %select_n3A_762 : vector<16xi1>, vector<16xf32>
          %gather3A_768 = tpu.vector_load_idx %arg11[%masked_sort3A_643] : memref<10000xf32, #tpu.memory_space<vmem>>[vector<16xi32>], vector<16xf32>,
          %min3A_769 = arith.minimumf %gather3A_768, %select_n3A_767 : vector<16xf32>
          tpu.vector_store_idx %arg11[%masked_sort3A_643], %min3A_769 masked %or3A : memref<10000xf32, #tpu.memory_space<vmem>>[vector<16xi32>], vector<16xf32>, vector<16xi1>
        } else {
        }
        %mul3A_349 = arith.constant 8 : i32
        %mul3A_350 = arith.muli %scan3A_257, %mul3A_349 : i32
        %add3A_351 = arith.constant 2 : i32
        %add3A_352 = arith.addi %mul3A_350, %add3A_351 : i32
        %mul3A_353 = arith.constant 16 : i32
        %mul3A_354 = arith.muli %add3A_352, %mul3A_353 : i32
        %get3A_355 = arith.index_cast %mul3A_354 : i32 to index
        %get3A_356 = tpu.vector_load %arg16[%get3A_355] {strides = array<i32>} : memref<6400xi32, #tpu.memory_space<vmem>>, vector<16xi32>,
        %mul3A_357 = arith.constant 16 : i32
        %mul3A_358 = arith.muli %add3A_352, %mul3A_357 : i32
        %get3A_359 = arith.index_cast %mul3A_358 : i32 to index
        %get3A_360 = tpu.vector_load %arg18[%get3A_359] {strides = array<i32>} : memref<6400xi32, #tpu.memory_space<vmem>>, vector<16xi32>,
        %mul3A_361 = arith.constant 16 : i32
        %mul3A_362 = arith.muli %add3A_352, %mul3A_361 : i32
        %get3A_363 = arith.index_cast %mul3A_362 : i32 to index
        %get3A_364 = tpu.vector_load %arg20[%get3A_363] {strides = array<i32>} : memref<6400xf32, #tpu.memory_space<vmem>>, vector<16xf32>,
        %broadcast_in_dim3A_365 = arith.constant true
        %broadcast_in_dim3A_366 = vector.broadcast %broadcast_in_dim3A_365 : i1 to vector<16xi1>
        %unique3A_367, %unique3A_368 = tpu.scan_count mask(%broadcast_in_dim3A_366 : vector<16xi1>) value(%get3A_356 : vector<16xi32>) : vector<16xi1>, vector<16xi32>
        %all_reduce_population_count3A_369 = tpu.all_reduce %unique3A_367 {dim = 0 : i64, kind = #tpu.reduction_kind<sum>} : vector<16xi1> -> vector<16xi32>
        %gather3A_370 = tpu.vector_load_idx %arg12[%get3A_360] : memref<10000xf32, #tpu.memory_space<vmem>>[vector<16xi32>], vector<16xf32>,
        %mul3A_371 = arith.mulf %get3A_364, %gather3A : vector<16xf32>
        %add3A_372 = arith.addf %gather3A_370, %mul3A_371 : vector<16xf32>
        %gather3A_373 = tpu.vector_load_idx %arg8[%get3A_356] : memref<10000xf32, #tpu.memory_space<vmem>>[vector<16xi32>], vector<16xf32>,
        %min3A_374 = arith.minimumf %gather3A_373, %add3A_372 : vector<16xf32>
        tpu.vector_store_idx %arg8[%get3A_356], %min3A_374 : memref<10000xf32, #tpu.memory_space<vmem>>[vector<16xi32>], vector<16xf32>,
        %gather3A_375 = tpu.vector_load_idx %arg13[%get3A_360] : memref<10000xf32, #tpu.memory_space<vmem>>[vector<16xi32>], vector<16xf32>,
        %mul3A_376 = arith.mulf %get3A_364, %gather3A_43 : vector<16xf32>
        %add3A_377 = arith.addf %gather3A_375, %mul3A_376 : vector<16xf32>
        %gather3A_378 = tpu.vector_load_idx %arg9[%get3A_356] : memref<10000xf32, #tpu.memory_space<vmem>>[vector<16xi32>], vector<16xf32>,
        %min3A_379 = arith.minimumf %gather3A_378, %add3A_377 : vector<16xf32>
        tpu.vector_store_idx %arg9[%get3A_356], %min3A_379 : memref<10000xf32, #tpu.memory_space<vmem>>[vector<16xi32>], vector<16xf32>,
        %gather3A_380 = tpu.vector_load_idx %arg14[%get3A_360] : memref<10000xf32, #tpu.memory_space<vmem>>[vector<16xi32>], vector<16xf32>,
        %mul3A_381 = arith.mulf %get3A_364, %gather3A_52 : vector<16xf32>
        %add3A_382 = arith.addf %gather3A_380, %mul3A_381 : vector<16xf32>
        %gather3A_383 = tpu.vector_load_idx %arg10[%get3A_356] : memref<10000xf32, #tpu.memory_space<vmem>>[vector<16xi32>], vector<16xf32>,
        %min3A_384 = arith.minimumf %gather3A_383, %add3A_382 : vector<16xf32>
        tpu.vector_store_idx %arg10[%get3A_356], %min3A_384 : memref<10000xf32, #tpu.memory_space<vmem>>[vector<16xi32>], vector<16xf32>,
        %gather3A_385 = tpu.vector_load_idx %arg15[%get3A_360] : memref<10000xf32, #tpu.memory_space<vmem>>[vector<16xi32>], vector<16xf32>,
        %mul3A_386 = arith.mulf %get3A_364, %gather3A_61 : vector<16xf32>
        %add3A_387 = arith.addf %gather3A_385, %mul3A_386 : vector<16xf32>
        %gather3A_388 = tpu.vector_load_idx %arg11[%get3A_356] : memref<10000xf32, #tpu.memory_space<vmem>>[vector<16xi32>], vector<16xf32>,
        %min3A_389 = arith.minimumf %gather3A_388, %add3A_387 : vector<16xf32>
        tpu.vector_store_idx %arg11[%get3A_356], %min3A_389 : memref<10000xf32, #tpu.memory_space<vmem>>[vector<16xi32>], vector<16xf32>,
        %slice3A_390 = vector.extract_strided_slice %all_reduce_population_count3A_369 {offsets = [0], sizes = [1], strides = [1]} : vector<16xi32> to vector<1xi32>
        %squeeze3A_391 = vector.extract %slice3A_390[0] : i32 from vector<1xi32>
        %lt3A_392 = arith.constant 16 : i32
        %lt3A_393 = arith.cmpi slt, %squeeze3A_391, %lt3A_392 : i32
        %convert_element_type3A_394 = arith.extui %lt3A_393 : i1 to i32
        %cond3A_395 = arith.constant 0 : i32
        %cond3A_396 = arith.cmpi ne, %convert_element_type3A_394, %cond3A_395 : i32
        scf.if %cond3A_396 {
          %masked_sort3A = arith.constant dense<true> : vector<16xi1>
          %masked_sort3A_637 = arith.constant -2147483648 : i32
          %masked_sort3A_638 = vector.broadcast %masked_sort3A_637 : i32 to vector<16xi32>
          %masked_sort3A_639 = arith.xori %get3A_356, %masked_sort3A_638 : vector<16xi32>
          %masked_sort3A_640, %masked_sort3A_641, %masked_sort3A_642 = tpu.sort %masked_sort3A_639, %iota3A masked %masked_sort3A : (vector<16xi32>, vector<16xi32>, vector<16xi1>) -> (vector<16xi1>, vector<16xi32>, vector<16xi32>)
          %masked_sort3A_643 = arith.xori %masked_sort3A_641, %masked_sort3A_638 : vector<16xi32>
          %reshape3A = vector.shape_cast %masked_sort3A_642 : vector<16xi32> to vector<16x1xi32>
          %gather3A_644 = vector.shape_cast %reshape3A : vector<16x1xi32> to vector<16xi32>
          %gather3A_645 = tpu.dynamic_gather %get3A_360[%gather3A_644] in [0] : vector<16xi32>, vector<16xi32> -> vector<16xi32>
          %reshape3A_646 = vector.shape_cast %masked_sort3A_642 : vector<16xi32> to vector<16x1xi32>
          %gather3A_647 = vector.shape_cast %reshape3A_646 : vector<16x1xi32> to vector<16xi32>
          %gather3A_648 = tpu.dynamic_gather %get3A_364[%gather3A_647] in [0] : vector<16xf32>, vector<16xi32> -> vector<16xf32>
          %reshape3A_649 = vector.shape_cast %min3A_106 : vector<16xi32> to vector<16x1xi32>
          %gather3A_650 = vector.shape_cast %reshape3A_649 : vector<16x1xi32> to vector<16xi32>
          %gather3A_651 = tpu.dynamic_gather %masked_sort3A_643[%gather3A_650] in [0] : vector<16xi32>, vector<16xi32> -> vector<16xi32>
          %ne3A = arith.cmpi ne, %masked_sort3A_643, %gather3A_651 : vector<16xi32>
          %or3A = arith.ori %eq3A_108, %ne3A : vector<16xi1>
          %reshape3A_652 = vector.shape_cast %max3A_72 : vector<16xi32> to vector<16x1xi32>
          %gather3A_653 = vector.shape_cast %reshape3A_652 : vector<16x1xi32> to vector<16xi32>
          %gather3A_654 = tpu.dynamic_gather %masked_sort3A_643[%gather3A_653] in [0] : vector<16xi32>, vector<16xi32> -> vector<16xi32>
          %eq3A_655 = arith.cmpi eq, %masked_sort3A_643, %gather3A_654 : vector<16xi32>
          %and3A = arith.andi %ge3A_92, %eq3A_655 : vector<16xi1>
          %reshape3A_656 = vector.shape_cast %max3A_78 : vector<16xi32> to vector<16x1xi32>
          %gather3A_657 = vector.shape_cast %reshape3A_656 : vector<16x1xi32> to vector<16xi32>
          %gather3A_658 = tpu.dynamic_gather %masked_sort3A_643[%gather3A_657] in [0] : vector<16xi32>, vector<16xi32> -> vector<16xi32>
          %eq3A_659 = arith.cmpi eq, %masked_sort3A_643, %gather3A_658 : vector<16xi32>
          %and3A_660 = arith.andi %ge3A_95, %eq3A_659 : vector<16xi1>
          %reshape3A_661 = vector.shape_cast %max3A_84 : vector<16xi32> to vector<16x1xi32>
          %gather3A_662 = vector.shape_cast %reshape3A_661 : vector<16x1xi32> to vector<16xi32>
          %gather3A_663 = tpu.dynamic_gather %masked_sort3A_643[%gather3A_662] in [0] : vector<16xi32>, vector<16xi32> -> vector<16xi32>
          %eq3A_664 = arith.cmpi eq, %masked_sort3A_643, %gather3A_663 : vector<16xi32>
          %and3A_665 = arith.andi %ge3A_98, %eq3A_664 : vector<16xi1>
          %reshape3A_666 = vector.shape_cast %max3A_90 : vector<16xi32> to vector<16x1xi32>
          %gather3A_667 = vector.shape_cast %reshape3A_666 : vector<16x1xi32> to vector<16xi32>
          %gather3A_668 = tpu.dynamic_gather %masked_sort3A_643[%gather3A_667] in [0] : vector<16xi32>, vector<16xi32> -> vector<16xi32>
          %eq3A_669 = arith.cmpi eq, %masked_sort3A_643, %gather3A_668 : vector<16xi32>
          %and3A_670 = arith.andi %ge3A_101, %eq3A_669 : vector<16xi1>
          %gather3A_671 = tpu.vector_load_idx %arg12[%gather3A_645] : memref<10000xf32, #tpu.memory_space<vmem>>[vector<16xi32>], vector<16xf32>,
          %mul3A_672 = arith.mulf %gather3A_648, %gather3A : vector<16xf32>
          %add3A_673 = arith.addf %gather3A_671, %mul3A_672 : vector<16xf32>
          %reshape3A_674 = vector.shape_cast %max3A_72 : vector<16xi32> to vector<16x1xi32>
          %gather3A_675 = vector.shape_cast %reshape3A_674 : vector<16x1xi32> to vector<16xi32>
          %gather3A_676 = tpu.dynamic_gather %add3A_673[%gather3A_675] in [0] : vector<16xf32>, vector<16xi32> -> vector<16xf32>
          %min3A_677 = arith.minimumf %add3A_673, %gather3A_676 : vector<16xf32>
          %select_n3A = arith.select %and3A, %min3A_677, %add3A_673 : vector<16xi1>, vector<16xf32>
          %reshape3A_678 = vector.shape_cast %max3A_78 : vector<16xi32> to vector<16x1xi32>
          %gather3A_679 = vector.shape_cast %reshape3A_678 : vector<16x1xi32> to vector<16xi32>
          %gather3A_680 = tpu.dynamic_gather %select_n3A[%gather3A_679] in [0] : vector<16xf32>, vector<16xi32> -> vector<16xf32>
          %min3A_681 = arith.minimumf %select_n3A, %gather3A_680 : vector<16xf32>
          %select_n3A_682 = arith.select %and3A_660, %min3A_681, %select_n3A : vector<16xi1>, vector<16xf32>
          %reshape3A_683 = vector.shape_cast %max3A_84 : vector<16xi32> to vector<16x1xi32>
          %gather3A_684 = vector.shape_cast %reshape3A_683 : vector<16x1xi32> to vector<16xi32>
          %gather3A_685 = tpu.dynamic_gather %select_n3A_682[%gather3A_684] in [0] : vector<16xf32>, vector<16xi32> -> vector<16xf32>
          %min3A_686 = arith.minimumf %select_n3A_682, %gather3A_685 : vector<16xf32>
          %select_n3A_687 = arith.select %and3A_665, %min3A_686, %select_n3A_682 : vector<16xi1>, vector<16xf32>
          %reshape3A_688 = vector.shape_cast %max3A_90 : vector<16xi32> to vector<16x1xi32>
          %gather3A_689 = vector.shape_cast %reshape3A_688 : vector<16x1xi32> to vector<16xi32>
          %gather3A_690 = tpu.dynamic_gather %select_n3A_687[%gather3A_689] in [0] : vector<16xf32>, vector<16xi32> -> vector<16xf32>
          %min3A_691 = arith.minimumf %select_n3A_687, %gather3A_690 : vector<16xf32>
          %select_n3A_692 = arith.select %and3A_670, %min3A_691, %select_n3A_687 : vector<16xi1>, vector<16xf32>
          %gather3A_693 = tpu.vector_load_idx %arg8[%masked_sort3A_643] : memref<10000xf32, #tpu.memory_space<vmem>>[vector<16xi32>], vector<16xf32>,
          %min3A_694 = arith.minimumf %gather3A_693, %select_n3A_692 : vector<16xf32>
          tpu.vector_store_idx %arg8[%masked_sort3A_643], %min3A_694 masked %or3A : memref<10000xf32, #tpu.memory_space<vmem>>[vector<16xi32>], vector<16xf32>, vector<16xi1>
          %gather3A_695 = tpu.vector_load_idx %arg13[%gather3A_645] : memref<10000xf32, #tpu.memory_space<vmem>>[vector<16xi32>], vector<16xf32>,
          %mul3A_696 = arith.mulf %gather3A_648, %gather3A_43 : vector<16xf32>
          %add3A_697 = arith.addf %gather3A_695, %mul3A_696 : vector<16xf32>
          %reshape3A_698 = vector.shape_cast %max3A_72 : vector<16xi32> to vector<16x1xi32>
          %gather3A_699 = vector.shape_cast %reshape3A_698 : vector<16x1xi32> to vector<16xi32>
          %gather3A_700 = tpu.dynamic_gather %add3A_697[%gather3A_699] in [0] : vector<16xf32>, vector<16xi32> -> vector<16xf32>
          %min3A_701 = arith.minimumf %add3A_697, %gather3A_700 : vector<16xf32>
          %select_n3A_702 = arith.select %and3A, %min3A_701, %add3A_697 : vector<16xi1>, vector<16xf32>
          %reshape3A_703 = vector.shape_cast %max3A_78 : vector<16xi32> to vector<16x1xi32>
          %gather3A_704 = vector.shape_cast %reshape3A_703 : vector<16x1xi32> to vector<16xi32>
          %gather3A_705 = tpu.dynamic_gather %select_n3A_702[%gather3A_704] in [0] : vector<16xf32>, vector<16xi32> -> vector<16xf32>
          %min3A_706 = arith.minimumf %select_n3A_702, %gather3A_705 : vector<16xf32>
          %select_n3A_707 = arith.select %and3A_660, %min3A_706, %select_n3A_702 : vector<16xi1>, vector<16xf32>
          %reshape3A_708 = vector.shape_cast %max3A_84 : vector<16xi32> to vector<16x1xi32>
          %gather3A_709 = vector.shape_cast %reshape3A_708 : vector<16x1xi32> to vector<16xi32>
          %gather3A_710 = tpu.dynamic_gather %select_n3A_707[%gather3A_709] in [0] : vector<16xf32>, vector<16xi32> -> vector<16xf32>
          %min3A_711 = arith.minimumf %select_n3A_707, %gather3A_710 : vector<16xf32>
          %select_n3A_712 = arith.select %and3A_665, %min3A_711, %select_n3A_707 : vector<16xi1>, vector<16xf32>
          %reshape3A_713 = vector.shape_cast %max3A_90 : vector<16xi32> to vector<16x1xi32>
          %gather3A_714 = vector.shape_cast %reshape3A_713 : vector<16x1xi32> to vector<16xi32>
          %gather3A_715 = tpu.dynamic_gather %select_n3A_712[%gather3A_714] in [0] : vector<16xf32>, vector<16xi32> -> vector<16xf32>
          %min3A_716 = arith.minimumf %select_n3A_712, %gather3A_715 : vector<16xf32>
          %select_n3A_717 = arith.select %and3A_670, %min3A_716, %select_n3A_712 : vector<16xi1>, vector<16xf32>
          %gather3A_718 = tpu.vector_load_idx %arg9[%masked_sort3A_643] : memref<10000xf32, #tpu.memory_space<vmem>>[vector<16xi32>], vector<16xf32>,
          %min3A_719 = arith.minimumf %gather3A_718, %select_n3A_717 : vector<16xf32>
          tpu.vector_store_idx %arg9[%masked_sort3A_643], %min3A_719 masked %or3A : memref<10000xf32, #tpu.memory_space<vmem>>[vector<16xi32>], vector<16xf32>, vector<16xi1>
          %gather3A_720 = tpu.vector_load_idx %arg14[%gather3A_645] : memref<10000xf32, #tpu.memory_space<vmem>>[vector<16xi32>], vector<16xf32>,
          %mul3A_721 = arith.mulf %gather3A_648, %gather3A_52 : vector<16xf32>
          %add3A_722 = arith.addf %gather3A_720, %mul3A_721 : vector<16xf32>
          %reshape3A_723 = vector.shape_cast %max3A_72 : vector<16xi32> to vector<16x1xi32>
          %gather3A_724 = vector.shape_cast %reshape3A_723 : vector<16x1xi32> to vector<16xi32>
          %gather3A_725 = tpu.dynamic_gather %add3A_722[%gather3A_724] in [0] : vector<16xf32>, vector<16xi32> -> vector<16xf32>
          %min3A_726 = arith.minimumf %add3A_722, %gather3A_725 : vector<16xf32>
          %select_n3A_727 = arith.select %and3A, %min3A_726, %add3A_722 : vector<16xi1>, vector<16xf32>
          %reshape3A_728 = vector.shape_cast %max3A_78 : vector<16xi32> to vector<16x1xi32>
          %gather3A_729 = vector.shape_cast %reshape3A_728 : vector<16x1xi32> to vector<16xi32>
          %gather3A_730 = tpu.dynamic_gather %select_n3A_727[%gather3A_729] in [0] : vector<16xf32>, vector<16xi32> -> vector<16xf32>
          %min3A_731 = arith.minimumf %select_n3A_727, %gather3A_730 : vector<16xf32>
          %select_n3A_732 = arith.select %and3A_660, %min3A_731, %select_n3A_727 : vector<16xi1>, vector<16xf32>
          %reshape3A_733 = vector.shape_cast %max3A_84 : vector<16xi32> to vector<16x1xi32>
          %gather3A_734 = vector.shape_cast %reshape3A_733 : vector<16x1xi32> to vector<16xi32>
          %gather3A_735 = tpu.dynamic_gather %select_n3A_732[%gather3A_734] in [0] : vector<16xf32>, vector<16xi32> -> vector<16xf32>
          %min3A_736 = arith.minimumf %select_n3A_732, %gather3A_735 : vector<16xf32>
          %select_n3A_737 = arith.select %and3A_665, %min3A_736, %select_n3A_732 : vector<16xi1>, vector<16xf32>
          %reshape3A_738 = vector.shape_cast %max3A_90 : vector<16xi32> to vector<16x1xi32>
          %gather3A_739 = vector.shape_cast %reshape3A_738 : vector<16x1xi32> to vector<16xi32>
          %gather3A_740 = tpu.dynamic_gather %select_n3A_737[%gather3A_739] in [0] : vector<16xf32>, vector<16xi32> -> vector<16xf32>
          %min3A_741 = arith.minimumf %select_n3A_737, %gather3A_740 : vector<16xf32>
          %select_n3A_742 = arith.select %and3A_670, %min3A_741, %select_n3A_737 : vector<16xi1>, vector<16xf32>
          %gather3A_743 = tpu.vector_load_idx %arg10[%masked_sort3A_643] : memref<10000xf32, #tpu.memory_space<vmem>>[vector<16xi32>], vector<16xf32>,
          %min3A_744 = arith.minimumf %gather3A_743, %select_n3A_742 : vector<16xf32>
          tpu.vector_store_idx %arg10[%masked_sort3A_643], %min3A_744 masked %or3A : memref<10000xf32, #tpu.memory_space<vmem>>[vector<16xi32>], vector<16xf32>, vector<16xi1>
          %gather3A_745 = tpu.vector_load_idx %arg15[%gather3A_645] : memref<10000xf32, #tpu.memory_space<vmem>>[vector<16xi32>], vector<16xf32>,
          %mul3A_746 = arith.mulf %gather3A_648, %gather3A_61 : vector<16xf32>
          %add3A_747 = arith.addf %gather3A_745, %mul3A_746 : vector<16xf32>
          %reshape3A_748 = vector.shape_cast %max3A_72 : vector<16xi32> to vector<16x1xi32>
          %gather3A_749 = vector.shape_cast %reshape3A_748 : vector<16x1xi32> to vector<16xi32>
          %gather3A_750 = tpu.dynamic_gather %add3A_747[%gather3A_749] in [0] : vector<16xf32>, vector<16xi32> -> vector<16xf32>
          %min3A_751 = arith.minimumf %add3A_747, %gather3A_750 : vector<16xf32>
          %select_n3A_752 = arith.select %and3A, %min3A_751, %add3A_747 : vector<16xi1>, vector<16xf32>
          %reshape3A_753 = vector.shape_cast %max3A_78 : vector<16xi32> to vector<16x1xi32>
          %gather3A_754 = vector.shape_cast %reshape3A_753 : vector<16x1xi32> to vector<16xi32>
          %gather3A_755 = tpu.dynamic_gather %select_n3A_752[%gather3A_754] in [0] : vector<16xf32>, vector<16xi32> -> vector<16xf32>
          %min3A_756 = arith.minimumf %select_n3A_752, %gather3A_755 : vector<16xf32>
          %select_n3A_757 = arith.select %and3A_660, %min3A_756, %select_n3A_752 : vector<16xi1>, vector<16xf32>
          %reshape3A_758 = vector.shape_cast %max3A_84 : vector<16xi32> to vector<16x1xi32>
          %gather3A_759 = vector.shape_cast %reshape3A_758 : vector<16x1xi32> to vector<16xi32>
          %gather3A_760 = tpu.dynamic_gather %select_n3A_757[%gather3A_759] in [0] : vector<16xf32>, vector<16xi32> -> vector<16xf32>
          %min3A_761 = arith.minimumf %select_n3A_757, %gather3A_760 : vector<16xf32>
          %select_n3A_762 = arith.select %and3A_665, %min3A_761, %select_n3A_757 : vector<16xi1>, vector<16xf32>
          %reshape3A_763 = vector.shape_cast %max3A_90 : vector<16xi32> to vector<16x1xi32>
          %gather3A_764 = vector.shape_cast %reshape3A_763 : vector<16x1xi32> to vector<16xi32>
          %gather3A_765 = tpu.dynamic_gather %select_n3A_762[%gather3A_764] in [0] : vector<16xf32>, vector<16xi32> -> vector<16xf32>
          %min3A_766 = arith.minimumf %select_n3A_762, %gather3A_765 : vector<16xf32>
          %select_n3A_767 = arith.select %and3A_670, %min3A_766, %select_n3A_762 : vector<16xi1>, vector<16xf32>
          %gather3A_768 = tpu.vector_load_idx %arg11[%masked_sort3A_643] : memref<10000xf32, #tpu.memory_space<vmem>>[vector<16xi32>], vector<16xf32>,
          %min3A_769 = arith.minimumf %gather3A_768, %select_n3A_767 : vector<16xf32>
          tpu.vector_store_idx %arg11[%masked_sort3A_643], %min3A_769 masked %or3A : memref<10000xf32, #tpu.memory_space<vmem>>[vector<16xi32>], vector<16xf32>, vector<16xi1>
        } else {
        }
        %mul3A_397 = arith.constant 8 : i32
        %mul3A_398 = arith.muli %scan3A_257, %mul3A_397 : i32
        %add3A_399 = arith.constant 3 : i32
        %add3A_400 = arith.addi %mul3A_398, %add3A_399 : i32
        %mul3A_401 = arith.constant 16 : i32
        %mul3A_402 = arith.muli %add3A_400, %mul3A_401 : i32
        %get3A_403 = arith.index_cast %mul3A_402 : i32 to index
        %get3A_404 = tpu.vector_load %arg16[%get3A_403] {strides = array<i32>} : memref<6400xi32, #tpu.memory_space<vmem>>, vector<16xi32>,
        %mul3A_405 = arith.constant 16 : i32
        %mul3A_406 = arith.muli %add3A_400, %mul3A_405 : i32
        %get3A_407 = arith.index_cast %mul3A_406 : i32 to index
        %get3A_408 = tpu.vector_load %arg18[%get3A_407] {strides = array<i32>} : memref<6400xi32, #tpu.memory_space<vmem>>, vector<16xi32>,
        %mul3A_409 = arith.constant 16 : i32
        %mul3A_410 = arith.muli %add3A_400, %mul3A_409 : i32
        %get3A_411 = arith.index_cast %mul3A_410 : i32 to index
        %get3A_412 = tpu.vector_load %arg20[%get3A_411] {strides = array<i32>} : memref<6400xf32, #tpu.memory_space<vmem>>, vector<16xf32>,
        %broadcast_in_dim3A_413 = arith.constant true
        %broadcast_in_dim3A_414 = vector.broadcast %broadcast_in_dim3A_413 : i1 to vector<16xi1>
        %unique3A_415, %unique3A_416 = tpu.scan_count mask(%broadcast_in_dim3A_414 : vector<16xi1>) value(%get3A_404 : vector<16xi32>) : vector<16xi1>, vector<16xi32>
        %all_reduce_population_count3A_417 = tpu.all_reduce %unique3A_415 {dim = 0 : i64, kind = #tpu.reduction_kind<sum>} : vector<16xi1> -> vector<16xi32>
        %gather3A_418 = tpu.vector_load_idx %arg12[%get3A_408] : memref<10000xf32, #tpu.memory_space<vmem>>[vector<16xi32>], vector<16xf32>,
        %mul3A_419 = arith.mulf %get3A_412, %gather3A : vector<16xf32>
        %add3A_420 = arith.addf %gather3A_418, %mul3A_419 : vector<16xf32>
        %gather3A_421 = tpu.vector_load_idx %arg8[%get3A_404] : memref<10000xf32, #tpu.memory_space<vmem>>[vector<16xi32>], vector<16xf32>,
        %min3A_422 = arith.minimumf %gather3A_421, %add3A_420 : vector<16xf32>
        tpu.vector_store_idx %arg8[%get3A_404], %min3A_422 : memref<10000xf32, #tpu.memory_space<vmem>>[vector<16xi32>], vector<16xf32>,
        %gather3A_423 = tpu.vector_load_idx %arg13[%get3A_408] : memref<10000xf32, #tpu.memory_space<vmem>>[vector<16xi32>], vector<16xf32>,
        %mul3A_424 = arith.mulf %get3A_412, %gather3A_43 : vector<16xf32>
        %add3A_425 = arith.addf %gather3A_423, %mul3A_424 : vector<16xf32>
        %gather3A_426 = tpu.vector_load_idx %arg9[%get3A_404] : memref<10000xf32, #tpu.memory_space<vmem>>[vector<16xi32>], vector<16xf32>,
        %min3A_427 = arith.minimumf %gather3A_426, %add3A_425 : vector<16xf32>
        tpu.vector_store_idx %arg9[%get3A_404], %min3A_427 : memref<10000xf32, #tpu.memory_space<vmem>>[vector<16xi32>], vector<16xf32>,
        %gather3A_428 = tpu.vector_load_idx %arg14[%get3A_408] : memref<10000xf32, #tpu.memory_space<vmem>>[vector<16xi32>], vector<16xf32>,
        %mul3A_429 = arith.mulf %get3A_412, %gather3A_52 : vector<16xf32>
        %add3A_430 = arith.addf %gather3A_428, %mul3A_429 : vector<16xf32>
        %gather3A_431 = tpu.vector_load_idx %arg10[%get3A_404] : memref<10000xf32, #tpu.memory_space<vmem>>[vector<16xi32>], vector<16xf32>,
        %min3A_432 = arith.minimumf %gather3A_431, %add3A_430 : vector<16xf32>
        tpu.vector_store_idx %arg10[%get3A_404], %min3A_432 : memref<10000xf32, #tpu.memory_space<vmem>>[vector<16xi32>], vector<16xf32>,
        %gather3A_433 = tpu.vector_load_idx %arg15[%get3A_408] : memref<10000xf32, #tpu.memory_space<vmem>>[vector<16xi32>], vector<16xf32>,
        %mul3A_434 = arith.mulf %get3A_412, %gather3A_61 : vector<16xf32>
        %add3A_435 = arith.addf %gather3A_433, %mul3A_434 : vector<16xf32>
        %gather3A_436 = tpu.vector_load_idx %arg11[%get3A_404] : memref<10000xf32, #tpu.memory_space<vmem>>[vector<16xi32>], vector<16xf32>,
        %min3A_437 = arith.minimumf %gather3A_436, %add3A_435 : vector<16xf32>
        tpu.vector_store_idx %arg11[%get3A_404], %min3A_437 : memref<10000xf32, #tpu.memory_space<vmem>>[vector<16xi32>], vector<16xf32>,
        %slice3A_438 = vector.extract_strided_slice %all_reduce_population_count3A_417 {offsets = [0], sizes = [1], strides = [1]} : vector<16xi32> to vector<1xi32>
        %squeeze3A_439 = vector.extract %slice3A_438[0] : i32 from vector<1xi32>
        %lt3A_440 = arith.constant 16 : i32
        %lt3A_441 = arith.cmpi slt, %squeeze3A_439, %lt3A_440 : i32
        %convert_element_type3A_442 = arith.extui %lt3A_441 : i1 to i32
        %cond3A_443 = arith.constant 0 : i32
        %cond3A_444 = arith.cmpi ne, %convert_element_type3A_442, %cond3A_443 : i32
        scf.if %cond3A_444 {
          %masked_sort3A = arith.constant dense<true> : vector<16xi1>
          %masked_sort3A_637 = arith.constant -2147483648 : i32
          %masked_sort3A_638 = vector.broadcast %masked_sort3A_637 : i32 to vector<16xi32>
          %masked_sort3A_639 = arith.xori %get3A_404, %masked_sort3A_638 : vector<16xi32>
          %masked_sort3A_640, %masked_sort3A_641, %masked_sort3A_642 = tpu.sort %masked_sort3A_639, %iota3A masked %masked_sort3A : (vector<16xi32>, vector<16xi32>, vector<16xi1>) -> (vector<16xi1>, vector<16xi32>, vector<16xi32>)
          %masked_sort3A_643 = arith.xori %masked_sort3A_641, %masked_sort3A_638 : vector<16xi32>
          %reshape3A = vector.shape_cast %masked_sort3A_642 : vector<16xi32> to vector<16x1xi32>
          %gather3A_644 = vector.shape_cast %reshape3A : vector<16x1xi32> to vector<16xi32>
          %gather3A_645 = tpu.dynamic_gather %get3A_408[%gather3A_644] in [0] : vector<16xi32>, vector<16xi32> -> vector<16xi32>
          %reshape3A_646 = vector.shape_cast %masked_sort3A_642 : vector<16xi32> to vector<16x1xi32>
          %gather3A_647 = vector.shape_cast %reshape3A_646 : vector<16x1xi32> to vector<16xi32>
          %gather3A_648 = tpu.dynamic_gather %get3A_412[%gather3A_647] in [0] : vector<16xf32>, vector<16xi32> -> vector<16xf32>
          %reshape3A_649 = vector.shape_cast %min3A_106 : vector<16xi32> to vector<16x1xi32>
          %gather3A_650 = vector.shape_cast %reshape3A_649 : vector<16x1xi32> to vector<16xi32>
          %gather3A_651 = tpu.dynamic_gather %masked_sort3A_643[%gather3A_650] in [0] : vector<16xi32>, vector<16xi32> -> vector<16xi32>
          %ne3A = arith.cmpi ne, %masked_sort3A_643, %gather3A_651 : vector<16xi32>
          %or3A = arith.ori %eq3A_108, %ne3A : vector<16xi1>
          %reshape3A_652 = vector.shape_cast %max3A_72 : vector<16xi32> to vector<16x1xi32>
          %gather3A_653 = vector.shape_cast %reshape3A_652 : vector<16x1xi32> to vector<16xi32>
          %gather3A_654 = tpu.dynamic_gather %masked_sort3A_643[%gather3A_653] in [0] : vector<16xi32>, vector<16xi32> -> vector<16xi32>
          %eq3A_655 = arith.cmpi eq, %masked_sort3A_643, %gather3A_654 : vector<16xi32>
          %and3A = arith.andi %ge3A_92, %eq3A_655 : vector<16xi1>
          %reshape3A_656 = vector.shape_cast %max3A_78 : vector<16xi32> to vector<16x1xi32>
          %gather3A_657 = vector.shape_cast %reshape3A_656 : vector<16x1xi32> to vector<16xi32>
          %gather3A_658 = tpu.dynamic_gather %masked_sort3A_643[%gather3A_657] in [0] : vector<16xi32>, vector<16xi32> -> vector<16xi32>
          %eq3A_659 = arith.cmpi eq, %masked_sort3A_643, %gather3A_658 : vector<16xi32>
          %and3A_660 = arith.andi %ge3A_95, %eq3A_659 : vector<16xi1>
          %reshape3A_661 = vector.shape_cast %max3A_84 : vector<16xi32> to vector<16x1xi32>
          %gather3A_662 = vector.shape_cast %reshape3A_661 : vector<16x1xi32> to vector<16xi32>
          %gather3A_663 = tpu.dynamic_gather %masked_sort3A_643[%gather3A_662] in [0] : vector<16xi32>, vector<16xi32> -> vector<16xi32>
          %eq3A_664 = arith.cmpi eq, %masked_sort3A_643, %gather3A_663 : vector<16xi32>
          %and3A_665 = arith.andi %ge3A_98, %eq3A_664 : vector<16xi1>
          %reshape3A_666 = vector.shape_cast %max3A_90 : vector<16xi32> to vector<16x1xi32>
          %gather3A_667 = vector.shape_cast %reshape3A_666 : vector<16x1xi32> to vector<16xi32>
          %gather3A_668 = tpu.dynamic_gather %masked_sort3A_643[%gather3A_667] in [0] : vector<16xi32>, vector<16xi32> -> vector<16xi32>
          %eq3A_669 = arith.cmpi eq, %masked_sort3A_643, %gather3A_668 : vector<16xi32>
          %and3A_670 = arith.andi %ge3A_101, %eq3A_669 : vector<16xi1>
          %gather3A_671 = tpu.vector_load_idx %arg12[%gather3A_645] : memref<10000xf32, #tpu.memory_space<vmem>>[vector<16xi32>], vector<16xf32>,
          %mul3A_672 = arith.mulf %gather3A_648, %gather3A : vector<16xf32>
          %add3A_673 = arith.addf %gather3A_671, %mul3A_672 : vector<16xf32>
          %reshape3A_674 = vector.shape_cast %max3A_72 : vector<16xi32> to vector<16x1xi32>
          %gather3A_675 = vector.shape_cast %reshape3A_674 : vector<16x1xi32> to vector<16xi32>
          %gather3A_676 = tpu.dynamic_gather %add3A_673[%gather3A_675] in [0] : vector<16xf32>, vector<16xi32> -> vector<16xf32>
          %min3A_677 = arith.minimumf %add3A_673, %gather3A_676 : vector<16xf32>
          %select_n3A = arith.select %and3A, %min3A_677, %add3A_673 : vector<16xi1>, vector<16xf32>
          %reshape3A_678 = vector.shape_cast %max3A_78 : vector<16xi32> to vector<16x1xi32>
          %gather3A_679 = vector.shape_cast %reshape3A_678 : vector<16x1xi32> to vector<16xi32>
          %gather3A_680 = tpu.dynamic_gather %select_n3A[%gather3A_679] in [0] : vector<16xf32>, vector<16xi32> -> vector<16xf32>
          %min3A_681 = arith.minimumf %select_n3A, %gather3A_680 : vector<16xf32>
          %select_n3A_682 = arith.select %and3A_660, %min3A_681, %select_n3A : vector<16xi1>, vector<16xf32>
          %reshape3A_683 = vector.shape_cast %max3A_84 : vector<16xi32> to vector<16x1xi32>
          %gather3A_684 = vector.shape_cast %reshape3A_683 : vector<16x1xi32> to vector<16xi32>
          %gather3A_685 = tpu.dynamic_gather %select_n3A_682[%gather3A_684] in [0] : vector<16xf32>, vector<16xi32> -> vector<16xf32>
          %min3A_686 = arith.minimumf %select_n3A_682, %gather3A_685 : vector<16xf32>
          %select_n3A_687 = arith.select %and3A_665, %min3A_686, %select_n3A_682 : vector<16xi1>, vector<16xf32>
          %reshape3A_688 = vector.shape_cast %max3A_90 : vector<16xi32> to vector<16x1xi32>
          %gather3A_689 = vector.shape_cast %reshape3A_688 : vector<16x1xi32> to vector<16xi32>
          %gather3A_690 = tpu.dynamic_gather %select_n3A_687[%gather3A_689] in [0] : vector<16xf32>, vector<16xi32> -> vector<16xf32>
          %min3A_691 = arith.minimumf %select_n3A_687, %gather3A_690 : vector<16xf32>
          %select_n3A_692 = arith.select %and3A_670, %min3A_691, %select_n3A_687 : vector<16xi1>, vector<16xf32>
          %gather3A_693 = tpu.vector_load_idx %arg8[%masked_sort3A_643] : memref<10000xf32, #tpu.memory_space<vmem>>[vector<16xi32>], vector<16xf32>,
          %min3A_694 = arith.minimumf %gather3A_693, %select_n3A_692 : vector<16xf32>
          tpu.vector_store_idx %arg8[%masked_sort3A_643], %min3A_694 masked %or3A : memref<10000xf32, #tpu.memory_space<vmem>>[vector<16xi32>], vector<16xf32>, vector<16xi1>
          %gather3A_695 = tpu.vector_load_idx %arg13[%gather3A_645] : memref<10000xf32, #tpu.memory_space<vmem>>[vector<16xi32>], vector<16xf32>,
          %mul3A_696 = arith.mulf %gather3A_648, %gather3A_43 : vector<16xf32>
          %add3A_697 = arith.addf %gather3A_695, %mul3A_696 : vector<16xf32>
          %reshape3A_698 = vector.shape_cast %max3A_72 : vector<16xi32> to vector<16x1xi32>
          %gather3A_699 = vector.shape_cast %reshape3A_698 : vector<16x1xi32> to vector<16xi32>
          %gather3A_700 = tpu.dynamic_gather %add3A_697[%gather3A_699] in [0] : vector<16xf32>, vector<16xi32> -> vector<16xf32>
          %min3A_701 = arith.minimumf %add3A_697, %gather3A_700 : vector<16xf32>
          %select_n3A_702 = arith.select %and3A, %min3A_701, %add3A_697 : vector<16xi1>, vector<16xf32>
          %reshape3A_703 = vector.shape_cast %max3A_78 : vector<16xi32> to vector<16x1xi32>
          %gather3A_704 = vector.shape_cast %reshape3A_703 : vector<16x1xi32> to vector<16xi32>
          %gather3A_705 = tpu.dynamic_gather %select_n3A_702[%gather3A_704] in [0] : vector<16xf32>, vector<16xi32> -> vector<16xf32>
          %min3A_706 = arith.minimumf %select_n3A_702, %gather3A_705 : vector<16xf32>
          %select_n3A_707 = arith.select %and3A_660, %min3A_706, %select_n3A_702 : vector<16xi1>, vector<16xf32>
          %reshape3A_708 = vector.shape_cast %max3A_84 : vector<16xi32> to vector<16x1xi32>
          %gather3A_709 = vector.shape_cast %reshape3A_708 : vector<16x1xi32> to vector<16xi32>
          %gather3A_710 = tpu.dynamic_gather %select_n3A_707[%gather3A_709] in [0] : vector<16xf32>, vector<16xi32> -> vector<16xf32>
          %min3A_711 = arith.minimumf %select_n3A_707, %gather3A_710 : vector<16xf32>
          %select_n3A_712 = arith.select %and3A_665, %min3A_711, %select_n3A_707 : vector<16xi1>, vector<16xf32>
          %reshape3A_713 = vector.shape_cast %max3A_90 : vector<16xi32> to vector<16x1xi32>
          %gather3A_714 = vector.shape_cast %reshape3A_713 : vector<16x1xi32> to vector<16xi32>
          %gather3A_715 = tpu.dynamic_gather %select_n3A_712[%gather3A_714] in [0] : vector<16xf32>, vector<16xi32> -> vector<16xf32>
          %min3A_716 = arith.minimumf %select_n3A_712, %gather3A_715 : vector<16xf32>
          %select_n3A_717 = arith.select %and3A_670, %min3A_716, %select_n3A_712 : vector<16xi1>, vector<16xf32>
          %gather3A_718 = tpu.vector_load_idx %arg9[%masked_sort3A_643] : memref<10000xf32, #tpu.memory_space<vmem>>[vector<16xi32>], vector<16xf32>,
          %min3A_719 = arith.minimumf %gather3A_718, %select_n3A_717 : vector<16xf32>
          tpu.vector_store_idx %arg9[%masked_sort3A_643], %min3A_719 masked %or3A : memref<10000xf32, #tpu.memory_space<vmem>>[vector<16xi32>], vector<16xf32>, vector<16xi1>
          %gather3A_720 = tpu.vector_load_idx %arg14[%gather3A_645] : memref<10000xf32, #tpu.memory_space<vmem>>[vector<16xi32>], vector<16xf32>,
          %mul3A_721 = arith.mulf %gather3A_648, %gather3A_52 : vector<16xf32>
          %add3A_722 = arith.addf %gather3A_720, %mul3A_721 : vector<16xf32>
          %reshape3A_723 = vector.shape_cast %max3A_72 : vector<16xi32> to vector<16x1xi32>
          %gather3A_724 = vector.shape_cast %reshape3A_723 : vector<16x1xi32> to vector<16xi32>
          %gather3A_725 = tpu.dynamic_gather %add3A_722[%gather3A_724] in [0] : vector<16xf32>, vector<16xi32> -> vector<16xf32>
          %min3A_726 = arith.minimumf %add3A_722, %gather3A_725 : vector<16xf32>
          %select_n3A_727 = arith.select %and3A, %min3A_726, %add3A_722 : vector<16xi1>, vector<16xf32>
          %reshape3A_728 = vector.shape_cast %max3A_78 : vector<16xi32> to vector<16x1xi32>
          %gather3A_729 = vector.shape_cast %reshape3A_728 : vector<16x1xi32> to vector<16xi32>
          %gather3A_730 = tpu.dynamic_gather %select_n3A_727[%gather3A_729] in [0] : vector<16xf32>, vector<16xi32> -> vector<16xf32>
          %min3A_731 = arith.minimumf %select_n3A_727, %gather3A_730 : vector<16xf32>
          %select_n3A_732 = arith.select %and3A_660, %min3A_731, %select_n3A_727 : vector<16xi1>, vector<16xf32>
          %reshape3A_733 = vector.shape_cast %max3A_84 : vector<16xi32> to vector<16x1xi32>
          %gather3A_734 = vector.shape_cast %reshape3A_733 : vector<16x1xi32> to vector<16xi32>
          %gather3A_735 = tpu.dynamic_gather %select_n3A_732[%gather3A_734] in [0] : vector<16xf32>, vector<16xi32> -> vector<16xf32>
          %min3A_736 = arith.minimumf %select_n3A_732, %gather3A_735 : vector<16xf32>
          %select_n3A_737 = arith.select %and3A_665, %min3A_736, %select_n3A_732 : vector<16xi1>, vector<16xf32>
          %reshape3A_738 = vector.shape_cast %max3A_90 : vector<16xi32> to vector<16x1xi32>
          %gather3A_739 = vector.shape_cast %reshape3A_738 : vector<16x1xi32> to vector<16xi32>
          %gather3A_740 = tpu.dynamic_gather %select_n3A_737[%gather3A_739] in [0] : vector<16xf32>, vector<16xi32> -> vector<16xf32>
          %min3A_741 = arith.minimumf %select_n3A_737, %gather3A_740 : vector<16xf32>
          %select_n3A_742 = arith.select %and3A_670, %min3A_741, %select_n3A_737 : vector<16xi1>, vector<16xf32>
          %gather3A_743 = tpu.vector_load_idx %arg10[%masked_sort3A_643] : memref<10000xf32, #tpu.memory_space<vmem>>[vector<16xi32>], vector<16xf32>,
          %min3A_744 = arith.minimumf %gather3A_743, %select_n3A_742 : vector<16xf32>
          tpu.vector_store_idx %arg10[%masked_sort3A_643], %min3A_744 masked %or3A : memref<10000xf32, #tpu.memory_space<vmem>>[vector<16xi32>], vector<16xf32>, vector<16xi1>
          %gather3A_745 = tpu.vector_load_idx %arg15[%gather3A_645] : memref<10000xf32, #tpu.memory_space<vmem>>[vector<16xi32>], vector<16xf32>,
          %mul3A_746 = arith.mulf %gather3A_648, %gather3A_61 : vector<16xf32>
          %add3A_747 = arith.addf %gather3A_745, %mul3A_746 : vector<16xf32>
          %reshape3A_748 = vector.shape_cast %max3A_72 : vector<16xi32> to vector<16x1xi32>
          %gather3A_749 = vector.shape_cast %reshape3A_748 : vector<16x1xi32> to vector<16xi32>
          %gather3A_750 = tpu.dynamic_gather %add3A_747[%gather3A_749] in [0] : vector<16xf32>, vector<16xi32> -> vector<16xf32>
          %min3A_751 = arith.minimumf %add3A_747, %gather3A_750 : vector<16xf32>
          %select_n3A_752 = arith.select %and3A, %min3A_751, %add3A_747 : vector<16xi1>, vector<16xf32>
          %reshape3A_753 = vector.shape_cast %max3A_78 : vector<16xi32> to vector<16x1xi32>
          %gather3A_754 = vector.shape_cast %reshape3A_753 : vector<16x1xi32> to vector<16xi32>
          %gather3A_755 = tpu.dynamic_gather %select_n3A_752[%gather3A_754] in [0] : vector<16xf32>, vector<16xi32> -> vector<16xf32>
          %min3A_756 = arith.minimumf %select_n3A_752, %gather3A_755 : vector<16xf32>
          %select_n3A_757 = arith.select %and3A_660, %min3A_756, %select_n3A_752 : vector<16xi1>, vector<16xf32>
          %reshape3A_758 = vector.shape_cast %max3A_84 : vector<16xi32> to vector<16x1xi32>
          %gather3A_759 = vector.shape_cast %reshape3A_758 : vector<16x1xi32> to vector<16xi32>
          %gather3A_760 = tpu.dynamic_gather %select_n3A_757[%gather3A_759] in [0] : vector<16xf32>, vector<16xi32> -> vector<16xf32>
          %min3A_761 = arith.minimumf %select_n3A_757, %gather3A_760 : vector<16xf32>
          %select_n3A_762 = arith.select %and3A_665, %min3A_761, %select_n3A_757 : vector<16xi1>, vector<16xf32>
          %reshape3A_763 = vector.shape_cast %max3A_90 : vector<16xi32> to vector<16x1xi32>
          %gather3A_764 = vector.shape_cast %reshape3A_763 : vector<16x1xi32> to vector<16xi32>
          %gather3A_765 = tpu.dynamic_gather %select_n3A_762[%gather3A_764] in [0] : vector<16xf32>, vector<16xi32> -> vector<16xf32>
          %min3A_766 = arith.minimumf %select_n3A_762, %gather3A_765 : vector<16xf32>
          %select_n3A_767 = arith.select %and3A_670, %min3A_766, %select_n3A_762 : vector<16xi1>, vector<16xf32>
          %gather3A_768 = tpu.vector_load_idx %arg11[%masked_sort3A_643] : memref<10000xf32, #tpu.memory_space<vmem>>[vector<16xi32>], vector<16xf32>,
          %min3A_769 = arith.minimumf %gather3A_768, %select_n3A_767 : vector<16xf32>
          tpu.vector_store_idx %arg11[%masked_sort3A_643], %min3A_769 masked %or3A : memref<10000xf32, #tpu.memory_space<vmem>>[vector<16xi32>], vector<16xf32>, vector<16xi1>
        } else {
        }
        %mul3A_445 = arith.constant 8 : i32
        %mul3A_446 = arith.muli %scan3A_257, %mul3A_445 : i32
        %add3A_447 = arith.constant 4 : i32
        %add3A_448 = arith.addi %mul3A_446, %add3A_447 : i32
        %mul3A_449 = arith.constant 16 : i32
        %mul3A_450 = arith.muli %add3A_448, %mul3A_449 : i32
        %get3A_451 = arith.index_cast %mul3A_450 : i32 to index
        %get3A_452 = tpu.vector_load %arg16[%get3A_451] {strides = array<i32>} : memref<6400xi32, #tpu.memory_space<vmem>>, vector<16xi32>,
        %mul3A_453 = arith.constant 16 : i32
        %mul3A_454 = arith.muli %add3A_448, %mul3A_453 : i32
        %get3A_455 = arith.index_cast %mul3A_454 : i32 to index
        %get3A_456 = tpu.vector_load %arg18[%get3A_455] {strides = array<i32>} : memref<6400xi32, #tpu.memory_space<vmem>>, vector<16xi32>,
        %mul3A_457 = arith.constant 16 : i32
        %mul3A_458 = arith.muli %add3A_448, %mul3A_457 : i32
        %get3A_459 = arith.index_cast %mul3A_458 : i32 to index
        %get3A_460 = tpu.vector_load %arg20[%get3A_459] {strides = array<i32>} : memref<6400xf32, #tpu.memory_space<vmem>>, vector<16xf32>,
        %broadcast_in_dim3A_461 = arith.constant true
        %broadcast_in_dim3A_462 = vector.broadcast %broadcast_in_dim3A_461 : i1 to vector<16xi1>
        %unique3A_463, %unique3A_464 = tpu.scan_count mask(%broadcast_in_dim3A_462 : vector<16xi1>) value(%get3A_452 : vector<16xi32>) : vector<16xi1>, vector<16xi32>
        %all_reduce_population_count3A_465 = tpu.all_reduce %unique3A_463 {dim = 0 : i64, kind = #tpu.reduction_kind<sum>} : vector<16xi1> -> vector<16xi32>
        %gather3A_466 = tpu.vector_load_idx %arg12[%get3A_456] : memref<10000xf32, #tpu.memory_space<vmem>>[vector<16xi32>], vector<16xf32>,
        %mul3A_467 = arith.mulf %get3A_460, %gather3A : vector<16xf32>
        %add3A_468 = arith.addf %gather3A_466, %mul3A_467 : vector<16xf32>
        %gather3A_469 = tpu.vector_load_idx %arg8[%get3A_452] : memref<10000xf32, #tpu.memory_space<vmem>>[vector<16xi32>], vector<16xf32>,
        %min3A_470 = arith.minimumf %gather3A_469, %add3A_468 : vector<16xf32>
        tpu.vector_store_idx %arg8[%get3A_452], %min3A_470 : memref<10000xf32, #tpu.memory_space<vmem>>[vector<16xi32>], vector<16xf32>,
        %gather3A_471 = tpu.vector_load_idx %arg13[%get3A_456] : memref<10000xf32, #tpu.memory_space<vmem>>[vector<16xi32>], vector<16xf32>,
        %mul3A_472 = arith.mulf %get3A_460, %gather3A_43 : vector<16xf32>
        %add3A_473 = arith.addf %gather3A_471, %mul3A_472 : vector<16xf32>
        %gather3A_474 = tpu.vector_load_idx %arg9[%get3A_452] : memref<10000xf32, #tpu.memory_space<vmem>>[vector<16xi32>], vector<16xf32>,
        %min3A_475 = arith.minimumf %gather3A_474, %add3A_473 : vector<16xf32>
        tpu.vector_store_idx %arg9[%get3A_452], %min3A_475 : memref<10000xf32, #tpu.memory_space<vmem>>[vector<16xi32>], vector<16xf32>,
        %gather3A_476 = tpu.vector_load_idx %arg14[%get3A_456] : memref<10000xf32, #tpu.memory_space<vmem>>[vector<16xi32>], vector<16xf32>,
        %mul3A_477 = arith.mulf %get3A_460, %gather3A_52 : vector<16xf32>
        %add3A_478 = arith.addf %gather3A_476, %mul3A_477 : vector<16xf32>
        %gather3A_479 = tpu.vector_load_idx %arg10[%get3A_452] : memref<10000xf32, #tpu.memory_space<vmem>>[vector<16xi32>], vector<16xf32>,
        %min3A_480 = arith.minimumf %gather3A_479, %add3A_478 : vector<16xf32>
        tpu.vector_store_idx %arg10[%get3A_452], %min3A_480 : memref<10000xf32, #tpu.memory_space<vmem>>[vector<16xi32>], vector<16xf32>,
        %gather3A_481 = tpu.vector_load_idx %arg15[%get3A_456] : memref<10000xf32, #tpu.memory_space<vmem>>[vector<16xi32>], vector<16xf32>,
        %mul3A_482 = arith.mulf %get3A_460, %gather3A_61 : vector<16xf32>
        %add3A_483 = arith.addf %gather3A_481, %mul3A_482 : vector<16xf32>
        %gather3A_484 = tpu.vector_load_idx %arg11[%get3A_452] : memref<10000xf32, #tpu.memory_space<vmem>>[vector<16xi32>], vector<16xf32>,
        %min3A_485 = arith.minimumf %gather3A_484, %add3A_483 : vector<16xf32>
        tpu.vector_store_idx %arg11[%get3A_452], %min3A_485 : memref<10000xf32, #tpu.memory_space<vmem>>[vector<16xi32>], vector<16xf32>,
        %slice3A_486 = vector.extract_strided_slice %all_reduce_population_count3A_465 {offsets = [0], sizes = [1], strides = [1]} : vector<16xi32> to vector<1xi32>
        %squeeze3A_487 = vector.extract %slice3A_486[0] : i32 from vector<1xi32>
        %lt3A_488 = arith.constant 16 : i32
        %lt3A_489 = arith.cmpi slt, %squeeze3A_487, %lt3A_488 : i32
        %convert_element_type3A_490 = arith.extui %lt3A_489 : i1 to i32
        %cond3A_491 = arith.constant 0 : i32
        %cond3A_492 = arith.cmpi ne, %convert_element_type3A_490, %cond3A_491 : i32
        scf.if %cond3A_492 {
          %masked_sort3A = arith.constant dense<true> : vector<16xi1>
          %masked_sort3A_637 = arith.constant -2147483648 : i32
          %masked_sort3A_638 = vector.broadcast %masked_sort3A_637 : i32 to vector<16xi32>
          %masked_sort3A_639 = arith.xori %get3A_452, %masked_sort3A_638 : vector<16xi32>
          %masked_sort3A_640, %masked_sort3A_641, %masked_sort3A_642 = tpu.sort %masked_sort3A_639, %iota3A masked %masked_sort3A : (vector<16xi32>, vector<16xi32>, vector<16xi1>) -> (vector<16xi1>, vector<16xi32>, vector<16xi32>)
          %masked_sort3A_643 = arith.xori %masked_sort3A_641, %masked_sort3A_638 : vector<16xi32>
          %reshape3A = vector.shape_cast %masked_sort3A_642 : vector<16xi32> to vector<16x1xi32>
          %gather3A_644 = vector.shape_cast %reshape3A : vector<16x1xi32> to vector<16xi32>
          %gather3A_645 = tpu.dynamic_gather %get3A_456[%gather3A_644] in [0] : vector<16xi32>, vector<16xi32> -> vector<16xi32>
          %reshape3A_646 = vector.shape_cast %masked_sort3A_642 : vector<16xi32> to vector<16x1xi32>
          %gather3A_647 = vector.shape_cast %reshape3A_646 : vector<16x1xi32> to vector<16xi32>
          %gather3A_648 = tpu.dynamic_gather %get3A_460[%gather3A_647] in [0] : vector<16xf32>, vector<16xi32> -> vector<16xf32>
          %reshape3A_649 = vector.shape_cast %min3A_106 : vector<16xi32> to vector<16x1xi32>
          %gather3A_650 = vector.shape_cast %reshape3A_649 : vector<16x1xi32> to vector<16xi32>
          %gather3A_651 = tpu.dynamic_gather %masked_sort3A_643[%gather3A_650] in [0] : vector<16xi32>, vector<16xi32> -> vector<16xi32>
          %ne3A = arith.cmpi ne, %masked_sort3A_643, %gather3A_651 : vector<16xi32>
          %or3A = arith.ori %eq3A_108, %ne3A : vector<16xi1>
          %reshape3A_652 = vector.shape_cast %max3A_72 : vector<16xi32> to vector<16x1xi32>
          %gather3A_653 = vector.shape_cast %reshape3A_652 : vector<16x1xi32> to vector<16xi32>
          %gather3A_654 = tpu.dynamic_gather %masked_sort3A_643[%gather3A_653] in [0] : vector<16xi32>, vector<16xi32> -> vector<16xi32>
          %eq3A_655 = arith.cmpi eq, %masked_sort3A_643, %gather3A_654 : vector<16xi32>
          %and3A = arith.andi %ge3A_92, %eq3A_655 : vector<16xi1>
          %reshape3A_656 = vector.shape_cast %max3A_78 : vector<16xi32> to vector<16x1xi32>
          %gather3A_657 = vector.shape_cast %reshape3A_656 : vector<16x1xi32> to vector<16xi32>
          %gather3A_658 = tpu.dynamic_gather %masked_sort3A_643[%gather3A_657] in [0] : vector<16xi32>, vector<16xi32> -> vector<16xi32>
          %eq3A_659 = arith.cmpi eq, %masked_sort3A_643, %gather3A_658 : vector<16xi32>
          %and3A_660 = arith.andi %ge3A_95, %eq3A_659 : vector<16xi1>
          %reshape3A_661 = vector.shape_cast %max3A_84 : vector<16xi32> to vector<16x1xi32>
          %gather3A_662 = vector.shape_cast %reshape3A_661 : vector<16x1xi32> to vector<16xi32>
          %gather3A_663 = tpu.dynamic_gather %masked_sort3A_643[%gather3A_662] in [0] : vector<16xi32>, vector<16xi32> -> vector<16xi32>
          %eq3A_664 = arith.cmpi eq, %masked_sort3A_643, %gather3A_663 : vector<16xi32>
          %and3A_665 = arith.andi %ge3A_98, %eq3A_664 : vector<16xi1>
          %reshape3A_666 = vector.shape_cast %max3A_90 : vector<16xi32> to vector<16x1xi32>
          %gather3A_667 = vector.shape_cast %reshape3A_666 : vector<16x1xi32> to vector<16xi32>
          %gather3A_668 = tpu.dynamic_gather %masked_sort3A_643[%gather3A_667] in [0] : vector<16xi32>, vector<16xi32> -> vector<16xi32>
          %eq3A_669 = arith.cmpi eq, %masked_sort3A_643, %gather3A_668 : vector<16xi32>
          %and3A_670 = arith.andi %ge3A_101, %eq3A_669 : vector<16xi1>
          %gather3A_671 = tpu.vector_load_idx %arg12[%gather3A_645] : memref<10000xf32, #tpu.memory_space<vmem>>[vector<16xi32>], vector<16xf32>,
          %mul3A_672 = arith.mulf %gather3A_648, %gather3A : vector<16xf32>
          %add3A_673 = arith.addf %gather3A_671, %mul3A_672 : vector<16xf32>
          %reshape3A_674 = vector.shape_cast %max3A_72 : vector<16xi32> to vector<16x1xi32>
          %gather3A_675 = vector.shape_cast %reshape3A_674 : vector<16x1xi32> to vector<16xi32>
          %gather3A_676 = tpu.dynamic_gather %add3A_673[%gather3A_675] in [0] : vector<16xf32>, vector<16xi32> -> vector<16xf32>
          %min3A_677 = arith.minimumf %add3A_673, %gather3A_676 : vector<16xf32>
          %select_n3A = arith.select %and3A, %min3A_677, %add3A_673 : vector<16xi1>, vector<16xf32>
          %reshape3A_678 = vector.shape_cast %max3A_78 : vector<16xi32> to vector<16x1xi32>
          %gather3A_679 = vector.shape_cast %reshape3A_678 : vector<16x1xi32> to vector<16xi32>
          %gather3A_680 = tpu.dynamic_gather %select_n3A[%gather3A_679] in [0] : vector<16xf32>, vector<16xi32> -> vector<16xf32>
          %min3A_681 = arith.minimumf %select_n3A, %gather3A_680 : vector<16xf32>
          %select_n3A_682 = arith.select %and3A_660, %min3A_681, %select_n3A : vector<16xi1>, vector<16xf32>
          %reshape3A_683 = vector.shape_cast %max3A_84 : vector<16xi32> to vector<16x1xi32>
          %gather3A_684 = vector.shape_cast %reshape3A_683 : vector<16x1xi32> to vector<16xi32>
          %gather3A_685 = tpu.dynamic_gather %select_n3A_682[%gather3A_684] in [0] : vector<16xf32>, vector<16xi32> -> vector<16xf32>
          %min3A_686 = arith.minimumf %select_n3A_682, %gather3A_685 : vector<16xf32>
          %select_n3A_687 = arith.select %and3A_665, %min3A_686, %select_n3A_682 : vector<16xi1>, vector<16xf32>
          %reshape3A_688 = vector.shape_cast %max3A_90 : vector<16xi32> to vector<16x1xi32>
          %gather3A_689 = vector.shape_cast %reshape3A_688 : vector<16x1xi32> to vector<16xi32>
          %gather3A_690 = tpu.dynamic_gather %select_n3A_687[%gather3A_689] in [0] : vector<16xf32>, vector<16xi32> -> vector<16xf32>
          %min3A_691 = arith.minimumf %select_n3A_687, %gather3A_690 : vector<16xf32>
          %select_n3A_692 = arith.select %and3A_670, %min3A_691, %select_n3A_687 : vector<16xi1>, vector<16xf32>
          %gather3A_693 = tpu.vector_load_idx %arg8[%masked_sort3A_643] : memref<10000xf32, #tpu.memory_space<vmem>>[vector<16xi32>], vector<16xf32>,
          %min3A_694 = arith.minimumf %gather3A_693, %select_n3A_692 : vector<16xf32>
          tpu.vector_store_idx %arg8[%masked_sort3A_643], %min3A_694 masked %or3A : memref<10000xf32, #tpu.memory_space<vmem>>[vector<16xi32>], vector<16xf32>, vector<16xi1>
          %gather3A_695 = tpu.vector_load_idx %arg13[%gather3A_645] : memref<10000xf32, #tpu.memory_space<vmem>>[vector<16xi32>], vector<16xf32>,
          %mul3A_696 = arith.mulf %gather3A_648, %gather3A_43 : vector<16xf32>
          %add3A_697 = arith.addf %gather3A_695, %mul3A_696 : vector<16xf32>
          %reshape3A_698 = vector.shape_cast %max3A_72 : vector<16xi32> to vector<16x1xi32>
          %gather3A_699 = vector.shape_cast %reshape3A_698 : vector<16x1xi32> to vector<16xi32>
          %gather3A_700 = tpu.dynamic_gather %add3A_697[%gather3A_699] in [0] : vector<16xf32>, vector<16xi32> -> vector<16xf32>
          %min3A_701 = arith.minimumf %add3A_697, %gather3A_700 : vector<16xf32>
          %select_n3A_702 = arith.select %and3A, %min3A_701, %add3A_697 : vector<16xi1>, vector<16xf32>
          %reshape3A_703 = vector.shape_cast %max3A_78 : vector<16xi32> to vector<16x1xi32>
          %gather3A_704 = vector.shape_cast %reshape3A_703 : vector<16x1xi32> to vector<16xi32>
          %gather3A_705 = tpu.dynamic_gather %select_n3A_702[%gather3A_704] in [0] : vector<16xf32>, vector<16xi32> -> vector<16xf32>
          %min3A_706 = arith.minimumf %select_n3A_702, %gather3A_705 : vector<16xf32>
          %select_n3A_707 = arith.select %and3A_660, %min3A_706, %select_n3A_702 : vector<16xi1>, vector<16xf32>
          %reshape3A_708 = vector.shape_cast %max3A_84 : vector<16xi32> to vector<16x1xi32>
          %gather3A_709 = vector.shape_cast %reshape3A_708 : vector<16x1xi32> to vector<16xi32>
          %gather3A_710 = tpu.dynamic_gather %select_n3A_707[%gather3A_709] in [0] : vector<16xf32>, vector<16xi32> -> vector<16xf32>
          %min3A_711 = arith.minimumf %select_n3A_707, %gather3A_710 : vector<16xf32>
          %select_n3A_712 = arith.select %and3A_665, %min3A_711, %select_n3A_707 : vector<16xi1>, vector<16xf32>
          %reshape3A_713 = vector.shape_cast %max3A_90 : vector<16xi32> to vector<16x1xi32>
          %gather3A_714 = vector.shape_cast %reshape3A_713 : vector<16x1xi32> to vector<16xi32>
          %gather3A_715 = tpu.dynamic_gather %select_n3A_712[%gather3A_714] in [0] : vector<16xf32>, vector<16xi32> -> vector<16xf32>
          %min3A_716 = arith.minimumf %select_n3A_712, %gather3A_715 : vector<16xf32>
          %select_n3A_717 = arith.select %and3A_670, %min3A_716, %select_n3A_712 : vector<16xi1>, vector<16xf32>
          %gather3A_718 = tpu.vector_load_idx %arg9[%masked_sort3A_643] : memref<10000xf32, #tpu.memory_space<vmem>>[vector<16xi32>], vector<16xf32>,
          %min3A_719 = arith.minimumf %gather3A_718, %select_n3A_717 : vector<16xf32>
          tpu.vector_store_idx %arg9[%masked_sort3A_643], %min3A_719 masked %or3A : memref<10000xf32, #tpu.memory_space<vmem>>[vector<16xi32>], vector<16xf32>, vector<16xi1>
          %gather3A_720 = tpu.vector_load_idx %arg14[%gather3A_645] : memref<10000xf32, #tpu.memory_space<vmem>>[vector<16xi32>], vector<16xf32>,
          %mul3A_721 = arith.mulf %gather3A_648, %gather3A_52 : vector<16xf32>
          %add3A_722 = arith.addf %gather3A_720, %mul3A_721 : vector<16xf32>
          %reshape3A_723 = vector.shape_cast %max3A_72 : vector<16xi32> to vector<16x1xi32>
          %gather3A_724 = vector.shape_cast %reshape3A_723 : vector<16x1xi32> to vector<16xi32>
          %gather3A_725 = tpu.dynamic_gather %add3A_722[%gather3A_724] in [0] : vector<16xf32>, vector<16xi32> -> vector<16xf32>
          %min3A_726 = arith.minimumf %add3A_722, %gather3A_725 : vector<16xf32>
          %select_n3A_727 = arith.select %and3A, %min3A_726, %add3A_722 : vector<16xi1>, vector<16xf32>
          %reshape3A_728 = vector.shape_cast %max3A_78 : vector<16xi32> to vector<16x1xi32>
          %gather3A_729 = vector.shape_cast %reshape3A_728 : vector<16x1xi32> to vector<16xi32>
          %gather3A_730 = tpu.dynamic_gather %select_n3A_727[%gather3A_729] in [0] : vector<16xf32>, vector<16xi32> -> vector<16xf32>
          %min3A_731 = arith.minimumf %select_n3A_727, %gather3A_730 : vector<16xf32>
          %select_n3A_732 = arith.select %and3A_660, %min3A_731, %select_n3A_727 : vector<16xi1>, vector<16xf32>
          %reshape3A_733 = vector.shape_cast %max3A_84 : vector<16xi32> to vector<16x1xi32>
          %gather3A_734 = vector.shape_cast %reshape3A_733 : vector<16x1xi32> to vector<16xi32>
          %gather3A_735 = tpu.dynamic_gather %select_n3A_732[%gather3A_734] in [0] : vector<16xf32>, vector<16xi32> -> vector<16xf32>
          %min3A_736 = arith.minimumf %select_n3A_732, %gather3A_735 : vector<16xf32>
          %select_n3A_737 = arith.select %and3A_665, %min3A_736, %select_n3A_732 : vector<16xi1>, vector<16xf32>
          %reshape3A_738 = vector.shape_cast %max3A_90 : vector<16xi32> to vector<16x1xi32>
          %gather3A_739 = vector.shape_cast %reshape3A_738 : vector<16x1xi32> to vector<16xi32>
          %gather3A_740 = tpu.dynamic_gather %select_n3A_737[%gather3A_739] in [0] : vector<16xf32>, vector<16xi32> -> vector<16xf32>
          %min3A_741 = arith.minimumf %select_n3A_737, %gather3A_740 : vector<16xf32>
          %select_n3A_742 = arith.select %and3A_670, %min3A_741, %select_n3A_737 : vector<16xi1>, vector<16xf32>
          %gather3A_743 = tpu.vector_load_idx %arg10[%masked_sort3A_643] : memref<10000xf32, #tpu.memory_space<vmem>>[vector<16xi32>], vector<16xf32>,
          %min3A_744 = arith.minimumf %gather3A_743, %select_n3A_742 : vector<16xf32>
          tpu.vector_store_idx %arg10[%masked_sort3A_643], %min3A_744 masked %or3A : memref<10000xf32, #tpu.memory_space<vmem>>[vector<16xi32>], vector<16xf32>, vector<16xi1>
          %gather3A_745 = tpu.vector_load_idx %arg15[%gather3A_645] : memref<10000xf32, #tpu.memory_space<vmem>>[vector<16xi32>], vector<16xf32>,
          %mul3A_746 = arith.mulf %gather3A_648, %gather3A_61 : vector<16xf32>
          %add3A_747 = arith.addf %gather3A_745, %mul3A_746 : vector<16xf32>
          %reshape3A_748 = vector.shape_cast %max3A_72 : vector<16xi32> to vector<16x1xi32>
          %gather3A_749 = vector.shape_cast %reshape3A_748 : vector<16x1xi32> to vector<16xi32>
          %gather3A_750 = tpu.dynamic_gather %add3A_747[%gather3A_749] in [0] : vector<16xf32>, vector<16xi32> -> vector<16xf32>
          %min3A_751 = arith.minimumf %add3A_747, %gather3A_750 : vector<16xf32>
          %select_n3A_752 = arith.select %and3A, %min3A_751, %add3A_747 : vector<16xi1>, vector<16xf32>
          %reshape3A_753 = vector.shape_cast %max3A_78 : vector<16xi32> to vector<16x1xi32>
          %gather3A_754 = vector.shape_cast %reshape3A_753 : vector<16x1xi32> to vector<16xi32>
          %gather3A_755 = tpu.dynamic_gather %select_n3A_752[%gather3A_754] in [0] : vector<16xf32>, vector<16xi32> -> vector<16xf32>
          %min3A_756 = arith.minimumf %select_n3A_752, %gather3A_755 : vector<16xf32>
          %select_n3A_757 = arith.select %and3A_660, %min3A_756, %select_n3A_752 : vector<16xi1>, vector<16xf32>
          %reshape3A_758 = vector.shape_cast %max3A_84 : vector<16xi32> to vector<16x1xi32>
          %gather3A_759 = vector.shape_cast %reshape3A_758 : vector<16x1xi32> to vector<16xi32>
          %gather3A_760 = tpu.dynamic_gather %select_n3A_757[%gather3A_759] in [0] : vector<16xf32>, vector<16xi32> -> vector<16xf32>
          %min3A_761 = arith.minimumf %select_n3A_757, %gather3A_760 : vector<16xf32>
          %select_n3A_762 = arith.select %and3A_665, %min3A_761, %select_n3A_757 : vector<16xi1>, vector<16xf32>
          %reshape3A_763 = vector.shape_cast %max3A_90 : vector<16xi32> to vector<16x1xi32>
          %gather3A_764 = vector.shape_cast %reshape3A_763 : vector<16x1xi32> to vector<16xi32>
          %gather3A_765 = tpu.dynamic_gather %select_n3A_762[%gather3A_764] in [0] : vector<16xf32>, vector<16xi32> -> vector<16xf32>
          %min3A_766 = arith.minimumf %select_n3A_762, %gather3A_765 : vector<16xf32>
          %select_n3A_767 = arith.select %and3A_670, %min3A_766, %select_n3A_762 : vector<16xi1>, vector<16xf32>
          %gather3A_768 = tpu.vector_load_idx %arg11[%masked_sort3A_643] : memref<10000xf32, #tpu.memory_space<vmem>>[vector<16xi32>], vector<16xf32>,
          %min3A_769 = arith.minimumf %gather3A_768, %select_n3A_767 : vector<16xf32>
          tpu.vector_store_idx %arg11[%masked_sort3A_643], %min3A_769 masked %or3A : memref<10000xf32, #tpu.memory_space<vmem>>[vector<16xi32>], vector<16xf32>, vector<16xi1>
        } else {
        }
        %mul3A_493 = arith.constant 8 : i32
        %mul3A_494 = arith.muli %scan3A_257, %mul3A_493 : i32
        %add3A_495 = arith.constant 5 : i32
        %add3A_496 = arith.addi %mul3A_494, %add3A_495 : i32
        %mul3A_497 = arith.constant 16 : i32
        %mul3A_498 = arith.muli %add3A_496, %mul3A_497 : i32
        %get3A_499 = arith.index_cast %mul3A_498 : i32 to index
        %get3A_500 = tpu.vector_load %arg16[%get3A_499] {strides = array<i32>} : memref<6400xi32, #tpu.memory_space<vmem>>, vector<16xi32>,
        %mul3A_501 = arith.constant 16 : i32
        %mul3A_502 = arith.muli %add3A_496, %mul3A_501 : i32
        %get3A_503 = arith.index_cast %mul3A_502 : i32 to index
        %get3A_504 = tpu.vector_load %arg18[%get3A_503] {strides = array<i32>} : memref<6400xi32, #tpu.memory_space<vmem>>, vector<16xi32>,
        %mul3A_505 = arith.constant 16 : i32
        %mul3A_506 = arith.muli %add3A_496, %mul3A_505 : i32
        %get3A_507 = arith.index_cast %mul3A_506 : i32 to index
        %get3A_508 = tpu.vector_load %arg20[%get3A_507] {strides = array<i32>} : memref<6400xf32, #tpu.memory_space<vmem>>, vector<16xf32>,
        %broadcast_in_dim3A_509 = arith.constant true
        %broadcast_in_dim3A_510 = vector.broadcast %broadcast_in_dim3A_509 : i1 to vector<16xi1>
        %unique3A_511, %unique3A_512 = tpu.scan_count mask(%broadcast_in_dim3A_510 : vector<16xi1>) value(%get3A_500 : vector<16xi32>) : vector<16xi1>, vector<16xi32>
        %all_reduce_population_count3A_513 = tpu.all_reduce %unique3A_511 {dim = 0 : i64, kind = #tpu.reduction_kind<sum>} : vector<16xi1> -> vector<16xi32>
        %gather3A_514 = tpu.vector_load_idx %arg12[%get3A_504] : memref<10000xf32, #tpu.memory_space<vmem>>[vector<16xi32>], vector<16xf32>,
        %mul3A_515 = arith.mulf %get3A_508, %gather3A : vector<16xf32>
        %add3A_516 = arith.addf %gather3A_514, %mul3A_515 : vector<16xf32>
        %gather3A_517 = tpu.vector_load_idx %arg8[%get3A_500] : memref<10000xf32, #tpu.memory_space<vmem>>[vector<16xi32>], vector<16xf32>,
        %min3A_518 = arith.minimumf %gather3A_517, %add3A_516 : vector<16xf32>
        tpu.vector_store_idx %arg8[%get3A_500], %min3A_518 : memref<10000xf32, #tpu.memory_space<vmem>>[vector<16xi32>], vector<16xf32>,
        %gather3A_519 = tpu.vector_load_idx %arg13[%get3A_504] : memref<10000xf32, #tpu.memory_space<vmem>>[vector<16xi32>], vector<16xf32>,
        %mul3A_520 = arith.mulf %get3A_508, %gather3A_43 : vector<16xf32>
        %add3A_521 = arith.addf %gather3A_519, %mul3A_520 : vector<16xf32>
        %gather3A_522 = tpu.vector_load_idx %arg9[%get3A_500] : memref<10000xf32, #tpu.memory_space<vmem>>[vector<16xi32>], vector<16xf32>,
        %min3A_523 = arith.minimumf %gather3A_522, %add3A_521 : vector<16xf32>
        tpu.vector_store_idx %arg9[%get3A_500], %min3A_523 : memref<10000xf32, #tpu.memory_space<vmem>>[vector<16xi32>], vector<16xf32>,
        %gather3A_524 = tpu.vector_load_idx %arg14[%get3A_504] : memref<10000xf32, #tpu.memory_space<vmem>>[vector<16xi32>], vector<16xf32>,
        %mul3A_525 = arith.mulf %get3A_508, %gather3A_52 : vector<16xf32>
        %add3A_526 = arith.addf %gather3A_524, %mul3A_525 : vector<16xf32>
        %gather3A_527 = tpu.vector_load_idx %arg10[%get3A_500] : memref<10000xf32, #tpu.memory_space<vmem>>[vector<16xi32>], vector<16xf32>,
        %min3A_528 = arith.minimumf %gather3A_527, %add3A_526 : vector<16xf32>
        tpu.vector_store_idx %arg10[%get3A_500], %min3A_528 : memref<10000xf32, #tpu.memory_space<vmem>>[vector<16xi32>], vector<16xf32>,
        %gather3A_529 = tpu.vector_load_idx %arg15[%get3A_504] : memref<10000xf32, #tpu.memory_space<vmem>>[vector<16xi32>], vector<16xf32>,
        %mul3A_530 = arith.mulf %get3A_508, %gather3A_61 : vector<16xf32>
        %add3A_531 = arith.addf %gather3A_529, %mul3A_530 : vector<16xf32>
        %gather3A_532 = tpu.vector_load_idx %arg11[%get3A_500] : memref<10000xf32, #tpu.memory_space<vmem>>[vector<16xi32>], vector<16xf32>,
        %min3A_533 = arith.minimumf %gather3A_532, %add3A_531 : vector<16xf32>
        tpu.vector_store_idx %arg11[%get3A_500], %min3A_533 : memref<10000xf32, #tpu.memory_space<vmem>>[vector<16xi32>], vector<16xf32>,
        %slice3A_534 = vector.extract_strided_slice %all_reduce_population_count3A_513 {offsets = [0], sizes = [1], strides = [1]} : vector<16xi32> to vector<1xi32>
        %squeeze3A_535 = vector.extract %slice3A_534[0] : i32 from vector<1xi32>
        %lt3A_536 = arith.constant 16 : i32
        %lt3A_537 = arith.cmpi slt, %squeeze3A_535, %lt3A_536 : i32
        %convert_element_type3A_538 = arith.extui %lt3A_537 : i1 to i32
        %cond3A_539 = arith.constant 0 : i32
        %cond3A_540 = arith.cmpi ne, %convert_element_type3A_538, %cond3A_539 : i32
        scf.if %cond3A_540 {
          %masked_sort3A = arith.constant dense<true> : vector<16xi1>
          %masked_sort3A_637 = arith.constant -2147483648 : i32
          %masked_sort3A_638 = vector.broadcast %masked_sort3A_637 : i32 to vector<16xi32>
          %masked_sort3A_639 = arith.xori %get3A_500, %masked_sort3A_638 : vector<16xi32>
          %masked_sort3A_640, %masked_sort3A_641, %masked_sort3A_642 = tpu.sort %masked_sort3A_639, %iota3A masked %masked_sort3A : (vector<16xi32>, vector<16xi32>, vector<16xi1>) -> (vector<16xi1>, vector<16xi32>, vector<16xi32>)
          %masked_sort3A_643 = arith.xori %masked_sort3A_641, %masked_sort3A_638 : vector<16xi32>
          %reshape3A = vector.shape_cast %masked_sort3A_642 : vector<16xi32> to vector<16x1xi32>
          %gather3A_644 = vector.shape_cast %reshape3A : vector<16x1xi32> to vector<16xi32>
          %gather3A_645 = tpu.dynamic_gather %get3A_504[%gather3A_644] in [0] : vector<16xi32>, vector<16xi32> -> vector<16xi32>
          %reshape3A_646 = vector.shape_cast %masked_sort3A_642 : vector<16xi32> to vector<16x1xi32>
          %gather3A_647 = vector.shape_cast %reshape3A_646 : vector<16x1xi32> to vector<16xi32>
          %gather3A_648 = tpu.dynamic_gather %get3A_508[%gather3A_647] in [0] : vector<16xf32>, vector<16xi32> -> vector<16xf32>
          %reshape3A_649 = vector.shape_cast %min3A_106 : vector<16xi32> to vector<16x1xi32>
          %gather3A_650 = vector.shape_cast %reshape3A_649 : vector<16x1xi32> to vector<16xi32>
          %gather3A_651 = tpu.dynamic_gather %masked_sort3A_643[%gather3A_650] in [0] : vector<16xi32>, vector<16xi32> -> vector<16xi32>
          %ne3A = arith.cmpi ne, %masked_sort3A_643, %gather3A_651 : vector<16xi32>
          %or3A = arith.ori %eq3A_108, %ne3A : vector<16xi1>
          %reshape3A_652 = vector.shape_cast %max3A_72 : vector<16xi32> to vector<16x1xi32>
          %gather3A_653 = vector.shape_cast %reshape3A_652 : vector<16x1xi32> to vector<16xi32>
          %gather3A_654 = tpu.dynamic_gather %masked_sort3A_643[%gather3A_653] in [0] : vector<16xi32>, vector<16xi32> -> vector<16xi32>
          %eq3A_655 = arith.cmpi eq, %masked_sort3A_643, %gather3A_654 : vector<16xi32>
          %and3A = arith.andi %ge3A_92, %eq3A_655 : vector<16xi1>
          %reshape3A_656 = vector.shape_cast %max3A_78 : vector<16xi32> to vector<16x1xi32>
          %gather3A_657 = vector.shape_cast %reshape3A_656 : vector<16x1xi32> to vector<16xi32>
          %gather3A_658 = tpu.dynamic_gather %masked_sort3A_643[%gather3A_657] in [0] : vector<16xi32>, vector<16xi32> -> vector<16xi32>
          %eq3A_659 = arith.cmpi eq, %masked_sort3A_643, %gather3A_658 : vector<16xi32>
          %and3A_660 = arith.andi %ge3A_95, %eq3A_659 : vector<16xi1>
          %reshape3A_661 = vector.shape_cast %max3A_84 : vector<16xi32> to vector<16x1xi32>
          %gather3A_662 = vector.shape_cast %reshape3A_661 : vector<16x1xi32> to vector<16xi32>
          %gather3A_663 = tpu.dynamic_gather %masked_sort3A_643[%gather3A_662] in [0] : vector<16xi32>, vector<16xi32> -> vector<16xi32>
          %eq3A_664 = arith.cmpi eq, %masked_sort3A_643, %gather3A_663 : vector<16xi32>
          %and3A_665 = arith.andi %ge3A_98, %eq3A_664 : vector<16xi1>
          %reshape3A_666 = vector.shape_cast %max3A_90 : vector<16xi32> to vector<16x1xi32>
          %gather3A_667 = vector.shape_cast %reshape3A_666 : vector<16x1xi32> to vector<16xi32>
          %gather3A_668 = tpu.dynamic_gather %masked_sort3A_643[%gather3A_667] in [0] : vector<16xi32>, vector<16xi32> -> vector<16xi32>
          %eq3A_669 = arith.cmpi eq, %masked_sort3A_643, %gather3A_668 : vector<16xi32>
          %and3A_670 = arith.andi %ge3A_101, %eq3A_669 : vector<16xi1>
          %gather3A_671 = tpu.vector_load_idx %arg12[%gather3A_645] : memref<10000xf32, #tpu.memory_space<vmem>>[vector<16xi32>], vector<16xf32>,
          %mul3A_672 = arith.mulf %gather3A_648, %gather3A : vector<16xf32>
          %add3A_673 = arith.addf %gather3A_671, %mul3A_672 : vector<16xf32>
          %reshape3A_674 = vector.shape_cast %max3A_72 : vector<16xi32> to vector<16x1xi32>
          %gather3A_675 = vector.shape_cast %reshape3A_674 : vector<16x1xi32> to vector<16xi32>
          %gather3A_676 = tpu.dynamic_gather %add3A_673[%gather3A_675] in [0] : vector<16xf32>, vector<16xi32> -> vector<16xf32>
          %min3A_677 = arith.minimumf %add3A_673, %gather3A_676 : vector<16xf32>
          %select_n3A = arith.select %and3A, %min3A_677, %add3A_673 : vector<16xi1>, vector<16xf32>
          %reshape3A_678 = vector.shape_cast %max3A_78 : vector<16xi32> to vector<16x1xi32>
          %gather3A_679 = vector.shape_cast %reshape3A_678 : vector<16x1xi32> to vector<16xi32>
          %gather3A_680 = tpu.dynamic_gather %select_n3A[%gather3A_679] in [0] : vector<16xf32>, vector<16xi32> -> vector<16xf32>
          %min3A_681 = arith.minimumf %select_n3A, %gather3A_680 : vector<16xf32>
          %select_n3A_682 = arith.select %and3A_660, %min3A_681, %select_n3A : vector<16xi1>, vector<16xf32>
          %reshape3A_683 = vector.shape_cast %max3A_84 : vector<16xi32> to vector<16x1xi32>
          %gather3A_684 = vector.shape_cast %reshape3A_683 : vector<16x1xi32> to vector<16xi32>
          %gather3A_685 = tpu.dynamic_gather %select_n3A_682[%gather3A_684] in [0] : vector<16xf32>, vector<16xi32> -> vector<16xf32>
          %min3A_686 = arith.minimumf %select_n3A_682, %gather3A_685 : vector<16xf32>
          %select_n3A_687 = arith.select %and3A_665, %min3A_686, %select_n3A_682 : vector<16xi1>, vector<16xf32>
          %reshape3A_688 = vector.shape_cast %max3A_90 : vector<16xi32> to vector<16x1xi32>
          %gather3A_689 = vector.shape_cast %reshape3A_688 : vector<16x1xi32> to vector<16xi32>
          %gather3A_690 = tpu.dynamic_gather %select_n3A_687[%gather3A_689] in [0] : vector<16xf32>, vector<16xi32> -> vector<16xf32>
          %min3A_691 = arith.minimumf %select_n3A_687, %gather3A_690 : vector<16xf32>
          %select_n3A_692 = arith.select %and3A_670, %min3A_691, %select_n3A_687 : vector<16xi1>, vector<16xf32>
          %gather3A_693 = tpu.vector_load_idx %arg8[%masked_sort3A_643] : memref<10000xf32, #tpu.memory_space<vmem>>[vector<16xi32>], vector<16xf32>,
          %min3A_694 = arith.minimumf %gather3A_693, %select_n3A_692 : vector<16xf32>
          tpu.vector_store_idx %arg8[%masked_sort3A_643], %min3A_694 masked %or3A : memref<10000xf32, #tpu.memory_space<vmem>>[vector<16xi32>], vector<16xf32>, vector<16xi1>
          %gather3A_695 = tpu.vector_load_idx %arg13[%gather3A_645] : memref<10000xf32, #tpu.memory_space<vmem>>[vector<16xi32>], vector<16xf32>,
          %mul3A_696 = arith.mulf %gather3A_648, %gather3A_43 : vector<16xf32>
          %add3A_697 = arith.addf %gather3A_695, %mul3A_696 : vector<16xf32>
          %reshape3A_698 = vector.shape_cast %max3A_72 : vector<16xi32> to vector<16x1xi32>
          %gather3A_699 = vector.shape_cast %reshape3A_698 : vector<16x1xi32> to vector<16xi32>
          %gather3A_700 = tpu.dynamic_gather %add3A_697[%gather3A_699] in [0] : vector<16xf32>, vector<16xi32> -> vector<16xf32>
          %min3A_701 = arith.minimumf %add3A_697, %gather3A_700 : vector<16xf32>
          %select_n3A_702 = arith.select %and3A, %min3A_701, %add3A_697 : vector<16xi1>, vector<16xf32>
          %reshape3A_703 = vector.shape_cast %max3A_78 : vector<16xi32> to vector<16x1xi32>
          %gather3A_704 = vector.shape_cast %reshape3A_703 : vector<16x1xi32> to vector<16xi32>
          %gather3A_705 = tpu.dynamic_gather %select_n3A_702[%gather3A_704] in [0] : vector<16xf32>, vector<16xi32> -> vector<16xf32>
          %min3A_706 = arith.minimumf %select_n3A_702, %gather3A_705 : vector<16xf32>
          %select_n3A_707 = arith.select %and3A_660, %min3A_706, %select_n3A_702 : vector<16xi1>, vector<16xf32>
          %reshape3A_708 = vector.shape_cast %max3A_84 : vector<16xi32> to vector<16x1xi32>
          %gather3A_709 = vector.shape_cast %reshape3A_708 : vector<16x1xi32> to vector<16xi32>
          %gather3A_710 = tpu.dynamic_gather %select_n3A_707[%gather3A_709] in [0] : vector<16xf32>, vector<16xi32> -> vector<16xf32>
          %min3A_711 = arith.minimumf %select_n3A_707, %gather3A_710 : vector<16xf32>
          %select_n3A_712 = arith.select %and3A_665, %min3A_711, %select_n3A_707 : vector<16xi1>, vector<16xf32>
          %reshape3A_713 = vector.shape_cast %max3A_90 : vector<16xi32> to vector<16x1xi32>
          %gather3A_714 = vector.shape_cast %reshape3A_713 : vector<16x1xi32> to vector<16xi32>
          %gather3A_715 = tpu.dynamic_gather %select_n3A_712[%gather3A_714] in [0] : vector<16xf32>, vector<16xi32> -> vector<16xf32>
          %min3A_716 = arith.minimumf %select_n3A_712, %gather3A_715 : vector<16xf32>
          %select_n3A_717 = arith.select %and3A_670, %min3A_716, %select_n3A_712 : vector<16xi1>, vector<16xf32>
          %gather3A_718 = tpu.vector_load_idx %arg9[%masked_sort3A_643] : memref<10000xf32, #tpu.memory_space<vmem>>[vector<16xi32>], vector<16xf32>,
          %min3A_719 = arith.minimumf %gather3A_718, %select_n3A_717 : vector<16xf32>
          tpu.vector_store_idx %arg9[%masked_sort3A_643], %min3A_719 masked %or3A : memref<10000xf32, #tpu.memory_space<vmem>>[vector<16xi32>], vector<16xf32>, vector<16xi1>
          %gather3A_720 = tpu.vector_load_idx %arg14[%gather3A_645] : memref<10000xf32, #tpu.memory_space<vmem>>[vector<16xi32>], vector<16xf32>,
          %mul3A_721 = arith.mulf %gather3A_648, %gather3A_52 : vector<16xf32>
          %add3A_722 = arith.addf %gather3A_720, %mul3A_721 : vector<16xf32>
          %reshape3A_723 = vector.shape_cast %max3A_72 : vector<16xi32> to vector<16x1xi32>
          %gather3A_724 = vector.shape_cast %reshape3A_723 : vector<16x1xi32> to vector<16xi32>
          %gather3A_725 = tpu.dynamic_gather %add3A_722[%gather3A_724] in [0] : vector<16xf32>, vector<16xi32> -> vector<16xf32>
          %min3A_726 = arith.minimumf %add3A_722, %gather3A_725 : vector<16xf32>
          %select_n3A_727 = arith.select %and3A, %min3A_726, %add3A_722 : vector<16xi1>, vector<16xf32>
          %reshape3A_728 = vector.shape_cast %max3A_78 : vector<16xi32> to vector<16x1xi32>
          %gather3A_729 = vector.shape_cast %reshape3A_728 : vector<16x1xi32> to vector<16xi32>
          %gather3A_730 = tpu.dynamic_gather %select_n3A_727[%gather3A_729] in [0] : vector<16xf32>, vector<16xi32> -> vector<16xf32>
          %min3A_731 = arith.minimumf %select_n3A_727, %gather3A_730 : vector<16xf32>
          %select_n3A_732 = arith.select %and3A_660, %min3A_731, %select_n3A_727 : vector<16xi1>, vector<16xf32>
          %reshape3A_733 = vector.shape_cast %max3A_84 : vector<16xi32> to vector<16x1xi32>
          %gather3A_734 = vector.shape_cast %reshape3A_733 : vector<16x1xi32> to vector<16xi32>
          %gather3A_735 = tpu.dynamic_gather %select_n3A_732[%gather3A_734] in [0] : vector<16xf32>, vector<16xi32> -> vector<16xf32>
          %min3A_736 = arith.minimumf %select_n3A_732, %gather3A_735 : vector<16xf32>
          %select_n3A_737 = arith.select %and3A_665, %min3A_736, %select_n3A_732 : vector<16xi1>, vector<16xf32>
          %reshape3A_738 = vector.shape_cast %max3A_90 : vector<16xi32> to vector<16x1xi32>
          %gather3A_739 = vector.shape_cast %reshape3A_738 : vector<16x1xi32> to vector<16xi32>
          %gather3A_740 = tpu.dynamic_gather %select_n3A_737[%gather3A_739] in [0] : vector<16xf32>, vector<16xi32> -> vector<16xf32>
          %min3A_741 = arith.minimumf %select_n3A_737, %gather3A_740 : vector<16xf32>
          %select_n3A_742 = arith.select %and3A_670, %min3A_741, %select_n3A_737 : vector<16xi1>, vector<16xf32>
          %gather3A_743 = tpu.vector_load_idx %arg10[%masked_sort3A_643] : memref<10000xf32, #tpu.memory_space<vmem>>[vector<16xi32>], vector<16xf32>,
          %min3A_744 = arith.minimumf %gather3A_743, %select_n3A_742 : vector<16xf32>
          tpu.vector_store_idx %arg10[%masked_sort3A_643], %min3A_744 masked %or3A : memref<10000xf32, #tpu.memory_space<vmem>>[vector<16xi32>], vector<16xf32>, vector<16xi1>
          %gather3A_745 = tpu.vector_load_idx %arg15[%gather3A_645] : memref<10000xf32, #tpu.memory_space<vmem>>[vector<16xi32>], vector<16xf32>,
          %mul3A_746 = arith.mulf %gather3A_648, %gather3A_61 : vector<16xf32>
          %add3A_747 = arith.addf %gather3A_745, %mul3A_746 : vector<16xf32>
          %reshape3A_748 = vector.shape_cast %max3A_72 : vector<16xi32> to vector<16x1xi32>
          %gather3A_749 = vector.shape_cast %reshape3A_748 : vector<16x1xi32> to vector<16xi32>
          %gather3A_750 = tpu.dynamic_gather %add3A_747[%gather3A_749] in [0] : vector<16xf32>, vector<16xi32> -> vector<16xf32>
          %min3A_751 = arith.minimumf %add3A_747, %gather3A_750 : vector<16xf32>
          %select_n3A_752 = arith.select %and3A, %min3A_751, %add3A_747 : vector<16xi1>, vector<16xf32>
          %reshape3A_753 = vector.shape_cast %max3A_78 : vector<16xi32> to vector<16x1xi32>
          %gather3A_754 = vector.shape_cast %reshape3A_753 : vector<16x1xi32> to vector<16xi32>
          %gather3A_755 = tpu.dynamic_gather %select_n3A_752[%gather3A_754] in [0] : vector<16xf32>, vector<16xi32> -> vector<16xf32>
          %min3A_756 = arith.minimumf %select_n3A_752, %gather3A_755 : vector<16xf32>
          %select_n3A_757 = arith.select %and3A_660, %min3A_756, %select_n3A_752 : vector<16xi1>, vector<16xf32>
          %reshape3A_758 = vector.shape_cast %max3A_84 : vector<16xi32> to vector<16x1xi32>
          %gather3A_759 = vector.shape_cast %reshape3A_758 : vector<16x1xi32> to vector<16xi32>
          %gather3A_760 = tpu.dynamic_gather %select_n3A_757[%gather3A_759] in [0] : vector<16xf32>, vector<16xi32> -> vector<16xf32>
          %min3A_761 = arith.minimumf %select_n3A_757, %gather3A_760 : vector<16xf32>
          %select_n3A_762 = arith.select %and3A_665, %min3A_761, %select_n3A_757 : vector<16xi1>, vector<16xf32>
          %reshape3A_763 = vector.shape_cast %max3A_90 : vector<16xi32> to vector<16x1xi32>
          %gather3A_764 = vector.shape_cast %reshape3A_763 : vector<16x1xi32> to vector<16xi32>
          %gather3A_765 = tpu.dynamic_gather %select_n3A_762[%gather3A_764] in [0] : vector<16xf32>, vector<16xi32> -> vector<16xf32>
          %min3A_766 = arith.minimumf %select_n3A_762, %gather3A_765 : vector<16xf32>
          %select_n3A_767 = arith.select %and3A_670, %min3A_766, %select_n3A_762 : vector<16xi1>, vector<16xf32>
          %gather3A_768 = tpu.vector_load_idx %arg11[%masked_sort3A_643] : memref<10000xf32, #tpu.memory_space<vmem>>[vector<16xi32>], vector<16xf32>,
          %min3A_769 = arith.minimumf %gather3A_768, %select_n3A_767 : vector<16xf32>
          tpu.vector_store_idx %arg11[%masked_sort3A_643], %min3A_769 masked %or3A : memref<10000xf32, #tpu.memory_space<vmem>>[vector<16xi32>], vector<16xf32>, vector<16xi1>
        } else {
        }
        %mul3A_541 = arith.constant 8 : i32
        %mul3A_542 = arith.muli %scan3A_257, %mul3A_541 : i32
        %add3A_543 = arith.constant 6 : i32
        %add3A_544 = arith.addi %mul3A_542, %add3A_543 : i32
        %mul3A_545 = arith.constant 16 : i32
        %mul3A_546 = arith.muli %add3A_544, %mul3A_545 : i32
        %get3A_547 = arith.index_cast %mul3A_546 : i32 to index
        %get3A_548 = tpu.vector_load %arg16[%get3A_547] {strides = array<i32>} : memref<6400xi32, #tpu.memory_space<vmem>>, vector<16xi32>,
        %mul3A_549 = arith.constant 16 : i32
        %mul3A_550 = arith.muli %add3A_544, %mul3A_549 : i32
        %get3A_551 = arith.index_cast %mul3A_550 : i32 to index
        %get3A_552 = tpu.vector_load %arg18[%get3A_551] {strides = array<i32>} : memref<6400xi32, #tpu.memory_space<vmem>>, vector<16xi32>,
        %mul3A_553 = arith.constant 16 : i32
        %mul3A_554 = arith.muli %add3A_544, %mul3A_553 : i32
        %get3A_555 = arith.index_cast %mul3A_554 : i32 to index
        %get3A_556 = tpu.vector_load %arg20[%get3A_555] {strides = array<i32>} : memref<6400xf32, #tpu.memory_space<vmem>>, vector<16xf32>,
        %broadcast_in_dim3A_557 = arith.constant true
        %broadcast_in_dim3A_558 = vector.broadcast %broadcast_in_dim3A_557 : i1 to vector<16xi1>
        %unique3A_559, %unique3A_560 = tpu.scan_count mask(%broadcast_in_dim3A_558 : vector<16xi1>) value(%get3A_548 : vector<16xi32>) : vector<16xi1>, vector<16xi32>
        %all_reduce_population_count3A_561 = tpu.all_reduce %unique3A_559 {dim = 0 : i64, kind = #tpu.reduction_kind<sum>} : vector<16xi1> -> vector<16xi32>
        %gather3A_562 = tpu.vector_load_idx %arg12[%get3A_552] : memref<10000xf32, #tpu.memory_space<vmem>>[vector<16xi32>], vector<16xf32>,
        %mul3A_563 = arith.mulf %get3A_556, %gather3A : vector<16xf32>
        %add3A_564 = arith.addf %gather3A_562, %mul3A_563 : vector<16xf32>
        %gather3A_565 = tpu.vector_load_idx %arg8[%get3A_548] : memref<10000xf32, #tpu.memory_space<vmem>>[vector<16xi32>], vector<16xf32>,
        %min3A_566 = arith.minimumf %gather3A_565, %add3A_564 : vector<16xf32>
        tpu.vector_store_idx %arg8[%get3A_548], %min3A_566 : memref<10000xf32, #tpu.memory_space<vmem>>[vector<16xi32>], vector<16xf32>,
        %gather3A_567 = tpu.vector_load_idx %arg13[%get3A_552] : memref<10000xf32, #tpu.memory_space<vmem>>[vector<16xi32>], vector<16xf32>,
        %mul3A_568 = arith.mulf %get3A_556, %gather3A_43 : vector<16xf32>
        %add3A_569 = arith.addf %gather3A_567, %mul3A_568 : vector<16xf32>
        %gather3A_570 = tpu.vector_load_idx %arg9[%get3A_548] : memref<10000xf32, #tpu.memory_space<vmem>>[vector<16xi32>], vector<16xf32>,
        %min3A_571 = arith.minimumf %gather3A_570, %add3A_569 : vector<16xf32>
        tpu.vector_store_idx %arg9[%get3A_548], %min3A_571 : memref<10000xf32, #tpu.memory_space<vmem>>[vector<16xi32>], vector<16xf32>,
        %gather3A_572 = tpu.vector_load_idx %arg14[%get3A_552] : memref<10000xf32, #tpu.memory_space<vmem>>[vector<16xi32>], vector<16xf32>,
        %mul3A_573 = arith.mulf %get3A_556, %gather3A_52 : vector<16xf32>
        %add3A_574 = arith.addf %gather3A_572, %mul3A_573 : vector<16xf32>
        %gather3A_575 = tpu.vector_load_idx %arg10[%get3A_548] : memref<10000xf32, #tpu.memory_space<vmem>>[vector<16xi32>], vector<16xf32>,
        %min3A_576 = arith.minimumf %gather3A_575, %add3A_574 : vector<16xf32>
        tpu.vector_store_idx %arg10[%get3A_548], %min3A_576 : memref<10000xf32, #tpu.memory_space<vmem>>[vector<16xi32>], vector<16xf32>,
        %gather3A_577 = tpu.vector_load_idx %arg15[%get3A_552] : memref<10000xf32, #tpu.memory_space<vmem>>[vector<16xi32>], vector<16xf32>,
        %mul3A_578 = arith.mulf %get3A_556, %gather3A_61 : vector<16xf32>
        %add3A_579 = arith.addf %gather3A_577, %mul3A_578 : vector<16xf32>
        %gather3A_580 = tpu.vector_load_idx %arg11[%get3A_548] : memref<10000xf32, #tpu.memory_space<vmem>>[vector<16xi32>], vector<16xf32>,
        %min3A_581 = arith.minimumf %gather3A_580, %add3A_579 : vector<16xf32>
        tpu.vector_store_idx %arg11[%get3A_548], %min3A_581 : memref<10000xf32, #tpu.memory_space<vmem>>[vector<16xi32>], vector<16xf32>,
        %slice3A_582 = vector.extract_strided_slice %all_reduce_population_count3A_561 {offsets = [0], sizes = [1], strides = [1]} : vector<16xi32> to vector<1xi32>
        %squeeze3A_583 = vector.extract %slice3A_582[0] : i32 from vector<1xi32>
        %lt3A_584 = arith.constant 16 : i32
        %lt3A_585 = arith.cmpi slt, %squeeze3A_583, %lt3A_584 : i32
        %convert_element_type3A_586 = arith.extui %lt3A_585 : i1 to i32
        %cond3A_587 = arith.constant 0 : i32
        %cond3A_588 = arith.cmpi ne, %convert_element_type3A_586, %cond3A_587 : i32
        scf.if %cond3A_588 {
          %masked_sort3A = arith.constant dense<true> : vector<16xi1>
          %masked_sort3A_637 = arith.constant -2147483648 : i32
          %masked_sort3A_638 = vector.broadcast %masked_sort3A_637 : i32 to vector<16xi32>
          %masked_sort3A_639 = arith.xori %get3A_548, %masked_sort3A_638 : vector<16xi32>
          %masked_sort3A_640, %masked_sort3A_641, %masked_sort3A_642 = tpu.sort %masked_sort3A_639, %iota3A masked %masked_sort3A : (vector<16xi32>, vector<16xi32>, vector<16xi1>) -> (vector<16xi1>, vector<16xi32>, vector<16xi32>)
          %masked_sort3A_643 = arith.xori %masked_sort3A_641, %masked_sort3A_638 : vector<16xi32>
          %reshape3A = vector.shape_cast %masked_sort3A_642 : vector<16xi32> to vector<16x1xi32>
          %gather3A_644 = vector.shape_cast %reshape3A : vector<16x1xi32> to vector<16xi32>
          %gather3A_645 = tpu.dynamic_gather %get3A_552[%gather3A_644] in [0] : vector<16xi32>, vector<16xi32> -> vector<16xi32>
          %reshape3A_646 = vector.shape_cast %masked_sort3A_642 : vector<16xi32> to vector<16x1xi32>
          %gather3A_647 = vector.shape_cast %reshape3A_646 : vector<16x1xi32> to vector<16xi32>
          %gather3A_648 = tpu.dynamic_gather %get3A_556[%gather3A_647] in [0] : vector<16xf32>, vector<16xi32> -> vector<16xf32>
          %reshape3A_649 = vector.shape_cast %min3A_106 : vector<16xi32> to vector<16x1xi32>
          %gather3A_650 = vector.shape_cast %reshape3A_649 : vector<16x1xi32> to vector<16xi32>
          %gather3A_651 = tpu.dynamic_gather %masked_sort3A_643[%gather3A_650] in [0] : vector<16xi32>, vector<16xi32> -> vector<16xi32>
          %ne3A = arith.cmpi ne, %masked_sort3A_643, %gather3A_651 : vector<16xi32>
          %or3A = arith.ori %eq3A_108, %ne3A : vector<16xi1>
          %reshape3A_652 = vector.shape_cast %max3A_72 : vector<16xi32> to vector<16x1xi32>
          %gather3A_653 = vector.shape_cast %reshape3A_652 : vector<16x1xi32> to vector<16xi32>
          %gather3A_654 = tpu.dynamic_gather %masked_sort3A_643[%gather3A_653] in [0] : vector<16xi32>, vector<16xi32> -> vector<16xi32>
          %eq3A_655 = arith.cmpi eq, %masked_sort3A_643, %gather3A_654 : vector<16xi32>
          %and3A = arith.andi %ge3A_92, %eq3A_655 : vector<16xi1>
          %reshape3A_656 = vector.shape_cast %max3A_78 : vector<16xi32> to vector<16x1xi32>
          %gather3A_657 = vector.shape_cast %reshape3A_656 : vector<16x1xi32> to vector<16xi32>
          %gather3A_658 = tpu.dynamic_gather %masked_sort3A_643[%gather3A_657] in [0] : vector<16xi32>, vector<16xi32> -> vector<16xi32>
          %eq3A_659 = arith.cmpi eq, %masked_sort3A_643, %gather3A_658 : vector<16xi32>
          %and3A_660 = arith.andi %ge3A_95, %eq3A_659 : vector<16xi1>
          %reshape3A_661 = vector.shape_cast %max3A_84 : vector<16xi32> to vector<16x1xi32>
          %gather3A_662 = vector.shape_cast %reshape3A_661 : vector<16x1xi32> to vector<16xi32>
          %gather3A_663 = tpu.dynamic_gather %masked_sort3A_643[%gather3A_662] in [0] : vector<16xi32>, vector<16xi32> -> vector<16xi32>
          %eq3A_664 = arith.cmpi eq, %masked_sort3A_643, %gather3A_663 : vector<16xi32>
          %and3A_665 = arith.andi %ge3A_98, %eq3A_664 : vector<16xi1>
          %reshape3A_666 = vector.shape_cast %max3A_90 : vector<16xi32> to vector<16x1xi32>
          %gather3A_667 = vector.shape_cast %reshape3A_666 : vector<16x1xi32> to vector<16xi32>
          %gather3A_668 = tpu.dynamic_gather %masked_sort3A_643[%gather3A_667] in [0] : vector<16xi32>, vector<16xi32> -> vector<16xi32>
          %eq3A_669 = arith.cmpi eq, %masked_sort3A_643, %gather3A_668 : vector<16xi32>
          %and3A_670 = arith.andi %ge3A_101, %eq3A_669 : vector<16xi1>
          %gather3A_671 = tpu.vector_load_idx %arg12[%gather3A_645] : memref<10000xf32, #tpu.memory_space<vmem>>[vector<16xi32>], vector<16xf32>,
          %mul3A_672 = arith.mulf %gather3A_648, %gather3A : vector<16xf32>
          %add3A_673 = arith.addf %gather3A_671, %mul3A_672 : vector<16xf32>
          %reshape3A_674 = vector.shape_cast %max3A_72 : vector<16xi32> to vector<16x1xi32>
          %gather3A_675 = vector.shape_cast %reshape3A_674 : vector<16x1xi32> to vector<16xi32>
          %gather3A_676 = tpu.dynamic_gather %add3A_673[%gather3A_675] in [0] : vector<16xf32>, vector<16xi32> -> vector<16xf32>
          %min3A_677 = arith.minimumf %add3A_673, %gather3A_676 : vector<16xf32>
          %select_n3A = arith.select %and3A, %min3A_677, %add3A_673 : vector<16xi1>, vector<16xf32>
          %reshape3A_678 = vector.shape_cast %max3A_78 : vector<16xi32> to vector<16x1xi32>
          %gather3A_679 = vector.shape_cast %reshape3A_678 : vector<16x1xi32> to vector<16xi32>
          %gather3A_680 = tpu.dynamic_gather %select_n3A[%gather3A_679] in [0] : vector<16xf32>, vector<16xi32> -> vector<16xf32>
          %min3A_681 = arith.minimumf %select_n3A, %gather3A_680 : vector<16xf32>
          %select_n3A_682 = arith.select %and3A_660, %min3A_681, %select_n3A : vector<16xi1>, vector<16xf32>
          %reshape3A_683 = vector.shape_cast %max3A_84 : vector<16xi32> to vector<16x1xi32>
          %gather3A_684 = vector.shape_cast %reshape3A_683 : vector<16x1xi32> to vector<16xi32>
          %gather3A_685 = tpu.dynamic_gather %select_n3A_682[%gather3A_684] in [0] : vector<16xf32>, vector<16xi32> -> vector<16xf32>
          %min3A_686 = arith.minimumf %select_n3A_682, %gather3A_685 : vector<16xf32>
          %select_n3A_687 = arith.select %and3A_665, %min3A_686, %select_n3A_682 : vector<16xi1>, vector<16xf32>
          %reshape3A_688 = vector.shape_cast %max3A_90 : vector<16xi32> to vector<16x1xi32>
          %gather3A_689 = vector.shape_cast %reshape3A_688 : vector<16x1xi32> to vector<16xi32>
          %gather3A_690 = tpu.dynamic_gather %select_n3A_687[%gather3A_689] in [0] : vector<16xf32>, vector<16xi32> -> vector<16xf32>
          %min3A_691 = arith.minimumf %select_n3A_687, %gather3A_690 : vector<16xf32>
          %select_n3A_692 = arith.select %and3A_670, %min3A_691, %select_n3A_687 : vector<16xi1>, vector<16xf32>
          %gather3A_693 = tpu.vector_load_idx %arg8[%masked_sort3A_643] : memref<10000xf32, #tpu.memory_space<vmem>>[vector<16xi32>], vector<16xf32>,
          %min3A_694 = arith.minimumf %gather3A_693, %select_n3A_692 : vector<16xf32>
          tpu.vector_store_idx %arg8[%masked_sort3A_643], %min3A_694 masked %or3A : memref<10000xf32, #tpu.memory_space<vmem>>[vector<16xi32>], vector<16xf32>, vector<16xi1>
          %gather3A_695 = tpu.vector_load_idx %arg13[%gather3A_645] : memref<10000xf32, #tpu.memory_space<vmem>>[vector<16xi32>], vector<16xf32>,
          %mul3A_696 = arith.mulf %gather3A_648, %gather3A_43 : vector<16xf32>
          %add3A_697 = arith.addf %gather3A_695, %mul3A_696 : vector<16xf32>
          %reshape3A_698 = vector.shape_cast %max3A_72 : vector<16xi32> to vector<16x1xi32>
          %gather3A_699 = vector.shape_cast %reshape3A_698 : vector<16x1xi32> to vector<16xi32>
          %gather3A_700 = tpu.dynamic_gather %add3A_697[%gather3A_699] in [0] : vector<16xf32>, vector<16xi32> -> vector<16xf32>
          %min3A_701 = arith.minimumf %add3A_697, %gather3A_700 : vector<16xf32>
          %select_n3A_702 = arith.select %and3A, %min3A_701, %add3A_697 : vector<16xi1>, vector<16xf32>
          %reshape3A_703 = vector.shape_cast %max3A_78 : vector<16xi32> to vector<16x1xi32>
          %gather3A_704 = vector.shape_cast %reshape3A_703 : vector<16x1xi32> to vector<16xi32>
          %gather3A_705 = tpu.dynamic_gather %select_n3A_702[%gather3A_704] in [0] : vector<16xf32>, vector<16xi32> -> vector<16xf32>
          %min3A_706 = arith.minimumf %select_n3A_702, %gather3A_705 : vector<16xf32>
          %select_n3A_707 = arith.select %and3A_660, %min3A_706, %select_n3A_702 : vector<16xi1>, vector<16xf32>
          %reshape3A_708 = vector.shape_cast %max3A_84 : vector<16xi32> to vector<16x1xi32>
          %gather3A_709 = vector.shape_cast %reshape3A_708 : vector<16x1xi32> to vector<16xi32>
          %gather3A_710 = tpu.dynamic_gather %select_n3A_707[%gather3A_709] in [0] : vector<16xf32>, vector<16xi32> -> vector<16xf32>
          %min3A_711 = arith.minimumf %select_n3A_707, %gather3A_710 : vector<16xf32>
          %select_n3A_712 = arith.select %and3A_665, %min3A_711, %select_n3A_707 : vector<16xi1>, vector<16xf32>
          %reshape3A_713 = vector.shape_cast %max3A_90 : vector<16xi32> to vector<16x1xi32>
          %gather3A_714 = vector.shape_cast %reshape3A_713 : vector<16x1xi32> to vector<16xi32>
          %gather3A_715 = tpu.dynamic_gather %select_n3A_712[%gather3A_714] in [0] : vector<16xf32>, vector<16xi32> -> vector<16xf32>
          %min3A_716 = arith.minimumf %select_n3A_712, %gather3A_715 : vector<16xf32>
          %select_n3A_717 = arith.select %and3A_670, %min3A_716, %select_n3A_712 : vector<16xi1>, vector<16xf32>
          %gather3A_718 = tpu.vector_load_idx %arg9[%masked_sort3A_643] : memref<10000xf32, #tpu.memory_space<vmem>>[vector<16xi32>], vector<16xf32>,
          %min3A_719 = arith.minimumf %gather3A_718, %select_n3A_717 : vector<16xf32>
          tpu.vector_store_idx %arg9[%masked_sort3A_643], %min3A_719 masked %or3A : memref<10000xf32, #tpu.memory_space<vmem>>[vector<16xi32>], vector<16xf32>, vector<16xi1>
          %gather3A_720 = tpu.vector_load_idx %arg14[%gather3A_645] : memref<10000xf32, #tpu.memory_space<vmem>>[vector<16xi32>], vector<16xf32>,
          %mul3A_721 = arith.mulf %gather3A_648, %gather3A_52 : vector<16xf32>
          %add3A_722 = arith.addf %gather3A_720, %mul3A_721 : vector<16xf32>
          %reshape3A_723 = vector.shape_cast %max3A_72 : vector<16xi32> to vector<16x1xi32>
          %gather3A_724 = vector.shape_cast %reshape3A_723 : vector<16x1xi32> to vector<16xi32>
          %gather3A_725 = tpu.dynamic_gather %add3A_722[%gather3A_724] in [0] : vector<16xf32>, vector<16xi32> -> vector<16xf32>
          %min3A_726 = arith.minimumf %add3A_722, %gather3A_725 : vector<16xf32>
          %select_n3A_727 = arith.select %and3A, %min3A_726, %add3A_722 : vector<16xi1>, vector<16xf32>
          %reshape3A_728 = vector.shape_cast %max3A_78 : vector<16xi32> to vector<16x1xi32>
          %gather3A_729 = vector.shape_cast %reshape3A_728 : vector<16x1xi32> to vector<16xi32>
          %gather3A_730 = tpu.dynamic_gather %select_n3A_727[%gather3A_729] in [0] : vector<16xf32>, vector<16xi32> -> vector<16xf32>
          %min3A_731 = arith.minimumf %select_n3A_727, %gather3A_730 : vector<16xf32>
          %select_n3A_732 = arith.select %and3A_660, %min3A_731, %select_n3A_727 : vector<16xi1>, vector<16xf32>
          %reshape3A_733 = vector.shape_cast %max3A_84 : vector<16xi32> to vector<16x1xi32>
          %gather3A_734 = vector.shape_cast %reshape3A_733 : vector<16x1xi32> to vector<16xi32>
          %gather3A_735 = tpu.dynamic_gather %select_n3A_732[%gather3A_734] in [0] : vector<16xf32>, vector<16xi32> -> vector<16xf32>
          %min3A_736 = arith.minimumf %select_n3A_732, %gather3A_735 : vector<16xf32>
          %select_n3A_737 = arith.select %and3A_665, %min3A_736, %select_n3A_732 : vector<16xi1>, vector<16xf32>
          %reshape3A_738 = vector.shape_cast %max3A_90 : vector<16xi32> to vector<16x1xi32>
          %gather3A_739 = vector.shape_cast %reshape3A_738 : vector<16x1xi32> to vector<16xi32>
          %gather3A_740 = tpu.dynamic_gather %select_n3A_737[%gather3A_739] in [0] : vector<16xf32>, vector<16xi32> -> vector<16xf32>
          %min3A_741 = arith.minimumf %select_n3A_737, %gather3A_740 : vector<16xf32>
          %select_n3A_742 = arith.select %and3A_670, %min3A_741, %select_n3A_737 : vector<16xi1>, vector<16xf32>
          %gather3A_743 = tpu.vector_load_idx %arg10[%masked_sort3A_643] : memref<10000xf32, #tpu.memory_space<vmem>>[vector<16xi32>], vector<16xf32>,
          %min3A_744 = arith.minimumf %gather3A_743, %select_n3A_742 : vector<16xf32>
          tpu.vector_store_idx %arg10[%masked_sort3A_643], %min3A_744 masked %or3A : memref<10000xf32, #tpu.memory_space<vmem>>[vector<16xi32>], vector<16xf32>, vector<16xi1>
          %gather3A_745 = tpu.vector_load_idx %arg15[%gather3A_645] : memref<10000xf32, #tpu.memory_space<vmem>>[vector<16xi32>], vector<16xf32>,
          %mul3A_746 = arith.mulf %gather3A_648, %gather3A_61 : vector<16xf32>
          %add3A_747 = arith.addf %gather3A_745, %mul3A_746 : vector<16xf32>
          %reshape3A_748 = vector.shape_cast %max3A_72 : vector<16xi32> to vector<16x1xi32>
          %gather3A_749 = vector.shape_cast %reshape3A_748 : vector<16x1xi32> to vector<16xi32>
          %gather3A_750 = tpu.dynamic_gather %add3A_747[%gather3A_749] in [0] : vector<16xf32>, vector<16xi32> -> vector<16xf32>
          %min3A_751 = arith.minimumf %add3A_747, %gather3A_750 : vector<16xf32>
          %select_n3A_752 = arith.select %and3A, %min3A_751, %add3A_747 : vector<16xi1>, vector<16xf32>
          %reshape3A_753 = vector.shape_cast %max3A_78 : vector<16xi32> to vector<16x1xi32>
          %gather3A_754 = vector.shape_cast %reshape3A_753 : vector<16x1xi32> to vector<16xi32>
          %gather3A_755 = tpu.dynamic_gather %select_n3A_752[%gather3A_754] in [0] : vector<16xf32>, vector<16xi32> -> vector<16xf32>
          %min3A_756 = arith.minimumf %select_n3A_752, %gather3A_755 : vector<16xf32>
          %select_n3A_757 = arith.select %and3A_660, %min3A_756, %select_n3A_752 : vector<16xi1>, vector<16xf32>
          %reshape3A_758 = vector.shape_cast %max3A_84 : vector<16xi32> to vector<16x1xi32>
          %gather3A_759 = vector.shape_cast %reshape3A_758 : vector<16x1xi32> to vector<16xi32>
          %gather3A_760 = tpu.dynamic_gather %select_n3A_757[%gather3A_759] in [0] : vector<16xf32>, vector<16xi32> -> vector<16xf32>
          %min3A_761 = arith.minimumf %select_n3A_757, %gather3A_760 : vector<16xf32>
          %select_n3A_762 = arith.select %and3A_665, %min3A_761, %select_n3A_757 : vector<16xi1>, vector<16xf32>
          %reshape3A_763 = vector.shape_cast %max3A_90 : vector<16xi32> to vector<16x1xi32>
          %gather3A_764 = vector.shape_cast %reshape3A_763 : vector<16x1xi32> to vector<16xi32>
          %gather3A_765 = tpu.dynamic_gather %select_n3A_762[%gather3A_764] in [0] : vector<16xf32>, vector<16xi32> -> vector<16xf32>
          %min3A_766 = arith.minimumf %select_n3A_762, %gather3A_765 : vector<16xf32>
          %select_n3A_767 = arith.select %and3A_670, %min3A_766, %select_n3A_762 : vector<16xi1>, vector<16xf32>
          %gather3A_768 = tpu.vector_load_idx %arg11[%masked_sort3A_643] : memref<10000xf32, #tpu.memory_space<vmem>>[vector<16xi32>], vector<16xf32>,
          %min3A_769 = arith.minimumf %gather3A_768, %select_n3A_767 : vector<16xf32>
          tpu.vector_store_idx %arg11[%masked_sort3A_643], %min3A_769 masked %or3A : memref<10000xf32, #tpu.memory_space<vmem>>[vector<16xi32>], vector<16xf32>, vector<16xi1>
        } else {
        }
        %mul3A_589 = arith.constant 8 : i32
        %mul3A_590 = arith.muli %scan3A_257, %mul3A_589 : i32
        %add3A_591 = arith.constant 7 : i32
        %add3A_592 = arith.addi %mul3A_590, %add3A_591 : i32
        %mul3A_593 = arith.constant 16 : i32
        %mul3A_594 = arith.muli %add3A_592, %mul3A_593 : i32
        %get3A_595 = arith.index_cast %mul3A_594 : i32 to index
        %get3A_596 = tpu.vector_load %arg16[%get3A_595] {strides = array<i32>} : memref<6400xi32, #tpu.memory_space<vmem>>, vector<16xi32>,
        %mul3A_597 = arith.constant 16 : i32
        %mul3A_598 = arith.muli %add3A_592, %mul3A_597 : i32
        %get3A_599 = arith.index_cast %mul3A_598 : i32 to index
        %get3A_600 = tpu.vector_load %arg18[%get3A_599] {strides = array<i32>} : memref<6400xi32, #tpu.memory_space<vmem>>, vector<16xi32>,
        %mul3A_601 = arith.constant 16 : i32
        %mul3A_602 = arith.muli %add3A_592, %mul3A_601 : i32
        %get3A_603 = arith.index_cast %mul3A_602 : i32 to index
        %get3A_604 = tpu.vector_load %arg20[%get3A_603] {strides = array<i32>} : memref<6400xf32, #tpu.memory_space<vmem>>, vector<16xf32>,
        %broadcast_in_dim3A_605 = arith.constant true
        %broadcast_in_dim3A_606 = vector.broadcast %broadcast_in_dim3A_605 : i1 to vector<16xi1>
        %unique3A_607, %unique3A_608 = tpu.scan_count mask(%broadcast_in_dim3A_606 : vector<16xi1>) value(%get3A_596 : vector<16xi32>) : vector<16xi1>, vector<16xi32>
        %all_reduce_population_count3A_609 = tpu.all_reduce %unique3A_607 {dim = 0 : i64, kind = #tpu.reduction_kind<sum>} : vector<16xi1> -> vector<16xi32>
        %gather3A_610 = tpu.vector_load_idx %arg12[%get3A_600] : memref<10000xf32, #tpu.memory_space<vmem>>[vector<16xi32>], vector<16xf32>,
        %mul3A_611 = arith.mulf %get3A_604, %gather3A : vector<16xf32>
        %add3A_612 = arith.addf %gather3A_610, %mul3A_611 : vector<16xf32>
        %gather3A_613 = tpu.vector_load_idx %arg8[%get3A_596] : memref<10000xf32, #tpu.memory_space<vmem>>[vector<16xi32>], vector<16xf32>,
        %min3A_614 = arith.minimumf %gather3A_613, %add3A_612 : vector<16xf32>
        tpu.vector_store_idx %arg8[%get3A_596], %min3A_614 : memref<10000xf32, #tpu.memory_space<vmem>>[vector<16xi32>], vector<16xf32>,
        %gather3A_615 = tpu.vector_load_idx %arg13[%get3A_600] : memref<10000xf32, #tpu.memory_space<vmem>>[vector<16xi32>], vector<16xf32>,
        %mul3A_616 = arith.mulf %get3A_604, %gather3A_43 : vector<16xf32>
        %add3A_617 = arith.addf %gather3A_615, %mul3A_616 : vector<16xf32>
        %gather3A_618 = tpu.vector_load_idx %arg9[%get3A_596] : memref<10000xf32, #tpu.memory_space<vmem>>[vector<16xi32>], vector<16xf32>,
        %min3A_619 = arith.minimumf %gather3A_618, %add3A_617 : vector<16xf32>
        tpu.vector_store_idx %arg9[%get3A_596], %min3A_619 : memref<10000xf32, #tpu.memory_space<vmem>>[vector<16xi32>], vector<16xf32>,
        %gather3A_620 = tpu.vector_load_idx %arg14[%get3A_600] : memref<10000xf32, #tpu.memory_space<vmem>>[vector<16xi32>], vector<16xf32>,
        %mul3A_621 = arith.mulf %get3A_604, %gather3A_52 : vector<16xf32>
        %add3A_622 = arith.addf %gather3A_620, %mul3A_621 : vector<16xf32>
        %gather3A_623 = tpu.vector_load_idx %arg10[%get3A_596] : memref<10000xf32, #tpu.memory_space<vmem>>[vector<16xi32>], vector<16xf32>,
        %min3A_624 = arith.minimumf %gather3A_623, %add3A_622 : vector<16xf32>
        tpu.vector_store_idx %arg10[%get3A_596], %min3A_624 : memref<10000xf32, #tpu.memory_space<vmem>>[vector<16xi32>], vector<16xf32>,
        %gather3A_625 = tpu.vector_load_idx %arg15[%get3A_600] : memref<10000xf32, #tpu.memory_space<vmem>>[vector<16xi32>], vector<16xf32>,
        %mul3A_626 = arith.mulf %get3A_604, %gather3A_61 : vector<16xf32>
        %add3A_627 = arith.addf %gather3A_625, %mul3A_626 : vector<16xf32>
        %gather3A_628 = tpu.vector_load_idx %arg11[%get3A_596] : memref<10000xf32, #tpu.memory_space<vmem>>[vector<16xi32>], vector<16xf32>,
        %min3A_629 = arith.minimumf %gather3A_628, %add3A_627 : vector<16xf32>
        tpu.vector_store_idx %arg11[%get3A_596], %min3A_629 : memref<10000xf32, #tpu.memory_space<vmem>>[vector<16xi32>], vector<16xf32>,
        %slice3A_630 = vector.extract_strided_slice %all_reduce_population_count3A_609 {offsets = [0], sizes = [1], strides = [1]} : vector<16xi32> to vector<1xi32>
        %squeeze3A_631 = vector.extract %slice3A_630[0] : i32 from vector<1xi32>
        %lt3A_632 = arith.constant 16 : i32
        %lt3A_633 = arith.cmpi slt, %squeeze3A_631, %lt3A_632 : i32
        %convert_element_type3A_634 = arith.extui %lt3A_633 : i1 to i32
        %cond3A_635 = arith.constant 0 : i32
        %cond3A_636 = arith.cmpi ne, %convert_element_type3A_634, %cond3A_635 : i32
        scf.if %cond3A_636 {
          %masked_sort3A = arith.constant dense<true> : vector<16xi1>
          %masked_sort3A_637 = arith.constant -2147483648 : i32
          %masked_sort3A_638 = vector.broadcast %masked_sort3A_637 : i32 to vector<16xi32>
          %masked_sort3A_639 = arith.xori %get3A_596, %masked_sort3A_638 : vector<16xi32>
          %masked_sort3A_640, %masked_sort3A_641, %masked_sort3A_642 = tpu.sort %masked_sort3A_639, %iota3A masked %masked_sort3A : (vector<16xi32>, vector<16xi32>, vector<16xi1>) -> (vector<16xi1>, vector<16xi32>, vector<16xi32>)
          %masked_sort3A_643 = arith.xori %masked_sort3A_641, %masked_sort3A_638 : vector<16xi32>
          %reshape3A = vector.shape_cast %masked_sort3A_642 : vector<16xi32> to vector<16x1xi32>
          %gather3A_644 = vector.shape_cast %reshape3A : vector<16x1xi32> to vector<16xi32>
          %gather3A_645 = tpu.dynamic_gather %get3A_600[%gather3A_644] in [0] : vector<16xi32>, vector<16xi32> -> vector<16xi32>
          %reshape3A_646 = vector.shape_cast %masked_sort3A_642 : vector<16xi32> to vector<16x1xi32>
          %gather3A_647 = vector.shape_cast %reshape3A_646 : vector<16x1xi32> to vector<16xi32>
          %gather3A_648 = tpu.dynamic_gather %get3A_604[%gather3A_647] in [0] : vector<16xf32>, vector<16xi32> -> vector<16xf32>
          %reshape3A_649 = vector.shape_cast %min3A_106 : vector<16xi32> to vector<16x1xi32>
          %gather3A_650 = vector.shape_cast %reshape3A_649 : vector<16x1xi32> to vector<16xi32>
          %gather3A_651 = tpu.dynamic_gather %masked_sort3A_643[%gather3A_650] in [0] : vector<16xi32>, vector<16xi32> -> vector<16xi32>
          %ne3A = arith.cmpi ne, %masked_sort3A_643, %gather3A_651 : vector<16xi32>
          %or3A = arith.ori %eq3A_108, %ne3A : vector<16xi1>
          %reshape3A_652 = vector.shape_cast %max3A_72 : vector<16xi32> to vector<16x1xi32>
          %gather3A_653 = vector.shape_cast %reshape3A_652 : vector<16x1xi32> to vector<16xi32>
          %gather3A_654 = tpu.dynamic_gather %masked_sort3A_643[%gather3A_653] in [0] : vector<16xi32>, vector<16xi32> -> vector<16xi32>
          %eq3A_655 = arith.cmpi eq, %masked_sort3A_643, %gather3A_654 : vector<16xi32>
          %and3A = arith.andi %ge3A_92, %eq3A_655 : vector<16xi1>
          %reshape3A_656 = vector.shape_cast %max3A_78 : vector<16xi32> to vector<16x1xi32>
          %gather3A_657 = vector.shape_cast %reshape3A_656 : vector<16x1xi32> to vector<16xi32>
          %gather3A_658 = tpu.dynamic_gather %masked_sort3A_643[%gather3A_657] in [0] : vector<16xi32>, vector<16xi32> -> vector<16xi32>
          %eq3A_659 = arith.cmpi eq, %masked_sort3A_643, %gather3A_658 : vector<16xi32>
          %and3A_660 = arith.andi %ge3A_95, %eq3A_659 : vector<16xi1>
          %reshape3A_661 = vector.shape_cast %max3A_84 : vector<16xi32> to vector<16x1xi32>
          %gather3A_662 = vector.shape_cast %reshape3A_661 : vector<16x1xi32> to vector<16xi32>
          %gather3A_663 = tpu.dynamic_gather %masked_sort3A_643[%gather3A_662] in [0] : vector<16xi32>, vector<16xi32> -> vector<16xi32>
          %eq3A_664 = arith.cmpi eq, %masked_sort3A_643, %gather3A_663 : vector<16xi32>
          %and3A_665 = arith.andi %ge3A_98, %eq3A_664 : vector<16xi1>
          %reshape3A_666 = vector.shape_cast %max3A_90 : vector<16xi32> to vector<16x1xi32>
          %gather3A_667 = vector.shape_cast %reshape3A_666 : vector<16x1xi32> to vector<16xi32>
          %gather3A_668 = tpu.dynamic_gather %masked_sort3A_643[%gather3A_667] in [0] : vector<16xi32>, vector<16xi32> -> vector<16xi32>
          %eq3A_669 = arith.cmpi eq, %masked_sort3A_643, %gather3A_668 : vector<16xi32>
          %and3A_670 = arith.andi %ge3A_101, %eq3A_669 : vector<16xi1>
          %gather3A_671 = tpu.vector_load_idx %arg12[%gather3A_645] : memref<10000xf32, #tpu.memory_space<vmem>>[vector<16xi32>], vector<16xf32>,
          %mul3A_672 = arith.mulf %gather3A_648, %gather3A : vector<16xf32>
          %add3A_673 = arith.addf %gather3A_671, %mul3A_672 : vector<16xf32>
          %reshape3A_674 = vector.shape_cast %max3A_72 : vector<16xi32> to vector<16x1xi32>
          %gather3A_675 = vector.shape_cast %reshape3A_674 : vector<16x1xi32> to vector<16xi32>
          %gather3A_676 = tpu.dynamic_gather %add3A_673[%gather3A_675] in [0] : vector<16xf32>, vector<16xi32> -> vector<16xf32>
          %min3A_677 = arith.minimumf %add3A_673, %gather3A_676 : vector<16xf32>
          %select_n3A = arith.select %and3A, %min3A_677, %add3A_673 : vector<16xi1>, vector<16xf32>
          %reshape3A_678 = vector.shape_cast %max3A_78 : vector<16xi32> to vector<16x1xi32>
          %gather3A_679 = vector.shape_cast %reshape3A_678 : vector<16x1xi32> to vector<16xi32>
          %gather3A_680 = tpu.dynamic_gather %select_n3A[%gather3A_679] in [0] : vector<16xf32>, vector<16xi32> -> vector<16xf32>
          %min3A_681 = arith.minimumf %select_n3A, %gather3A_680 : vector<16xf32>
          %select_n3A_682 = arith.select %and3A_660, %min3A_681, %select_n3A : vector<16xi1>, vector<16xf32>
          %reshape3A_683 = vector.shape_cast %max3A_84 : vector<16xi32> to vector<16x1xi32>
          %gather3A_684 = vector.shape_cast %reshape3A_683 : vector<16x1xi32> to vector<16xi32>
          %gather3A_685 = tpu.dynamic_gather %select_n3A_682[%gather3A_684] in [0] : vector<16xf32>, vector<16xi32> -> vector<16xf32>
          %min3A_686 = arith.minimumf %select_n3A_682, %gather3A_685 : vector<16xf32>
          %select_n3A_687 = arith.select %and3A_665, %min3A_686, %select_n3A_682 : vector<16xi1>, vector<16xf32>
          %reshape3A_688 = vector.shape_cast %max3A_90 : vector<16xi32> to vector<16x1xi32>
          %gather3A_689 = vector.shape_cast %reshape3A_688 : vector<16x1xi32> to vector<16xi32>
          %gather3A_690 = tpu.dynamic_gather %select_n3A_687[%gather3A_689] in [0] : vector<16xf32>, vector<16xi32> -> vector<16xf32>
          %min3A_691 = arith.minimumf %select_n3A_687, %gather3A_690 : vector<16xf32>
          %select_n3A_692 = arith.select %and3A_670, %min3A_691, %select_n3A_687 : vector<16xi1>, vector<16xf32>
          %gather3A_693 = tpu.vector_load_idx %arg8[%masked_sort3A_643] : memref<10000xf32, #tpu.memory_space<vmem>>[vector<16xi32>], vector<16xf32>,
          %min3A_694 = arith.minimumf %gather3A_693, %select_n3A_692 : vector<16xf32>
          tpu.vector_store_idx %arg8[%masked_sort3A_643], %min3A_694 masked %or3A : memref<10000xf32, #tpu.memory_space<vmem>>[vector<16xi32>], vector<16xf32>, vector<16xi1>
          %gather3A_695 = tpu.vector_load_idx %arg13[%gather3A_645] : memref<10000xf32, #tpu.memory_space<vmem>>[vector<16xi32>], vector<16xf32>,
          %mul3A_696 = arith.mulf %gather3A_648, %gather3A_43 : vector<16xf32>
          %add3A_697 = arith.addf %gather3A_695, %mul3A_696 : vector<16xf32>
          %reshape3A_698 = vector.shape_cast %max3A_72 : vector<16xi32> to vector<16x1xi32>
          %gather3A_699 = vector.shape_cast %reshape3A_698 : vector<16x1xi32> to vector<16xi32>
          %gather3A_700 = tpu.dynamic_gather %add3A_697[%gather3A_699] in [0] : vector<16xf32>, vector<16xi32> -> vector<16xf32>
          %min3A_701 = arith.minimumf %add3A_697, %gather3A_700 : vector<16xf32>
          %select_n3A_702 = arith.select %and3A, %min3A_701, %add3A_697 : vector<16xi1>, vector<16xf32>
          %reshape3A_703 = vector.shape_cast %max3A_78 : vector<16xi32> to vector<16x1xi32>
          %gather3A_704 = vector.shape_cast %reshape3A_703 : vector<16x1xi32> to vector<16xi32>
          %gather3A_705 = tpu.dynamic_gather %select_n3A_702[%gather3A_704] in [0] : vector<16xf32>, vector<16xi32> -> vector<16xf32>
          %min3A_706 = arith.minimumf %select_n3A_702, %gather3A_705 : vector<16xf32>
          %select_n3A_707 = arith.select %and3A_660, %min3A_706, %select_n3A_702 : vector<16xi1>, vector<16xf32>
          %reshape3A_708 = vector.shape_cast %max3A_84 : vector<16xi32> to vector<16x1xi32>
          %gather3A_709 = vector.shape_cast %reshape3A_708 : vector<16x1xi32> to vector<16xi32>
          %gather3A_710 = tpu.dynamic_gather %select_n3A_707[%gather3A_709] in [0] : vector<16xf32>, vector<16xi32> -> vector<16xf32>
          %min3A_711 = arith.minimumf %select_n3A_707, %gather3A_710 : vector<16xf32>
          %select_n3A_712 = arith.select %and3A_665, %min3A_711, %select_n3A_707 : vector<16xi1>, vector<16xf32>
          %reshape3A_713 = vector.shape_cast %max3A_90 : vector<16xi32> to vector<16x1xi32>
          %gather3A_714 = vector.shape_cast %reshape3A_713 : vector<16x1xi32> to vector<16xi32>
          %gather3A_715 = tpu.dynamic_gather %select_n3A_712[%gather3A_714] in [0] : vector<16xf32>, vector<16xi32> -> vector<16xf32>
          %min3A_716 = arith.minimumf %select_n3A_712, %gather3A_715 : vector<16xf32>
          %select_n3A_717 = arith.select %and3A_670, %min3A_716, %select_n3A_712 : vector<16xi1>, vector<16xf32>
          %gather3A_718 = tpu.vector_load_idx %arg9[%masked_sort3A_643] : memref<10000xf32, #tpu.memory_space<vmem>>[vector<16xi32>], vector<16xf32>,
          %min3A_719 = arith.minimumf %gather3A_718, %select_n3A_717 : vector<16xf32>
          tpu.vector_store_idx %arg9[%masked_sort3A_643], %min3A_719 masked %or3A : memref<10000xf32, #tpu.memory_space<vmem>>[vector<16xi32>], vector<16xf32>, vector<16xi1>
          %gather3A_720 = tpu.vector_load_idx %arg14[%gather3A_645] : memref<10000xf32, #tpu.memory_space<vmem>>[vector<16xi32>], vector<16xf32>,
          %mul3A_721 = arith.mulf %gather3A_648, %gather3A_52 : vector<16xf32>
          %add3A_722 = arith.addf %gather3A_720, %mul3A_721 : vector<16xf32>
          %reshape3A_723 = vector.shape_cast %max3A_72 : vector<16xi32> to vector<16x1xi32>
          %gather3A_724 = vector.shape_cast %reshape3A_723 : vector<16x1xi32> to vector<16xi32>
          %gather3A_725 = tpu.dynamic_gather %add3A_722[%gather3A_724] in [0] : vector<16xf32>, vector<16xi32> -> vector<16xf32>
          %min3A_726 = arith.minimumf %add3A_722, %gather3A_725 : vector<16xf32>
          %select_n3A_727 = arith.select %and3A, %min3A_726, %add3A_722 : vector<16xi1>, vector<16xf32>
          %reshape3A_728 = vector.shape_cast %max3A_78 : vector<16xi32> to vector<16x1xi32>
          %gather3A_729 = vector.shape_cast %reshape3A_728 : vector<16x1xi32> to vector<16xi32>
          %gather3A_730 = tpu.dynamic_gather %select_n3A_727[%gather3A_729] in [0] : vector<16xf32>, vector<16xi32> -> vector<16xf32>
          %min3A_731 = arith.minimumf %select_n3A_727, %gather3A_730 : vector<16xf32>
          %select_n3A_732 = arith.select %and3A_660, %min3A_731, %select_n3A_727 : vector<16xi1>, vector<16xf32>
          %reshape3A_733 = vector.shape_cast %max3A_84 : vector<16xi32> to vector<16x1xi32>
          %gather3A_734 = vector.shape_cast %reshape3A_733 : vector<16x1xi32> to vector<16xi32>
          %gather3A_735 = tpu.dynamic_gather %select_n3A_732[%gather3A_734] in [0] : vector<16xf32>, vector<16xi32> -> vector<16xf32>
          %min3A_736 = arith.minimumf %select_n3A_732, %gather3A_735 : vector<16xf32>
          %select_n3A_737 = arith.select %and3A_665, %min3A_736, %select_n3A_732 : vector<16xi1>, vector<16xf32>
          %reshape3A_738 = vector.shape_cast %max3A_90 : vector<16xi32> to vector<16x1xi32>
          %gather3A_739 = vector.shape_cast %reshape3A_738 : vector<16x1xi32> to vector<16xi32>
          %gather3A_740 = tpu.dynamic_gather %select_n3A_737[%gather3A_739] in [0] : vector<16xf32>, vector<16xi32> -> vector<16xf32>
          %min3A_741 = arith.minimumf %select_n3A_737, %gather3A_740 : vector<16xf32>
          %select_n3A_742 = arith.select %and3A_670, %min3A_741, %select_n3A_737 : vector<16xi1>, vector<16xf32>
          %gather3A_743 = tpu.vector_load_idx %arg10[%masked_sort3A_643] : memref<10000xf32, #tpu.memory_space<vmem>>[vector<16xi32>], vector<16xf32>,
          %min3A_744 = arith.minimumf %gather3A_743, %select_n3A_742 : vector<16xf32>
          tpu.vector_store_idx %arg10[%masked_sort3A_643], %min3A_744 masked %or3A : memref<10000xf32, #tpu.memory_space<vmem>>[vector<16xi32>], vector<16xf32>, vector<16xi1>
          %gather3A_745 = tpu.vector_load_idx %arg15[%gather3A_645] : memref<10000xf32, #tpu.memory_space<vmem>>[vector<16xi32>], vector<16xf32>,
          %mul3A_746 = arith.mulf %gather3A_648, %gather3A_61 : vector<16xf32>
          %add3A_747 = arith.addf %gather3A_745, %mul3A_746 : vector<16xf32>
          %reshape3A_748 = vector.shape_cast %max3A_72 : vector<16xi32> to vector<16x1xi32>
          %gather3A_749 = vector.shape_cast %reshape3A_748 : vector<16x1xi32> to vector<16xi32>
          %gather3A_750 = tpu.dynamic_gather %add3A_747[%gather3A_749] in [0] : vector<16xf32>, vector<16xi32> -> vector<16xf32>
          %min3A_751 = arith.minimumf %add3A_747, %gather3A_750 : vector<16xf32>
          %select_n3A_752 = arith.select %and3A, %min3A_751, %add3A_747 : vector<16xi1>, vector<16xf32>
          %reshape3A_753 = vector.shape_cast %max3A_78 : vector<16xi32> to vector<16x1xi32>
          %gather3A_754 = vector.shape_cast %reshape3A_753 : vector<16x1xi32> to vector<16xi32>
          %gather3A_755 = tpu.dynamic_gather %select_n3A_752[%gather3A_754] in [0] : vector<16xf32>, vector<16xi32> -> vector<16xf32>
          %min3A_756 = arith.minimumf %select_n3A_752, %gather3A_755 : vector<16xf32>
          %select_n3A_757 = arith.select %and3A_660, %min3A_756, %select_n3A_752 : vector<16xi1>, vector<16xf32>
          %reshape3A_758 = vector.shape_cast %max3A_84 : vector<16xi32> to vector<16x1xi32>
          %gather3A_759 = vector.shape_cast %reshape3A_758 : vector<16x1xi32> to vector<16xi32>
          %gather3A_760 = tpu.dynamic_gather %select_n3A_757[%gather3A_759] in [0] : vector<16xf32>, vector<16xi32> -> vector<16xf32>
          %min3A_761 = arith.minimumf %select_n3A_757, %gather3A_760 : vector<16xf32>
          %select_n3A_762 = arith.select %and3A_665, %min3A_761, %select_n3A_757 : vector<16xi1>, vector<16xf32>
          %reshape3A_763 = vector.shape_cast %max3A_90 : vector<16xi32> to vector<16x1xi32>
          %gather3A_764 = vector.shape_cast %reshape3A_763 : vector<16x1xi32> to vector<16xi32>
          %gather3A_765 = tpu.dynamic_gather %select_n3A_762[%gather3A_764] in [0] : vector<16xf32>, vector<16xi32> -> vector<16xf32>
          %min3A_766 = arith.minimumf %select_n3A_762, %gather3A_765 : vector<16xf32>
          %select_n3A_767 = arith.select %and3A_670, %min3A_766, %select_n3A_762 : vector<16xi1>, vector<16xf32>
          %gather3A_768 = tpu.vector_load_idx %arg11[%masked_sort3A_643] : memref<10000xf32, #tpu.memory_space<vmem>>[vector<16xi32>], vector<16xf32>,
          %min3A_769 = arith.minimumf %gather3A_768, %select_n3A_767 : vector<16xf32>
          tpu.vector_store_idx %arg11[%masked_sort3A_643], %min3A_769 masked %or3A : memref<10000xf32, #tpu.memory_space<vmem>>[vector<16xi32>], vector<16xf32>, vector<16xi1>
        } else {
        }
      }
      %scan3A_214 = arith.constant 50 : i32
      %add3A_215 = arith.constant 2 : i32
      %add3A_216 = arith.addi %add3A_188, %add3A_215 : i32
      %lt3A = arith.constant 50 : i32
      %lt3A_217 = arith.cmpi slt, %add3A_216, %lt3A : i32
      %convert_element_type3A = arith.extui %lt3A_217 : i1 to i32
      %cond3A = arith.constant 0 : i32
      %cond3A_218 = arith.cmpi ne, %convert_element_type3A, %cond3A : i32
      scf.if %cond3A_218 {
        %add3A_257 = arith.constant 2 : i32
        %add3A_258 = arith.addi %add3A_188, %add3A_257 : i32
        %mul3A_259 = arith.constant 6400 : i32
        %mul3A_260 = arith.muli %add3A_258, %mul3A_259 : i32
        %multiple_of3A_261 = tpu.assume_multiple %mul3A_260, 8 : i32
        %dma_start3A_262 = arith.constant 0 : i32
        %dma_start3A_263 = tpu.memref_slice %arg4[%multiple_of3A_261] : memref<320000xi32, #tpu.memory_space<hbm>> -> memref<6400xi32, #tpu.memory_space<hbm>>
        %dma_start3A_264 = tpu.memref_slice %arg23[%dma_start3A_262] : memref<6x!tpu.dma_semaphore, #tpu.memory_space<semaphore_mem>> -> memref<1x!tpu.dma_semaphore, #tpu.memory_space<semaphore_mem>>
        %dma_start3A_265 = tpu.memref_squeeze %dma_start3A_264 : memref<1x!tpu.dma_semaphore, #tpu.memory_space<semaphore_mem>> -> memref<!tpu.dma_semaphore, #tpu.memory_space<semaphore_mem>>
        %dma_start3A_266 = tpu.memref_slice %arg4[%multiple_of3A_261] : memref<320000xi32, #tpu.memory_space<hbm>> -> memref<6400xi32, #tpu.memory_space<hbm>>
        tpu.enqueue_dma source(%dma_start3A_266 : memref<6400xi32, #tpu.memory_space<hbm>>) target(%arg16 : memref<6400xi32, #tpu.memory_space<vmem>>) target_semaphore(%dma_start3A_265 : memref<!tpu.dma_semaphore, #tpu.memory_space<semaphore_mem>>)
        %dma_start3A_267 = arith.constant 1 : i32
        %dma_start3A_268 = tpu.memref_slice %arg3[%multiple_of3A_261] : memref<320000xi32, #tpu.memory_space<hbm>> -> memref<6400xi32, #tpu.memory_space<hbm>>
        %dma_start3A_269 = tpu.memref_slice %arg23[%dma_start3A_267] : memref<6x!tpu.dma_semaphore, #tpu.memory_space<semaphore_mem>> -> memref<1x!tpu.dma_semaphore, #tpu.memory_space<semaphore_mem>>
        %dma_start3A_270 = tpu.memref_squeeze %dma_start3A_269 : memref<1x!tpu.dma_semaphore, #tpu.memory_space<semaphore_mem>> -> memref<!tpu.dma_semaphore, #tpu.memory_space<semaphore_mem>>
        %dma_start3A_271 = tpu.memref_slice %arg3[%multiple_of3A_261] : memref<320000xi32, #tpu.memory_space<hbm>> -> memref<6400xi32, #tpu.memory_space<hbm>>
        tpu.enqueue_dma source(%dma_start3A_271 : memref<6400xi32, #tpu.memory_space<hbm>>) target(%arg18 : memref<6400xi32, #tpu.memory_space<vmem>>) target_semaphore(%dma_start3A_270 : memref<!tpu.dma_semaphore, #tpu.memory_space<semaphore_mem>>)
        %dma_start3A_272 = arith.constant 2 : i32
        %dma_start3A_273 = tpu.memref_slice %arg5[%multiple_of3A_261] : memref<320000xf32, #tpu.memory_space<hbm>> -> memref<6400xf32, #tpu.memory_space<hbm>>
        %dma_start3A_274 = tpu.memref_slice %arg23[%dma_start3A_272] : memref<6x!tpu.dma_semaphore, #tpu.memory_space<semaphore_mem>> -> memref<1x!tpu.dma_semaphore, #tpu.memory_space<semaphore_mem>>
        %dma_start3A_275 = tpu.memref_squeeze %dma_start3A_274 : memref<1x!tpu.dma_semaphore, #tpu.memory_space<semaphore_mem>> -> memref<!tpu.dma_semaphore, #tpu.memory_space<semaphore_mem>>
        %dma_start3A_276 = tpu.memref_slice %arg5[%multiple_of3A_261] : memref<320000xf32, #tpu.memory_space<hbm>> -> memref<6400xf32, #tpu.memory_space<hbm>>
        tpu.enqueue_dma source(%dma_start3A_276 : memref<6400xf32, #tpu.memory_space<hbm>>) target(%arg20 : memref<6400xf32, #tpu.memory_space<vmem>>) target_semaphore(%dma_start3A_275 : memref<!tpu.dma_semaphore, #tpu.memory_space<semaphore_mem>>)
      } else {
      }
      %mul3A_219 = arith.constant 2 : i32
      %mul3A_220 = arith.muli %scan3A_184, %mul3A_219 : i32
      %add3A_221 = arith.constant 1 : i32
      %add3A_222 = arith.addi %mul3A_220, %add3A_221 : i32
      %dma_wait3A_223 = arith.constant 3 : i32
      %dma_wait3A_224 = arith.constant 0 : i32
      %dma_wait3A_225 = tpu.memref_slice %arg4[%dma_wait3A_224] : memref<320000xi32, #tpu.memory_space<hbm>> -> memref<6400xi32, #tpu.memory_space<hbm>>
      %dma_wait3A_226 = tpu.memref_slice %arg23[%dma_wait3A_223] : memref<6x!tpu.dma_semaphore, #tpu.memory_space<semaphore_mem>> -> memref<1x!tpu.dma_semaphore, #tpu.memory_space<semaphore_mem>>
      %dma_wait3A_227 = tpu.memref_squeeze %dma_wait3A_226 : memref<1x!tpu.dma_semaphore, #tpu.memory_space<semaphore_mem>> -> memref<!tpu.dma_semaphore, #tpu.memory_space<semaphore_mem>>
      %dma_wait3A_228 = arith.constant 0 : i32
      %dma_wait3A_229 = tpu.memref_slice %arg4[%dma_wait3A_228] : memref<320000xi32, #tpu.memory_space<hbm>> -> memref<6400xi32, #tpu.memory_space<hbm>>
      tpu.wait_dma2 semaphore(%dma_wait3A_227 : memref<!tpu.dma_semaphore, #tpu.memory_space<semaphore_mem>>) src(%dma_wait3A_229 : memref<6400xi32, #tpu.memory_space<hbm>>) dst(%arg17 : memref<6400xi32, #tpu.memory_space<vmem>>)
      %dma_wait3A_230 = arith.constant 4 : i32
      %dma_wait3A_231 = arith.constant 0 : i32
      %dma_wait3A_232 = tpu.memref_slice %arg3[%dma_wait3A_231] : memref<320000xi32, #tpu.memory_space<hbm>> -> memref<6400xi32, #tpu.memory_space<hbm>>
      %dma_wait3A_233 = tpu.memref_slice %arg23[%dma_wait3A_230] : memref<6x!tpu.dma_semaphore, #tpu.memory_space<semaphore_mem>> -> memref<1x!tpu.dma_semaphore, #tpu.memory_space<semaphore_mem>>
      %dma_wait3A_234 = tpu.memref_squeeze %dma_wait3A_233 : memref<1x!tpu.dma_semaphore, #tpu.memory_space<semaphore_mem>> -> memref<!tpu.dma_semaphore, #tpu.memory_space<semaphore_mem>>
      %dma_wait3A_235 = arith.constant 0 : i32
      %dma_wait3A_236 = tpu.memref_slice %arg3[%dma_wait3A_235] : memref<320000xi32, #tpu.memory_space<hbm>> -> memref<6400xi32, #tpu.memory_space<hbm>>
      tpu.wait_dma2 semaphore(%dma_wait3A_234 : memref<!tpu.dma_semaphore, #tpu.memory_space<semaphore_mem>>) src(%dma_wait3A_236 : memref<6400xi32, #tpu.memory_space<hbm>>) dst(%arg19 : memref<6400xi32, #tpu.memory_space<vmem>>)
      %dma_wait3A_237 = arith.constant 5 : i32
      %dma_wait3A_238 = arith.constant 0 : i32
      %dma_wait3A_239 = tpu.memref_slice %arg5[%dma_wait3A_238] : memref<320000xf32, #tpu.memory_space<hbm>> -> memref<6400xf32, #tpu.memory_space<hbm>>
      %dma_wait3A_240 = tpu.memref_slice %arg23[%dma_wait3A_237] : memref<6x!tpu.dma_semaphore, #tpu.memory_space<semaphore_mem>> -> memref<1x!tpu.dma_semaphore, #tpu.memory_space<semaphore_mem>>
      %dma_wait3A_241 = tpu.memref_squeeze %dma_wait3A_240 : memref<1x!tpu.dma_semaphore, #tpu.memory_space<semaphore_mem>> -> memref<!tpu.dma_semaphore, #tpu.memory_space<semaphore_mem>>
      %dma_wait3A_242 = arith.constant 0 : i32
      %dma_wait3A_243 = tpu.memref_slice %arg5[%dma_wait3A_242] : memref<320000xf32, #tpu.memory_space<hbm>> -> memref<6400xf32, #tpu.memory_space<hbm>>
      tpu.wait_dma2 semaphore(%dma_wait3A_241 : memref<!tpu.dma_semaphore, #tpu.memory_space<semaphore_mem>>) src(%dma_wait3A_243 : memref<6400xf32, #tpu.memory_space<hbm>>) dst(%arg21 : memref<6400xf32, #tpu.memory_space<vmem>>)
      %scan3A_244 = arith.constant 0 : i32
      %scan3A_245 = arith.constant 0 : i32
      %scan3A_246 = arith.constant 50 : i32
      %scan3A_247 = arith.addi %scan3A_245, %scan3A_246 : i32
      %scan3A_248 = arith.constant 1 : i32
      scf.for %scan3A_257 = %scan3A_245 to %scan3A_247 step %scan3A_248  : i32 {
        %mul3A_258 = arith.constant 8 : i32
        %mul3A_259 = arith.muli %scan3A_257, %mul3A_258 : i32
        %add3A_260 = arith.constant 0 : i32
        %add3A_261 = arith.addi %mul3A_259, %add3A_260 : i32
        %mul3A_262 = arith.constant 16 : i32
        %mul3A_263 = arith.muli %add3A_261, %mul3A_262 : i32
        %get3A = arith.index_cast %mul3A_263 : i32 to index
        %get3A_264 = tpu.vector_load %arg17[%get3A] {strides = array<i32>} : memref<6400xi32, #tpu.memory_space<vmem>>, vector<16xi32>,
        %mul3A_265 = arith.constant 16 : i32
        %mul3A_266 = arith.muli %add3A_261, %mul3A_265 : i32
        %get3A_267 = arith.index_cast %mul3A_266 : i32 to index
        %get3A_268 = tpu.vector_load %arg19[%get3A_267] {strides = array<i32>} : memref<6400xi32, #tpu.memory_space<vmem>>, vector<16xi32>,
        %mul3A_269 = arith.constant 16 : i32
        %mul3A_270 = arith.muli %add3A_261, %mul3A_269 : i32
        %get3A_271 = arith.index_cast %mul3A_270 : i32 to index
        %get3A_272 = tpu.vector_load %arg21[%get3A_271] {strides = array<i32>} : memref<6400xf32, #tpu.memory_space<vmem>>, vector<16xf32>,
        %broadcast_in_dim3A_273 = arith.constant true
        %broadcast_in_dim3A_274 = vector.broadcast %broadcast_in_dim3A_273 : i1 to vector<16xi1>
        %unique3A, %unique3A_275 = tpu.scan_count mask(%broadcast_in_dim3A_274 : vector<16xi1>) value(%get3A_264 : vector<16xi32>) : vector<16xi1>, vector<16xi32>
        %all_reduce_population_count3A = tpu.all_reduce %unique3A {dim = 0 : i64, kind = #tpu.reduction_kind<sum>} : vector<16xi1> -> vector<16xi32>
        %gather3A_276 = tpu.vector_load_idx %arg12[%get3A_268] : memref<10000xf32, #tpu.memory_space<vmem>>[vector<16xi32>], vector<16xf32>,
        %mul3A_277 = arith.mulf %get3A_272, %gather3A : vector<16xf32>
        %add3A_278 = arith.addf %gather3A_276, %mul3A_277 : vector<16xf32>
        %gather3A_279 = tpu.vector_load_idx %arg8[%get3A_264] : memref<10000xf32, #tpu.memory_space<vmem>>[vector<16xi32>], vector<16xf32>,
        %min3A_280 = arith.minimumf %gather3A_279, %add3A_278 : vector<16xf32>
        tpu.vector_store_idx %arg8[%get3A_264], %min3A_280 : memref<10000xf32, #tpu.memory_space<vmem>>[vector<16xi32>], vector<16xf32>,
        %gather3A_281 = tpu.vector_load_idx %arg13[%get3A_268] : memref<10000xf32, #tpu.memory_space<vmem>>[vector<16xi32>], vector<16xf32>,
        %mul3A_282 = arith.mulf %get3A_272, %gather3A_43 : vector<16xf32>
        %add3A_283 = arith.addf %gather3A_281, %mul3A_282 : vector<16xf32>
        %gather3A_284 = tpu.vector_load_idx %arg9[%get3A_264] : memref<10000xf32, #tpu.memory_space<vmem>>[vector<16xi32>], vector<16xf32>,
        %min3A_285 = arith.minimumf %gather3A_284, %add3A_283 : vector<16xf32>
        tpu.vector_store_idx %arg9[%get3A_264], %min3A_285 : memref<10000xf32, #tpu.memory_space<vmem>>[vector<16xi32>], vector<16xf32>,
        %gather3A_286 = tpu.vector_load_idx %arg14[%get3A_268] : memref<10000xf32, #tpu.memory_space<vmem>>[vector<16xi32>], vector<16xf32>,
        %mul3A_287 = arith.mulf %get3A_272, %gather3A_52 : vector<16xf32>
        %add3A_288 = arith.addf %gather3A_286, %mul3A_287 : vector<16xf32>
        %gather3A_289 = tpu.vector_load_idx %arg10[%get3A_264] : memref<10000xf32, #tpu.memory_space<vmem>>[vector<16xi32>], vector<16xf32>,
        %min3A_290 = arith.minimumf %gather3A_289, %add3A_288 : vector<16xf32>
        tpu.vector_store_idx %arg10[%get3A_264], %min3A_290 : memref<10000xf32, #tpu.memory_space<vmem>>[vector<16xi32>], vector<16xf32>,
        %gather3A_291 = tpu.vector_load_idx %arg15[%get3A_268] : memref<10000xf32, #tpu.memory_space<vmem>>[vector<16xi32>], vector<16xf32>,
        %mul3A_292 = arith.mulf %get3A_272, %gather3A_61 : vector<16xf32>
        %add3A_293 = arith.addf %gather3A_291, %mul3A_292 : vector<16xf32>
        %gather3A_294 = tpu.vector_load_idx %arg11[%get3A_264] : memref<10000xf32, #tpu.memory_space<vmem>>[vector<16xi32>], vector<16xf32>,
        %min3A_295 = arith.minimumf %gather3A_294, %add3A_293 : vector<16xf32>
        tpu.vector_store_idx %arg11[%get3A_264], %min3A_295 : memref<10000xf32, #tpu.memory_space<vmem>>[vector<16xi32>], vector<16xf32>,
        %slice3A = vector.extract_strided_slice %all_reduce_population_count3A {offsets = [0], sizes = [1], strides = [1]} : vector<16xi32> to vector<1xi32>
        %squeeze3A = vector.extract %slice3A[0] : i32 from vector<1xi32>
        %lt3A_296 = arith.constant 16 : i32
        %lt3A_297 = arith.cmpi slt, %squeeze3A, %lt3A_296 : i32
        %convert_element_type3A_298 = arith.extui %lt3A_297 : i1 to i32
        %cond3A_299 = arith.constant 0 : i32
        %cond3A_300 = arith.cmpi ne, %convert_element_type3A_298, %cond3A_299 : i32
        scf.if %cond3A_300 {
          %masked_sort3A = arith.constant dense<true> : vector<16xi1>
          %masked_sort3A_637 = arith.constant -2147483648 : i32
          %masked_sort3A_638 = vector.broadcast %masked_sort3A_637 : i32 to vector<16xi32>
          %masked_sort3A_639 = arith.xori %get3A_264, %masked_sort3A_638 : vector<16xi32>
          %masked_sort3A_640, %masked_sort3A_641, %masked_sort3A_642 = tpu.sort %masked_sort3A_639, %iota3A masked %masked_sort3A : (vector<16xi32>, vector<16xi32>, vector<16xi1>) -> (vector<16xi1>, vector<16xi32>, vector<16xi32>)
          %masked_sort3A_643 = arith.xori %masked_sort3A_641, %masked_sort3A_638 : vector<16xi32>
          %reshape3A = vector.shape_cast %masked_sort3A_642 : vector<16xi32> to vector<16x1xi32>
          %gather3A_644 = vector.shape_cast %reshape3A : vector<16x1xi32> to vector<16xi32>
          %gather3A_645 = tpu.dynamic_gather %get3A_268[%gather3A_644] in [0] : vector<16xi32>, vector<16xi32> -> vector<16xi32>
          %reshape3A_646 = vector.shape_cast %masked_sort3A_642 : vector<16xi32> to vector<16x1xi32>
          %gather3A_647 = vector.shape_cast %reshape3A_646 : vector<16x1xi32> to vector<16xi32>
          %gather3A_648 = tpu.dynamic_gather %get3A_272[%gather3A_647] in [0] : vector<16xf32>, vector<16xi32> -> vector<16xf32>
          %reshape3A_649 = vector.shape_cast %min3A_106 : vector<16xi32> to vector<16x1xi32>
          %gather3A_650 = vector.shape_cast %reshape3A_649 : vector<16x1xi32> to vector<16xi32>
          %gather3A_651 = tpu.dynamic_gather %masked_sort3A_643[%gather3A_650] in [0] : vector<16xi32>, vector<16xi32> -> vector<16xi32>
          %ne3A = arith.cmpi ne, %masked_sort3A_643, %gather3A_651 : vector<16xi32>
          %or3A = arith.ori %eq3A_108, %ne3A : vector<16xi1>
          %reshape3A_652 = vector.shape_cast %max3A_72 : vector<16xi32> to vector<16x1xi32>
          %gather3A_653 = vector.shape_cast %reshape3A_652 : vector<16x1xi32> to vector<16xi32>
          %gather3A_654 = tpu.dynamic_gather %masked_sort3A_643[%gather3A_653] in [0] : vector<16xi32>, vector<16xi32> -> vector<16xi32>
          %eq3A_655 = arith.cmpi eq, %masked_sort3A_643, %gather3A_654 : vector<16xi32>
          %and3A = arith.andi %ge3A_92, %eq3A_655 : vector<16xi1>
          %reshape3A_656 = vector.shape_cast %max3A_78 : vector<16xi32> to vector<16x1xi32>
          %gather3A_657 = vector.shape_cast %reshape3A_656 : vector<16x1xi32> to vector<16xi32>
          %gather3A_658 = tpu.dynamic_gather %masked_sort3A_643[%gather3A_657] in [0] : vector<16xi32>, vector<16xi32> -> vector<16xi32>
          %eq3A_659 = arith.cmpi eq, %masked_sort3A_643, %gather3A_658 : vector<16xi32>
          %and3A_660 = arith.andi %ge3A_95, %eq3A_659 : vector<16xi1>
          %reshape3A_661 = vector.shape_cast %max3A_84 : vector<16xi32> to vector<16x1xi32>
          %gather3A_662 = vector.shape_cast %reshape3A_661 : vector<16x1xi32> to vector<16xi32>
          %gather3A_663 = tpu.dynamic_gather %masked_sort3A_643[%gather3A_662] in [0] : vector<16xi32>, vector<16xi32> -> vector<16xi32>
          %eq3A_664 = arith.cmpi eq, %masked_sort3A_643, %gather3A_663 : vector<16xi32>
          %and3A_665 = arith.andi %ge3A_98, %eq3A_664 : vector<16xi1>
          %reshape3A_666 = vector.shape_cast %max3A_90 : vector<16xi32> to vector<16x1xi32>
          %gather3A_667 = vector.shape_cast %reshape3A_666 : vector<16x1xi32> to vector<16xi32>
          %gather3A_668 = tpu.dynamic_gather %masked_sort3A_643[%gather3A_667] in [0] : vector<16xi32>, vector<16xi32> -> vector<16xi32>
          %eq3A_669 = arith.cmpi eq, %masked_sort3A_643, %gather3A_668 : vector<16xi32>
          %and3A_670 = arith.andi %ge3A_101, %eq3A_669 : vector<16xi1>
          %gather3A_671 = tpu.vector_load_idx %arg12[%gather3A_645] : memref<10000xf32, #tpu.memory_space<vmem>>[vector<16xi32>], vector<16xf32>,
          %mul3A_672 = arith.mulf %gather3A_648, %gather3A : vector<16xf32>
          %add3A_673 = arith.addf %gather3A_671, %mul3A_672 : vector<16xf32>
          %reshape3A_674 = vector.shape_cast %max3A_72 : vector<16xi32> to vector<16x1xi32>
          %gather3A_675 = vector.shape_cast %reshape3A_674 : vector<16x1xi32> to vector<16xi32>
          %gather3A_676 = tpu.dynamic_gather %add3A_673[%gather3A_675] in [0] : vector<16xf32>, vector<16xi32> -> vector<16xf32>
          %min3A_677 = arith.minimumf %add3A_673, %gather3A_676 : vector<16xf32>
          %select_n3A = arith.select %and3A, %min3A_677, %add3A_673 : vector<16xi1>, vector<16xf32>
          %reshape3A_678 = vector.shape_cast %max3A_78 : vector<16xi32> to vector<16x1xi32>
          %gather3A_679 = vector.shape_cast %reshape3A_678 : vector<16x1xi32> to vector<16xi32>
          %gather3A_680 = tpu.dynamic_gather %select_n3A[%gather3A_679] in [0] : vector<16xf32>, vector<16xi32> -> vector<16xf32>
          %min3A_681 = arith.minimumf %select_n3A, %gather3A_680 : vector<16xf32>
          %select_n3A_682 = arith.select %and3A_660, %min3A_681, %select_n3A : vector<16xi1>, vector<16xf32>
          %reshape3A_683 = vector.shape_cast %max3A_84 : vector<16xi32> to vector<16x1xi32>
          %gather3A_684 = vector.shape_cast %reshape3A_683 : vector<16x1xi32> to vector<16xi32>
          %gather3A_685 = tpu.dynamic_gather %select_n3A_682[%gather3A_684] in [0] : vector<16xf32>, vector<16xi32> -> vector<16xf32>
          %min3A_686 = arith.minimumf %select_n3A_682, %gather3A_685 : vector<16xf32>
          %select_n3A_687 = arith.select %and3A_665, %min3A_686, %select_n3A_682 : vector<16xi1>, vector<16xf32>
          %reshape3A_688 = vector.shape_cast %max3A_90 : vector<16xi32> to vector<16x1xi32>
          %gather3A_689 = vector.shape_cast %reshape3A_688 : vector<16x1xi32> to vector<16xi32>
          %gather3A_690 = tpu.dynamic_gather %select_n3A_687[%gather3A_689] in [0] : vector<16xf32>, vector<16xi32> -> vector<16xf32>
          %min3A_691 = arith.minimumf %select_n3A_687, %gather3A_690 : vector<16xf32>
          %select_n3A_692 = arith.select %and3A_670, %min3A_691, %select_n3A_687 : vector<16xi1>, vector<16xf32>
          %gather3A_693 = tpu.vector_load_idx %arg8[%masked_sort3A_643] : memref<10000xf32, #tpu.memory_space<vmem>>[vector<16xi32>], vector<16xf32>,
          %min3A_694 = arith.minimumf %gather3A_693, %select_n3A_692 : vector<16xf32>
          tpu.vector_store_idx %arg8[%masked_sort3A_643], %min3A_694 masked %or3A : memref<10000xf32, #tpu.memory_space<vmem>>[vector<16xi32>], vector<16xf32>, vector<16xi1>
          %gather3A_695 = tpu.vector_load_idx %arg13[%gather3A_645] : memref<10000xf32, #tpu.memory_space<vmem>>[vector<16xi32>], vector<16xf32>,
          %mul3A_696 = arith.mulf %gather3A_648, %gather3A_43 : vector<16xf32>
          %add3A_697 = arith.addf %gather3A_695, %mul3A_696 : vector<16xf32>
          %reshape3A_698 = vector.shape_cast %max3A_72 : vector<16xi32> to vector<16x1xi32>
          %gather3A_699 = vector.shape_cast %reshape3A_698 : vector<16x1xi32> to vector<16xi32>
          %gather3A_700 = tpu.dynamic_gather %add3A_697[%gather3A_699] in [0] : vector<16xf32>, vector<16xi32> -> vector<16xf32>
          %min3A_701 = arith.minimumf %add3A_697, %gather3A_700 : vector<16xf32>
          %select_n3A_702 = arith.select %and3A, %min3A_701, %add3A_697 : vector<16xi1>, vector<16xf32>
          %reshape3A_703 = vector.shape_cast %max3A_78 : vector<16xi32> to vector<16x1xi32>
          %gather3A_704 = vector.shape_cast %reshape3A_703 : vector<16x1xi32> to vector<16xi32>
          %gather3A_705 = tpu.dynamic_gather %select_n3A_702[%gather3A_704] in [0] : vector<16xf32>, vector<16xi32> -> vector<16xf32>
          %min3A_706 = arith.minimumf %select_n3A_702, %gather3A_705 : vector<16xf32>
          %select_n3A_707 = arith.select %and3A_660, %min3A_706, %select_n3A_702 : vector<16xi1>, vector<16xf32>
          %reshape3A_708 = vector.shape_cast %max3A_84 : vector<16xi32> to vector<16x1xi32>
          %gather3A_709 = vector.shape_cast %reshape3A_708 : vector<16x1xi32> to vector<16xi32>
          %gather3A_710 = tpu.dynamic_gather %select_n3A_707[%gather3A_709] in [0] : vector<16xf32>, vector<16xi32> -> vector<16xf32>
          %min3A_711 = arith.minimumf %select_n3A_707, %gather3A_710 : vector<16xf32>
          %select_n3A_712 = arith.select %and3A_665, %min3A_711, %select_n3A_707 : vector<16xi1>, vector<16xf32>
          %reshape3A_713 = vector.shape_cast %max3A_90 : vector<16xi32> to vector<16x1xi32>
          %gather3A_714 = vector.shape_cast %reshape3A_713 : vector<16x1xi32> to vector<16xi32>
          %gather3A_715 = tpu.dynamic_gather %select_n3A_712[%gather3A_714] in [0] : vector<16xf32>, vector<16xi32> -> vector<16xf32>
          %min3A_716 = arith.minimumf %select_n3A_712, %gather3A_715 : vector<16xf32>
          %select_n3A_717 = arith.select %and3A_670, %min3A_716, %select_n3A_712 : vector<16xi1>, vector<16xf32>
          %gather3A_718 = tpu.vector_load_idx %arg9[%masked_sort3A_643] : memref<10000xf32, #tpu.memory_space<vmem>>[vector<16xi32>], vector<16xf32>,
          %min3A_719 = arith.minimumf %gather3A_718, %select_n3A_717 : vector<16xf32>
          tpu.vector_store_idx %arg9[%masked_sort3A_643], %min3A_719 masked %or3A : memref<10000xf32, #tpu.memory_space<vmem>>[vector<16xi32>], vector<16xf32>, vector<16xi1>
          %gather3A_720 = tpu.vector_load_idx %arg14[%gather3A_645] : memref<10000xf32, #tpu.memory_space<vmem>>[vector<16xi32>], vector<16xf32>,
          %mul3A_721 = arith.mulf %gather3A_648, %gather3A_52 : vector<16xf32>
          %add3A_722 = arith.addf %gather3A_720, %mul3A_721 : vector<16xf32>
          %reshape3A_723 = vector.shape_cast %max3A_72 : vector<16xi32> to vector<16x1xi32>
          %gather3A_724 = vector.shape_cast %reshape3A_723 : vector<16x1xi32> to vector<16xi32>
          %gather3A_725 = tpu.dynamic_gather %add3A_722[%gather3A_724] in [0] : vector<16xf32>, vector<16xi32> -> vector<16xf32>
          %min3A_726 = arith.minimumf %add3A_722, %gather3A_725 : vector<16xf32>
          %select_n3A_727 = arith.select %and3A, %min3A_726, %add3A_722 : vector<16xi1>, vector<16xf32>
          %reshape3A_728 = vector.shape_cast %max3A_78 : vector<16xi32> to vector<16x1xi32>
          %gather3A_729 = vector.shape_cast %reshape3A_728 : vector<16x1xi32> to vector<16xi32>
          %gather3A_730 = tpu.dynamic_gather %select_n3A_727[%gather3A_729] in [0] : vector<16xf32>, vector<16xi32> -> vector<16xf32>
          %min3A_731 = arith.minimumf %select_n3A_727, %gather3A_730 : vector<16xf32>
          %select_n3A_732 = arith.select %and3A_660, %min3A_731, %select_n3A_727 : vector<16xi1>, vector<16xf32>
          %reshape3A_733 = vector.shape_cast %max3A_84 : vector<16xi32> to vector<16x1xi32>
          %gather3A_734 = vector.shape_cast %reshape3A_733 : vector<16x1xi32> to vector<16xi32>
          %gather3A_735 = tpu.dynamic_gather %select_n3A_732[%gather3A_734] in [0] : vector<16xf32>, vector<16xi32> -> vector<16xf32>
          %min3A_736 = arith.minimumf %select_n3A_732, %gather3A_735 : vector<16xf32>
          %select_n3A_737 = arith.select %and3A_665, %min3A_736, %select_n3A_732 : vector<16xi1>, vector<16xf32>
          %reshape3A_738 = vector.shape_cast %max3A_90 : vector<16xi32> to vector<16x1xi32>
          %gather3A_739 = vector.shape_cast %reshape3A_738 : vector<16x1xi32> to vector<16xi32>
          %gather3A_740 = tpu.dynamic_gather %select_n3A_737[%gather3A_739] in [0] : vector<16xf32>, vector<16xi32> -> vector<16xf32>
          %min3A_741 = arith.minimumf %select_n3A_737, %gather3A_740 : vector<16xf32>
          %select_n3A_742 = arith.select %and3A_670, %min3A_741, %select_n3A_737 : vector<16xi1>, vector<16xf32>
          %gather3A_743 = tpu.vector_load_idx %arg10[%masked_sort3A_643] : memref<10000xf32, #tpu.memory_space<vmem>>[vector<16xi32>], vector<16xf32>,
          %min3A_744 = arith.minimumf %gather3A_743, %select_n3A_742 : vector<16xf32>
          tpu.vector_store_idx %arg10[%masked_sort3A_643], %min3A_744 masked %or3A : memref<10000xf32, #tpu.memory_space<vmem>>[vector<16xi32>], vector<16xf32>, vector<16xi1>
          %gather3A_745 = tpu.vector_load_idx %arg15[%gather3A_645] : memref<10000xf32, #tpu.memory_space<vmem>>[vector<16xi32>], vector<16xf32>,
          %mul3A_746 = arith.mulf %gather3A_648, %gather3A_61 : vector<16xf32>
          %add3A_747 = arith.addf %gather3A_745, %mul3A_746 : vector<16xf32>
          %reshape3A_748 = vector.shape_cast %max3A_72 : vector<16xi32> to vector<16x1xi32>
          %gather3A_749 = vector.shape_cast %reshape3A_748 : vector<16x1xi32> to vector<16xi32>
          %gather3A_750 = tpu.dynamic_gather %add3A_747[%gather3A_749] in [0] : vector<16xf32>, vector<16xi32> -> vector<16xf32>
          %min3A_751 = arith.minimumf %add3A_747, %gather3A_750 : vector<16xf32>
          %select_n3A_752 = arith.select %and3A, %min3A_751, %add3A_747 : vector<16xi1>, vector<16xf32>
          %reshape3A_753 = vector.shape_cast %max3A_78 : vector<16xi32> to vector<16x1xi32>
          %gather3A_754 = vector.shape_cast %reshape3A_753 : vector<16x1xi32> to vector<16xi32>
          %gather3A_755 = tpu.dynamic_gather %select_n3A_752[%gather3A_754] in [0] : vector<16xf32>, vector<16xi32> -> vector<16xf32>
          %min3A_756 = arith.minimumf %select_n3A_752, %gather3A_755 : vector<16xf32>
          %select_n3A_757 = arith.select %and3A_660, %min3A_756, %select_n3A_752 : vector<16xi1>, vector<16xf32>
          %reshape3A_758 = vector.shape_cast %max3A_84 : vector<16xi32> to vector<16x1xi32>
          %gather3A_759 = vector.shape_cast %reshape3A_758 : vector<16x1xi32> to vector<16xi32>
          %gather3A_760 = tpu.dynamic_gather %select_n3A_757[%gather3A_759] in [0] : vector<16xf32>, vector<16xi32> -> vector<16xf32>
          %min3A_761 = arith.minimumf %select_n3A_757, %gather3A_760 : vector<16xf32>
          %select_n3A_762 = arith.select %and3A_665, %min3A_761, %select_n3A_757 : vector<16xi1>, vector<16xf32>
          %reshape3A_763 = vector.shape_cast %max3A_90 : vector<16xi32> to vector<16x1xi32>
          %gather3A_764 = vector.shape_cast %reshape3A_763 : vector<16x1xi32> to vector<16xi32>
          %gather3A_765 = tpu.dynamic_gather %select_n3A_762[%gather3A_764] in [0] : vector<16xf32>, vector<16xi32> -> vector<16xf32>
          %min3A_766 = arith.minimumf %select_n3A_762, %gather3A_765 : vector<16xf32>
          %select_n3A_767 = arith.select %and3A_670, %min3A_766, %select_n3A_762 : vector<16xi1>, vector<16xf32>
          %gather3A_768 = tpu.vector_load_idx %arg11[%masked_sort3A_643] : memref<10000xf32, #tpu.memory_space<vmem>>[vector<16xi32>], vector<16xf32>,
          %min3A_769 = arith.minimumf %gather3A_768, %select_n3A_767 : vector<16xf32>
          tpu.vector_store_idx %arg11[%masked_sort3A_643], %min3A_769 masked %or3A : memref<10000xf32, #tpu.memory_space<vmem>>[vector<16xi32>], vector<16xf32>, vector<16xi1>
        } else {
        }
        %mul3A_301 = arith.constant 8 : i32
        %mul3A_302 = arith.muli %scan3A_257, %mul3A_301 : i32
        %add3A_303 = arith.constant 1 : i32
        %add3A_304 = arith.addi %mul3A_302, %add3A_303 : i32
        %mul3A_305 = arith.constant 16 : i32
        %mul3A_306 = arith.muli %add3A_304, %mul3A_305 : i32
        %get3A_307 = arith.index_cast %mul3A_306 : i32 to index
        %get3A_308 = tpu.vector_load %arg17[%get3A_307] {strides = array<i32>} : memref<6400xi32, #tpu.memory_space<vmem>>, vector<16xi32>,
        %mul3A_309 = arith.constant 16 : i32
        %mul3A_310 = arith.muli %add3A_304, %mul3A_309 : i32
        %get3A_311 = arith.index_cast %mul3A_310 : i32 to index
        %get3A_312 = tpu.vector_load %arg19[%get3A_311] {strides = array<i32>} : memref<6400xi32, #tpu.memory_space<vmem>>, vector<16xi32>,
        %mul3A_313 = arith.constant 16 : i32
        %mul3A_314 = arith.muli %add3A_304, %mul3A_313 : i32
        %get3A_315 = arith.index_cast %mul3A_314 : i32 to index
        %get3A_316 = tpu.vector_load %arg21[%get3A_315] {strides = array<i32>} : memref<6400xf32, #tpu.memory_space<vmem>>, vector<16xf32>,
        %broadcast_in_dim3A_317 = arith.constant true
        %broadcast_in_dim3A_318 = vector.broadcast %broadcast_in_dim3A_317 : i1 to vector<16xi1>
        %unique3A_319, %unique3A_320 = tpu.scan_count mask(%broadcast_in_dim3A_318 : vector<16xi1>) value(%get3A_308 : vector<16xi32>) : vector<16xi1>, vector<16xi32>
        %all_reduce_population_count3A_321 = tpu.all_reduce %unique3A_319 {dim = 0 : i64, kind = #tpu.reduction_kind<sum>} : vector<16xi1> -> vector<16xi32>
        %gather3A_322 = tpu.vector_load_idx %arg12[%get3A_312] : memref<10000xf32, #tpu.memory_space<vmem>>[vector<16xi32>], vector<16xf32>,
        %mul3A_323 = arith.mulf %get3A_316, %gather3A : vector<16xf32>
        %add3A_324 = arith.addf %gather3A_322, %mul3A_323 : vector<16xf32>
        %gather3A_325 = tpu.vector_load_idx %arg8[%get3A_308] : memref<10000xf32, #tpu.memory_space<vmem>>[vector<16xi32>], vector<16xf32>,
        %min3A_326 = arith.minimumf %gather3A_325, %add3A_324 : vector<16xf32>
        tpu.vector_store_idx %arg8[%get3A_308], %min3A_326 : memref<10000xf32, #tpu.memory_space<vmem>>[vector<16xi32>], vector<16xf32>,
        %gather3A_327 = tpu.vector_load_idx %arg13[%get3A_312] : memref<10000xf32, #tpu.memory_space<vmem>>[vector<16xi32>], vector<16xf32>,
        %mul3A_328 = arith.mulf %get3A_316, %gather3A_43 : vector<16xf32>
        %add3A_329 = arith.addf %gather3A_327, %mul3A_328 : vector<16xf32>
        %gather3A_330 = tpu.vector_load_idx %arg9[%get3A_308] : memref<10000xf32, #tpu.memory_space<vmem>>[vector<16xi32>], vector<16xf32>,
        %min3A_331 = arith.minimumf %gather3A_330, %add3A_329 : vector<16xf32>
        tpu.vector_store_idx %arg9[%get3A_308], %min3A_331 : memref<10000xf32, #tpu.memory_space<vmem>>[vector<16xi32>], vector<16xf32>,
        %gather3A_332 = tpu.vector_load_idx %arg14[%get3A_312] : memref<10000xf32, #tpu.memory_space<vmem>>[vector<16xi32>], vector<16xf32>,
        %mul3A_333 = arith.mulf %get3A_316, %gather3A_52 : vector<16xf32>
        %add3A_334 = arith.addf %gather3A_332, %mul3A_333 : vector<16xf32>
        %gather3A_335 = tpu.vector_load_idx %arg10[%get3A_308] : memref<10000xf32, #tpu.memory_space<vmem>>[vector<16xi32>], vector<16xf32>,
        %min3A_336 = arith.minimumf %gather3A_335, %add3A_334 : vector<16xf32>
        tpu.vector_store_idx %arg10[%get3A_308], %min3A_336 : memref<10000xf32, #tpu.memory_space<vmem>>[vector<16xi32>], vector<16xf32>,
        %gather3A_337 = tpu.vector_load_idx %arg15[%get3A_312] : memref<10000xf32, #tpu.memory_space<vmem>>[vector<16xi32>], vector<16xf32>,
        %mul3A_338 = arith.mulf %get3A_316, %gather3A_61 : vector<16xf32>
        %add3A_339 = arith.addf %gather3A_337, %mul3A_338 : vector<16xf32>
        %gather3A_340 = tpu.vector_load_idx %arg11[%get3A_308] : memref<10000xf32, #tpu.memory_space<vmem>>[vector<16xi32>], vector<16xf32>,
        %min3A_341 = arith.minimumf %gather3A_340, %add3A_339 : vector<16xf32>
        tpu.vector_store_idx %arg11[%get3A_308], %min3A_341 : memref<10000xf32, #tpu.memory_space<vmem>>[vector<16xi32>], vector<16xf32>,
        %slice3A_342 = vector.extract_strided_slice %all_reduce_population_count3A_321 {offsets = [0], sizes = [1], strides = [1]} : vector<16xi32> to vector<1xi32>
        %squeeze3A_343 = vector.extract %slice3A_342[0] : i32 from vector<1xi32>
        %lt3A_344 = arith.constant 16 : i32
        %lt3A_345 = arith.cmpi slt, %squeeze3A_343, %lt3A_344 : i32
        %convert_element_type3A_346 = arith.extui %lt3A_345 : i1 to i32
        %cond3A_347 = arith.constant 0 : i32
        %cond3A_348 = arith.cmpi ne, %convert_element_type3A_346, %cond3A_347 : i32
        scf.if %cond3A_348 {
          %masked_sort3A = arith.constant dense<true> : vector<16xi1>
          %masked_sort3A_637 = arith.constant -2147483648 : i32
          %masked_sort3A_638 = vector.broadcast %masked_sort3A_637 : i32 to vector<16xi32>
          %masked_sort3A_639 = arith.xori %get3A_308, %masked_sort3A_638 : vector<16xi32>
          %masked_sort3A_640, %masked_sort3A_641, %masked_sort3A_642 = tpu.sort %masked_sort3A_639, %iota3A masked %masked_sort3A : (vector<16xi32>, vector<16xi32>, vector<16xi1>) -> (vector<16xi1>, vector<16xi32>, vector<16xi32>)
          %masked_sort3A_643 = arith.xori %masked_sort3A_641, %masked_sort3A_638 : vector<16xi32>
          %reshape3A = vector.shape_cast %masked_sort3A_642 : vector<16xi32> to vector<16x1xi32>
          %gather3A_644 = vector.shape_cast %reshape3A : vector<16x1xi32> to vector<16xi32>
          %gather3A_645 = tpu.dynamic_gather %get3A_312[%gather3A_644] in [0] : vector<16xi32>, vector<16xi32> -> vector<16xi32>
          %reshape3A_646 = vector.shape_cast %masked_sort3A_642 : vector<16xi32> to vector<16x1xi32>
          %gather3A_647 = vector.shape_cast %reshape3A_646 : vector<16x1xi32> to vector<16xi32>
          %gather3A_648 = tpu.dynamic_gather %get3A_316[%gather3A_647] in [0] : vector<16xf32>, vector<16xi32> -> vector<16xf32>
          %reshape3A_649 = vector.shape_cast %min3A_106 : vector<16xi32> to vector<16x1xi32>
          %gather3A_650 = vector.shape_cast %reshape3A_649 : vector<16x1xi32> to vector<16xi32>
          %gather3A_651 = tpu.dynamic_gather %masked_sort3A_643[%gather3A_650] in [0] : vector<16xi32>, vector<16xi32> -> vector<16xi32>
          %ne3A = arith.cmpi ne, %masked_sort3A_643, %gather3A_651 : vector<16xi32>
          %or3A = arith.ori %eq3A_108, %ne3A : vector<16xi1>
          %reshape3A_652 = vector.shape_cast %max3A_72 : vector<16xi32> to vector<16x1xi32>
          %gather3A_653 = vector.shape_cast %reshape3A_652 : vector<16x1xi32> to vector<16xi32>
          %gather3A_654 = tpu.dynamic_gather %masked_sort3A_643[%gather3A_653] in [0] : vector<16xi32>, vector<16xi32> -> vector<16xi32>
          %eq3A_655 = arith.cmpi eq, %masked_sort3A_643, %gather3A_654 : vector<16xi32>
          %and3A = arith.andi %ge3A_92, %eq3A_655 : vector<16xi1>
          %reshape3A_656 = vector.shape_cast %max3A_78 : vector<16xi32> to vector<16x1xi32>
          %gather3A_657 = vector.shape_cast %reshape3A_656 : vector<16x1xi32> to vector<16xi32>
          %gather3A_658 = tpu.dynamic_gather %masked_sort3A_643[%gather3A_657] in [0] : vector<16xi32>, vector<16xi32> -> vector<16xi32>
          %eq3A_659 = arith.cmpi eq, %masked_sort3A_643, %gather3A_658 : vector<16xi32>
          %and3A_660 = arith.andi %ge3A_95, %eq3A_659 : vector<16xi1>
          %reshape3A_661 = vector.shape_cast %max3A_84 : vector<16xi32> to vector<16x1xi32>
          %gather3A_662 = vector.shape_cast %reshape3A_661 : vector<16x1xi32> to vector<16xi32>
          %gather3A_663 = tpu.dynamic_gather %masked_sort3A_643[%gather3A_662] in [0] : vector<16xi32>, vector<16xi32> -> vector<16xi32>
          %eq3A_664 = arith.cmpi eq, %masked_sort3A_643, %gather3A_663 : vector<16xi32>
          %and3A_665 = arith.andi %ge3A_98, %eq3A_664 : vector<16xi1>
          %reshape3A_666 = vector.shape_cast %max3A_90 : vector<16xi32> to vector<16x1xi32>
          %gather3A_667 = vector.shape_cast %reshape3A_666 : vector<16x1xi32> to vector<16xi32>
          %gather3A_668 = tpu.dynamic_gather %masked_sort3A_643[%gather3A_667] in [0] : vector<16xi32>, vector<16xi32> -> vector<16xi32>
          %eq3A_669 = arith.cmpi eq, %masked_sort3A_643, %gather3A_668 : vector<16xi32>
          %and3A_670 = arith.andi %ge3A_101, %eq3A_669 : vector<16xi1>
          %gather3A_671 = tpu.vector_load_idx %arg12[%gather3A_645] : memref<10000xf32, #tpu.memory_space<vmem>>[vector<16xi32>], vector<16xf32>,
          %mul3A_672 = arith.mulf %gather3A_648, %gather3A : vector<16xf32>
          %add3A_673 = arith.addf %gather3A_671, %mul3A_672 : vector<16xf32>
          %reshape3A_674 = vector.shape_cast %max3A_72 : vector<16xi32> to vector<16x1xi32>
          %gather3A_675 = vector.shape_cast %reshape3A_674 : vector<16x1xi32> to vector<16xi32>
          %gather3A_676 = tpu.dynamic_gather %add3A_673[%gather3A_675] in [0] : vector<16xf32>, vector<16xi32> -> vector<16xf32>
          %min3A_677 = arith.minimumf %add3A_673, %gather3A_676 : vector<16xf32>
          %select_n3A = arith.select %and3A, %min3A_677, %add3A_673 : vector<16xi1>, vector<16xf32>
          %reshape3A_678 = vector.shape_cast %max3A_78 : vector<16xi32> to vector<16x1xi32>
          %gather3A_679 = vector.shape_cast %reshape3A_678 : vector<16x1xi32> to vector<16xi32>
          %gather3A_680 = tpu.dynamic_gather %select_n3A[%gather3A_679] in [0] : vector<16xf32>, vector<16xi32> -> vector<16xf32>
          %min3A_681 = arith.minimumf %select_n3A, %gather3A_680 : vector<16xf32>
          %select_n3A_682 = arith.select %and3A_660, %min3A_681, %select_n3A : vector<16xi1>, vector<16xf32>
          %reshape3A_683 = vector.shape_cast %max3A_84 : vector<16xi32> to vector<16x1xi32>
          %gather3A_684 = vector.shape_cast %reshape3A_683 : vector<16x1xi32> to vector<16xi32>
          %gather3A_685 = tpu.dynamic_gather %select_n3A_682[%gather3A_684] in [0] : vector<16xf32>, vector<16xi32> -> vector<16xf32>
          %min3A_686 = arith.minimumf %select_n3A_682, %gather3A_685 : vector<16xf32>
          %select_n3A_687 = arith.select %and3A_665, %min3A_686, %select_n3A_682 : vector<16xi1>, vector<16xf32>
          %reshape3A_688 = vector.shape_cast %max3A_90 : vector<16xi32> to vector<16x1xi32>
          %gather3A_689 = vector.shape_cast %reshape3A_688 : vector<16x1xi32> to vector<16xi32>
          %gather3A_690 = tpu.dynamic_gather %select_n3A_687[%gather3A_689] in [0] : vector<16xf32>, vector<16xi32> -> vector<16xf32>
          %min3A_691 = arith.minimumf %select_n3A_687, %gather3A_690 : vector<16xf32>
          %select_n3A_692 = arith.select %and3A_670, %min3A_691, %select_n3A_687 : vector<16xi1>, vector<16xf32>
          %gather3A_693 = tpu.vector_load_idx %arg8[%masked_sort3A_643] : memref<10000xf32, #tpu.memory_space<vmem>>[vector<16xi32>], vector<16xf32>,
          %min3A_694 = arith.minimumf %gather3A_693, %select_n3A_692 : vector<16xf32>
          tpu.vector_store_idx %arg8[%masked_sort3A_643], %min3A_694 masked %or3A : memref<10000xf32, #tpu.memory_space<vmem>>[vector<16xi32>], vector<16xf32>, vector<16xi1>
          %gather3A_695 = tpu.vector_load_idx %arg13[%gather3A_645] : memref<10000xf32, #tpu.memory_space<vmem>>[vector<16xi32>], vector<16xf32>,
          %mul3A_696 = arith.mulf %gather3A_648, %gather3A_43 : vector<16xf32>
          %add3A_697 = arith.addf %gather3A_695, %mul3A_696 : vector<16xf32>
          %reshape3A_698 = vector.shape_cast %max3A_72 : vector<16xi32> to vector<16x1xi32>
          %gather3A_699 = vector.shape_cast %reshape3A_698 : vector<16x1xi32> to vector<16xi32>
          %gather3A_700 = tpu.dynamic_gather %add3A_697[%gather3A_699] in [0] : vector<16xf32>, vector<16xi32> -> vector<16xf32>
          %min3A_701 = arith.minimumf %add3A_697, %gather3A_700 : vector<16xf32>
          %select_n3A_702 = arith.select %and3A, %min3A_701, %add3A_697 : vector<16xi1>, vector<16xf32>
          %reshape3A_703 = vector.shape_cast %max3A_78 : vector<16xi32> to vector<16x1xi32>
          %gather3A_704 = vector.shape_cast %reshape3A_703 : vector<16x1xi32> to vector<16xi32>
          %gather3A_705 = tpu.dynamic_gather %select_n3A_702[%gather3A_704] in [0] : vector<16xf32>, vector<16xi32> -> vector<16xf32>
          %min3A_706 = arith.minimumf %select_n3A_702, %gather3A_705 : vector<16xf32>
          %select_n3A_707 = arith.select %and3A_660, %min3A_706, %select_n3A_702 : vector<16xi1>, vector<16xf32>
          %reshape3A_708 = vector.shape_cast %max3A_84 : vector<16xi32> to vector<16x1xi32>
          %gather3A_709 = vector.shape_cast %reshape3A_708 : vector<16x1xi32> to vector<16xi32>
          %gather3A_710 = tpu.dynamic_gather %select_n3A_707[%gather3A_709] in [0] : vector<16xf32>, vector<16xi32> -> vector<16xf32>
          %min3A_711 = arith.minimumf %select_n3A_707, %gather3A_710 : vector<16xf32>
          %select_n3A_712 = arith.select %and3A_665, %min3A_711, %select_n3A_707 : vector<16xi1>, vector<16xf32>
          %reshape3A_713 = vector.shape_cast %max3A_90 : vector<16xi32> to vector<16x1xi32>
          %gather3A_714 = vector.shape_cast %reshape3A_713 : vector<16x1xi32> to vector<16xi32>
          %gather3A_715 = tpu.dynamic_gather %select_n3A_712[%gather3A_714] in [0] : vector<16xf32>, vector<16xi32> -> vector<16xf32>
          %min3A_716 = arith.minimumf %select_n3A_712, %gather3A_715 : vector<16xf32>
          %select_n3A_717 = arith.select %and3A_670, %min3A_716, %select_n3A_712 : vector<16xi1>, vector<16xf32>
          %gather3A_718 = tpu.vector_load_idx %arg9[%masked_sort3A_643] : memref<10000xf32, #tpu.memory_space<vmem>>[vector<16xi32>], vector<16xf32>,
          %min3A_719 = arith.minimumf %gather3A_718, %select_n3A_717 : vector<16xf32>
          tpu.vector_store_idx %arg9[%masked_sort3A_643], %min3A_719 masked %or3A : memref<10000xf32, #tpu.memory_space<vmem>>[vector<16xi32>], vector<16xf32>, vector<16xi1>
          %gather3A_720 = tpu.vector_load_idx %arg14[%gather3A_645] : memref<10000xf32, #tpu.memory_space<vmem>>[vector<16xi32>], vector<16xf32>,
          %mul3A_721 = arith.mulf %gather3A_648, %gather3A_52 : vector<16xf32>
          %add3A_722 = arith.addf %gather3A_720, %mul3A_721 : vector<16xf32>
          %reshape3A_723 = vector.shape_cast %max3A_72 : vector<16xi32> to vector<16x1xi32>
          %gather3A_724 = vector.shape_cast %reshape3A_723 : vector<16x1xi32> to vector<16xi32>
          %gather3A_725 = tpu.dynamic_gather %add3A_722[%gather3A_724] in [0] : vector<16xf32>, vector<16xi32> -> vector<16xf32>
          %min3A_726 = arith.minimumf %add3A_722, %gather3A_725 : vector<16xf32>
          %select_n3A_727 = arith.select %and3A, %min3A_726, %add3A_722 : vector<16xi1>, vector<16xf32>
          %reshape3A_728 = vector.shape_cast %max3A_78 : vector<16xi32> to vector<16x1xi32>
          %gather3A_729 = vector.shape_cast %reshape3A_728 : vector<16x1xi32> to vector<16xi32>
          %gather3A_730 = tpu.dynamic_gather %select_n3A_727[%gather3A_729] in [0] : vector<16xf32>, vector<16xi32> -> vector<16xf32>
          %min3A_731 = arith.minimumf %select_n3A_727, %gather3A_730 : vector<16xf32>
          %select_n3A_732 = arith.select %and3A_660, %min3A_731, %select_n3A_727 : vector<16xi1>, vector<16xf32>
          %reshape3A_733 = vector.shape_cast %max3A_84 : vector<16xi32> to vector<16x1xi32>
          %gather3A_734 = vector.shape_cast %reshape3A_733 : vector<16x1xi32> to vector<16xi32>
          %gather3A_735 = tpu.dynamic_gather %select_n3A_732[%gather3A_734] in [0] : vector<16xf32>, vector<16xi32> -> vector<16xf32>
          %min3A_736 = arith.minimumf %select_n3A_732, %gather3A_735 : vector<16xf32>
          %select_n3A_737 = arith.select %and3A_665, %min3A_736, %select_n3A_732 : vector<16xi1>, vector<16xf32>
          %reshape3A_738 = vector.shape_cast %max3A_90 : vector<16xi32> to vector<16x1xi32>
          %gather3A_739 = vector.shape_cast %reshape3A_738 : vector<16x1xi32> to vector<16xi32>
          %gather3A_740 = tpu.dynamic_gather %select_n3A_737[%gather3A_739] in [0] : vector<16xf32>, vector<16xi32> -> vector<16xf32>
          %min3A_741 = arith.minimumf %select_n3A_737, %gather3A_740 : vector<16xf32>
          %select_n3A_742 = arith.select %and3A_670, %min3A_741, %select_n3A_737 : vector<16xi1>, vector<16xf32>
          %gather3A_743 = tpu.vector_load_idx %arg10[%masked_sort3A_643] : memref<10000xf32, #tpu.memory_space<vmem>>[vector<16xi32>], vector<16xf32>,
          %min3A_744 = arith.minimumf %gather3A_743, %select_n3A_742 : vector<16xf32>
          tpu.vector_store_idx %arg10[%masked_sort3A_643], %min3A_744 masked %or3A : memref<10000xf32, #tpu.memory_space<vmem>>[vector<16xi32>], vector<16xf32>, vector<16xi1>
          %gather3A_745 = tpu.vector_load_idx %arg15[%gather3A_645] : memref<10000xf32, #tpu.memory_space<vmem>>[vector<16xi32>], vector<16xf32>,
          %mul3A_746 = arith.mulf %gather3A_648, %gather3A_61 : vector<16xf32>
          %add3A_747 = arith.addf %gather3A_745, %mul3A_746 : vector<16xf32>
          %reshape3A_748 = vector.shape_cast %max3A_72 : vector<16xi32> to vector<16x1xi32>
          %gather3A_749 = vector.shape_cast %reshape3A_748 : vector<16x1xi32> to vector<16xi32>
          %gather3A_750 = tpu.dynamic_gather %add3A_747[%gather3A_749] in [0] : vector<16xf32>, vector<16xi32> -> vector<16xf32>
          %min3A_751 = arith.minimumf %add3A_747, %gather3A_750 : vector<16xf32>
          %select_n3A_752 = arith.select %and3A, %min3A_751, %add3A_747 : vector<16xi1>, vector<16xf32>
          %reshape3A_753 = vector.shape_cast %max3A_78 : vector<16xi32> to vector<16x1xi32>
          %gather3A_754 = vector.shape_cast %reshape3A_753 : vector<16x1xi32> to vector<16xi32>
          %gather3A_755 = tpu.dynamic_gather %select_n3A_752[%gather3A_754] in [0] : vector<16xf32>, vector<16xi32> -> vector<16xf32>
          %min3A_756 = arith.minimumf %select_n3A_752, %gather3A_755 : vector<16xf32>
          %select_n3A_757 = arith.select %and3A_660, %min3A_756, %select_n3A_752 : vector<16xi1>, vector<16xf32>
          %reshape3A_758 = vector.shape_cast %max3A_84 : vector<16xi32> to vector<16x1xi32>
          %gather3A_759 = vector.shape_cast %reshape3A_758 : vector<16x1xi32> to vector<16xi32>
          %gather3A_760 = tpu.dynamic_gather %select_n3A_757[%gather3A_759] in [0] : vector<16xf32>, vector<16xi32> -> vector<16xf32>
          %min3A_761 = arith.minimumf %select_n3A_757, %gather3A_760 : vector<16xf32>
          %select_n3A_762 = arith.select %and3A_665, %min3A_761, %select_n3A_757 : vector<16xi1>, vector<16xf32>
          %reshape3A_763 = vector.shape_cast %max3A_90 : vector<16xi32> to vector<16x1xi32>
          %gather3A_764 = vector.shape_cast %reshape3A_763 : vector<16x1xi32> to vector<16xi32>
          %gather3A_765 = tpu.dynamic_gather %select_n3A_762[%gather3A_764] in [0] : vector<16xf32>, vector<16xi32> -> vector<16xf32>
          %min3A_766 = arith.minimumf %select_n3A_762, %gather3A_765 : vector<16xf32>
          %select_n3A_767 = arith.select %and3A_670, %min3A_766, %select_n3A_762 : vector<16xi1>, vector<16xf32>
          %gather3A_768 = tpu.vector_load_idx %arg11[%masked_sort3A_643] : memref<10000xf32, #tpu.memory_space<vmem>>[vector<16xi32>], vector<16xf32>,
          %min3A_769 = arith.minimumf %gather3A_768, %select_n3A_767 : vector<16xf32>
          tpu.vector_store_idx %arg11[%masked_sort3A_643], %min3A_769 masked %or3A : memref<10000xf32, #tpu.memory_space<vmem>>[vector<16xi32>], vector<16xf32>, vector<16xi1>
        } else {
        }
        %mul3A_349 = arith.constant 8 : i32
        %mul3A_350 = arith.muli %scan3A_257, %mul3A_349 : i32
        %add3A_351 = arith.constant 2 : i32
        %add3A_352 = arith.addi %mul3A_350, %add3A_351 : i32
        %mul3A_353 = arith.constant 16 : i32
        %mul3A_354 = arith.muli %add3A_352, %mul3A_353 : i32
        %get3A_355 = arith.index_cast %mul3A_354 : i32 to index
        %get3A_356 = tpu.vector_load %arg17[%get3A_355] {strides = array<i32>} : memref<6400xi32, #tpu.memory_space<vmem>>, vector<16xi32>,
        %mul3A_357 = arith.constant 16 : i32
        %mul3A_358 = arith.muli %add3A_352, %mul3A_357 : i32
        %get3A_359 = arith.index_cast %mul3A_358 : i32 to index
        %get3A_360 = tpu.vector_load %arg19[%get3A_359] {strides = array<i32>} : memref<6400xi32, #tpu.memory_space<vmem>>, vector<16xi32>,
        %mul3A_361 = arith.constant 16 : i32
        %mul3A_362 = arith.muli %add3A_352, %mul3A_361 : i32
        %get3A_363 = arith.index_cast %mul3A_362 : i32 to index
        %get3A_364 = tpu.vector_load %arg21[%get3A_363] {strides = array<i32>} : memref<6400xf32, #tpu.memory_space<vmem>>, vector<16xf32>,
        %broadcast_in_dim3A_365 = arith.constant true
        %broadcast_in_dim3A_366 = vector.broadcast %broadcast_in_dim3A_365 : i1 to vector<16xi1>
        %unique3A_367, %unique3A_368 = tpu.scan_count mask(%broadcast_in_dim3A_366 : vector<16xi1>) value(%get3A_356 : vector<16xi32>) : vector<16xi1>, vector<16xi32>
        %all_reduce_population_count3A_369 = tpu.all_reduce %unique3A_367 {dim = 0 : i64, kind = #tpu.reduction_kind<sum>} : vector<16xi1> -> vector<16xi32>
        %gather3A_370 = tpu.vector_load_idx %arg12[%get3A_360] : memref<10000xf32, #tpu.memory_space<vmem>>[vector<16xi32>], vector<16xf32>,
        %mul3A_371 = arith.mulf %get3A_364, %gather3A : vector<16xf32>
        %add3A_372 = arith.addf %gather3A_370, %mul3A_371 : vector<16xf32>
        %gather3A_373 = tpu.vector_load_idx %arg8[%get3A_356] : memref<10000xf32, #tpu.memory_space<vmem>>[vector<16xi32>], vector<16xf32>,
        %min3A_374 = arith.minimumf %gather3A_373, %add3A_372 : vector<16xf32>
        tpu.vector_store_idx %arg8[%get3A_356], %min3A_374 : memref<10000xf32, #tpu.memory_space<vmem>>[vector<16xi32>], vector<16xf32>,
        %gather3A_375 = tpu.vector_load_idx %arg13[%get3A_360] : memref<10000xf32, #tpu.memory_space<vmem>>[vector<16xi32>], vector<16xf32>,
        %mul3A_376 = arith.mulf %get3A_364, %gather3A_43 : vector<16xf32>
        %add3A_377 = arith.addf %gather3A_375, %mul3A_376 : vector<16xf32>
        %gather3A_378 = tpu.vector_load_idx %arg9[%get3A_356] : memref<10000xf32, #tpu.memory_space<vmem>>[vector<16xi32>], vector<16xf32>,
        %min3A_379 = arith.minimumf %gather3A_378, %add3A_377 : vector<16xf32>
        tpu.vector_store_idx %arg9[%get3A_356], %min3A_379 : memref<10000xf32, #tpu.memory_space<vmem>>[vector<16xi32>], vector<16xf32>,
        %gather3A_380 = tpu.vector_load_idx %arg14[%get3A_360] : memref<10000xf32, #tpu.memory_space<vmem>>[vector<16xi32>], vector<16xf32>,
        %mul3A_381 = arith.mulf %get3A_364, %gather3A_52 : vector<16xf32>
        %add3A_382 = arith.addf %gather3A_380, %mul3A_381 : vector<16xf32>
        %gather3A_383 = tpu.vector_load_idx %arg10[%get3A_356] : memref<10000xf32, #tpu.memory_space<vmem>>[vector<16xi32>], vector<16xf32>,
        %min3A_384 = arith.minimumf %gather3A_383, %add3A_382 : vector<16xf32>
        tpu.vector_store_idx %arg10[%get3A_356], %min3A_384 : memref<10000xf32, #tpu.memory_space<vmem>>[vector<16xi32>], vector<16xf32>,
        %gather3A_385 = tpu.vector_load_idx %arg15[%get3A_360] : memref<10000xf32, #tpu.memory_space<vmem>>[vector<16xi32>], vector<16xf32>,
        %mul3A_386 = arith.mulf %get3A_364, %gather3A_61 : vector<16xf32>
        %add3A_387 = arith.addf %gather3A_385, %mul3A_386 : vector<16xf32>
        %gather3A_388 = tpu.vector_load_idx %arg11[%get3A_356] : memref<10000xf32, #tpu.memory_space<vmem>>[vector<16xi32>], vector<16xf32>,
        %min3A_389 = arith.minimumf %gather3A_388, %add3A_387 : vector<16xf32>
        tpu.vector_store_idx %arg11[%get3A_356], %min3A_389 : memref<10000xf32, #tpu.memory_space<vmem>>[vector<16xi32>], vector<16xf32>,
        %slice3A_390 = vector.extract_strided_slice %all_reduce_population_count3A_369 {offsets = [0], sizes = [1], strides = [1]} : vector<16xi32> to vector<1xi32>
        %squeeze3A_391 = vector.extract %slice3A_390[0] : i32 from vector<1xi32>
        %lt3A_392 = arith.constant 16 : i32
        %lt3A_393 = arith.cmpi slt, %squeeze3A_391, %lt3A_392 : i32
        %convert_element_type3A_394 = arith.extui %lt3A_393 : i1 to i32
        %cond3A_395 = arith.constant 0 : i32
        %cond3A_396 = arith.cmpi ne, %convert_element_type3A_394, %cond3A_395 : i32
        scf.if %cond3A_396 {
          %masked_sort3A = arith.constant dense<true> : vector<16xi1>
          %masked_sort3A_637 = arith.constant -2147483648 : i32
          %masked_sort3A_638 = vector.broadcast %masked_sort3A_637 : i32 to vector<16xi32>
          %masked_sort3A_639 = arith.xori %get3A_356, %masked_sort3A_638 : vector<16xi32>
          %masked_sort3A_640, %masked_sort3A_641, %masked_sort3A_642 = tpu.sort %masked_sort3A_639, %iota3A masked %masked_sort3A : (vector<16xi32>, vector<16xi32>, vector<16xi1>) -> (vector<16xi1>, vector<16xi32>, vector<16xi32>)
          %masked_sort3A_643 = arith.xori %masked_sort3A_641, %masked_sort3A_638 : vector<16xi32>
          %reshape3A = vector.shape_cast %masked_sort3A_642 : vector<16xi32> to vector<16x1xi32>
          %gather3A_644 = vector.shape_cast %reshape3A : vector<16x1xi32> to vector<16xi32>
          %gather3A_645 = tpu.dynamic_gather %get3A_360[%gather3A_644] in [0] : vector<16xi32>, vector<16xi32> -> vector<16xi32>
          %reshape3A_646 = vector.shape_cast %masked_sort3A_642 : vector<16xi32> to vector<16x1xi32>
          %gather3A_647 = vector.shape_cast %reshape3A_646 : vector<16x1xi32> to vector<16xi32>
          %gather3A_648 = tpu.dynamic_gather %get3A_364[%gather3A_647] in [0] : vector<16xf32>, vector<16xi32> -> vector<16xf32>
          %reshape3A_649 = vector.shape_cast %min3A_106 : vector<16xi32> to vector<16x1xi32>
          %gather3A_650 = vector.shape_cast %reshape3A_649 : vector<16x1xi32> to vector<16xi32>
          %gather3A_651 = tpu.dynamic_gather %masked_sort3A_643[%gather3A_650] in [0] : vector<16xi32>, vector<16xi32> -> vector<16xi32>
          %ne3A = arith.cmpi ne, %masked_sort3A_643, %gather3A_651 : vector<16xi32>
          %or3A = arith.ori %eq3A_108, %ne3A : vector<16xi1>
          %reshape3A_652 = vector.shape_cast %max3A_72 : vector<16xi32> to vector<16x1xi32>
          %gather3A_653 = vector.shape_cast %reshape3A_652 : vector<16x1xi32> to vector<16xi32>
          %gather3A_654 = tpu.dynamic_gather %masked_sort3A_643[%gather3A_653] in [0] : vector<16xi32>, vector<16xi32> -> vector<16xi32>
          %eq3A_655 = arith.cmpi eq, %masked_sort3A_643, %gather3A_654 : vector<16xi32>
          %and3A = arith.andi %ge3A_92, %eq3A_655 : vector<16xi1>
          %reshape3A_656 = vector.shape_cast %max3A_78 : vector<16xi32> to vector<16x1xi32>
          %gather3A_657 = vector.shape_cast %reshape3A_656 : vector<16x1xi32> to vector<16xi32>
          %gather3A_658 = tpu.dynamic_gather %masked_sort3A_643[%gather3A_657] in [0] : vector<16xi32>, vector<16xi32> -> vector<16xi32>
          %eq3A_659 = arith.cmpi eq, %masked_sort3A_643, %gather3A_658 : vector<16xi32>
          %and3A_660 = arith.andi %ge3A_95, %eq3A_659 : vector<16xi1>
          %reshape3A_661 = vector.shape_cast %max3A_84 : vector<16xi32> to vector<16x1xi32>
          %gather3A_662 = vector.shape_cast %reshape3A_661 : vector<16x1xi32> to vector<16xi32>
          %gather3A_663 = tpu.dynamic_gather %masked_sort3A_643[%gather3A_662] in [0] : vector<16xi32>, vector<16xi32> -> vector<16xi32>
          %eq3A_664 = arith.cmpi eq, %masked_sort3A_643, %gather3A_663 : vector<16xi32>
          %and3A_665 = arith.andi %ge3A_98, %eq3A_664 : vector<16xi1>
          %reshape3A_666 = vector.shape_cast %max3A_90 : vector<16xi32> to vector<16x1xi32>
          %gather3A_667 = vector.shape_cast %reshape3A_666 : vector<16x1xi32> to vector<16xi32>
          %gather3A_668 = tpu.dynamic_gather %masked_sort3A_643[%gather3A_667] in [0] : vector<16xi32>, vector<16xi32> -> vector<16xi32>
          %eq3A_669 = arith.cmpi eq, %masked_sort3A_643, %gather3A_668 : vector<16xi32>
          %and3A_670 = arith.andi %ge3A_101, %eq3A_669 : vector<16xi1>
          %gather3A_671 = tpu.vector_load_idx %arg12[%gather3A_645] : memref<10000xf32, #tpu.memory_space<vmem>>[vector<16xi32>], vector<16xf32>,
          %mul3A_672 = arith.mulf %gather3A_648, %gather3A : vector<16xf32>
          %add3A_673 = arith.addf %gather3A_671, %mul3A_672 : vector<16xf32>
          %reshape3A_674 = vector.shape_cast %max3A_72 : vector<16xi32> to vector<16x1xi32>
          %gather3A_675 = vector.shape_cast %reshape3A_674 : vector<16x1xi32> to vector<16xi32>
          %gather3A_676 = tpu.dynamic_gather %add3A_673[%gather3A_675] in [0] : vector<16xf32>, vector<16xi32> -> vector<16xf32>
          %min3A_677 = arith.minimumf %add3A_673, %gather3A_676 : vector<16xf32>
          %select_n3A = arith.select %and3A, %min3A_677, %add3A_673 : vector<16xi1>, vector<16xf32>
          %reshape3A_678 = vector.shape_cast %max3A_78 : vector<16xi32> to vector<16x1xi32>
          %gather3A_679 = vector.shape_cast %reshape3A_678 : vector<16x1xi32> to vector<16xi32>
          %gather3A_680 = tpu.dynamic_gather %select_n3A[%gather3A_679] in [0] : vector<16xf32>, vector<16xi32> -> vector<16xf32>
          %min3A_681 = arith.minimumf %select_n3A, %gather3A_680 : vector<16xf32>
          %select_n3A_682 = arith.select %and3A_660, %min3A_681, %select_n3A : vector<16xi1>, vector<16xf32>
          %reshape3A_683 = vector.shape_cast %max3A_84 : vector<16xi32> to vector<16x1xi32>
          %gather3A_684 = vector.shape_cast %reshape3A_683 : vector<16x1xi32> to vector<16xi32>
          %gather3A_685 = tpu.dynamic_gather %select_n3A_682[%gather3A_684] in [0] : vector<16xf32>, vector<16xi32> -> vector<16xf32>
          %min3A_686 = arith.minimumf %select_n3A_682, %gather3A_685 : vector<16xf32>
          %select_n3A_687 = arith.select %and3A_665, %min3A_686, %select_n3A_682 : vector<16xi1>, vector<16xf32>
          %reshape3A_688 = vector.shape_cast %max3A_90 : vector<16xi32> to vector<16x1xi32>
          %gather3A_689 = vector.shape_cast %reshape3A_688 : vector<16x1xi32> to vector<16xi32>
          %gather3A_690 = tpu.dynamic_gather %select_n3A_687[%gather3A_689] in [0] : vector<16xf32>, vector<16xi32> -> vector<16xf32>
          %min3A_691 = arith.minimumf %select_n3A_687, %gather3A_690 : vector<16xf32>
          %select_n3A_692 = arith.select %and3A_670, %min3A_691, %select_n3A_687 : vector<16xi1>, vector<16xf32>
          %gather3A_693 = tpu.vector_load_idx %arg8[%masked_sort3A_643] : memref<10000xf32, #tpu.memory_space<vmem>>[vector<16xi32>], vector<16xf32>,
          %min3A_694 = arith.minimumf %gather3A_693, %select_n3A_692 : vector<16xf32>
          tpu.vector_store_idx %arg8[%masked_sort3A_643], %min3A_694 masked %or3A : memref<10000xf32, #tpu.memory_space<vmem>>[vector<16xi32>], vector<16xf32>, vector<16xi1>
          %gather3A_695 = tpu.vector_load_idx %arg13[%gather3A_645] : memref<10000xf32, #tpu.memory_space<vmem>>[vector<16xi32>], vector<16xf32>,
          %mul3A_696 = arith.mulf %gather3A_648, %gather3A_43 : vector<16xf32>
          %add3A_697 = arith.addf %gather3A_695, %mul3A_696 : vector<16xf32>
          %reshape3A_698 = vector.shape_cast %max3A_72 : vector<16xi32> to vector<16x1xi32>
          %gather3A_699 = vector.shape_cast %reshape3A_698 : vector<16x1xi32> to vector<16xi32>
          %gather3A_700 = tpu.dynamic_gather %add3A_697[%gather3A_699] in [0] : vector<16xf32>, vector<16xi32> -> vector<16xf32>
          %min3A_701 = arith.minimumf %add3A_697, %gather3A_700 : vector<16xf32>
          %select_n3A_702 = arith.select %and3A, %min3A_701, %add3A_697 : vector<16xi1>, vector<16xf32>
          %reshape3A_703 = vector.shape_cast %max3A_78 : vector<16xi32> to vector<16x1xi32>
          %gather3A_704 = vector.shape_cast %reshape3A_703 : vector<16x1xi32> to vector<16xi32>
          %gather3A_705 = tpu.dynamic_gather %select_n3A_702[%gather3A_704] in [0] : vector<16xf32>, vector<16xi32> -> vector<16xf32>
          %min3A_706 = arith.minimumf %select_n3A_702, %gather3A_705 : vector<16xf32>
          %select_n3A_707 = arith.select %and3A_660, %min3A_706, %select_n3A_702 : vector<16xi1>, vector<16xf32>
          %reshape3A_708 = vector.shape_cast %max3A_84 : vector<16xi32> to vector<16x1xi32>
          %gather3A_709 = vector.shape_cast %reshape3A_708 : vector<16x1xi32> to vector<16xi32>
          %gather3A_710 = tpu.dynamic_gather %select_n3A_707[%gather3A_709] in [0] : vector<16xf32>, vector<16xi32> -> vector<16xf32>
          %min3A_711 = arith.minimumf %select_n3A_707, %gather3A_710 : vector<16xf32>
          %select_n3A_712 = arith.select %and3A_665, %min3A_711, %select_n3A_707 : vector<16xi1>, vector<16xf32>
          %reshape3A_713 = vector.shape_cast %max3A_90 : vector<16xi32> to vector<16x1xi32>
          %gather3A_714 = vector.shape_cast %reshape3A_713 : vector<16x1xi32> to vector<16xi32>
          %gather3A_715 = tpu.dynamic_gather %select_n3A_712[%gather3A_714] in [0] : vector<16xf32>, vector<16xi32> -> vector<16xf32>
          %min3A_716 = arith.minimumf %select_n3A_712, %gather3A_715 : vector<16xf32>
          %select_n3A_717 = arith.select %and3A_670, %min3A_716, %select_n3A_712 : vector<16xi1>, vector<16xf32>
          %gather3A_718 = tpu.vector_load_idx %arg9[%masked_sort3A_643] : memref<10000xf32, #tpu.memory_space<vmem>>[vector<16xi32>], vector<16xf32>,
          %min3A_719 = arith.minimumf %gather3A_718, %select_n3A_717 : vector<16xf32>
          tpu.vector_store_idx %arg9[%masked_sort3A_643], %min3A_719 masked %or3A : memref<10000xf32, #tpu.memory_space<vmem>>[vector<16xi32>], vector<16xf32>, vector<16xi1>
          %gather3A_720 = tpu.vector_load_idx %arg14[%gather3A_645] : memref<10000xf32, #tpu.memory_space<vmem>>[vector<16xi32>], vector<16xf32>,
          %mul3A_721 = arith.mulf %gather3A_648, %gather3A_52 : vector<16xf32>
          %add3A_722 = arith.addf %gather3A_720, %mul3A_721 : vector<16xf32>
          %reshape3A_723 = vector.shape_cast %max3A_72 : vector<16xi32> to vector<16x1xi32>
          %gather3A_724 = vector.shape_cast %reshape3A_723 : vector<16x1xi32> to vector<16xi32>
          %gather3A_725 = tpu.dynamic_gather %add3A_722[%gather3A_724] in [0] : vector<16xf32>, vector<16xi32> -> vector<16xf32>
          %min3A_726 = arith.minimumf %add3A_722, %gather3A_725 : vector<16xf32>
          %select_n3A_727 = arith.select %and3A, %min3A_726, %add3A_722 : vector<16xi1>, vector<16xf32>
          %reshape3A_728 = vector.shape_cast %max3A_78 : vector<16xi32> to vector<16x1xi32>
          %gather3A_729 = vector.shape_cast %reshape3A_728 : vector<16x1xi32> to vector<16xi32>
          %gather3A_730 = tpu.dynamic_gather %select_n3A_727[%gather3A_729] in [0] : vector<16xf32>, vector<16xi32> -> vector<16xf32>
          %min3A_731 = arith.minimumf %select_n3A_727, %gather3A_730 : vector<16xf32>
          %select_n3A_732 = arith.select %and3A_660, %min3A_731, %select_n3A_727 : vector<16xi1>, vector<16xf32>
          %reshape3A_733 = vector.shape_cast %max3A_84 : vector<16xi32> to vector<16x1xi32>
          %gather3A_734 = vector.shape_cast %reshape3A_733 : vector<16x1xi32> to vector<16xi32>
          %gather3A_735 = tpu.dynamic_gather %select_n3A_732[%gather3A_734] in [0] : vector<16xf32>, vector<16xi32> -> vector<16xf32>
          %min3A_736 = arith.minimumf %select_n3A_732, %gather3A_735 : vector<16xf32>
          %select_n3A_737 = arith.select %and3A_665, %min3A_736, %select_n3A_732 : vector<16xi1>, vector<16xf32>
          %reshape3A_738 = vector.shape_cast %max3A_90 : vector<16xi32> to vector<16x1xi32>
          %gather3A_739 = vector.shape_cast %reshape3A_738 : vector<16x1xi32> to vector<16xi32>
          %gather3A_740 = tpu.dynamic_gather %select_n3A_737[%gather3A_739] in [0] : vector<16xf32>, vector<16xi32> -> vector<16xf32>
          %min3A_741 = arith.minimumf %select_n3A_737, %gather3A_740 : vector<16xf32>
          %select_n3A_742 = arith.select %and3A_670, %min3A_741, %select_n3A_737 : vector<16xi1>, vector<16xf32>
          %gather3A_743 = tpu.vector_load_idx %arg10[%masked_sort3A_643] : memref<10000xf32, #tpu.memory_space<vmem>>[vector<16xi32>], vector<16xf32>,
          %min3A_744 = arith.minimumf %gather3A_743, %select_n3A_742 : vector<16xf32>
          tpu.vector_store_idx %arg10[%masked_sort3A_643], %min3A_744 masked %or3A : memref<10000xf32, #tpu.memory_space<vmem>>[vector<16xi32>], vector<16xf32>, vector<16xi1>
          %gather3A_745 = tpu.vector_load_idx %arg15[%gather3A_645] : memref<10000xf32, #tpu.memory_space<vmem>>[vector<16xi32>], vector<16xf32>,
          %mul3A_746 = arith.mulf %gather3A_648, %gather3A_61 : vector<16xf32>
          %add3A_747 = arith.addf %gather3A_745, %mul3A_746 : vector<16xf32>
          %reshape3A_748 = vector.shape_cast %max3A_72 : vector<16xi32> to vector<16x1xi32>
          %gather3A_749 = vector.shape_cast %reshape3A_748 : vector<16x1xi32> to vector<16xi32>
          %gather3A_750 = tpu.dynamic_gather %add3A_747[%gather3A_749] in [0] : vector<16xf32>, vector<16xi32> -> vector<16xf32>
          %min3A_751 = arith.minimumf %add3A_747, %gather3A_750 : vector<16xf32>
          %select_n3A_752 = arith.select %and3A, %min3A_751, %add3A_747 : vector<16xi1>, vector<16xf32>
          %reshape3A_753 = vector.shape_cast %max3A_78 : vector<16xi32> to vector<16x1xi32>
          %gather3A_754 = vector.shape_cast %reshape3A_753 : vector<16x1xi32> to vector<16xi32>
          %gather3A_755 = tpu.dynamic_gather %select_n3A_752[%gather3A_754] in [0] : vector<16xf32>, vector<16xi32> -> vector<16xf32>
          %min3A_756 = arith.minimumf %select_n3A_752, %gather3A_755 : vector<16xf32>
          %select_n3A_757 = arith.select %and3A_660, %min3A_756, %select_n3A_752 : vector<16xi1>, vector<16xf32>
          %reshape3A_758 = vector.shape_cast %max3A_84 : vector<16xi32> to vector<16x1xi32>
          %gather3A_759 = vector.shape_cast %reshape3A_758 : vector<16x1xi32> to vector<16xi32>
          %gather3A_760 = tpu.dynamic_gather %select_n3A_757[%gather3A_759] in [0] : vector<16xf32>, vector<16xi32> -> vector<16xf32>
          %min3A_761 = arith.minimumf %select_n3A_757, %gather3A_760 : vector<16xf32>
          %select_n3A_762 = arith.select %and3A_665, %min3A_761, %select_n3A_757 : vector<16xi1>, vector<16xf32>
          %reshape3A_763 = vector.shape_cast %max3A_90 : vector<16xi32> to vector<16x1xi32>
          %gather3A_764 = vector.shape_cast %reshape3A_763 : vector<16x1xi32> to vector<16xi32>
          %gather3A_765 = tpu.dynamic_gather %select_n3A_762[%gather3A_764] in [0] : vector<16xf32>, vector<16xi32> -> vector<16xf32>
          %min3A_766 = arith.minimumf %select_n3A_762, %gather3A_765 : vector<16xf32>
          %select_n3A_767 = arith.select %and3A_670, %min3A_766, %select_n3A_762 : vector<16xi1>, vector<16xf32>
          %gather3A_768 = tpu.vector_load_idx %arg11[%masked_sort3A_643] : memref<10000xf32, #tpu.memory_space<vmem>>[vector<16xi32>], vector<16xf32>,
          %min3A_769 = arith.minimumf %gather3A_768, %select_n3A_767 : vector<16xf32>
          tpu.vector_store_idx %arg11[%masked_sort3A_643], %min3A_769 masked %or3A : memref<10000xf32, #tpu.memory_space<vmem>>[vector<16xi32>], vector<16xf32>, vector<16xi1>
        } else {
        }
        %mul3A_397 = arith.constant 8 : i32
        %mul3A_398 = arith.muli %scan3A_257, %mul3A_397 : i32
        %add3A_399 = arith.constant 3 : i32
        %add3A_400 = arith.addi %mul3A_398, %add3A_399 : i32
        %mul3A_401 = arith.constant 16 : i32
        %mul3A_402 = arith.muli %add3A_400, %mul3A_401 : i32
        %get3A_403 = arith.index_cast %mul3A_402 : i32 to index
        %get3A_404 = tpu.vector_load %arg17[%get3A_403] {strides = array<i32>} : memref<6400xi32, #tpu.memory_space<vmem>>, vector<16xi32>,
        %mul3A_405 = arith.constant 16 : i32
        %mul3A_406 = arith.muli %add3A_400, %mul3A_405 : i32
        %get3A_407 = arith.index_cast %mul3A_406 : i32 to index
        %get3A_408 = tpu.vector_load %arg19[%get3A_407] {strides = array<i32>} : memref<6400xi32, #tpu.memory_space<vmem>>, vector<16xi32>,
        %mul3A_409 = arith.constant 16 : i32
        %mul3A_410 = arith.muli %add3A_400, %mul3A_409 : i32
        %get3A_411 = arith.index_cast %mul3A_410 : i32 to index
        %get3A_412 = tpu.vector_load %arg21[%get3A_411] {strides = array<i32>} : memref<6400xf32, #tpu.memory_space<vmem>>, vector<16xf32>,
        %broadcast_in_dim3A_413 = arith.constant true
        %broadcast_in_dim3A_414 = vector.broadcast %broadcast_in_dim3A_413 : i1 to vector<16xi1>
        %unique3A_415, %unique3A_416 = tpu.scan_count mask(%broadcast_in_dim3A_414 : vector<16xi1>) value(%get3A_404 : vector<16xi32>) : vector<16xi1>, vector<16xi32>
        %all_reduce_population_count3A_417 = tpu.all_reduce %unique3A_415 {dim = 0 : i64, kind = #tpu.reduction_kind<sum>} : vector<16xi1> -> vector<16xi32>
        %gather3A_418 = tpu.vector_load_idx %arg12[%get3A_408] : memref<10000xf32, #tpu.memory_space<vmem>>[vector<16xi32>], vector<16xf32>,
        %mul3A_419 = arith.mulf %get3A_412, %gather3A : vector<16xf32>
        %add3A_420 = arith.addf %gather3A_418, %mul3A_419 : vector<16xf32>
        %gather3A_421 = tpu.vector_load_idx %arg8[%get3A_404] : memref<10000xf32, #tpu.memory_space<vmem>>[vector<16xi32>], vector<16xf32>,
        %min3A_422 = arith.minimumf %gather3A_421, %add3A_420 : vector<16xf32>
        tpu.vector_store_idx %arg8[%get3A_404], %min3A_422 : memref<10000xf32, #tpu.memory_space<vmem>>[vector<16xi32>], vector<16xf32>,
        %gather3A_423 = tpu.vector_load_idx %arg13[%get3A_408] : memref<10000xf32, #tpu.memory_space<vmem>>[vector<16xi32>], vector<16xf32>,
        %mul3A_424 = arith.mulf %get3A_412, %gather3A_43 : vector<16xf32>
        %add3A_425 = arith.addf %gather3A_423, %mul3A_424 : vector<16xf32>
        %gather3A_426 = tpu.vector_load_idx %arg9[%get3A_404] : memref<10000xf32, #tpu.memory_space<vmem>>[vector<16xi32>], vector<16xf32>,
        %min3A_427 = arith.minimumf %gather3A_426, %add3A_425 : vector<16xf32>
        tpu.vector_store_idx %arg9[%get3A_404], %min3A_427 : memref<10000xf32, #tpu.memory_space<vmem>>[vector<16xi32>], vector<16xf32>,
        %gather3A_428 = tpu.vector_load_idx %arg14[%get3A_408] : memref<10000xf32, #tpu.memory_space<vmem>>[vector<16xi32>], vector<16xf32>,
        %mul3A_429 = arith.mulf %get3A_412, %gather3A_52 : vector<16xf32>
        %add3A_430 = arith.addf %gather3A_428, %mul3A_429 : vector<16xf32>
        %gather3A_431 = tpu.vector_load_idx %arg10[%get3A_404] : memref<10000xf32, #tpu.memory_space<vmem>>[vector<16xi32>], vector<16xf32>,
        %min3A_432 = arith.minimumf %gather3A_431, %add3A_430 : vector<16xf32>
        tpu.vector_store_idx %arg10[%get3A_404], %min3A_432 : memref<10000xf32, #tpu.memory_space<vmem>>[vector<16xi32>], vector<16xf32>,
        %gather3A_433 = tpu.vector_load_idx %arg15[%get3A_408] : memref<10000xf32, #tpu.memory_space<vmem>>[vector<16xi32>], vector<16xf32>,
        %mul3A_434 = arith.mulf %get3A_412, %gather3A_61 : vector<16xf32>
        %add3A_435 = arith.addf %gather3A_433, %mul3A_434 : vector<16xf32>
        %gather3A_436 = tpu.vector_load_idx %arg11[%get3A_404] : memref<10000xf32, #tpu.memory_space<vmem>>[vector<16xi32>], vector<16xf32>,
        %min3A_437 = arith.minimumf %gather3A_436, %add3A_435 : vector<16xf32>
        tpu.vector_store_idx %arg11[%get3A_404], %min3A_437 : memref<10000xf32, #tpu.memory_space<vmem>>[vector<16xi32>], vector<16xf32>,
        %slice3A_438 = vector.extract_strided_slice %all_reduce_population_count3A_417 {offsets = [0], sizes = [1], strides = [1]} : vector<16xi32> to vector<1xi32>
        %squeeze3A_439 = vector.extract %slice3A_438[0] : i32 from vector<1xi32>
        %lt3A_440 = arith.constant 16 : i32
        %lt3A_441 = arith.cmpi slt, %squeeze3A_439, %lt3A_440 : i32
        %convert_element_type3A_442 = arith.extui %lt3A_441 : i1 to i32
        %cond3A_443 = arith.constant 0 : i32
        %cond3A_444 = arith.cmpi ne, %convert_element_type3A_442, %cond3A_443 : i32
        scf.if %cond3A_444 {
          %masked_sort3A = arith.constant dense<true> : vector<16xi1>
          %masked_sort3A_637 = arith.constant -2147483648 : i32
          %masked_sort3A_638 = vector.broadcast %masked_sort3A_637 : i32 to vector<16xi32>
          %masked_sort3A_639 = arith.xori %get3A_404, %masked_sort3A_638 : vector<16xi32>
          %masked_sort3A_640, %masked_sort3A_641, %masked_sort3A_642 = tpu.sort %masked_sort3A_639, %iota3A masked %masked_sort3A : (vector<16xi32>, vector<16xi32>, vector<16xi1>) -> (vector<16xi1>, vector<16xi32>, vector<16xi32>)
          %masked_sort3A_643 = arith.xori %masked_sort3A_641, %masked_sort3A_638 : vector<16xi32>
          %reshape3A = vector.shape_cast %masked_sort3A_642 : vector<16xi32> to vector<16x1xi32>
          %gather3A_644 = vector.shape_cast %reshape3A : vector<16x1xi32> to vector<16xi32>
          %gather3A_645 = tpu.dynamic_gather %get3A_408[%gather3A_644] in [0] : vector<16xi32>, vector<16xi32> -> vector<16xi32>
          %reshape3A_646 = vector.shape_cast %masked_sort3A_642 : vector<16xi32> to vector<16x1xi32>
          %gather3A_647 = vector.shape_cast %reshape3A_646 : vector<16x1xi32> to vector<16xi32>
          %gather3A_648 = tpu.dynamic_gather %get3A_412[%gather3A_647] in [0] : vector<16xf32>, vector<16xi32> -> vector<16xf32>
          %reshape3A_649 = vector.shape_cast %min3A_106 : vector<16xi32> to vector<16x1xi32>
          %gather3A_650 = vector.shape_cast %reshape3A_649 : vector<16x1xi32> to vector<16xi32>
          %gather3A_651 = tpu.dynamic_gather %masked_sort3A_643[%gather3A_650] in [0] : vector<16xi32>, vector<16xi32> -> vector<16xi32>
          %ne3A = arith.cmpi ne, %masked_sort3A_643, %gather3A_651 : vector<16xi32>
          %or3A = arith.ori %eq3A_108, %ne3A : vector<16xi1>
          %reshape3A_652 = vector.shape_cast %max3A_72 : vector<16xi32> to vector<16x1xi32>
          %gather3A_653 = vector.shape_cast %reshape3A_652 : vector<16x1xi32> to vector<16xi32>
          %gather3A_654 = tpu.dynamic_gather %masked_sort3A_643[%gather3A_653] in [0] : vector<16xi32>, vector<16xi32> -> vector<16xi32>
          %eq3A_655 = arith.cmpi eq, %masked_sort3A_643, %gather3A_654 : vector<16xi32>
          %and3A = arith.andi %ge3A_92, %eq3A_655 : vector<16xi1>
          %reshape3A_656 = vector.shape_cast %max3A_78 : vector<16xi32> to vector<16x1xi32>
          %gather3A_657 = vector.shape_cast %reshape3A_656 : vector<16x1xi32> to vector<16xi32>
          %gather3A_658 = tpu.dynamic_gather %masked_sort3A_643[%gather3A_657] in [0] : vector<16xi32>, vector<16xi32> -> vector<16xi32>
          %eq3A_659 = arith.cmpi eq, %masked_sort3A_643, %gather3A_658 : vector<16xi32>
          %and3A_660 = arith.andi %ge3A_95, %eq3A_659 : vector<16xi1>
          %reshape3A_661 = vector.shape_cast %max3A_84 : vector<16xi32> to vector<16x1xi32>
          %gather3A_662 = vector.shape_cast %reshape3A_661 : vector<16x1xi32> to vector<16xi32>
          %gather3A_663 = tpu.dynamic_gather %masked_sort3A_643[%gather3A_662] in [0] : vector<16xi32>, vector<16xi32> -> vector<16xi32>
          %eq3A_664 = arith.cmpi eq, %masked_sort3A_643, %gather3A_663 : vector<16xi32>
          %and3A_665 = arith.andi %ge3A_98, %eq3A_664 : vector<16xi1>
          %reshape3A_666 = vector.shape_cast %max3A_90 : vector<16xi32> to vector<16x1xi32>
          %gather3A_667 = vector.shape_cast %reshape3A_666 : vector<16x1xi32> to vector<16xi32>
          %gather3A_668 = tpu.dynamic_gather %masked_sort3A_643[%gather3A_667] in [0] : vector<16xi32>, vector<16xi32> -> vector<16xi32>
          %eq3A_669 = arith.cmpi eq, %masked_sort3A_643, %gather3A_668 : vector<16xi32>
          %and3A_670 = arith.andi %ge3A_101, %eq3A_669 : vector<16xi1>
          %gather3A_671 = tpu.vector_load_idx %arg12[%gather3A_645] : memref<10000xf32, #tpu.memory_space<vmem>>[vector<16xi32>], vector<16xf32>,
          %mul3A_672 = arith.mulf %gather3A_648, %gather3A : vector<16xf32>
          %add3A_673 = arith.addf %gather3A_671, %mul3A_672 : vector<16xf32>
          %reshape3A_674 = vector.shape_cast %max3A_72 : vector<16xi32> to vector<16x1xi32>
          %gather3A_675 = vector.shape_cast %reshape3A_674 : vector<16x1xi32> to vector<16xi32>
          %gather3A_676 = tpu.dynamic_gather %add3A_673[%gather3A_675] in [0] : vector<16xf32>, vector<16xi32> -> vector<16xf32>
          %min3A_677 = arith.minimumf %add3A_673, %gather3A_676 : vector<16xf32>
          %select_n3A = arith.select %and3A, %min3A_677, %add3A_673 : vector<16xi1>, vector<16xf32>
          %reshape3A_678 = vector.shape_cast %max3A_78 : vector<16xi32> to vector<16x1xi32>
          %gather3A_679 = vector.shape_cast %reshape3A_678 : vector<16x1xi32> to vector<16xi32>
          %gather3A_680 = tpu.dynamic_gather %select_n3A[%gather3A_679] in [0] : vector<16xf32>, vector<16xi32> -> vector<16xf32>
          %min3A_681 = arith.minimumf %select_n3A, %gather3A_680 : vector<16xf32>
          %select_n3A_682 = arith.select %and3A_660, %min3A_681, %select_n3A : vector<16xi1>, vector<16xf32>
          %reshape3A_683 = vector.shape_cast %max3A_84 : vector<16xi32> to vector<16x1xi32>
          %gather3A_684 = vector.shape_cast %reshape3A_683 : vector<16x1xi32> to vector<16xi32>
          %gather3A_685 = tpu.dynamic_gather %select_n3A_682[%gather3A_684] in [0] : vector<16xf32>, vector<16xi32> -> vector<16xf32>
          %min3A_686 = arith.minimumf %select_n3A_682, %gather3A_685 : vector<16xf32>
          %select_n3A_687 = arith.select %and3A_665, %min3A_686, %select_n3A_682 : vector<16xi1>, vector<16xf32>
          %reshape3A_688 = vector.shape_cast %max3A_90 : vector<16xi32> to vector<16x1xi32>
          %gather3A_689 = vector.shape_cast %reshape3A_688 : vector<16x1xi32> to vector<16xi32>
          %gather3A_690 = tpu.dynamic_gather %select_n3A_687[%gather3A_689] in [0] : vector<16xf32>, vector<16xi32> -> vector<16xf32>
          %min3A_691 = arith.minimumf %select_n3A_687, %gather3A_690 : vector<16xf32>
          %select_n3A_692 = arith.select %and3A_670, %min3A_691, %select_n3A_687 : vector<16xi1>, vector<16xf32>
          %gather3A_693 = tpu.vector_load_idx %arg8[%masked_sort3A_643] : memref<10000xf32, #tpu.memory_space<vmem>>[vector<16xi32>], vector<16xf32>,
          %min3A_694 = arith.minimumf %gather3A_693, %select_n3A_692 : vector<16xf32>
          tpu.vector_store_idx %arg8[%masked_sort3A_643], %min3A_694 masked %or3A : memref<10000xf32, #tpu.memory_space<vmem>>[vector<16xi32>], vector<16xf32>, vector<16xi1>
          %gather3A_695 = tpu.vector_load_idx %arg13[%gather3A_645] : memref<10000xf32, #tpu.memory_space<vmem>>[vector<16xi32>], vector<16xf32>,
          %mul3A_696 = arith.mulf %gather3A_648, %gather3A_43 : vector<16xf32>
          %add3A_697 = arith.addf %gather3A_695, %mul3A_696 : vector<16xf32>
          %reshape3A_698 = vector.shape_cast %max3A_72 : vector<16xi32> to vector<16x1xi32>
          %gather3A_699 = vector.shape_cast %reshape3A_698 : vector<16x1xi32> to vector<16xi32>
          %gather3A_700 = tpu.dynamic_gather %add3A_697[%gather3A_699] in [0] : vector<16xf32>, vector<16xi32> -> vector<16xf32>
          %min3A_701 = arith.minimumf %add3A_697, %gather3A_700 : vector<16xf32>
          %select_n3A_702 = arith.select %and3A, %min3A_701, %add3A_697 : vector<16xi1>, vector<16xf32>
          %reshape3A_703 = vector.shape_cast %max3A_78 : vector<16xi32> to vector<16x1xi32>
          %gather3A_704 = vector.shape_cast %reshape3A_703 : vector<16x1xi32> to vector<16xi32>
          %gather3A_705 = tpu.dynamic_gather %select_n3A_702[%gather3A_704] in [0] : vector<16xf32>, vector<16xi32> -> vector<16xf32>
          %min3A_706 = arith.minimumf %select_n3A_702, %gather3A_705 : vector<16xf32>
          %select_n3A_707 = arith.select %and3A_660, %min3A_706, %select_n3A_702 : vector<16xi1>, vector<16xf32>
          %reshape3A_708 = vector.shape_cast %max3A_84 : vector<16xi32> to vector<16x1xi32>
          %gather3A_709 = vector.shape_cast %reshape3A_708 : vector<16x1xi32> to vector<16xi32>
          %gather3A_710 = tpu.dynamic_gather %select_n3A_707[%gather3A_709] in [0] : vector<16xf32>, vector<16xi32> -> vector<16xf32>
          %min3A_711 = arith.minimumf %select_n3A_707, %gather3A_710 : vector<16xf32>
          %select_n3A_712 = arith.select %and3A_665, %min3A_711, %select_n3A_707 : vector<16xi1>, vector<16xf32>
          %reshape3A_713 = vector.shape_cast %max3A_90 : vector<16xi32> to vector<16x1xi32>
          %gather3A_714 = vector.shape_cast %reshape3A_713 : vector<16x1xi32> to vector<16xi32>
          %gather3A_715 = tpu.dynamic_gather %select_n3A_712[%gather3A_714] in [0] : vector<16xf32>, vector<16xi32> -> vector<16xf32>
          %min3A_716 = arith.minimumf %select_n3A_712, %gather3A_715 : vector<16xf32>
          %select_n3A_717 = arith.select %and3A_670, %min3A_716, %select_n3A_712 : vector<16xi1>, vector<16xf32>
          %gather3A_718 = tpu.vector_load_idx %arg9[%masked_sort3A_643] : memref<10000xf32, #tpu.memory_space<vmem>>[vector<16xi32>], vector<16xf32>,
          %min3A_719 = arith.minimumf %gather3A_718, %select_n3A_717 : vector<16xf32>
          tpu.vector_store_idx %arg9[%masked_sort3A_643], %min3A_719 masked %or3A : memref<10000xf32, #tpu.memory_space<vmem>>[vector<16xi32>], vector<16xf32>, vector<16xi1>
          %gather3A_720 = tpu.vector_load_idx %arg14[%gather3A_645] : memref<10000xf32, #tpu.memory_space<vmem>>[vector<16xi32>], vector<16xf32>,
          %mul3A_721 = arith.mulf %gather3A_648, %gather3A_52 : vector<16xf32>
          %add3A_722 = arith.addf %gather3A_720, %mul3A_721 : vector<16xf32>
          %reshape3A_723 = vector.shape_cast %max3A_72 : vector<16xi32> to vector<16x1xi32>
          %gather3A_724 = vector.shape_cast %reshape3A_723 : vector<16x1xi32> to vector<16xi32>
          %gather3A_725 = tpu.dynamic_gather %add3A_722[%gather3A_724] in [0] : vector<16xf32>, vector<16xi32> -> vector<16xf32>
          %min3A_726 = arith.minimumf %add3A_722, %gather3A_725 : vector<16xf32>
          %select_n3A_727 = arith.select %and3A, %min3A_726, %add3A_722 : vector<16xi1>, vector<16xf32>
          %reshape3A_728 = vector.shape_cast %max3A_78 : vector<16xi32> to vector<16x1xi32>
          %gather3A_729 = vector.shape_cast %reshape3A_728 : vector<16x1xi32> to vector<16xi32>
          %gather3A_730 = tpu.dynamic_gather %select_n3A_727[%gather3A_729] in [0] : vector<16xf32>, vector<16xi32> -> vector<16xf32>
          %min3A_731 = arith.minimumf %select_n3A_727, %gather3A_730 : vector<16xf32>
          %select_n3A_732 = arith.select %and3A_660, %min3A_731, %select_n3A_727 : vector<16xi1>, vector<16xf32>
          %reshape3A_733 = vector.shape_cast %max3A_84 : vector<16xi32> to vector<16x1xi32>
          %gather3A_734 = vector.shape_cast %reshape3A_733 : vector<16x1xi32> to vector<16xi32>
          %gather3A_735 = tpu.dynamic_gather %select_n3A_732[%gather3A_734] in [0] : vector<16xf32>, vector<16xi32> -> vector<16xf32>
          %min3A_736 = arith.minimumf %select_n3A_732, %gather3A_735 : vector<16xf32>
          %select_n3A_737 = arith.select %and3A_665, %min3A_736, %select_n3A_732 : vector<16xi1>, vector<16xf32>
          %reshape3A_738 = vector.shape_cast %max3A_90 : vector<16xi32> to vector<16x1xi32>
          %gather3A_739 = vector.shape_cast %reshape3A_738 : vector<16x1xi32> to vector<16xi32>
          %gather3A_740 = tpu.dynamic_gather %select_n3A_737[%gather3A_739] in [0] : vector<16xf32>, vector<16xi32> -> vector<16xf32>
          %min3A_741 = arith.minimumf %select_n3A_737, %gather3A_740 : vector<16xf32>
          %select_n3A_742 = arith.select %and3A_670, %min3A_741, %select_n3A_737 : vector<16xi1>, vector<16xf32>
          %gather3A_743 = tpu.vector_load_idx %arg10[%masked_sort3A_643] : memref<10000xf32, #tpu.memory_space<vmem>>[vector<16xi32>], vector<16xf32>,
          %min3A_744 = arith.minimumf %gather3A_743, %select_n3A_742 : vector<16xf32>
          tpu.vector_store_idx %arg10[%masked_sort3A_643], %min3A_744 masked %or3A : memref<10000xf32, #tpu.memory_space<vmem>>[vector<16xi32>], vector<16xf32>, vector<16xi1>
          %gather3A_745 = tpu.vector_load_idx %arg15[%gather3A_645] : memref<10000xf32, #tpu.memory_space<vmem>>[vector<16xi32>], vector<16xf32>,
          %mul3A_746 = arith.mulf %gather3A_648, %gather3A_61 : vector<16xf32>
          %add3A_747 = arith.addf %gather3A_745, %mul3A_746 : vector<16xf32>
          %reshape3A_748 = vector.shape_cast %max3A_72 : vector<16xi32> to vector<16x1xi32>
          %gather3A_749 = vector.shape_cast %reshape3A_748 : vector<16x1xi32> to vector<16xi32>
          %gather3A_750 = tpu.dynamic_gather %add3A_747[%gather3A_749] in [0] : vector<16xf32>, vector<16xi32> -> vector<16xf32>
          %min3A_751 = arith.minimumf %add3A_747, %gather3A_750 : vector<16xf32>
          %select_n3A_752 = arith.select %and3A, %min3A_751, %add3A_747 : vector<16xi1>, vector<16xf32>
          %reshape3A_753 = vector.shape_cast %max3A_78 : vector<16xi32> to vector<16x1xi32>
          %gather3A_754 = vector.shape_cast %reshape3A_753 : vector<16x1xi32> to vector<16xi32>
          %gather3A_755 = tpu.dynamic_gather %select_n3A_752[%gather3A_754] in [0] : vector<16xf32>, vector<16xi32> -> vector<16xf32>
          %min3A_756 = arith.minimumf %select_n3A_752, %gather3A_755 : vector<16xf32>
          %select_n3A_757 = arith.select %and3A_660, %min3A_756, %select_n3A_752 : vector<16xi1>, vector<16xf32>
          %reshape3A_758 = vector.shape_cast %max3A_84 : vector<16xi32> to vector<16x1xi32>
          %gather3A_759 = vector.shape_cast %reshape3A_758 : vector<16x1xi32> to vector<16xi32>
          %gather3A_760 = tpu.dynamic_gather %select_n3A_757[%gather3A_759] in [0] : vector<16xf32>, vector<16xi32> -> vector<16xf32>
          %min3A_761 = arith.minimumf %select_n3A_757, %gather3A_760 : vector<16xf32>
          %select_n3A_762 = arith.select %and3A_665, %min3A_761, %select_n3A_757 : vector<16xi1>, vector<16xf32>
          %reshape3A_763 = vector.shape_cast %max3A_90 : vector<16xi32> to vector<16x1xi32>
          %gather3A_764 = vector.shape_cast %reshape3A_763 : vector<16x1xi32> to vector<16xi32>
          %gather3A_765 = tpu.dynamic_gather %select_n3A_762[%gather3A_764] in [0] : vector<16xf32>, vector<16xi32> -> vector<16xf32>
          %min3A_766 = arith.minimumf %select_n3A_762, %gather3A_765 : vector<16xf32>
          %select_n3A_767 = arith.select %and3A_670, %min3A_766, %select_n3A_762 : vector<16xi1>, vector<16xf32>
          %gather3A_768 = tpu.vector_load_idx %arg11[%masked_sort3A_643] : memref<10000xf32, #tpu.memory_space<vmem>>[vector<16xi32>], vector<16xf32>,
          %min3A_769 = arith.minimumf %gather3A_768, %select_n3A_767 : vector<16xf32>
          tpu.vector_store_idx %arg11[%masked_sort3A_643], %min3A_769 masked %or3A : memref<10000xf32, #tpu.memory_space<vmem>>[vector<16xi32>], vector<16xf32>, vector<16xi1>
        } else {
        }
        %mul3A_445 = arith.constant 8 : i32
        %mul3A_446 = arith.muli %scan3A_257, %mul3A_445 : i32
        %add3A_447 = arith.constant 4 : i32
        %add3A_448 = arith.addi %mul3A_446, %add3A_447 : i32
        %mul3A_449 = arith.constant 16 : i32
        %mul3A_450 = arith.muli %add3A_448, %mul3A_449 : i32
        %get3A_451 = arith.index_cast %mul3A_450 : i32 to index
        %get3A_452 = tpu.vector_load %arg17[%get3A_451] {strides = array<i32>} : memref<6400xi32, #tpu.memory_space<vmem>>, vector<16xi32>,
        %mul3A_453 = arith.constant 16 : i32
        %mul3A_454 = arith.muli %add3A_448, %mul3A_453 : i32
        %get3A_455 = arith.index_cast %mul3A_454 : i32 to index
        %get3A_456 = tpu.vector_load %arg19[%get3A_455] {strides = array<i32>} : memref<6400xi32, #tpu.memory_space<vmem>>, vector<16xi32>,
        %mul3A_457 = arith.constant 16 : i32
        %mul3A_458 = arith.muli %add3A_448, %mul3A_457 : i32
        %get3A_459 = arith.index_cast %mul3A_458 : i32 to index
        %get3A_460 = tpu.vector_load %arg21[%get3A_459] {strides = array<i32>} : memref<6400xf32, #tpu.memory_space<vmem>>, vector<16xf32>,
        %broadcast_in_dim3A_461 = arith.constant true
        %broadcast_in_dim3A_462 = vector.broadcast %broadcast_in_dim3A_461 : i1 to vector<16xi1>
        %unique3A_463, %unique3A_464 = tpu.scan_count mask(%broadcast_in_dim3A_462 : vector<16xi1>) value(%get3A_452 : vector<16xi32>) : vector<16xi1>, vector<16xi32>
        %all_reduce_population_count3A_465 = tpu.all_reduce %unique3A_463 {dim = 0 : i64, kind = #tpu.reduction_kind<sum>} : vector<16xi1> -> vector<16xi32>
        %gather3A_466 = tpu.vector_load_idx %arg12[%get3A_456] : memref<10000xf32, #tpu.memory_space<vmem>>[vector<16xi32>], vector<16xf32>,
        %mul3A_467 = arith.mulf %get3A_460, %gather3A : vector<16xf32>
        %add3A_468 = arith.addf %gather3A_466, %mul3A_467 : vector<16xf32>
        %gather3A_469 = tpu.vector_load_idx %arg8[%get3A_452] : memref<10000xf32, #tpu.memory_space<vmem>>[vector<16xi32>], vector<16xf32>,
        %min3A_470 = arith.minimumf %gather3A_469, %add3A_468 : vector<16xf32>
        tpu.vector_store_idx %arg8[%get3A_452], %min3A_470 : memref<10000xf32, #tpu.memory_space<vmem>>[vector<16xi32>], vector<16xf32>,
        %gather3A_471 = tpu.vector_load_idx %arg13[%get3A_456] : memref<10000xf32, #tpu.memory_space<vmem>>[vector<16xi32>], vector<16xf32>,
        %mul3A_472 = arith.mulf %get3A_460, %gather3A_43 : vector<16xf32>
        %add3A_473 = arith.addf %gather3A_471, %mul3A_472 : vector<16xf32>
        %gather3A_474 = tpu.vector_load_idx %arg9[%get3A_452] : memref<10000xf32, #tpu.memory_space<vmem>>[vector<16xi32>], vector<16xf32>,
        %min3A_475 = arith.minimumf %gather3A_474, %add3A_473 : vector<16xf32>
        tpu.vector_store_idx %arg9[%get3A_452], %min3A_475 : memref<10000xf32, #tpu.memory_space<vmem>>[vector<16xi32>], vector<16xf32>,
        %gather3A_476 = tpu.vector_load_idx %arg14[%get3A_456] : memref<10000xf32, #tpu.memory_space<vmem>>[vector<16xi32>], vector<16xf32>,
        %mul3A_477 = arith.mulf %get3A_460, %gather3A_52 : vector<16xf32>
        %add3A_478 = arith.addf %gather3A_476, %mul3A_477 : vector<16xf32>
        %gather3A_479 = tpu.vector_load_idx %arg10[%get3A_452] : memref<10000xf32, #tpu.memory_space<vmem>>[vector<16xi32>], vector<16xf32>,
        %min3A_480 = arith.minimumf %gather3A_479, %add3A_478 : vector<16xf32>
        tpu.vector_store_idx %arg10[%get3A_452], %min3A_480 : memref<10000xf32, #tpu.memory_space<vmem>>[vector<16xi32>], vector<16xf32>,
        %gather3A_481 = tpu.vector_load_idx %arg15[%get3A_456] : memref<10000xf32, #tpu.memory_space<vmem>>[vector<16xi32>], vector<16xf32>,
        %mul3A_482 = arith.mulf %get3A_460, %gather3A_61 : vector<16xf32>
        %add3A_483 = arith.addf %gather3A_481, %mul3A_482 : vector<16xf32>
        %gather3A_484 = tpu.vector_load_idx %arg11[%get3A_452] : memref<10000xf32, #tpu.memory_space<vmem>>[vector<16xi32>], vector<16xf32>,
        %min3A_485 = arith.minimumf %gather3A_484, %add3A_483 : vector<16xf32>
        tpu.vector_store_idx %arg11[%get3A_452], %min3A_485 : memref<10000xf32, #tpu.memory_space<vmem>>[vector<16xi32>], vector<16xf32>,
        %slice3A_486 = vector.extract_strided_slice %all_reduce_population_count3A_465 {offsets = [0], sizes = [1], strides = [1]} : vector<16xi32> to vector<1xi32>
        %squeeze3A_487 = vector.extract %slice3A_486[0] : i32 from vector<1xi32>
        %lt3A_488 = arith.constant 16 : i32
        %lt3A_489 = arith.cmpi slt, %squeeze3A_487, %lt3A_488 : i32
        %convert_element_type3A_490 = arith.extui %lt3A_489 : i1 to i32
        %cond3A_491 = arith.constant 0 : i32
        %cond3A_492 = arith.cmpi ne, %convert_element_type3A_490, %cond3A_491 : i32
        scf.if %cond3A_492 {
          %masked_sort3A = arith.constant dense<true> : vector<16xi1>
          %masked_sort3A_637 = arith.constant -2147483648 : i32
          %masked_sort3A_638 = vector.broadcast %masked_sort3A_637 : i32 to vector<16xi32>
          %masked_sort3A_639 = arith.xori %get3A_452, %masked_sort3A_638 : vector<16xi32>
          %masked_sort3A_640, %masked_sort3A_641, %masked_sort3A_642 = tpu.sort %masked_sort3A_639, %iota3A masked %masked_sort3A : (vector<16xi32>, vector<16xi32>, vector<16xi1>) -> (vector<16xi1>, vector<16xi32>, vector<16xi32>)
          %masked_sort3A_643 = arith.xori %masked_sort3A_641, %masked_sort3A_638 : vector<16xi32>
          %reshape3A = vector.shape_cast %masked_sort3A_642 : vector<16xi32> to vector<16x1xi32>
          %gather3A_644 = vector.shape_cast %reshape3A : vector<16x1xi32> to vector<16xi32>
          %gather3A_645 = tpu.dynamic_gather %get3A_456[%gather3A_644] in [0] : vector<16xi32>, vector<16xi32> -> vector<16xi32>
          %reshape3A_646 = vector.shape_cast %masked_sort3A_642 : vector<16xi32> to vector<16x1xi32>
          %gather3A_647 = vector.shape_cast %reshape3A_646 : vector<16x1xi32> to vector<16xi32>
          %gather3A_648 = tpu.dynamic_gather %get3A_460[%gather3A_647] in [0] : vector<16xf32>, vector<16xi32> -> vector<16xf32>
          %reshape3A_649 = vector.shape_cast %min3A_106 : vector<16xi32> to vector<16x1xi32>
          %gather3A_650 = vector.shape_cast %reshape3A_649 : vector<16x1xi32> to vector<16xi32>
          %gather3A_651 = tpu.dynamic_gather %masked_sort3A_643[%gather3A_650] in [0] : vector<16xi32>, vector<16xi32> -> vector<16xi32>
          %ne3A = arith.cmpi ne, %masked_sort3A_643, %gather3A_651 : vector<16xi32>
          %or3A = arith.ori %eq3A_108, %ne3A : vector<16xi1>
          %reshape3A_652 = vector.shape_cast %max3A_72 : vector<16xi32> to vector<16x1xi32>
          %gather3A_653 = vector.shape_cast %reshape3A_652 : vector<16x1xi32> to vector<16xi32>
          %gather3A_654 = tpu.dynamic_gather %masked_sort3A_643[%gather3A_653] in [0] : vector<16xi32>, vector<16xi32> -> vector<16xi32>
          %eq3A_655 = arith.cmpi eq, %masked_sort3A_643, %gather3A_654 : vector<16xi32>
          %and3A = arith.andi %ge3A_92, %eq3A_655 : vector<16xi1>
          %reshape3A_656 = vector.shape_cast %max3A_78 : vector<16xi32> to vector<16x1xi32>
          %gather3A_657 = vector.shape_cast %reshape3A_656 : vector<16x1xi32> to vector<16xi32>
          %gather3A_658 = tpu.dynamic_gather %masked_sort3A_643[%gather3A_657] in [0] : vector<16xi32>, vector<16xi32> -> vector<16xi32>
          %eq3A_659 = arith.cmpi eq, %masked_sort3A_643, %gather3A_658 : vector<16xi32>
          %and3A_660 = arith.andi %ge3A_95, %eq3A_659 : vector<16xi1>
          %reshape3A_661 = vector.shape_cast %max3A_84 : vector<16xi32> to vector<16x1xi32>
          %gather3A_662 = vector.shape_cast %reshape3A_661 : vector<16x1xi32> to vector<16xi32>
          %gather3A_663 = tpu.dynamic_gather %masked_sort3A_643[%gather3A_662] in [0] : vector<16xi32>, vector<16xi32> -> vector<16xi32>
          %eq3A_664 = arith.cmpi eq, %masked_sort3A_643, %gather3A_663 : vector<16xi32>
          %and3A_665 = arith.andi %ge3A_98, %eq3A_664 : vector<16xi1>
          %reshape3A_666 = vector.shape_cast %max3A_90 : vector<16xi32> to vector<16x1xi32>
          %gather3A_667 = vector.shape_cast %reshape3A_666 : vector<16x1xi32> to vector<16xi32>
          %gather3A_668 = tpu.dynamic_gather %masked_sort3A_643[%gather3A_667] in [0] : vector<16xi32>, vector<16xi32> -> vector<16xi32>
          %eq3A_669 = arith.cmpi eq, %masked_sort3A_643, %gather3A_668 : vector<16xi32>
          %and3A_670 = arith.andi %ge3A_101, %eq3A_669 : vector<16xi1>
          %gather3A_671 = tpu.vector_load_idx %arg12[%gather3A_645] : memref<10000xf32, #tpu.memory_space<vmem>>[vector<16xi32>], vector<16xf32>,
          %mul3A_672 = arith.mulf %gather3A_648, %gather3A : vector<16xf32>
          %add3A_673 = arith.addf %gather3A_671, %mul3A_672 : vector<16xf32>
          %reshape3A_674 = vector.shape_cast %max3A_72 : vector<16xi32> to vector<16x1xi32>
          %gather3A_675 = vector.shape_cast %reshape3A_674 : vector<16x1xi32> to vector<16xi32>
          %gather3A_676 = tpu.dynamic_gather %add3A_673[%gather3A_675] in [0] : vector<16xf32>, vector<16xi32> -> vector<16xf32>
          %min3A_677 = arith.minimumf %add3A_673, %gather3A_676 : vector<16xf32>
          %select_n3A = arith.select %and3A, %min3A_677, %add3A_673 : vector<16xi1>, vector<16xf32>
          %reshape3A_678 = vector.shape_cast %max3A_78 : vector<16xi32> to vector<16x1xi32>
          %gather3A_679 = vector.shape_cast %reshape3A_678 : vector<16x1xi32> to vector<16xi32>
          %gather3A_680 = tpu.dynamic_gather %select_n3A[%gather3A_679] in [0] : vector<16xf32>, vector<16xi32> -> vector<16xf32>
          %min3A_681 = arith.minimumf %select_n3A, %gather3A_680 : vector<16xf32>
          %select_n3A_682 = arith.select %and3A_660, %min3A_681, %select_n3A : vector<16xi1>, vector<16xf32>
          %reshape3A_683 = vector.shape_cast %max3A_84 : vector<16xi32> to vector<16x1xi32>
          %gather3A_684 = vector.shape_cast %reshape3A_683 : vector<16x1xi32> to vector<16xi32>
          %gather3A_685 = tpu.dynamic_gather %select_n3A_682[%gather3A_684] in [0] : vector<16xf32>, vector<16xi32> -> vector<16xf32>
          %min3A_686 = arith.minimumf %select_n3A_682, %gather3A_685 : vector<16xf32>
          %select_n3A_687 = arith.select %and3A_665, %min3A_686, %select_n3A_682 : vector<16xi1>, vector<16xf32>
          %reshape3A_688 = vector.shape_cast %max3A_90 : vector<16xi32> to vector<16x1xi32>
          %gather3A_689 = vector.shape_cast %reshape3A_688 : vector<16x1xi32> to vector<16xi32>
          %gather3A_690 = tpu.dynamic_gather %select_n3A_687[%gather3A_689] in [0] : vector<16xf32>, vector<16xi32> -> vector<16xf32>
          %min3A_691 = arith.minimumf %select_n3A_687, %gather3A_690 : vector<16xf32>
          %select_n3A_692 = arith.select %and3A_670, %min3A_691, %select_n3A_687 : vector<16xi1>, vector<16xf32>
          %gather3A_693 = tpu.vector_load_idx %arg8[%masked_sort3A_643] : memref<10000xf32, #tpu.memory_space<vmem>>[vector<16xi32>], vector<16xf32>,
          %min3A_694 = arith.minimumf %gather3A_693, %select_n3A_692 : vector<16xf32>
          tpu.vector_store_idx %arg8[%masked_sort3A_643], %min3A_694 masked %or3A : memref<10000xf32, #tpu.memory_space<vmem>>[vector<16xi32>], vector<16xf32>, vector<16xi1>
          %gather3A_695 = tpu.vector_load_idx %arg13[%gather3A_645] : memref<10000xf32, #tpu.memory_space<vmem>>[vector<16xi32>], vector<16xf32>,
          %mul3A_696 = arith.mulf %gather3A_648, %gather3A_43 : vector<16xf32>
          %add3A_697 = arith.addf %gather3A_695, %mul3A_696 : vector<16xf32>
          %reshape3A_698 = vector.shape_cast %max3A_72 : vector<16xi32> to vector<16x1xi32>
          %gather3A_699 = vector.shape_cast %reshape3A_698 : vector<16x1xi32> to vector<16xi32>
          %gather3A_700 = tpu.dynamic_gather %add3A_697[%gather3A_699] in [0] : vector<16xf32>, vector<16xi32> -> vector<16xf32>
          %min3A_701 = arith.minimumf %add3A_697, %gather3A_700 : vector<16xf32>
          %select_n3A_702 = arith.select %and3A, %min3A_701, %add3A_697 : vector<16xi1>, vector<16xf32>
          %reshape3A_703 = vector.shape_cast %max3A_78 : vector<16xi32> to vector<16x1xi32>
          %gather3A_704 = vector.shape_cast %reshape3A_703 : vector<16x1xi32> to vector<16xi32>
          %gather3A_705 = tpu.dynamic_gather %select_n3A_702[%gather3A_704] in [0] : vector<16xf32>, vector<16xi32> -> vector<16xf32>
          %min3A_706 = arith.minimumf %select_n3A_702, %gather3A_705 : vector<16xf32>
          %select_n3A_707 = arith.select %and3A_660, %min3A_706, %select_n3A_702 : vector<16xi1>, vector<16xf32>
          %reshape3A_708 = vector.shape_cast %max3A_84 : vector<16xi32> to vector<16x1xi32>
          %gather3A_709 = vector.shape_cast %reshape3A_708 : vector<16x1xi32> to vector<16xi32>
          %gather3A_710 = tpu.dynamic_gather %select_n3A_707[%gather3A_709] in [0] : vector<16xf32>, vector<16xi32> -> vector<16xf32>
          %min3A_711 = arith.minimumf %select_n3A_707, %gather3A_710 : vector<16xf32>
          %select_n3A_712 = arith.select %and3A_665, %min3A_711, %select_n3A_707 : vector<16xi1>, vector<16xf32>
          %reshape3A_713 = vector.shape_cast %max3A_90 : vector<16xi32> to vector<16x1xi32>
          %gather3A_714 = vector.shape_cast %reshape3A_713 : vector<16x1xi32> to vector<16xi32>
          %gather3A_715 = tpu.dynamic_gather %select_n3A_712[%gather3A_714] in [0] : vector<16xf32>, vector<16xi32> -> vector<16xf32>
          %min3A_716 = arith.minimumf %select_n3A_712, %gather3A_715 : vector<16xf32>
          %select_n3A_717 = arith.select %and3A_670, %min3A_716, %select_n3A_712 : vector<16xi1>, vector<16xf32>
          %gather3A_718 = tpu.vector_load_idx %arg9[%masked_sort3A_643] : memref<10000xf32, #tpu.memory_space<vmem>>[vector<16xi32>], vector<16xf32>,
          %min3A_719 = arith.minimumf %gather3A_718, %select_n3A_717 : vector<16xf32>
          tpu.vector_store_idx %arg9[%masked_sort3A_643], %min3A_719 masked %or3A : memref<10000xf32, #tpu.memory_space<vmem>>[vector<16xi32>], vector<16xf32>, vector<16xi1>
          %gather3A_720 = tpu.vector_load_idx %arg14[%gather3A_645] : memref<10000xf32, #tpu.memory_space<vmem>>[vector<16xi32>], vector<16xf32>,
          %mul3A_721 = arith.mulf %gather3A_648, %gather3A_52 : vector<16xf32>
          %add3A_722 = arith.addf %gather3A_720, %mul3A_721 : vector<16xf32>
          %reshape3A_723 = vector.shape_cast %max3A_72 : vector<16xi32> to vector<16x1xi32>
          %gather3A_724 = vector.shape_cast %reshape3A_723 : vector<16x1xi32> to vector<16xi32>
          %gather3A_725 = tpu.dynamic_gather %add3A_722[%gather3A_724] in [0] : vector<16xf32>, vector<16xi32> -> vector<16xf32>
          %min3A_726 = arith.minimumf %add3A_722, %gather3A_725 : vector<16xf32>
          %select_n3A_727 = arith.select %and3A, %min3A_726, %add3A_722 : vector<16xi1>, vector<16xf32>
          %reshape3A_728 = vector.shape_cast %max3A_78 : vector<16xi32> to vector<16x1xi32>
          %gather3A_729 = vector.shape_cast %reshape3A_728 : vector<16x1xi32> to vector<16xi32>
          %gather3A_730 = tpu.dynamic_gather %select_n3A_727[%gather3A_729] in [0] : vector<16xf32>, vector<16xi32> -> vector<16xf32>
          %min3A_731 = arith.minimumf %select_n3A_727, %gather3A_730 : vector<16xf32>
          %select_n3A_732 = arith.select %and3A_660, %min3A_731, %select_n3A_727 : vector<16xi1>, vector<16xf32>
          %reshape3A_733 = vector.shape_cast %max3A_84 : vector<16xi32> to vector<16x1xi32>
          %gather3A_734 = vector.shape_cast %reshape3A_733 : vector<16x1xi32> to vector<16xi32>
          %gather3A_735 = tpu.dynamic_gather %select_n3A_732[%gather3A_734] in [0] : vector<16xf32>, vector<16xi32> -> vector<16xf32>
          %min3A_736 = arith.minimumf %select_n3A_732, %gather3A_735 : vector<16xf32>
          %select_n3A_737 = arith.select %and3A_665, %min3A_736, %select_n3A_732 : vector<16xi1>, vector<16xf32>
          %reshape3A_738 = vector.shape_cast %max3A_90 : vector<16xi32> to vector<16x1xi32>
          %gather3A_739 = vector.shape_cast %reshape3A_738 : vector<16x1xi32> to vector<16xi32>
          %gather3A_740 = tpu.dynamic_gather %select_n3A_737[%gather3A_739] in [0] : vector<16xf32>, vector<16xi32> -> vector<16xf32>
          %min3A_741 = arith.minimumf %select_n3A_737, %gather3A_740 : vector<16xf32>
          %select_n3A_742 = arith.select %and3A_670, %min3A_741, %select_n3A_737 : vector<16xi1>, vector<16xf32>
          %gather3A_743 = tpu.vector_load_idx %arg10[%masked_sort3A_643] : memref<10000xf32, #tpu.memory_space<vmem>>[vector<16xi32>], vector<16xf32>,
          %min3A_744 = arith.minimumf %gather3A_743, %select_n3A_742 : vector<16xf32>
          tpu.vector_store_idx %arg10[%masked_sort3A_643], %min3A_744 masked %or3A : memref<10000xf32, #tpu.memory_space<vmem>>[vector<16xi32>], vector<16xf32>, vector<16xi1>
          %gather3A_745 = tpu.vector_load_idx %arg15[%gather3A_645] : memref<10000xf32, #tpu.memory_space<vmem>>[vector<16xi32>], vector<16xf32>,
          %mul3A_746 = arith.mulf %gather3A_648, %gather3A_61 : vector<16xf32>
          %add3A_747 = arith.addf %gather3A_745, %mul3A_746 : vector<16xf32>
          %reshape3A_748 = vector.shape_cast %max3A_72 : vector<16xi32> to vector<16x1xi32>
          %gather3A_749 = vector.shape_cast %reshape3A_748 : vector<16x1xi32> to vector<16xi32>
          %gather3A_750 = tpu.dynamic_gather %add3A_747[%gather3A_749] in [0] : vector<16xf32>, vector<16xi32> -> vector<16xf32>
          %min3A_751 = arith.minimumf %add3A_747, %gather3A_750 : vector<16xf32>
          %select_n3A_752 = arith.select %and3A, %min3A_751, %add3A_747 : vector<16xi1>, vector<16xf32>
          %reshape3A_753 = vector.shape_cast %max3A_78 : vector<16xi32> to vector<16x1xi32>
          %gather3A_754 = vector.shape_cast %reshape3A_753 : vector<16x1xi32> to vector<16xi32>
          %gather3A_755 = tpu.dynamic_gather %select_n3A_752[%gather3A_754] in [0] : vector<16xf32>, vector<16xi32> -> vector<16xf32>
          %min3A_756 = arith.minimumf %select_n3A_752, %gather3A_755 : vector<16xf32>
          %select_n3A_757 = arith.select %and3A_660, %min3A_756, %select_n3A_752 : vector<16xi1>, vector<16xf32>
          %reshape3A_758 = vector.shape_cast %max3A_84 : vector<16xi32> to vector<16x1xi32>
          %gather3A_759 = vector.shape_cast %reshape3A_758 : vector<16x1xi32> to vector<16xi32>
          %gather3A_760 = tpu.dynamic_gather %select_n3A_757[%gather3A_759] in [0] : vector<16xf32>, vector<16xi32> -> vector<16xf32>
          %min3A_761 = arith.minimumf %select_n3A_757, %gather3A_760 : vector<16xf32>
          %select_n3A_762 = arith.select %and3A_665, %min3A_761, %select_n3A_757 : vector<16xi1>, vector<16xf32>
          %reshape3A_763 = vector.shape_cast %max3A_90 : vector<16xi32> to vector<16x1xi32>
          %gather3A_764 = vector.shape_cast %reshape3A_763 : vector<16x1xi32> to vector<16xi32>
          %gather3A_765 = tpu.dynamic_gather %select_n3A_762[%gather3A_764] in [0] : vector<16xf32>, vector<16xi32> -> vector<16xf32>
          %min3A_766 = arith.minimumf %select_n3A_762, %gather3A_765 : vector<16xf32>
          %select_n3A_767 = arith.select %and3A_670, %min3A_766, %select_n3A_762 : vector<16xi1>, vector<16xf32>
          %gather3A_768 = tpu.vector_load_idx %arg11[%masked_sort3A_643] : memref<10000xf32, #tpu.memory_space<vmem>>[vector<16xi32>], vector<16xf32>,
          %min3A_769 = arith.minimumf %gather3A_768, %select_n3A_767 : vector<16xf32>
          tpu.vector_store_idx %arg11[%masked_sort3A_643], %min3A_769 masked %or3A : memref<10000xf32, #tpu.memory_space<vmem>>[vector<16xi32>], vector<16xf32>, vector<16xi1>
        } else {
        }
        %mul3A_493 = arith.constant 8 : i32
        %mul3A_494 = arith.muli %scan3A_257, %mul3A_493 : i32
        %add3A_495 = arith.constant 5 : i32
        %add3A_496 = arith.addi %mul3A_494, %add3A_495 : i32
        %mul3A_497 = arith.constant 16 : i32
        %mul3A_498 = arith.muli %add3A_496, %mul3A_497 : i32
        %get3A_499 = arith.index_cast %mul3A_498 : i32 to index
        %get3A_500 = tpu.vector_load %arg17[%get3A_499] {strides = array<i32>} : memref<6400xi32, #tpu.memory_space<vmem>>, vector<16xi32>,
        %mul3A_501 = arith.constant 16 : i32
        %mul3A_502 = arith.muli %add3A_496, %mul3A_501 : i32
        %get3A_503 = arith.index_cast %mul3A_502 : i32 to index
        %get3A_504 = tpu.vector_load %arg19[%get3A_503] {strides = array<i32>} : memref<6400xi32, #tpu.memory_space<vmem>>, vector<16xi32>,
        %mul3A_505 = arith.constant 16 : i32
        %mul3A_506 = arith.muli %add3A_496, %mul3A_505 : i32
        %get3A_507 = arith.index_cast %mul3A_506 : i32 to index
        %get3A_508 = tpu.vector_load %arg21[%get3A_507] {strides = array<i32>} : memref<6400xf32, #tpu.memory_space<vmem>>, vector<16xf32>,
        %broadcast_in_dim3A_509 = arith.constant true
        %broadcast_in_dim3A_510 = vector.broadcast %broadcast_in_dim3A_509 : i1 to vector<16xi1>
        %unique3A_511, %unique3A_512 = tpu.scan_count mask(%broadcast_in_dim3A_510 : vector<16xi1>) value(%get3A_500 : vector<16xi32>) : vector<16xi1>, vector<16xi32>
        %all_reduce_population_count3A_513 = tpu.all_reduce %unique3A_511 {dim = 0 : i64, kind = #tpu.reduction_kind<sum>} : vector<16xi1> -> vector<16xi32>
        %gather3A_514 = tpu.vector_load_idx %arg12[%get3A_504] : memref<10000xf32, #tpu.memory_space<vmem>>[vector<16xi32>], vector<16xf32>,
        %mul3A_515 = arith.mulf %get3A_508, %gather3A : vector<16xf32>
        %add3A_516 = arith.addf %gather3A_514, %mul3A_515 : vector<16xf32>
        %gather3A_517 = tpu.vector_load_idx %arg8[%get3A_500] : memref<10000xf32, #tpu.memory_space<vmem>>[vector<16xi32>], vector<16xf32>,
        %min3A_518 = arith.minimumf %gather3A_517, %add3A_516 : vector<16xf32>
        tpu.vector_store_idx %arg8[%get3A_500], %min3A_518 : memref<10000xf32, #tpu.memory_space<vmem>>[vector<16xi32>], vector<16xf32>,
        %gather3A_519 = tpu.vector_load_idx %arg13[%get3A_504] : memref<10000xf32, #tpu.memory_space<vmem>>[vector<16xi32>], vector<16xf32>,
        %mul3A_520 = arith.mulf %get3A_508, %gather3A_43 : vector<16xf32>
        %add3A_521 = arith.addf %gather3A_519, %mul3A_520 : vector<16xf32>
        %gather3A_522 = tpu.vector_load_idx %arg9[%get3A_500] : memref<10000xf32, #tpu.memory_space<vmem>>[vector<16xi32>], vector<16xf32>,
        %min3A_523 = arith.minimumf %gather3A_522, %add3A_521 : vector<16xf32>
        tpu.vector_store_idx %arg9[%get3A_500], %min3A_523 : memref<10000xf32, #tpu.memory_space<vmem>>[vector<16xi32>], vector<16xf32>,
        %gather3A_524 = tpu.vector_load_idx %arg14[%get3A_504] : memref<10000xf32, #tpu.memory_space<vmem>>[vector<16xi32>], vector<16xf32>,
        %mul3A_525 = arith.mulf %get3A_508, %gather3A_52 : vector<16xf32>
        %add3A_526 = arith.addf %gather3A_524, %mul3A_525 : vector<16xf32>
        %gather3A_527 = tpu.vector_load_idx %arg10[%get3A_500] : memref<10000xf32, #tpu.memory_space<vmem>>[vector<16xi32>], vector<16xf32>,
        %min3A_528 = arith.minimumf %gather3A_527, %add3A_526 : vector<16xf32>
        tpu.vector_store_idx %arg10[%get3A_500], %min3A_528 : memref<10000xf32, #tpu.memory_space<vmem>>[vector<16xi32>], vector<16xf32>,
        %gather3A_529 = tpu.vector_load_idx %arg15[%get3A_504] : memref<10000xf32, #tpu.memory_space<vmem>>[vector<16xi32>], vector<16xf32>,
        %mul3A_530 = arith.mulf %get3A_508, %gather3A_61 : vector<16xf32>
        %add3A_531 = arith.addf %gather3A_529, %mul3A_530 : vector<16xf32>
        %gather3A_532 = tpu.vector_load_idx %arg11[%get3A_500] : memref<10000xf32, #tpu.memory_space<vmem>>[vector<16xi32>], vector<16xf32>,
        %min3A_533 = arith.minimumf %gather3A_532, %add3A_531 : vector<16xf32>
        tpu.vector_store_idx %arg11[%get3A_500], %min3A_533 : memref<10000xf32, #tpu.memory_space<vmem>>[vector<16xi32>], vector<16xf32>,
        %slice3A_534 = vector.extract_strided_slice %all_reduce_population_count3A_513 {offsets = [0], sizes = [1], strides = [1]} : vector<16xi32> to vector<1xi32>
        %squeeze3A_535 = vector.extract %slice3A_534[0] : i32 from vector<1xi32>
        %lt3A_536 = arith.constant 16 : i32
        %lt3A_537 = arith.cmpi slt, %squeeze3A_535, %lt3A_536 : i32
        %convert_element_type3A_538 = arith.extui %lt3A_537 : i1 to i32
        %cond3A_539 = arith.constant 0 : i32
        %cond3A_540 = arith.cmpi ne, %convert_element_type3A_538, %cond3A_539 : i32
        scf.if %cond3A_540 {
          %masked_sort3A = arith.constant dense<true> : vector<16xi1>
          %masked_sort3A_637 = arith.constant -2147483648 : i32
          %masked_sort3A_638 = vector.broadcast %masked_sort3A_637 : i32 to vector<16xi32>
          %masked_sort3A_639 = arith.xori %get3A_500, %masked_sort3A_638 : vector<16xi32>
          %masked_sort3A_640, %masked_sort3A_641, %masked_sort3A_642 = tpu.sort %masked_sort3A_639, %iota3A masked %masked_sort3A : (vector<16xi32>, vector<16xi32>, vector<16xi1>) -> (vector<16xi1>, vector<16xi32>, vector<16xi32>)
          %masked_sort3A_643 = arith.xori %masked_sort3A_641, %masked_sort3A_638 : vector<16xi32>
          %reshape3A = vector.shape_cast %masked_sort3A_642 : vector<16xi32> to vector<16x1xi32>
          %gather3A_644 = vector.shape_cast %reshape3A : vector<16x1xi32> to vector<16xi32>
          %gather3A_645 = tpu.dynamic_gather %get3A_504[%gather3A_644] in [0] : vector<16xi32>, vector<16xi32> -> vector<16xi32>
          %reshape3A_646 = vector.shape_cast %masked_sort3A_642 : vector<16xi32> to vector<16x1xi32>
          %gather3A_647 = vector.shape_cast %reshape3A_646 : vector<16x1xi32> to vector<16xi32>
          %gather3A_648 = tpu.dynamic_gather %get3A_508[%gather3A_647] in [0] : vector<16xf32>, vector<16xi32> -> vector<16xf32>
          %reshape3A_649 = vector.shape_cast %min3A_106 : vector<16xi32> to vector<16x1xi32>
          %gather3A_650 = vector.shape_cast %reshape3A_649 : vector<16x1xi32> to vector<16xi32>
          %gather3A_651 = tpu.dynamic_gather %masked_sort3A_643[%gather3A_650] in [0] : vector<16xi32>, vector<16xi32> -> vector<16xi32>
          %ne3A = arith.cmpi ne, %masked_sort3A_643, %gather3A_651 : vector<16xi32>
          %or3A = arith.ori %eq3A_108, %ne3A : vector<16xi1>
          %reshape3A_652 = vector.shape_cast %max3A_72 : vector<16xi32> to vector<16x1xi32>
          %gather3A_653 = vector.shape_cast %reshape3A_652 : vector<16x1xi32> to vector<16xi32>
          %gather3A_654 = tpu.dynamic_gather %masked_sort3A_643[%gather3A_653] in [0] : vector<16xi32>, vector<16xi32> -> vector<16xi32>
          %eq3A_655 = arith.cmpi eq, %masked_sort3A_643, %gather3A_654 : vector<16xi32>
          %and3A = arith.andi %ge3A_92, %eq3A_655 : vector<16xi1>
          %reshape3A_656 = vector.shape_cast %max3A_78 : vector<16xi32> to vector<16x1xi32>
          %gather3A_657 = vector.shape_cast %reshape3A_656 : vector<16x1xi32> to vector<16xi32>
          %gather3A_658 = tpu.dynamic_gather %masked_sort3A_643[%gather3A_657] in [0] : vector<16xi32>, vector<16xi32> -> vector<16xi32>
          %eq3A_659 = arith.cmpi eq, %masked_sort3A_643, %gather3A_658 : vector<16xi32>
          %and3A_660 = arith.andi %ge3A_95, %eq3A_659 : vector<16xi1>
          %reshape3A_661 = vector.shape_cast %max3A_84 : vector<16xi32> to vector<16x1xi32>
          %gather3A_662 = vector.shape_cast %reshape3A_661 : vector<16x1xi32> to vector<16xi32>
          %gather3A_663 = tpu.dynamic_gather %masked_sort3A_643[%gather3A_662] in [0] : vector<16xi32>, vector<16xi32> -> vector<16xi32>
          %eq3A_664 = arith.cmpi eq, %masked_sort3A_643, %gather3A_663 : vector<16xi32>
          %and3A_665 = arith.andi %ge3A_98, %eq3A_664 : vector<16xi1>
          %reshape3A_666 = vector.shape_cast %max3A_90 : vector<16xi32> to vector<16x1xi32>
          %gather3A_667 = vector.shape_cast %reshape3A_666 : vector<16x1xi32> to vector<16xi32>
          %gather3A_668 = tpu.dynamic_gather %masked_sort3A_643[%gather3A_667] in [0] : vector<16xi32>, vector<16xi32> -> vector<16xi32>
          %eq3A_669 = arith.cmpi eq, %masked_sort3A_643, %gather3A_668 : vector<16xi32>
          %and3A_670 = arith.andi %ge3A_101, %eq3A_669 : vector<16xi1>
          %gather3A_671 = tpu.vector_load_idx %arg12[%gather3A_645] : memref<10000xf32, #tpu.memory_space<vmem>>[vector<16xi32>], vector<16xf32>,
          %mul3A_672 = arith.mulf %gather3A_648, %gather3A : vector<16xf32>
          %add3A_673 = arith.addf %gather3A_671, %mul3A_672 : vector<16xf32>
          %reshape3A_674 = vector.shape_cast %max3A_72 : vector<16xi32> to vector<16x1xi32>
          %gather3A_675 = vector.shape_cast %reshape3A_674 : vector<16x1xi32> to vector<16xi32>
          %gather3A_676 = tpu.dynamic_gather %add3A_673[%gather3A_675] in [0] : vector<16xf32>, vector<16xi32> -> vector<16xf32>
          %min3A_677 = arith.minimumf %add3A_673, %gather3A_676 : vector<16xf32>
          %select_n3A = arith.select %and3A, %min3A_677, %add3A_673 : vector<16xi1>, vector<16xf32>
          %reshape3A_678 = vector.shape_cast %max3A_78 : vector<16xi32> to vector<16x1xi32>
          %gather3A_679 = vector.shape_cast %reshape3A_678 : vector<16x1xi32> to vector<16xi32>
          %gather3A_680 = tpu.dynamic_gather %select_n3A[%gather3A_679] in [0] : vector<16xf32>, vector<16xi32> -> vector<16xf32>
          %min3A_681 = arith.minimumf %select_n3A, %gather3A_680 : vector<16xf32>
          %select_n3A_682 = arith.select %and3A_660, %min3A_681, %select_n3A : vector<16xi1>, vector<16xf32>
          %reshape3A_683 = vector.shape_cast %max3A_84 : vector<16xi32> to vector<16x1xi32>
          %gather3A_684 = vector.shape_cast %reshape3A_683 : vector<16x1xi32> to vector<16xi32>
          %gather3A_685 = tpu.dynamic_gather %select_n3A_682[%gather3A_684] in [0] : vector<16xf32>, vector<16xi32> -> vector<16xf32>
          %min3A_686 = arith.minimumf %select_n3A_682, %gather3A_685 : vector<16xf32>
          %select_n3A_687 = arith.select %and3A_665, %min3A_686, %select_n3A_682 : vector<16xi1>, vector<16xf32>
          %reshape3A_688 = vector.shape_cast %max3A_90 : vector<16xi32> to vector<16x1xi32>
          %gather3A_689 = vector.shape_cast %reshape3A_688 : vector<16x1xi32> to vector<16xi32>
          %gather3A_690 = tpu.dynamic_gather %select_n3A_687[%gather3A_689] in [0] : vector<16xf32>, vector<16xi32> -> vector<16xf32>
          %min3A_691 = arith.minimumf %select_n3A_687, %gather3A_690 : vector<16xf32>
          %select_n3A_692 = arith.select %and3A_670, %min3A_691, %select_n3A_687 : vector<16xi1>, vector<16xf32>
          %gather3A_693 = tpu.vector_load_idx %arg8[%masked_sort3A_643] : memref<10000xf32, #tpu.memory_space<vmem>>[vector<16xi32>], vector<16xf32>,
          %min3A_694 = arith.minimumf %gather3A_693, %select_n3A_692 : vector<16xf32>
          tpu.vector_store_idx %arg8[%masked_sort3A_643], %min3A_694 masked %or3A : memref<10000xf32, #tpu.memory_space<vmem>>[vector<16xi32>], vector<16xf32>, vector<16xi1>
          %gather3A_695 = tpu.vector_load_idx %arg13[%gather3A_645] : memref<10000xf32, #tpu.memory_space<vmem>>[vector<16xi32>], vector<16xf32>,
          %mul3A_696 = arith.mulf %gather3A_648, %gather3A_43 : vector<16xf32>
          %add3A_697 = arith.addf %gather3A_695, %mul3A_696 : vector<16xf32>
          %reshape3A_698 = vector.shape_cast %max3A_72 : vector<16xi32> to vector<16x1xi32>
          %gather3A_699 = vector.shape_cast %reshape3A_698 : vector<16x1xi32> to vector<16xi32>
          %gather3A_700 = tpu.dynamic_gather %add3A_697[%gather3A_699] in [0] : vector<16xf32>, vector<16xi32> -> vector<16xf32>
          %min3A_701 = arith.minimumf %add3A_697, %gather3A_700 : vector<16xf32>
          %select_n3A_702 = arith.select %and3A, %min3A_701, %add3A_697 : vector<16xi1>, vector<16xf32>
          %reshape3A_703 = vector.shape_cast %max3A_78 : vector<16xi32> to vector<16x1xi32>
          %gather3A_704 = vector.shape_cast %reshape3A_703 : vector<16x1xi32> to vector<16xi32>
          %gather3A_705 = tpu.dynamic_gather %select_n3A_702[%gather3A_704] in [0] : vector<16xf32>, vector<16xi32> -> vector<16xf32>
          %min3A_706 = arith.minimumf %select_n3A_702, %gather3A_705 : vector<16xf32>
          %select_n3A_707 = arith.select %and3A_660, %min3A_706, %select_n3A_702 : vector<16xi1>, vector<16xf32>
          %reshape3A_708 = vector.shape_cast %max3A_84 : vector<16xi32> to vector<16x1xi32>
          %gather3A_709 = vector.shape_cast %reshape3A_708 : vector<16x1xi32> to vector<16xi32>
          %gather3A_710 = tpu.dynamic_gather %select_n3A_707[%gather3A_709] in [0] : vector<16xf32>, vector<16xi32> -> vector<16xf32>
          %min3A_711 = arith.minimumf %select_n3A_707, %gather3A_710 : vector<16xf32>
          %select_n3A_712 = arith.select %and3A_665, %min3A_711, %select_n3A_707 : vector<16xi1>, vector<16xf32>
          %reshape3A_713 = vector.shape_cast %max3A_90 : vector<16xi32> to vector<16x1xi32>
          %gather3A_714 = vector.shape_cast %reshape3A_713 : vector<16x1xi32> to vector<16xi32>
          %gather3A_715 = tpu.dynamic_gather %select_n3A_712[%gather3A_714] in [0] : vector<16xf32>, vector<16xi32> -> vector<16xf32>
          %min3A_716 = arith.minimumf %select_n3A_712, %gather3A_715 : vector<16xf32>
          %select_n3A_717 = arith.select %and3A_670, %min3A_716, %select_n3A_712 : vector<16xi1>, vector<16xf32>
          %gather3A_718 = tpu.vector_load_idx %arg9[%masked_sort3A_643] : memref<10000xf32, #tpu.memory_space<vmem>>[vector<16xi32>], vector<16xf32>,
          %min3A_719 = arith.minimumf %gather3A_718, %select_n3A_717 : vector<16xf32>
          tpu.vector_store_idx %arg9[%masked_sort3A_643], %min3A_719 masked %or3A : memref<10000xf32, #tpu.memory_space<vmem>>[vector<16xi32>], vector<16xf32>, vector<16xi1>
          %gather3A_720 = tpu.vector_load_idx %arg14[%gather3A_645] : memref<10000xf32, #tpu.memory_space<vmem>>[vector<16xi32>], vector<16xf32>,
          %mul3A_721 = arith.mulf %gather3A_648, %gather3A_52 : vector<16xf32>
          %add3A_722 = arith.addf %gather3A_720, %mul3A_721 : vector<16xf32>
          %reshape3A_723 = vector.shape_cast %max3A_72 : vector<16xi32> to vector<16x1xi32>
          %gather3A_724 = vector.shape_cast %reshape3A_723 : vector<16x1xi32> to vector<16xi32>
          %gather3A_725 = tpu.dynamic_gather %add3A_722[%gather3A_724] in [0] : vector<16xf32>, vector<16xi32> -> vector<16xf32>
          %min3A_726 = arith.minimumf %add3A_722, %gather3A_725 : vector<16xf32>
          %select_n3A_727 = arith.select %and3A, %min3A_726, %add3A_722 : vector<16xi1>, vector<16xf32>
          %reshape3A_728 = vector.shape_cast %max3A_78 : vector<16xi32> to vector<16x1xi32>
          %gather3A_729 = vector.shape_cast %reshape3A_728 : vector<16x1xi32> to vector<16xi32>
          %gather3A_730 = tpu.dynamic_gather %select_n3A_727[%gather3A_729] in [0] : vector<16xf32>, vector<16xi32> -> vector<16xf32>
          %min3A_731 = arith.minimumf %select_n3A_727, %gather3A_730 : vector<16xf32>
          %select_n3A_732 = arith.select %and3A_660, %min3A_731, %select_n3A_727 : vector<16xi1>, vector<16xf32>
          %reshape3A_733 = vector.shape_cast %max3A_84 : vector<16xi32> to vector<16x1xi32>
          %gather3A_734 = vector.shape_cast %reshape3A_733 : vector<16x1xi32> to vector<16xi32>
          %gather3A_735 = tpu.dynamic_gather %select_n3A_732[%gather3A_734] in [0] : vector<16xf32>, vector<16xi32> -> vector<16xf32>
          %min3A_736 = arith.minimumf %select_n3A_732, %gather3A_735 : vector<16xf32>
          %select_n3A_737 = arith.select %and3A_665, %min3A_736, %select_n3A_732 : vector<16xi1>, vector<16xf32>
          %reshape3A_738 = vector.shape_cast %max3A_90 : vector<16xi32> to vector<16x1xi32>
          %gather3A_739 = vector.shape_cast %reshape3A_738 : vector<16x1xi32> to vector<16xi32>
          %gather3A_740 = tpu.dynamic_gather %select_n3A_737[%gather3A_739] in [0] : vector<16xf32>, vector<16xi32> -> vector<16xf32>
          %min3A_741 = arith.minimumf %select_n3A_737, %gather3A_740 : vector<16xf32>
          %select_n3A_742 = arith.select %and3A_670, %min3A_741, %select_n3A_737 : vector<16xi1>, vector<16xf32>
          %gather3A_743 = tpu.vector_load_idx %arg10[%masked_sort3A_643] : memref<10000xf32, #tpu.memory_space<vmem>>[vector<16xi32>], vector<16xf32>,
          %min3A_744 = arith.minimumf %gather3A_743, %select_n3A_742 : vector<16xf32>
          tpu.vector_store_idx %arg10[%masked_sort3A_643], %min3A_744 masked %or3A : memref<10000xf32, #tpu.memory_space<vmem>>[vector<16xi32>], vector<16xf32>, vector<16xi1>
          %gather3A_745 = tpu.vector_load_idx %arg15[%gather3A_645] : memref<10000xf32, #tpu.memory_space<vmem>>[vector<16xi32>], vector<16xf32>,
          %mul3A_746 = arith.mulf %gather3A_648, %gather3A_61 : vector<16xf32>
          %add3A_747 = arith.addf %gather3A_745, %mul3A_746 : vector<16xf32>
          %reshape3A_748 = vector.shape_cast %max3A_72 : vector<16xi32> to vector<16x1xi32>
          %gather3A_749 = vector.shape_cast %reshape3A_748 : vector<16x1xi32> to vector<16xi32>
          %gather3A_750 = tpu.dynamic_gather %add3A_747[%gather3A_749] in [0] : vector<16xf32>, vector<16xi32> -> vector<16xf32>
          %min3A_751 = arith.minimumf %add3A_747, %gather3A_750 : vector<16xf32>
          %select_n3A_752 = arith.select %and3A, %min3A_751, %add3A_747 : vector<16xi1>, vector<16xf32>
          %reshape3A_753 = vector.shape_cast %max3A_78 : vector<16xi32> to vector<16x1xi32>
          %gather3A_754 = vector.shape_cast %reshape3A_753 : vector<16x1xi32> to vector<16xi32>
          %gather3A_755 = tpu.dynamic_gather %select_n3A_752[%gather3A_754] in [0] : vector<16xf32>, vector<16xi32> -> vector<16xf32>
          %min3A_756 = arith.minimumf %select_n3A_752, %gather3A_755 : vector<16xf32>
          %select_n3A_757 = arith.select %and3A_660, %min3A_756, %select_n3A_752 : vector<16xi1>, vector<16xf32>
          %reshape3A_758 = vector.shape_cast %max3A_84 : vector<16xi32> to vector<16x1xi32>
          %gather3A_759 = vector.shape_cast %reshape3A_758 : vector<16x1xi32> to vector<16xi32>
          %gather3A_760 = tpu.dynamic_gather %select_n3A_757[%gather3A_759] in [0] : vector<16xf32>, vector<16xi32> -> vector<16xf32>
          %min3A_761 = arith.minimumf %select_n3A_757, %gather3A_760 : vector<16xf32>
          %select_n3A_762 = arith.select %and3A_665, %min3A_761, %select_n3A_757 : vector<16xi1>, vector<16xf32>
          %reshape3A_763 = vector.shape_cast %max3A_90 : vector<16xi32> to vector<16x1xi32>
          %gather3A_764 = vector.shape_cast %reshape3A_763 : vector<16x1xi32> to vector<16xi32>
          %gather3A_765 = tpu.dynamic_gather %select_n3A_762[%gather3A_764] in [0] : vector<16xf32>, vector<16xi32> -> vector<16xf32>
          %min3A_766 = arith.minimumf %select_n3A_762, %gather3A_765 : vector<16xf32>
          %select_n3A_767 = arith.select %and3A_670, %min3A_766, %select_n3A_762 : vector<16xi1>, vector<16xf32>
          %gather3A_768 = tpu.vector_load_idx %arg11[%masked_sort3A_643] : memref<10000xf32, #tpu.memory_space<vmem>>[vector<16xi32>], vector<16xf32>,
          %min3A_769 = arith.minimumf %gather3A_768, %select_n3A_767 : vector<16xf32>
          tpu.vector_store_idx %arg11[%masked_sort3A_643], %min3A_769 masked %or3A : memref<10000xf32, #tpu.memory_space<vmem>>[vector<16xi32>], vector<16xf32>, vector<16xi1>
        } else {
        }
        %mul3A_541 = arith.constant 8 : i32
        %mul3A_542 = arith.muli %scan3A_257, %mul3A_541 : i32
        %add3A_543 = arith.constant 6 : i32
        %add3A_544 = arith.addi %mul3A_542, %add3A_543 : i32
        %mul3A_545 = arith.constant 16 : i32
        %mul3A_546 = arith.muli %add3A_544, %mul3A_545 : i32
        %get3A_547 = arith.index_cast %mul3A_546 : i32 to index
        %get3A_548 = tpu.vector_load %arg17[%get3A_547] {strides = array<i32>} : memref<6400xi32, #tpu.memory_space<vmem>>, vector<16xi32>,
        %mul3A_549 = arith.constant 16 : i32
        %mul3A_550 = arith.muli %add3A_544, %mul3A_549 : i32
        %get3A_551 = arith.index_cast %mul3A_550 : i32 to index
        %get3A_552 = tpu.vector_load %arg19[%get3A_551] {strides = array<i32>} : memref<6400xi32, #tpu.memory_space<vmem>>, vector<16xi32>,
        %mul3A_553 = arith.constant 16 : i32
        %mul3A_554 = arith.muli %add3A_544, %mul3A_553 : i32
        %get3A_555 = arith.index_cast %mul3A_554 : i32 to index
        %get3A_556 = tpu.vector_load %arg21[%get3A_555] {strides = array<i32>} : memref<6400xf32, #tpu.memory_space<vmem>>, vector<16xf32>,
        %broadcast_in_dim3A_557 = arith.constant true
        %broadcast_in_dim3A_558 = vector.broadcast %broadcast_in_dim3A_557 : i1 to vector<16xi1>
        %unique3A_559, %unique3A_560 = tpu.scan_count mask(%broadcast_in_dim3A_558 : vector<16xi1>) value(%get3A_548 : vector<16xi32>) : vector<16xi1>, vector<16xi32>
        %all_reduce_population_count3A_561 = tpu.all_reduce %unique3A_559 {dim = 0 : i64, kind = #tpu.reduction_kind<sum>} : vector<16xi1> -> vector<16xi32>
        %gather3A_562 = tpu.vector_load_idx %arg12[%get3A_552] : memref<10000xf32, #tpu.memory_space<vmem>>[vector<16xi32>], vector<16xf32>,
        %mul3A_563 = arith.mulf %get3A_556, %gather3A : vector<16xf32>
        %add3A_564 = arith.addf %gather3A_562, %mul3A_563 : vector<16xf32>
        %gather3A_565 = tpu.vector_load_idx %arg8[%get3A_548] : memref<10000xf32, #tpu.memory_space<vmem>>[vector<16xi32>], vector<16xf32>,
        %min3A_566 = arith.minimumf %gather3A_565, %add3A_564 : vector<16xf32>
        tpu.vector_store_idx %arg8[%get3A_548], %min3A_566 : memref<10000xf32, #tpu.memory_space<vmem>>[vector<16xi32>], vector<16xf32>,
        %gather3A_567 = tpu.vector_load_idx %arg13[%get3A_552] : memref<10000xf32, #tpu.memory_space<vmem>>[vector<16xi32>], vector<16xf32>,
        %mul3A_568 = arith.mulf %get3A_556, %gather3A_43 : vector<16xf32>
        %add3A_569 = arith.addf %gather3A_567, %mul3A_568 : vector<16xf32>
        %gather3A_570 = tpu.vector_load_idx %arg9[%get3A_548] : memref<10000xf32, #tpu.memory_space<vmem>>[vector<16xi32>], vector<16xf32>,
        %min3A_571 = arith.minimumf %gather3A_570, %add3A_569 : vector<16xf32>
        tpu.vector_store_idx %arg9[%get3A_548], %min3A_571 : memref<10000xf32, #tpu.memory_space<vmem>>[vector<16xi32>], vector<16xf32>,
        %gather3A_572 = tpu.vector_load_idx %arg14[%get3A_552] : memref<10000xf32, #tpu.memory_space<vmem>>[vector<16xi32>], vector<16xf32>,
        %mul3A_573 = arith.mulf %get3A_556, %gather3A_52 : vector<16xf32>
        %add3A_574 = arith.addf %gather3A_572, %mul3A_573 : vector<16xf32>
        %gather3A_575 = tpu.vector_load_idx %arg10[%get3A_548] : memref<10000xf32, #tpu.memory_space<vmem>>[vector<16xi32>], vector<16xf32>,
        %min3A_576 = arith.minimumf %gather3A_575, %add3A_574 : vector<16xf32>
        tpu.vector_store_idx %arg10[%get3A_548], %min3A_576 : memref<10000xf32, #tpu.memory_space<vmem>>[vector<16xi32>], vector<16xf32>,
        %gather3A_577 = tpu.vector_load_idx %arg15[%get3A_552] : memref<10000xf32, #tpu.memory_space<vmem>>[vector<16xi32>], vector<16xf32>,
        %mul3A_578 = arith.mulf %get3A_556, %gather3A_61 : vector<16xf32>
        %add3A_579 = arith.addf %gather3A_577, %mul3A_578 : vector<16xf32>
        %gather3A_580 = tpu.vector_load_idx %arg11[%get3A_548] : memref<10000xf32, #tpu.memory_space<vmem>>[vector<16xi32>], vector<16xf32>,
        %min3A_581 = arith.minimumf %gather3A_580, %add3A_579 : vector<16xf32>
        tpu.vector_store_idx %arg11[%get3A_548], %min3A_581 : memref<10000xf32, #tpu.memory_space<vmem>>[vector<16xi32>], vector<16xf32>,
        %slice3A_582 = vector.extract_strided_slice %all_reduce_population_count3A_561 {offsets = [0], sizes = [1], strides = [1]} : vector<16xi32> to vector<1xi32>
        %squeeze3A_583 = vector.extract %slice3A_582[0] : i32 from vector<1xi32>
        %lt3A_584 = arith.constant 16 : i32
        %lt3A_585 = arith.cmpi slt, %squeeze3A_583, %lt3A_584 : i32
        %convert_element_type3A_586 = arith.extui %lt3A_585 : i1 to i32
        %cond3A_587 = arith.constant 0 : i32
        %cond3A_588 = arith.cmpi ne, %convert_element_type3A_586, %cond3A_587 : i32
        scf.if %cond3A_588 {
          %masked_sort3A = arith.constant dense<true> : vector<16xi1>
          %masked_sort3A_637 = arith.constant -2147483648 : i32
          %masked_sort3A_638 = vector.broadcast %masked_sort3A_637 : i32 to vector<16xi32>
          %masked_sort3A_639 = arith.xori %get3A_548, %masked_sort3A_638 : vector<16xi32>
          %masked_sort3A_640, %masked_sort3A_641, %masked_sort3A_642 = tpu.sort %masked_sort3A_639, %iota3A masked %masked_sort3A : (vector<16xi32>, vector<16xi32>, vector<16xi1>) -> (vector<16xi1>, vector<16xi32>, vector<16xi32>)
          %masked_sort3A_643 = arith.xori %masked_sort3A_641, %masked_sort3A_638 : vector<16xi32>
          %reshape3A = vector.shape_cast %masked_sort3A_642 : vector<16xi32> to vector<16x1xi32>
          %gather3A_644 = vector.shape_cast %reshape3A : vector<16x1xi32> to vector<16xi32>
          %gather3A_645 = tpu.dynamic_gather %get3A_552[%gather3A_644] in [0] : vector<16xi32>, vector<16xi32> -> vector<16xi32>
          %reshape3A_646 = vector.shape_cast %masked_sort3A_642 : vector<16xi32> to vector<16x1xi32>
          %gather3A_647 = vector.shape_cast %reshape3A_646 : vector<16x1xi32> to vector<16xi32>
          %gather3A_648 = tpu.dynamic_gather %get3A_556[%gather3A_647] in [0] : vector<16xf32>, vector<16xi32> -> vector<16xf32>
          %reshape3A_649 = vector.shape_cast %min3A_106 : vector<16xi32> to vector<16x1xi32>
          %gather3A_650 = vector.shape_cast %reshape3A_649 : vector<16x1xi32> to vector<16xi32>
          %gather3A_651 = tpu.dynamic_gather %masked_sort3A_643[%gather3A_650] in [0] : vector<16xi32>, vector<16xi32> -> vector<16xi32>
          %ne3A = arith.cmpi ne, %masked_sort3A_643, %gather3A_651 : vector<16xi32>
          %or3A = arith.ori %eq3A_108, %ne3A : vector<16xi1>
          %reshape3A_652 = vector.shape_cast %max3A_72 : vector<16xi32> to vector<16x1xi32>
          %gather3A_653 = vector.shape_cast %reshape3A_652 : vector<16x1xi32> to vector<16xi32>
          %gather3A_654 = tpu.dynamic_gather %masked_sort3A_643[%gather3A_653] in [0] : vector<16xi32>, vector<16xi32> -> vector<16xi32>
          %eq3A_655 = arith.cmpi eq, %masked_sort3A_643, %gather3A_654 : vector<16xi32>
          %and3A = arith.andi %ge3A_92, %eq3A_655 : vector<16xi1>
          %reshape3A_656 = vector.shape_cast %max3A_78 : vector<16xi32> to vector<16x1xi32>
          %gather3A_657 = vector.shape_cast %reshape3A_656 : vector<16x1xi32> to vector<16xi32>
          %gather3A_658 = tpu.dynamic_gather %masked_sort3A_643[%gather3A_657] in [0] : vector<16xi32>, vector<16xi32> -> vector<16xi32>
          %eq3A_659 = arith.cmpi eq, %masked_sort3A_643, %gather3A_658 : vector<16xi32>
          %and3A_660 = arith.andi %ge3A_95, %eq3A_659 : vector<16xi1>
          %reshape3A_661 = vector.shape_cast %max3A_84 : vector<16xi32> to vector<16x1xi32>
          %gather3A_662 = vector.shape_cast %reshape3A_661 : vector<16x1xi32> to vector<16xi32>
          %gather3A_663 = tpu.dynamic_gather %masked_sort3A_643[%gather3A_662] in [0] : vector<16xi32>, vector<16xi32> -> vector<16xi32>
          %eq3A_664 = arith.cmpi eq, %masked_sort3A_643, %gather3A_663 : vector<16xi32>
          %and3A_665 = arith.andi %ge3A_98, %eq3A_664 : vector<16xi1>
          %reshape3A_666 = vector.shape_cast %max3A_90 : vector<16xi32> to vector<16x1xi32>
          %gather3A_667 = vector.shape_cast %reshape3A_666 : vector<16x1xi32> to vector<16xi32>
          %gather3A_668 = tpu.dynamic_gather %masked_sort3A_643[%gather3A_667] in [0] : vector<16xi32>, vector<16xi32> -> vector<16xi32>
          %eq3A_669 = arith.cmpi eq, %masked_sort3A_643, %gather3A_668 : vector<16xi32>
          %and3A_670 = arith.andi %ge3A_101, %eq3A_669 : vector<16xi1>
          %gather3A_671 = tpu.vector_load_idx %arg12[%gather3A_645] : memref<10000xf32, #tpu.memory_space<vmem>>[vector<16xi32>], vector<16xf32>,
          %mul3A_672 = arith.mulf %gather3A_648, %gather3A : vector<16xf32>
          %add3A_673 = arith.addf %gather3A_671, %mul3A_672 : vector<16xf32>
          %reshape3A_674 = vector.shape_cast %max3A_72 : vector<16xi32> to vector<16x1xi32>
          %gather3A_675 = vector.shape_cast %reshape3A_674 : vector<16x1xi32> to vector<16xi32>
          %gather3A_676 = tpu.dynamic_gather %add3A_673[%gather3A_675] in [0] : vector<16xf32>, vector<16xi32> -> vector<16xf32>
          %min3A_677 = arith.minimumf %add3A_673, %gather3A_676 : vector<16xf32>
          %select_n3A = arith.select %and3A, %min3A_677, %add3A_673 : vector<16xi1>, vector<16xf32>
          %reshape3A_678 = vector.shape_cast %max3A_78 : vector<16xi32> to vector<16x1xi32>
          %gather3A_679 = vector.shape_cast %reshape3A_678 : vector<16x1xi32> to vector<16xi32>
          %gather3A_680 = tpu.dynamic_gather %select_n3A[%gather3A_679] in [0] : vector<16xf32>, vector<16xi32> -> vector<16xf32>
          %min3A_681 = arith.minimumf %select_n3A, %gather3A_680 : vector<16xf32>
          %select_n3A_682 = arith.select %and3A_660, %min3A_681, %select_n3A : vector<16xi1>, vector<16xf32>
          %reshape3A_683 = vector.shape_cast %max3A_84 : vector<16xi32> to vector<16x1xi32>
          %gather3A_684 = vector.shape_cast %reshape3A_683 : vector<16x1xi32> to vector<16xi32>
          %gather3A_685 = tpu.dynamic_gather %select_n3A_682[%gather3A_684] in [0] : vector<16xf32>, vector<16xi32> -> vector<16xf32>
          %min3A_686 = arith.minimumf %select_n3A_682, %gather3A_685 : vector<16xf32>
          %select_n3A_687 = arith.select %and3A_665, %min3A_686, %select_n3A_682 : vector<16xi1>, vector<16xf32>
          %reshape3A_688 = vector.shape_cast %max3A_90 : vector<16xi32> to vector<16x1xi32>
          %gather3A_689 = vector.shape_cast %reshape3A_688 : vector<16x1xi32> to vector<16xi32>
          %gather3A_690 = tpu.dynamic_gather %select_n3A_687[%gather3A_689] in [0] : vector<16xf32>, vector<16xi32> -> vector<16xf32>
          %min3A_691 = arith.minimumf %select_n3A_687, %gather3A_690 : vector<16xf32>
          %select_n3A_692 = arith.select %and3A_670, %min3A_691, %select_n3A_687 : vector<16xi1>, vector<16xf32>
          %gather3A_693 = tpu.vector_load_idx %arg8[%masked_sort3A_643] : memref<10000xf32, #tpu.memory_space<vmem>>[vector<16xi32>], vector<16xf32>,
          %min3A_694 = arith.minimumf %gather3A_693, %select_n3A_692 : vector<16xf32>
          tpu.vector_store_idx %arg8[%masked_sort3A_643], %min3A_694 masked %or3A : memref<10000xf32, #tpu.memory_space<vmem>>[vector<16xi32>], vector<16xf32>, vector<16xi1>
          %gather3A_695 = tpu.vector_load_idx %arg13[%gather3A_645] : memref<10000xf32, #tpu.memory_space<vmem>>[vector<16xi32>], vector<16xf32>,
          %mul3A_696 = arith.mulf %gather3A_648, %gather3A_43 : vector<16xf32>
          %add3A_697 = arith.addf %gather3A_695, %mul3A_696 : vector<16xf32>
          %reshape3A_698 = vector.shape_cast %max3A_72 : vector<16xi32> to vector<16x1xi32>
          %gather3A_699 = vector.shape_cast %reshape3A_698 : vector<16x1xi32> to vector<16xi32>
          %gather3A_700 = tpu.dynamic_gather %add3A_697[%gather3A_699] in [0] : vector<16xf32>, vector<16xi32> -> vector<16xf32>
          %min3A_701 = arith.minimumf %add3A_697, %gather3A_700 : vector<16xf32>
          %select_n3A_702 = arith.select %and3A, %min3A_701, %add3A_697 : vector<16xi1>, vector<16xf32>
          %reshape3A_703 = vector.shape_cast %max3A_78 : vector<16xi32> to vector<16x1xi32>
          %gather3A_704 = vector.shape_cast %reshape3A_703 : vector<16x1xi32> to vector<16xi32>
          %gather3A_705 = tpu.dynamic_gather %select_n3A_702[%gather3A_704] in [0] : vector<16xf32>, vector<16xi32> -> vector<16xf32>
          %min3A_706 = arith.minimumf %select_n3A_702, %gather3A_705 : vector<16xf32>
          %select_n3A_707 = arith.select %and3A_660, %min3A_706, %select_n3A_702 : vector<16xi1>, vector<16xf32>
          %reshape3A_708 = vector.shape_cast %max3A_84 : vector<16xi32> to vector<16x1xi32>
          %gather3A_709 = vector.shape_cast %reshape3A_708 : vector<16x1xi32> to vector<16xi32>
          %gather3A_710 = tpu.dynamic_gather %select_n3A_707[%gather3A_709] in [0] : vector<16xf32>, vector<16xi32> -> vector<16xf32>
          %min3A_711 = arith.minimumf %select_n3A_707, %gather3A_710 : vector<16xf32>
          %select_n3A_712 = arith.select %and3A_665, %min3A_711, %select_n3A_707 : vector<16xi1>, vector<16xf32>
          %reshape3A_713 = vector.shape_cast %max3A_90 : vector<16xi32> to vector<16x1xi32>
          %gather3A_714 = vector.shape_cast %reshape3A_713 : vector<16x1xi32> to vector<16xi32>
          %gather3A_715 = tpu.dynamic_gather %select_n3A_712[%gather3A_714] in [0] : vector<16xf32>, vector<16xi32> -> vector<16xf32>
          %min3A_716 = arith.minimumf %select_n3A_712, %gather3A_715 : vector<16xf32>
          %select_n3A_717 = arith.select %and3A_670, %min3A_716, %select_n3A_712 : vector<16xi1>, vector<16xf32>
          %gather3A_718 = tpu.vector_load_idx %arg9[%masked_sort3A_643] : memref<10000xf32, #tpu.memory_space<vmem>>[vector<16xi32>], vector<16xf32>,
          %min3A_719 = arith.minimumf %gather3A_718, %select_n3A_717 : vector<16xf32>
          tpu.vector_store_idx %arg9[%masked_sort3A_643], %min3A_719 masked %or3A : memref<10000xf32, #tpu.memory_space<vmem>>[vector<16xi32>], vector<16xf32>, vector<16xi1>
          %gather3A_720 = tpu.vector_load_idx %arg14[%gather3A_645] : memref<10000xf32, #tpu.memory_space<vmem>>[vector<16xi32>], vector<16xf32>,
          %mul3A_721 = arith.mulf %gather3A_648, %gather3A_52 : vector<16xf32>
          %add3A_722 = arith.addf %gather3A_720, %mul3A_721 : vector<16xf32>
          %reshape3A_723 = vector.shape_cast %max3A_72 : vector<16xi32> to vector<16x1xi32>
          %gather3A_724 = vector.shape_cast %reshape3A_723 : vector<16x1xi32> to vector<16xi32>
          %gather3A_725 = tpu.dynamic_gather %add3A_722[%gather3A_724] in [0] : vector<16xf32>, vector<16xi32> -> vector<16xf32>
          %min3A_726 = arith.minimumf %add3A_722, %gather3A_725 : vector<16xf32>
          %select_n3A_727 = arith.select %and3A, %min3A_726, %add3A_722 : vector<16xi1>, vector<16xf32>
          %reshape3A_728 = vector.shape_cast %max3A_78 : vector<16xi32> to vector<16x1xi32>
          %gather3A_729 = vector.shape_cast %reshape3A_728 : vector<16x1xi32> to vector<16xi32>
          %gather3A_730 = tpu.dynamic_gather %select_n3A_727[%gather3A_729] in [0] : vector<16xf32>, vector<16xi32> -> vector<16xf32>
          %min3A_731 = arith.minimumf %select_n3A_727, %gather3A_730 : vector<16xf32>
          %select_n3A_732 = arith.select %and3A_660, %min3A_731, %select_n3A_727 : vector<16xi1>, vector<16xf32>
          %reshape3A_733 = vector.shape_cast %max3A_84 : vector<16xi32> to vector<16x1xi32>
          %gather3A_734 = vector.shape_cast %reshape3A_733 : vector<16x1xi32> to vector<16xi32>
          %gather3A_735 = tpu.dynamic_gather %select_n3A_732[%gather3A_734] in [0] : vector<16xf32>, vector<16xi32> -> vector<16xf32>
          %min3A_736 = arith.minimumf %select_n3A_732, %gather3A_735 : vector<16xf32>
          %select_n3A_737 = arith.select %and3A_665, %min3A_736, %select_n3A_732 : vector<16xi1>, vector<16xf32>
          %reshape3A_738 = vector.shape_cast %max3A_90 : vector<16xi32> to vector<16x1xi32>
          %gather3A_739 = vector.shape_cast %reshape3A_738 : vector<16x1xi32> to vector<16xi32>
          %gather3A_740 = tpu.dynamic_gather %select_n3A_737[%gather3A_739] in [0] : vector<16xf32>, vector<16xi32> -> vector<16xf32>
          %min3A_741 = arith.minimumf %select_n3A_737, %gather3A_740 : vector<16xf32>
          %select_n3A_742 = arith.select %and3A_670, %min3A_741, %select_n3A_737 : vector<16xi1>, vector<16xf32>
          %gather3A_743 = tpu.vector_load_idx %arg10[%masked_sort3A_643] : memref<10000xf32, #tpu.memory_space<vmem>>[vector<16xi32>], vector<16xf32>,
          %min3A_744 = arith.minimumf %gather3A_743, %select_n3A_742 : vector<16xf32>
          tpu.vector_store_idx %arg10[%masked_sort3A_643], %min3A_744 masked %or3A : memref<10000xf32, #tpu.memory_space<vmem>>[vector<16xi32>], vector<16xf32>, vector<16xi1>
          %gather3A_745 = tpu.vector_load_idx %arg15[%gather3A_645] : memref<10000xf32, #tpu.memory_space<vmem>>[vector<16xi32>], vector<16xf32>,
          %mul3A_746 = arith.mulf %gather3A_648, %gather3A_61 : vector<16xf32>
          %add3A_747 = arith.addf %gather3A_745, %mul3A_746 : vector<16xf32>
          %reshape3A_748 = vector.shape_cast %max3A_72 : vector<16xi32> to vector<16x1xi32>
          %gather3A_749 = vector.shape_cast %reshape3A_748 : vector<16x1xi32> to vector<16xi32>
          %gather3A_750 = tpu.dynamic_gather %add3A_747[%gather3A_749] in [0] : vector<16xf32>, vector<16xi32> -> vector<16xf32>
          %min3A_751 = arith.minimumf %add3A_747, %gather3A_750 : vector<16xf32>
          %select_n3A_752 = arith.select %and3A, %min3A_751, %add3A_747 : vector<16xi1>, vector<16xf32>
          %reshape3A_753 = vector.shape_cast %max3A_78 : vector<16xi32> to vector<16x1xi32>
          %gather3A_754 = vector.shape_cast %reshape3A_753 : vector<16x1xi32> to vector<16xi32>
          %gather3A_755 = tpu.dynamic_gather %select_n3A_752[%gather3A_754] in [0] : vector<16xf32>, vector<16xi32> -> vector<16xf32>
          %min3A_756 = arith.minimumf %select_n3A_752, %gather3A_755 : vector<16xf32>
          %select_n3A_757 = arith.select %and3A_660, %min3A_756, %select_n3A_752 : vector<16xi1>, vector<16xf32>
          %reshape3A_758 = vector.shape_cast %max3A_84 : vector<16xi32> to vector<16x1xi32>
          %gather3A_759 = vector.shape_cast %reshape3A_758 : vector<16x1xi32> to vector<16xi32>
          %gather3A_760 = tpu.dynamic_gather %select_n3A_757[%gather3A_759] in [0] : vector<16xf32>, vector<16xi32> -> vector<16xf32>
          %min3A_761 = arith.minimumf %select_n3A_757, %gather3A_760 : vector<16xf32>
          %select_n3A_762 = arith.select %and3A_665, %min3A_761, %select_n3A_757 : vector<16xi1>, vector<16xf32>
          %reshape3A_763 = vector.shape_cast %max3A_90 : vector<16xi32> to vector<16x1xi32>
          %gather3A_764 = vector.shape_cast %reshape3A_763 : vector<16x1xi32> to vector<16xi32>
          %gather3A_765 = tpu.dynamic_gather %select_n3A_762[%gather3A_764] in [0] : vector<16xf32>, vector<16xi32> -> vector<16xf32>
          %min3A_766 = arith.minimumf %select_n3A_762, %gather3A_765 : vector<16xf32>
          %select_n3A_767 = arith.select %and3A_670, %min3A_766, %select_n3A_762 : vector<16xi1>, vector<16xf32>
          %gather3A_768 = tpu.vector_load_idx %arg11[%masked_sort3A_643] : memref<10000xf32, #tpu.memory_space<vmem>>[vector<16xi32>], vector<16xf32>,
          %min3A_769 = arith.minimumf %gather3A_768, %select_n3A_767 : vector<16xf32>
          tpu.vector_store_idx %arg11[%masked_sort3A_643], %min3A_769 masked %or3A : memref<10000xf32, #tpu.memory_space<vmem>>[vector<16xi32>], vector<16xf32>, vector<16xi1>
        } else {
        }
        %mul3A_589 = arith.constant 8 : i32
        %mul3A_590 = arith.muli %scan3A_257, %mul3A_589 : i32
        %add3A_591 = arith.constant 7 : i32
        %add3A_592 = arith.addi %mul3A_590, %add3A_591 : i32
        %mul3A_593 = arith.constant 16 : i32
        %mul3A_594 = arith.muli %add3A_592, %mul3A_593 : i32
        %get3A_595 = arith.index_cast %mul3A_594 : i32 to index
        %get3A_596 = tpu.vector_load %arg17[%get3A_595] {strides = array<i32>} : memref<6400xi32, #tpu.memory_space<vmem>>, vector<16xi32>,
        %mul3A_597 = arith.constant 16 : i32
        %mul3A_598 = arith.muli %add3A_592, %mul3A_597 : i32
        %get3A_599 = arith.index_cast %mul3A_598 : i32 to index
        %get3A_600 = tpu.vector_load %arg19[%get3A_599] {strides = array<i32>} : memref<6400xi32, #tpu.memory_space<vmem>>, vector<16xi32>,
        %mul3A_601 = arith.constant 16 : i32
        %mul3A_602 = arith.muli %add3A_592, %mul3A_601 : i32
        %get3A_603 = arith.index_cast %mul3A_602 : i32 to index
        %get3A_604 = tpu.vector_load %arg21[%get3A_603] {strides = array<i32>} : memref<6400xf32, #tpu.memory_space<vmem>>, vector<16xf32>,
        %broadcast_in_dim3A_605 = arith.constant true
        %broadcast_in_dim3A_606 = vector.broadcast %broadcast_in_dim3A_605 : i1 to vector<16xi1>
        %unique3A_607, %unique3A_608 = tpu.scan_count mask(%broadcast_in_dim3A_606 : vector<16xi1>) value(%get3A_596 : vector<16xi32>) : vector<16xi1>, vector<16xi32>
        %all_reduce_population_count3A_609 = tpu.all_reduce %unique3A_607 {dim = 0 : i64, kind = #tpu.reduction_kind<sum>} : vector<16xi1> -> vector<16xi32>
        %gather3A_610 = tpu.vector_load_idx %arg12[%get3A_600] : memref<10000xf32, #tpu.memory_space<vmem>>[vector<16xi32>], vector<16xf32>,
        %mul3A_611 = arith.mulf %get3A_604, %gather3A : vector<16xf32>
        %add3A_612 = arith.addf %gather3A_610, %mul3A_611 : vector<16xf32>
        %gather3A_613 = tpu.vector_load_idx %arg8[%get3A_596] : memref<10000xf32, #tpu.memory_space<vmem>>[vector<16xi32>], vector<16xf32>,
        %min3A_614 = arith.minimumf %gather3A_613, %add3A_612 : vector<16xf32>
        tpu.vector_store_idx %arg8[%get3A_596], %min3A_614 : memref<10000xf32, #tpu.memory_space<vmem>>[vector<16xi32>], vector<16xf32>,
        %gather3A_615 = tpu.vector_load_idx %arg13[%get3A_600] : memref<10000xf32, #tpu.memory_space<vmem>>[vector<16xi32>], vector<16xf32>,
        %mul3A_616 = arith.mulf %get3A_604, %gather3A_43 : vector<16xf32>
        %add3A_617 = arith.addf %gather3A_615, %mul3A_616 : vector<16xf32>
        %gather3A_618 = tpu.vector_load_idx %arg9[%get3A_596] : memref<10000xf32, #tpu.memory_space<vmem>>[vector<16xi32>], vector<16xf32>,
        %min3A_619 = arith.minimumf %gather3A_618, %add3A_617 : vector<16xf32>
        tpu.vector_store_idx %arg9[%get3A_596], %min3A_619 : memref<10000xf32, #tpu.memory_space<vmem>>[vector<16xi32>], vector<16xf32>,
        %gather3A_620 = tpu.vector_load_idx %arg14[%get3A_600] : memref<10000xf32, #tpu.memory_space<vmem>>[vector<16xi32>], vector<16xf32>,
        %mul3A_621 = arith.mulf %get3A_604, %gather3A_52 : vector<16xf32>
        %add3A_622 = arith.addf %gather3A_620, %mul3A_621 : vector<16xf32>
        %gather3A_623 = tpu.vector_load_idx %arg10[%get3A_596] : memref<10000xf32, #tpu.memory_space<vmem>>[vector<16xi32>], vector<16xf32>,
        %min3A_624 = arith.minimumf %gather3A_623, %add3A_622 : vector<16xf32>
        tpu.vector_store_idx %arg10[%get3A_596], %min3A_624 : memref<10000xf32, #tpu.memory_space<vmem>>[vector<16xi32>], vector<16xf32>,
        %gather3A_625 = tpu.vector_load_idx %arg15[%get3A_600] : memref<10000xf32, #tpu.memory_space<vmem>>[vector<16xi32>], vector<16xf32>,
        %mul3A_626 = arith.mulf %get3A_604, %gather3A_61 : vector<16xf32>
        %add3A_627 = arith.addf %gather3A_625, %mul3A_626 : vector<16xf32>
        %gather3A_628 = tpu.vector_load_idx %arg11[%get3A_596] : memref<10000xf32, #tpu.memory_space<vmem>>[vector<16xi32>], vector<16xf32>,
        %min3A_629 = arith.minimumf %gather3A_628, %add3A_627 : vector<16xf32>
        tpu.vector_store_idx %arg11[%get3A_596], %min3A_629 : memref<10000xf32, #tpu.memory_space<vmem>>[vector<16xi32>], vector<16xf32>,
        %slice3A_630 = vector.extract_strided_slice %all_reduce_population_count3A_609 {offsets = [0], sizes = [1], strides = [1]} : vector<16xi32> to vector<1xi32>
        %squeeze3A_631 = vector.extract %slice3A_630[0] : i32 from vector<1xi32>
        %lt3A_632 = arith.constant 16 : i32
        %lt3A_633 = arith.cmpi slt, %squeeze3A_631, %lt3A_632 : i32
        %convert_element_type3A_634 = arith.extui %lt3A_633 : i1 to i32
        %cond3A_635 = arith.constant 0 : i32
        %cond3A_636 = arith.cmpi ne, %convert_element_type3A_634, %cond3A_635 : i32
        scf.if %cond3A_636 {
          %masked_sort3A = arith.constant dense<true> : vector<16xi1>
          %masked_sort3A_637 = arith.constant -2147483648 : i32
          %masked_sort3A_638 = vector.broadcast %masked_sort3A_637 : i32 to vector<16xi32>
          %masked_sort3A_639 = arith.xori %get3A_596, %masked_sort3A_638 : vector<16xi32>
          %masked_sort3A_640, %masked_sort3A_641, %masked_sort3A_642 = tpu.sort %masked_sort3A_639, %iota3A masked %masked_sort3A : (vector<16xi32>, vector<16xi32>, vector<16xi1>) -> (vector<16xi1>, vector<16xi32>, vector<16xi32>)
          %masked_sort3A_643 = arith.xori %masked_sort3A_641, %masked_sort3A_638 : vector<16xi32>
          %reshape3A = vector.shape_cast %masked_sort3A_642 : vector<16xi32> to vector<16x1xi32>
          %gather3A_644 = vector.shape_cast %reshape3A : vector<16x1xi32> to vector<16xi32>
          %gather3A_645 = tpu.dynamic_gather %get3A_600[%gather3A_644] in [0] : vector<16xi32>, vector<16xi32> -> vector<16xi32>
          %reshape3A_646 = vector.shape_cast %masked_sort3A_642 : vector<16xi32> to vector<16x1xi32>
          %gather3A_647 = vector.shape_cast %reshape3A_646 : vector<16x1xi32> to vector<16xi32>
          %gather3A_648 = tpu.dynamic_gather %get3A_604[%gather3A_647] in [0] : vector<16xf32>, vector<16xi32> -> vector<16xf32>
          %reshape3A_649 = vector.shape_cast %min3A_106 : vector<16xi32> to vector<16x1xi32>
          %gather3A_650 = vector.shape_cast %reshape3A_649 : vector<16x1xi32> to vector<16xi32>
          %gather3A_651 = tpu.dynamic_gather %masked_sort3A_643[%gather3A_650] in [0] : vector<16xi32>, vector<16xi32> -> vector<16xi32>
          %ne3A = arith.cmpi ne, %masked_sort3A_643, %gather3A_651 : vector<16xi32>
          %or3A = arith.ori %eq3A_108, %ne3A : vector<16xi1>
          %reshape3A_652 = vector.shape_cast %max3A_72 : vector<16xi32> to vector<16x1xi32>
          %gather3A_653 = vector.shape_cast %reshape3A_652 : vector<16x1xi32> to vector<16xi32>
          %gather3A_654 = tpu.dynamic_gather %masked_sort3A_643[%gather3A_653] in [0] : vector<16xi32>, vector<16xi32> -> vector<16xi32>
          %eq3A_655 = arith.cmpi eq, %masked_sort3A_643, %gather3A_654 : vector<16xi32>
          %and3A = arith.andi %ge3A_92, %eq3A_655 : vector<16xi1>
          %reshape3A_656 = vector.shape_cast %max3A_78 : vector<16xi32> to vector<16x1xi32>
          %gather3A_657 = vector.shape_cast %reshape3A_656 : vector<16x1xi32> to vector<16xi32>
          %gather3A_658 = tpu.dynamic_gather %masked_sort3A_643[%gather3A_657] in [0] : vector<16xi32>, vector<16xi32> -> vector<16xi32>
          %eq3A_659 = arith.cmpi eq, %masked_sort3A_643, %gather3A_658 : vector<16xi32>
          %and3A_660 = arith.andi %ge3A_95, %eq3A_659 : vector<16xi1>
          %reshape3A_661 = vector.shape_cast %max3A_84 : vector<16xi32> to vector<16x1xi32>
          %gather3A_662 = vector.shape_cast %reshape3A_661 : vector<16x1xi32> to vector<16xi32>
          %gather3A_663 = tpu.dynamic_gather %masked_sort3A_643[%gather3A_662] in [0] : vector<16xi32>, vector<16xi32> -> vector<16xi32>
          %eq3A_664 = arith.cmpi eq, %masked_sort3A_643, %gather3A_663 : vector<16xi32>
          %and3A_665 = arith.andi %ge3A_98, %eq3A_664 : vector<16xi1>
          %reshape3A_666 = vector.shape_cast %max3A_90 : vector<16xi32> to vector<16x1xi32>
          %gather3A_667 = vector.shape_cast %reshape3A_666 : vector<16x1xi32> to vector<16xi32>
          %gather3A_668 = tpu.dynamic_gather %masked_sort3A_643[%gather3A_667] in [0] : vector<16xi32>, vector<16xi32> -> vector<16xi32>
          %eq3A_669 = arith.cmpi eq, %masked_sort3A_643, %gather3A_668 : vector<16xi32>
          %and3A_670 = arith.andi %ge3A_101, %eq3A_669 : vector<16xi1>
          %gather3A_671 = tpu.vector_load_idx %arg12[%gather3A_645] : memref<10000xf32, #tpu.memory_space<vmem>>[vector<16xi32>], vector<16xf32>,
          %mul3A_672 = arith.mulf %gather3A_648, %gather3A : vector<16xf32>
          %add3A_673 = arith.addf %gather3A_671, %mul3A_672 : vector<16xf32>
          %reshape3A_674 = vector.shape_cast %max3A_72 : vector<16xi32> to vector<16x1xi32>
          %gather3A_675 = vector.shape_cast %reshape3A_674 : vector<16x1xi32> to vector<16xi32>
          %gather3A_676 = tpu.dynamic_gather %add3A_673[%gather3A_675] in [0] : vector<16xf32>, vector<16xi32> -> vector<16xf32>
          %min3A_677 = arith.minimumf %add3A_673, %gather3A_676 : vector<16xf32>
          %select_n3A = arith.select %and3A, %min3A_677, %add3A_673 : vector<16xi1>, vector<16xf32>
          %reshape3A_678 = vector.shape_cast %max3A_78 : vector<16xi32> to vector<16x1xi32>
          %gather3A_679 = vector.shape_cast %reshape3A_678 : vector<16x1xi32> to vector<16xi32>
          %gather3A_680 = tpu.dynamic_gather %select_n3A[%gather3A_679] in [0] : vector<16xf32>, vector<16xi32> -> vector<16xf32>
          %min3A_681 = arith.minimumf %select_n3A, %gather3A_680 : vector<16xf32>
          %select_n3A_682 = arith.select %and3A_660, %min3A_681, %select_n3A : vector<16xi1>, vector<16xf32>
          %reshape3A_683 = vector.shape_cast %max3A_84 : vector<16xi32> to vector<16x1xi32>
          %gather3A_684 = vector.shape_cast %reshape3A_683 : vector<16x1xi32> to vector<16xi32>
          %gather3A_685 = tpu.dynamic_gather %select_n3A_682[%gather3A_684] in [0] : vector<16xf32>, vector<16xi32> -> vector<16xf32>
          %min3A_686 = arith.minimumf %select_n3A_682, %gather3A_685 : vector<16xf32>
          %select_n3A_687 = arith.select %and3A_665, %min3A_686, %select_n3A_682 : vector<16xi1>, vector<16xf32>
          %reshape3A_688 = vector.shape_cast %max3A_90 : vector<16xi32> to vector<16x1xi32>
          %gather3A_689 = vector.shape_cast %reshape3A_688 : vector<16x1xi32> to vector<16xi32>
          %gather3A_690 = tpu.dynamic_gather %select_n3A_687[%gather3A_689] in [0] : vector<16xf32>, vector<16xi32> -> vector<16xf32>
          %min3A_691 = arith.minimumf %select_n3A_687, %gather3A_690 : vector<16xf32>
          %select_n3A_692 = arith.select %and3A_670, %min3A_691, %select_n3A_687 : vector<16xi1>, vector<16xf32>
          %gather3A_693 = tpu.vector_load_idx %arg8[%masked_sort3A_643] : memref<10000xf32, #tpu.memory_space<vmem>>[vector<16xi32>], vector<16xf32>,
          %min3A_694 = arith.minimumf %gather3A_693, %select_n3A_692 : vector<16xf32>
          tpu.vector_store_idx %arg8[%masked_sort3A_643], %min3A_694 masked %or3A : memref<10000xf32, #tpu.memory_space<vmem>>[vector<16xi32>], vector<16xf32>, vector<16xi1>
          %gather3A_695 = tpu.vector_load_idx %arg13[%gather3A_645] : memref<10000xf32, #tpu.memory_space<vmem>>[vector<16xi32>], vector<16xf32>,
          %mul3A_696 = arith.mulf %gather3A_648, %gather3A_43 : vector<16xf32>
          %add3A_697 = arith.addf %gather3A_695, %mul3A_696 : vector<16xf32>
          %reshape3A_698 = vector.shape_cast %max3A_72 : vector<16xi32> to vector<16x1xi32>
          %gather3A_699 = vector.shape_cast %reshape3A_698 : vector<16x1xi32> to vector<16xi32>
          %gather3A_700 = tpu.dynamic_gather %add3A_697[%gather3A_699] in [0] : vector<16xf32>, vector<16xi32> -> vector<16xf32>
          %min3A_701 = arith.minimumf %add3A_697, %gather3A_700 : vector<16xf32>
          %select_n3A_702 = arith.select %and3A, %min3A_701, %add3A_697 : vector<16xi1>, vector<16xf32>
          %reshape3A_703 = vector.shape_cast %max3A_78 : vector<16xi32> to vector<16x1xi32>
          %gather3A_704 = vector.shape_cast %reshape3A_703 : vector<16x1xi32> to vector<16xi32>
          %gather3A_705 = tpu.dynamic_gather %select_n3A_702[%gather3A_704] in [0] : vector<16xf32>, vector<16xi32> -> vector<16xf32>
          %min3A_706 = arith.minimumf %select_n3A_702, %gather3A_705 : vector<16xf32>
          %select_n3A_707 = arith.select %and3A_660, %min3A_706, %select_n3A_702 : vector<16xi1>, vector<16xf32>
          %reshape3A_708 = vector.shape_cast %max3A_84 : vector<16xi32> to vector<16x1xi32>
          %gather3A_709 = vector.shape_cast %reshape3A_708 : vector<16x1xi32> to vector<16xi32>
          %gather3A_710 = tpu.dynamic_gather %select_n3A_707[%gather3A_709] in [0] : vector<16xf32>, vector<16xi32> -> vector<16xf32>
          %min3A_711 = arith.minimumf %select_n3A_707, %gather3A_710 : vector<16xf32>
          %select_n3A_712 = arith.select %and3A_665, %min3A_711, %select_n3A_707 : vector<16xi1>, vector<16xf32>
          %reshape3A_713 = vector.shape_cast %max3A_90 : vector<16xi32> to vector<16x1xi32>
          %gather3A_714 = vector.shape_cast %reshape3A_713 : vector<16x1xi32> to vector<16xi32>
          %gather3A_715 = tpu.dynamic_gather %select_n3A_712[%gather3A_714] in [0] : vector<16xf32>, vector<16xi32> -> vector<16xf32>
          %min3A_716 = arith.minimumf %select_n3A_712, %gather3A_715 : vector<16xf32>
          %select_n3A_717 = arith.select %and3A_670, %min3A_716, %select_n3A_712 : vector<16xi1>, vector<16xf32>
          %gather3A_718 = tpu.vector_load_idx %arg9[%masked_sort3A_643] : memref<10000xf32, #tpu.memory_space<vmem>>[vector<16xi32>], vector<16xf32>,
          %min3A_719 = arith.minimumf %gather3A_718, %select_n3A_717 : vector<16xf32>
          tpu.vector_store_idx %arg9[%masked_sort3A_643], %min3A_719 masked %or3A : memref<10000xf32, #tpu.memory_space<vmem>>[vector<16xi32>], vector<16xf32>, vector<16xi1>
          %gather3A_720 = tpu.vector_load_idx %arg14[%gather3A_645] : memref<10000xf32, #tpu.memory_space<vmem>>[vector<16xi32>], vector<16xf32>,
          %mul3A_721 = arith.mulf %gather3A_648, %gather3A_52 : vector<16xf32>
          %add3A_722 = arith.addf %gather3A_720, %mul3A_721 : vector<16xf32>
          %reshape3A_723 = vector.shape_cast %max3A_72 : vector<16xi32> to vector<16x1xi32>
          %gather3A_724 = vector.shape_cast %reshape3A_723 : vector<16x1xi32> to vector<16xi32>
          %gather3A_725 = tpu.dynamic_gather %add3A_722[%gather3A_724] in [0] : vector<16xf32>, vector<16xi32> -> vector<16xf32>
          %min3A_726 = arith.minimumf %add3A_722, %gather3A_725 : vector<16xf32>
          %select_n3A_727 = arith.select %and3A, %min3A_726, %add3A_722 : vector<16xi1>, vector<16xf32>
          %reshape3A_728 = vector.shape_cast %max3A_78 : vector<16xi32> to vector<16x1xi32>
          %gather3A_729 = vector.shape_cast %reshape3A_728 : vector<16x1xi32> to vector<16xi32>
          %gather3A_730 = tpu.dynamic_gather %select_n3A_727[%gather3A_729] in [0] : vector<16xf32>, vector<16xi32> -> vector<16xf32>
          %min3A_731 = arith.minimumf %select_n3A_727, %gather3A_730 : vector<16xf32>
          %select_n3A_732 = arith.select %and3A_660, %min3A_731, %select_n3A_727 : vector<16xi1>, vector<16xf32>
          %reshape3A_733 = vector.shape_cast %max3A_84 : vector<16xi32> to vector<16x1xi32>
          %gather3A_734 = vector.shape_cast %reshape3A_733 : vector<16x1xi32> to vector<16xi32>
          %gather3A_735 = tpu.dynamic_gather %select_n3A_732[%gather3A_734] in [0] : vector<16xf32>, vector<16xi32> -> vector<16xf32>
          %min3A_736 = arith.minimumf %select_n3A_732, %gather3A_735 : vector<16xf32>
          %select_n3A_737 = arith.select %and3A_665, %min3A_736, %select_n3A_732 : vector<16xi1>, vector<16xf32>
          %reshape3A_738 = vector.shape_cast %max3A_90 : vector<16xi32> to vector<16x1xi32>
          %gather3A_739 = vector.shape_cast %reshape3A_738 : vector<16x1xi32> to vector<16xi32>
          %gather3A_740 = tpu.dynamic_gather %select_n3A_737[%gather3A_739] in [0] : vector<16xf32>, vector<16xi32> -> vector<16xf32>
          %min3A_741 = arith.minimumf %select_n3A_737, %gather3A_740 : vector<16xf32>
          %select_n3A_742 = arith.select %and3A_670, %min3A_741, %select_n3A_737 : vector<16xi1>, vector<16xf32>
          %gather3A_743 = tpu.vector_load_idx %arg10[%masked_sort3A_643] : memref<10000xf32, #tpu.memory_space<vmem>>[vector<16xi32>], vector<16xf32>,
          %min3A_744 = arith.minimumf %gather3A_743, %select_n3A_742 : vector<16xf32>
          tpu.vector_store_idx %arg10[%masked_sort3A_643], %min3A_744 masked %or3A : memref<10000xf32, #tpu.memory_space<vmem>>[vector<16xi32>], vector<16xf32>, vector<16xi1>
          %gather3A_745 = tpu.vector_load_idx %arg15[%gather3A_645] : memref<10000xf32, #tpu.memory_space<vmem>>[vector<16xi32>], vector<16xf32>,
          %mul3A_746 = arith.mulf %gather3A_648, %gather3A_61 : vector<16xf32>
          %add3A_747 = arith.addf %gather3A_745, %mul3A_746 : vector<16xf32>
          %reshape3A_748 = vector.shape_cast %max3A_72 : vector<16xi32> to vector<16x1xi32>
          %gather3A_749 = vector.shape_cast %reshape3A_748 : vector<16x1xi32> to vector<16xi32>
          %gather3A_750 = tpu.dynamic_gather %add3A_747[%gather3A_749] in [0] : vector<16xf32>, vector<16xi32> -> vector<16xf32>
          %min3A_751 = arith.minimumf %add3A_747, %gather3A_750 : vector<16xf32>
          %select_n3A_752 = arith.select %and3A, %min3A_751, %add3A_747 : vector<16xi1>, vector<16xf32>
          %reshape3A_753 = vector.shape_cast %max3A_78 : vector<16xi32> to vector<16x1xi32>
          %gather3A_754 = vector.shape_cast %reshape3A_753 : vector<16x1xi32> to vector<16xi32>
          %gather3A_755 = tpu.dynamic_gather %select_n3A_752[%gather3A_754] in [0] : vector<16xf32>, vector<16xi32> -> vector<16xf32>
          %min3A_756 = arith.minimumf %select_n3A_752, %gather3A_755 : vector<16xf32>
          %select_n3A_757 = arith.select %and3A_660, %min3A_756, %select_n3A_752 : vector<16xi1>, vector<16xf32>
          %reshape3A_758 = vector.shape_cast %max3A_84 : vector<16xi32> to vector<16x1xi32>
          %gather3A_759 = vector.shape_cast %reshape3A_758 : vector<16x1xi32> to vector<16xi32>
          %gather3A_760 = tpu.dynamic_gather %select_n3A_757[%gather3A_759] in [0] : vector<16xf32>, vector<16xi32> -> vector<16xf32>
          %min3A_761 = arith.minimumf %select_n3A_757, %gather3A_760 : vector<16xf32>
          %select_n3A_762 = arith.select %and3A_665, %min3A_761, %select_n3A_757 : vector<16xi1>, vector<16xf32>
          %reshape3A_763 = vector.shape_cast %max3A_90 : vector<16xi32> to vector<16x1xi32>
          %gather3A_764 = vector.shape_cast %reshape3A_763 : vector<16x1xi32> to vector<16xi32>
          %gather3A_765 = tpu.dynamic_gather %select_n3A_762[%gather3A_764] in [0] : vector<16xf32>, vector<16xi32> -> vector<16xf32>
          %min3A_766 = arith.minimumf %select_n3A_762, %gather3A_765 : vector<16xf32>
          %select_n3A_767 = arith.select %and3A_670, %min3A_766, %select_n3A_762 : vector<16xi1>, vector<16xf32>
          %gather3A_768 = tpu.vector_load_idx %arg11[%masked_sort3A_643] : memref<10000xf32, #tpu.memory_space<vmem>>[vector<16xi32>], vector<16xf32>,
          %min3A_769 = arith.minimumf %gather3A_768, %select_n3A_767 : vector<16xf32>
          tpu.vector_store_idx %arg11[%masked_sort3A_643], %min3A_769 masked %or3A : memref<10000xf32, #tpu.memory_space<vmem>>[vector<16xi32>], vector<16xf32>, vector<16xi1>
        } else {
        }
      }
      %scan3A_249 = arith.constant 50 : i32
      %add3A_250 = arith.constant 2 : i32
      %add3A_251 = arith.addi %add3A_222, %add3A_250 : i32
      %lt3A_252 = arith.constant 50 : i32
      %lt3A_253 = arith.cmpi slt, %add3A_251, %lt3A_252 : i32
      %convert_element_type3A_254 = arith.extui %lt3A_253 : i1 to i32
      %cond3A_255 = arith.constant 0 : i32
      %cond3A_256 = arith.cmpi ne, %convert_element_type3A_254, %cond3A_255 : i32
      scf.if %cond3A_256 {
        %add3A_257 = arith.constant 2 : i32
        %add3A_258 = arith.addi %add3A_222, %add3A_257 : i32
        %mul3A_259 = arith.constant 6400 : i32
        %mul3A_260 = arith.muli %add3A_258, %mul3A_259 : i32
        %multiple_of3A_261 = tpu.assume_multiple %mul3A_260, 8 : i32
        %dma_start3A_262 = arith.constant 3 : i32
        %dma_start3A_263 = tpu.memref_slice %arg4[%multiple_of3A_261] : memref<320000xi32, #tpu.memory_space<hbm>> -> memref<6400xi32, #tpu.memory_space<hbm>>
        %dma_start3A_264 = tpu.memref_slice %arg23[%dma_start3A_262] : memref<6x!tpu.dma_semaphore, #tpu.memory_space<semaphore_mem>> -> memref<1x!tpu.dma_semaphore, #tpu.memory_space<semaphore_mem>>
        %dma_start3A_265 = tpu.memref_squeeze %dma_start3A_264 : memref<1x!tpu.dma_semaphore, #tpu.memory_space<semaphore_mem>> -> memref<!tpu.dma_semaphore, #tpu.memory_space<semaphore_mem>>
        %dma_start3A_266 = tpu.memref_slice %arg4[%multiple_of3A_261] : memref<320000xi32, #tpu.memory_space<hbm>> -> memref<6400xi32, #tpu.memory_space<hbm>>
        tpu.enqueue_dma source(%dma_start3A_266 : memref<6400xi32, #tpu.memory_space<hbm>>) target(%arg17 : memref<6400xi32, #tpu.memory_space<vmem>>) target_semaphore(%dma_start3A_265 : memref<!tpu.dma_semaphore, #tpu.memory_space<semaphore_mem>>)
        %dma_start3A_267 = arith.constant 4 : i32
        %dma_start3A_268 = tpu.memref_slice %arg3[%multiple_of3A_261] : memref<320000xi32, #tpu.memory_space<hbm>> -> memref<6400xi32, #tpu.memory_space<hbm>>
        %dma_start3A_269 = tpu.memref_slice %arg23[%dma_start3A_267] : memref<6x!tpu.dma_semaphore, #tpu.memory_space<semaphore_mem>> -> memref<1x!tpu.dma_semaphore, #tpu.memory_space<semaphore_mem>>
        %dma_start3A_270 = tpu.memref_squeeze %dma_start3A_269 : memref<1x!tpu.dma_semaphore, #tpu.memory_space<semaphore_mem>> -> memref<!tpu.dma_semaphore, #tpu.memory_space<semaphore_mem>>
        %dma_start3A_271 = tpu.memref_slice %arg3[%multiple_of3A_261] : memref<320000xi32, #tpu.memory_space<hbm>> -> memref<6400xi32, #tpu.memory_space<hbm>>
        tpu.enqueue_dma source(%dma_start3A_271 : memref<6400xi32, #tpu.memory_space<hbm>>) target(%arg19 : memref<6400xi32, #tpu.memory_space<vmem>>) target_semaphore(%dma_start3A_270 : memref<!tpu.dma_semaphore, #tpu.memory_space<semaphore_mem>>)
        %dma_start3A_272 = arith.constant 5 : i32
        %dma_start3A_273 = tpu.memref_slice %arg5[%multiple_of3A_261] : memref<320000xf32, #tpu.memory_space<hbm>> -> memref<6400xf32, #tpu.memory_space<hbm>>
        %dma_start3A_274 = tpu.memref_slice %arg23[%dma_start3A_272] : memref<6x!tpu.dma_semaphore, #tpu.memory_space<semaphore_mem>> -> memref<1x!tpu.dma_semaphore, #tpu.memory_space<semaphore_mem>>
        %dma_start3A_275 = tpu.memref_squeeze %dma_start3A_274 : memref<1x!tpu.dma_semaphore, #tpu.memory_space<semaphore_mem>> -> memref<!tpu.dma_semaphore, #tpu.memory_space<semaphore_mem>>
        %dma_start3A_276 = tpu.memref_slice %arg5[%multiple_of3A_261] : memref<320000xf32, #tpu.memory_space<hbm>> -> memref<6400xf32, #tpu.memory_space<hbm>>
        tpu.enqueue_dma source(%dma_start3A_276 : memref<6400xf32, #tpu.memory_space<hbm>>) target(%arg21 : memref<6400xf32, #tpu.memory_space<vmem>>) target_semaphore(%dma_start3A_275 : memref<!tpu.dma_semaphore, #tpu.memory_space<semaphore_mem>>)
      } else {
      }
    }
    %scan3A_155 = arith.constant 25 : i32
    %mul3A_156 = arith.constant 4 : i32
    %mul3A_157 = arith.muli %add3A, %mul3A_156 : i32
    %add3A_158 = arith.constant 0 : i32
    %add3A_159 = arith.addi %mul3A_157, %add3A_158 : i32
    %mul3A_160 = arith.constant 10000 : i32
    %mul3A_161 = arith.muli %add3A_159, %mul3A_160 : i32
    %multiple_of3A_162 = tpu.assume_multiple %mul3A_161, 8 : i32
    "tpu.region"() ({
      %run_scoped3A = tpu.sem_alloc : memref<!tpu.dma_semaphore, #tpu.memory_space<semaphore_mem>>
      %dma_start3A_184 = tpu.memref_slice %arg7[%multiple_of3A_162] : memref<1280000xf32, #tpu.memory_space<hbm>> -> memref<10000xf32, #tpu.memory_space<hbm>>
      %dma_start3A_185 = tpu.memref_slice %arg7[%multiple_of3A_162] : memref<1280000xf32, #tpu.memory_space<hbm>> -> memref<10000xf32, #tpu.memory_space<hbm>>
      tpu.enqueue_dma source(%arg8 : memref<10000xf32, #tpu.memory_space<vmem>>) target(%dma_start3A_185 : memref<10000xf32, #tpu.memory_space<hbm>>) target_semaphore(%run_scoped3A : memref<!tpu.dma_semaphore, #tpu.memory_space<semaphore_mem>>)
      %dma_wait3A = tpu.memref_slice %arg7[%multiple_of3A_162] : memref<1280000xf32, #tpu.memory_space<hbm>> -> memref<10000xf32, #tpu.memory_space<hbm>>
      %dma_wait3A_186 = tpu.memref_slice %arg7[%multiple_of3A_162] : memref<1280000xf32, #tpu.memory_space<hbm>> -> memref<10000xf32, #tpu.memory_space<hbm>>
      tpu.wait_dma2 semaphore(%run_scoped3A : memref<!tpu.dma_semaphore, #tpu.memory_space<semaphore_mem>>) src(%arg8 : memref<10000xf32, #tpu.memory_space<vmem>>) dst(%dma_wait3A_186 : memref<10000xf32, #tpu.memory_space<hbm>>)
      tpu.yield
    }) : () -> ()
    %mul3A_163 = arith.constant 4 : i32
    %mul3A_164 = arith.muli %add3A, %mul3A_163 : i32
    %add3A_165 = arith.constant 1 : i32
    %add3A_166 = arith.addi %mul3A_164, %add3A_165 : i32
    %mul3A_167 = arith.constant 10000 : i32
    %mul3A_168 = arith.muli %add3A_166, %mul3A_167 : i32
    %multiple_of3A_169 = tpu.assume_multiple %mul3A_168, 8 : i32
    "tpu.region"() ({
      %run_scoped3A = tpu.sem_alloc : memref<!tpu.dma_semaphore, #tpu.memory_space<semaphore_mem>>
      %dma_start3A_184 = tpu.memref_slice %arg7[%multiple_of3A_169] : memref<1280000xf32, #tpu.memory_space<hbm>> -> memref<10000xf32, #tpu.memory_space<hbm>>
      %dma_start3A_185 = tpu.memref_slice %arg7[%multiple_of3A_169] : memref<1280000xf32, #tpu.memory_space<hbm>> -> memref<10000xf32, #tpu.memory_space<hbm>>
      tpu.enqueue_dma source(%arg9 : memref<10000xf32, #tpu.memory_space<vmem>>) target(%dma_start3A_185 : memref<10000xf32, #tpu.memory_space<hbm>>) target_semaphore(%run_scoped3A : memref<!tpu.dma_semaphore, #tpu.memory_space<semaphore_mem>>)
      %dma_wait3A = tpu.memref_slice %arg7[%multiple_of3A_169] : memref<1280000xf32, #tpu.memory_space<hbm>> -> memref<10000xf32, #tpu.memory_space<hbm>>
      %dma_wait3A_186 = tpu.memref_slice %arg7[%multiple_of3A_169] : memref<1280000xf32, #tpu.memory_space<hbm>> -> memref<10000xf32, #tpu.memory_space<hbm>>
      tpu.wait_dma2 semaphore(%run_scoped3A : memref<!tpu.dma_semaphore, #tpu.memory_space<semaphore_mem>>) src(%arg9 : memref<10000xf32, #tpu.memory_space<vmem>>) dst(%dma_wait3A_186 : memref<10000xf32, #tpu.memory_space<hbm>>)
      tpu.yield
    }) : () -> ()
    %mul3A_170 = arith.constant 4 : i32
    %mul3A_171 = arith.muli %add3A, %mul3A_170 : i32
    %add3A_172 = arith.constant 2 : i32
    %add3A_173 = arith.addi %mul3A_171, %add3A_172 : i32
    %mul3A_174 = arith.constant 10000 : i32
    %mul3A_175 = arith.muli %add3A_173, %mul3A_174 : i32
    %multiple_of3A_176 = tpu.assume_multiple %mul3A_175, 8 : i32
    "tpu.region"() ({
      %run_scoped3A = tpu.sem_alloc : memref<!tpu.dma_semaphore, #tpu.memory_space<semaphore_mem>>
      %dma_start3A_184 = tpu.memref_slice %arg7[%multiple_of3A_176] : memref<1280000xf32, #tpu.memory_space<hbm>> -> memref<10000xf32, #tpu.memory_space<hbm>>
      %dma_start3A_185 = tpu.memref_slice %arg7[%multiple_of3A_176] : memref<1280000xf32, #tpu.memory_space<hbm>> -> memref<10000xf32, #tpu.memory_space<hbm>>
      tpu.enqueue_dma source(%arg10 : memref<10000xf32, #tpu.memory_space<vmem>>) target(%dma_start3A_185 : memref<10000xf32, #tpu.memory_space<hbm>>) target_semaphore(%run_scoped3A : memref<!tpu.dma_semaphore, #tpu.memory_space<semaphore_mem>>)
      %dma_wait3A = tpu.memref_slice %arg7[%multiple_of3A_176] : memref<1280000xf32, #tpu.memory_space<hbm>> -> memref<10000xf32, #tpu.memory_space<hbm>>
      %dma_wait3A_186 = tpu.memref_slice %arg7[%multiple_of3A_176] : memref<1280000xf32, #tpu.memory_space<hbm>> -> memref<10000xf32, #tpu.memory_space<hbm>>
      tpu.wait_dma2 semaphore(%run_scoped3A : memref<!tpu.dma_semaphore, #tpu.memory_space<semaphore_mem>>) src(%arg10 : memref<10000xf32, #tpu.memory_space<vmem>>) dst(%dma_wait3A_186 : memref<10000xf32, #tpu.memory_space<hbm>>)
      tpu.yield
    }) : () -> ()
    %mul3A_177 = arith.constant 4 : i32
    %mul3A_178 = arith.muli %add3A, %mul3A_177 : i32
    %add3A_179 = arith.constant 3 : i32
    %add3A_180 = arith.addi %mul3A_178, %add3A_179 : i32
    %mul3A_181 = arith.constant 10000 : i32
    %mul3A_182 = arith.muli %add3A_180, %mul3A_181 : i32
    %multiple_of3A_183 = tpu.assume_multiple %mul3A_182, 8 : i32
    "tpu.region"() ({
      %run_scoped3A = tpu.sem_alloc : memref<!tpu.dma_semaphore, #tpu.memory_space<semaphore_mem>>
      %dma_start3A_184 = tpu.memref_slice %arg7[%multiple_of3A_183] : memref<1280000xf32, #tpu.memory_space<hbm>> -> memref<10000xf32, #tpu.memory_space<hbm>>
      %dma_start3A_185 = tpu.memref_slice %arg7[%multiple_of3A_183] : memref<1280000xf32, #tpu.memory_space<hbm>> -> memref<10000xf32, #tpu.memory_space<hbm>>
      tpu.enqueue_dma source(%arg11 : memref<10000xf32, #tpu.memory_space<vmem>>) target(%dma_start3A_185 : memref<10000xf32, #tpu.memory_space<hbm>>) target_semaphore(%run_scoped3A : memref<!tpu.dma_semaphore, #tpu.memory_space<semaphore_mem>>)
      %dma_wait3A = tpu.memref_slice %arg7[%multiple_of3A_183] : memref<1280000xf32, #tpu.memory_space<hbm>> -> memref<10000xf32, #tpu.memory_space<hbm>>
      %dma_wait3A_186 = tpu.memref_slice %arg7[%multiple_of3A_183] : memref<1280000xf32, #tpu.memory_space<hbm>> -> memref<10000xf32, #tpu.memory_space<hbm>>
      tpu.wait_dma2 semaphore(%run_scoped3A : memref<!tpu.dma_semaphore, #tpu.memory_space<semaphore_mem>>) src(%arg11 : memref<10000xf32, #tpu.memory_space<vmem>>) dst(%dma_wait3A_186 : memref<10000xf32, #tpu.memory_space<hbm>>)
      tpu.yield
    }) : () -> ()
    return
  }
}

module attributes {stable_mosaic.version = 14 : i64} {
  func.func @_enc_body(%arg0: i32, %arg1: memref<1000x128xf32, #tpu.memory_space<vmem>>, %arg2: memref<128x128xf32, #tpu.memory_space<vmem>>, %arg3: memref<1x128xf32, #tpu.memory_space<vmem>>, %arg4: memref<128x128xf32, #tpu.memory_space<vmem>>, %arg5: memref<1x128xf32, #tpu.memory_space<vmem>>, %arg6: memref<1000x128xf32, #tpu.memory_space<vmem>>, %arg7: memref<1000x128xf32, #tpu.memory_space<vmem>>) attributes {dimension_semantics = [#tpu.dimension_semantics<arbitrary>], iteration_bounds = array<i64: 10>, scalar_prefetch = 0 : i64, scratch_operands = 0 : i64, tpu.core_type = #tpu.core_type<tc>, window_params = [{transform_indices = @transform_0, window_bounds = array<i64: 1000, 128>}, {pipeline_mode = #tpu.pipeline_mode<synchronous>, transform_indices = @transform_1, window_bounds = array<i64: 128, 128>}, {pipeline_mode = #tpu.pipeline_mode<synchronous>, transform_indices = @transform_2, window_bounds = array<i64: 1, 128>}, {pipeline_mode = #tpu.pipeline_mode<synchronous>, transform_indices = @transform_3, window_bounds = array<i64: 128, 128>}, {pipeline_mode = #tpu.pipeline_mode<synchronous>, transform_indices = @transform_4, window_bounds = array<i64: 1, 128>}, {transform_indices = @transform_5, window_bounds = array<i64: 1000, 128>}, {transform_indices = @transform_6, window_bounds = array<i64: 1000, 128>}]} {
    %get3A = arith.constant 0 : index
    %get3A_0 = arith.constant 0 : index
    %get3A_1 = vector.load %arg1[%get3A, %get3A_0] : memref<1000x128xf32, #tpu.memory_space<vmem>>, vector<1000x128xf32>
    %get3A_2 = arith.constant 0 : index
    %get3A_3 = arith.constant 0 : index
    %get3A_4 = vector.load %arg2[%get3A_2, %get3A_3] : memref<128x128xf32, #tpu.memory_space<vmem>>, vector<128x128xf32>
    %dot_general3A = arith.constant dense<0.000000e+00> : vector<1000x128xf32>
    %dot_general3A_5 = tpu.matmul %get3A_1, %get3A_4, %dot_general3A {dimension_numbers = #tpu.dot_dimension_numbers<[1], [1], [0], [0], [0, 0, 1, 0], [], []>, transpose_lhs_hint = false} : vector<1000x128xf32>, vector<128x128xf32>, vector<1000x128xf32> -> vector<1000x128xf32>
    %get3A_6 = arith.constant 0 : index
    %get3A_7 = arith.constant 0 : index
    %get3A_8 = vector.load %arg3[%get3A_6, %get3A_7] : memref<1x128xf32, #tpu.memory_space<vmem>>, vector<1x128xf32>
    %add3A = vector.broadcast %get3A_8 : vector<1x128xf32> to vector<1000x128xf32>
    %add3A_9 = arith.addf %dot_general3A_5, %add3A : vector<1000x128xf32>
    %max3A = arith.constant 0.000000e+00 : f32
    %max3A_10 = vector.broadcast %max3A : f32 to vector<1000x128xf32>
    %max3A_11 = arith.maximumf %add3A_9, %max3A_10 : vector<1000x128xf32>
    %swap3A = arith.constant 0 : index
    %swap3A_12 = arith.constant 0 : index
    %swap3A_13 = vector.load %arg6[%swap3A, %swap3A_12] : memref<1000x128xf32, #tpu.memory_space<vmem>>, vector<1000x128xf32>
    tpu.vector_store %arg6[%swap3A, %swap3A_12], %max3A_11 {strides = array<i32>} : memref<1000x128xf32, #tpu.memory_space<vmem>>, vector<1000x128xf32>,
    %get3A_14 = arith.constant 0 : index
    %get3A_15 = arith.constant 0 : index
    %get3A_16 = vector.load %arg4[%get3A_14, %get3A_15] : memref<128x128xf32, #tpu.memory_space<vmem>>, vector<128x128xf32>
    %dot_general3A_17 = arith.constant dense<0.000000e+00> : vector<1000x128xf32>
    %dot_general3A_18 = tpu.matmul %max3A_11, %get3A_16, %dot_general3A_17 {dimension_numbers = #tpu.dot_dimension_numbers<[1], [1], [0], [0], [0, 0, 1, 0], [], []>, transpose_lhs_hint = false} : vector<1000x128xf32>, vector<128x128xf32>, vector<1000x128xf32> -> vector<1000x128xf32>
    %get3A_19 = arith.constant 0 : index
    %get3A_20 = arith.constant 0 : index
    %get3A_21 = vector.load %arg5[%get3A_19, %get3A_20] : memref<1x128xf32, #tpu.memory_space<vmem>>, vector<1x128xf32>
    %add3A_22 = vector.broadcast %get3A_21 : vector<1x128xf32> to vector<1000x128xf32>
    %add3A_23 = arith.addf %dot_general3A_18, %add3A_22 : vector<1000x128xf32>
    %swap3A_24 = arith.constant 0 : index
    %swap3A_25 = arith.constant 0 : index
    %swap3A_26 = vector.load %arg7[%swap3A_24, %swap3A_25] : memref<1000x128xf32, #tpu.memory_space<vmem>>, vector<1000x128xf32>
    tpu.vector_store %arg7[%swap3A_24, %swap3A_25], %add3A_23 {strides = array<i32>} : memref<1000x128xf32, #tpu.memory_space<vmem>>, vector<1000x128xf32>,
    return
  }
  func.func @transform_0(%arg0: i32) -> (i32, i32) {
    %c0_i32 = arith.constant 0 : i32
    %c0_i32_0 = arith.constant 0 : i32
    return %arg0, %c0_i32 : i32, i32
  }
  func.func @transform_1(%arg0: i32) -> (i32, i32) {
    %c0_i32 = arith.constant 0 : i32
    %c0_i32_0 = arith.constant 0 : i32
    %c0_i32_1 = arith.constant 0 : i32
    return %c0_i32, %c0_i32_0 : i32, i32
  }
  func.func @transform_2(%arg0: i32) -> (i32, i32) {
    %c0_i32 = arith.constant 0 : i32
    %c0_i32_0 = arith.constant 0 : i32
    %c0_i32_1 = arith.constant 0 : i32
    return %c0_i32, %c0_i32_0 : i32, i32
  }
  func.func @transform_3(%arg0: i32) -> (i32, i32) {
    %c0_i32 = arith.constant 0 : i32
    %c0_i32_0 = arith.constant 0 : i32
    %c0_i32_1 = arith.constant 0 : i32
    return %c0_i32, %c0_i32_0 : i32, i32
  }
  func.func @transform_4(%arg0: i32) -> (i32, i32) {
    %c0_i32 = arith.constant 0 : i32
    %c0_i32_0 = arith.constant 0 : i32
    %c0_i32_1 = arith.constant 0 : i32
    return %c0_i32, %c0_i32_0 : i32, i32
  }
  func.func @transform_5(%arg0: i32) -> (i32, i32) {
    %c0_i32 = arith.constant 0 : i32
    %c0_i32_0 = arith.constant 0 : i32
    return %arg0, %c0_i32 : i32, i32
  }
  func.func @transform_6(%arg0: i32) -> (i32, i32) {
    %c0_i32 = arith.constant 0 : i32
    %c0_i32_0 = arith.constant 0 : i32
    return %arg0, %c0_i32 : i32, i32
  }
}

module attributes {stable_mosaic.version = 14 : i64} {
  func.func @_dec_body(%arg0: i32, %arg1: memref<1000x128xf32, #tpu.memory_space<vmem>>, %arg2: memref<1000x128xf32, #tpu.memory_space<vmem>>, %arg3: memref<128x128xf32, #tpu.memory_space<vmem>>, %arg4: memref<128x128xf32, #tpu.memory_space<vmem>>, %arg5: memref<1x128xf32, #tpu.memory_space<vmem>>, %arg6: memref<1x128xf32, #tpu.memory_space<vmem>>, %arg7: memref<1x1xf32, #tpu.memory_space<vmem>>, %arg8: memref<1000x1xf32, #tpu.memory_space<vmem>>) attributes {dimension_semantics = [#tpu.dimension_semantics<arbitrary>], iteration_bounds = array<i64: 10>, scalar_prefetch = 0 : i64, scratch_operands = 0 : i64, tpu.core_type = #tpu.core_type<tc>, window_params = [{transform_indices = @transform_0, window_bounds = array<i64: 1000, 128>}, {transform_indices = @transform_1, window_bounds = array<i64: 1000, 128>}, {pipeline_mode = #tpu.pipeline_mode<synchronous>, transform_indices = @transform_2, window_bounds = array<i64: 128, 128>}, {pipeline_mode = #tpu.pipeline_mode<synchronous>, transform_indices = @transform_3, window_bounds = array<i64: 128, 128>}, {pipeline_mode = #tpu.pipeline_mode<synchronous>, transform_indices = @transform_4, window_bounds = array<i64: 1, 128>}, {pipeline_mode = #tpu.pipeline_mode<synchronous>, transform_indices = @transform_5, window_bounds = array<i64: 1, 128>}, {pipeline_mode = #tpu.pipeline_mode<synchronous>, transform_indices = @transform_6, window_bounds = array<i64: 1, 1>}, {transform_indices = @transform_7, window_bounds = array<i64: 1000, 1>}]} {
    %get3A = arith.constant 0 : index
    %get3A_0 = arith.constant 0 : index
    %get3A_1 = vector.load %arg1[%get3A, %get3A_0] : memref<1000x128xf32, #tpu.memory_space<vmem>>, vector<1000x128xf32>
    %get3A_2 = arith.constant 0 : index
    %get3A_3 = arith.constant 0 : index
    %get3A_4 = vector.load %arg3[%get3A_2, %get3A_3] : memref<128x128xf32, #tpu.memory_space<vmem>>, vector<128x128xf32>
    %dot_general3A = arith.constant dense<0.000000e+00> : vector<1000x128xf32>
    %dot_general3A_5 = tpu.matmul %get3A_1, %get3A_4, %dot_general3A {dimension_numbers = #tpu.dot_dimension_numbers<[1], [1], [0], [0], [0, 0, 1, 0], [], []>, transpose_lhs_hint = false} : vector<1000x128xf32>, vector<128x128xf32>, vector<1000x128xf32> -> vector<1000x128xf32>
    %get3A_6 = arith.constant 0 : index
    %get3A_7 = arith.constant 0 : index
    %get3A_8 = vector.load %arg2[%get3A_6, %get3A_7] : memref<1000x128xf32, #tpu.memory_space<vmem>>, vector<1000x128xf32>
    %get3A_9 = arith.constant 0 : index
    %get3A_10 = arith.constant 0 : index
    %get3A_11 = vector.load %arg4[%get3A_9, %get3A_10] : memref<128x128xf32, #tpu.memory_space<vmem>>, vector<128x128xf32>
    %dot_general3A_12 = arith.constant dense<0.000000e+00> : vector<1000x128xf32>
    %dot_general3A_13 = tpu.matmul %get3A_8, %get3A_11, %dot_general3A_12 {dimension_numbers = #tpu.dot_dimension_numbers<[1], [1], [0], [0], [0, 0, 1, 0], [], []>, transpose_lhs_hint = false} : vector<1000x128xf32>, vector<128x128xf32>, vector<1000x128xf32> -> vector<1000x128xf32>
    %add3A = arith.addf %dot_general3A_5, %dot_general3A_13 : vector<1000x128xf32>
    %get3A_14 = arith.constant 0 : index
    %get3A_15 = arith.constant 0 : index
    %get3A_16 = vector.load %arg5[%get3A_14, %get3A_15] : memref<1x128xf32, #tpu.memory_space<vmem>>, vector<1x128xf32>
    %add3A_17 = vector.broadcast %get3A_16 : vector<1x128xf32> to vector<1000x128xf32>
    %add3A_18 = arith.addf %add3A, %add3A_17 : vector<1000x128xf32>
    %get3A_19 = arith.constant 0 : index
    %get3A_20 = arith.constant 0 : index
    %get3A_21 = vector.load %arg6[%get3A_19, %get3A_20] : memref<1x128xf32, #tpu.memory_space<vmem>>, vector<1x128xf32>
    %mul3A = vector.broadcast %get3A_21 : vector<1x128xf32> to vector<1000x128xf32>
    %mul3A_22 = arith.mulf %add3A_18, %mul3A : vector<1000x128xf32>
    %reduce_sum3A = arith.constant dense<0.000000e+00> : vector<1000xf32>
    %reduce_sum3A_23 = vector.multi_reduction <add>, %mul3A_22, %reduce_sum3A [1] : vector<1000x128xf32> to vector<1000xf32>
    %broadcast_in_dim3A = vector.shape_cast %reduce_sum3A_23 : vector<1000xf32> to vector<1000x1xf32>
    %get3A_24 = arith.constant 0 : index
    %get3A_25 = arith.constant 0 : index
    %get3A_26 = vector.load %arg7[%get3A_24, %get3A_25] : memref<1x1xf32, #tpu.memory_space<vmem>>, vector<1x1xf32>
    %get3A_27 = vector.extract %get3A_26[0, 0] : f32 from vector<1x1xf32>
    %add3A_28 = vector.broadcast %get3A_27 : f32 to vector<1000x1xf32>
    %add3A_29 = arith.addf %broadcast_in_dim3A, %add3A_28 : vector<1000x1xf32>
    %logistic3A = arith.negf %add3A_29 : vector<1000x1xf32>
    %logistic3A_30 = math.exp %logistic3A : vector<1000x1xf32>
    %logistic3A_31 = arith.constant 1.000000e+00 : f32
    %logistic3A_32 = vector.broadcast %logistic3A_31 : f32 to vector<1000x1xf32>
    %logistic3A_33 = arith.addf %logistic3A_32, %logistic3A_30 : vector<1000x1xf32>
    %logistic3A_34 = arith.divf %logistic3A_32, %logistic3A_33 : vector<1000x1xf32>
    %swap3A = arith.constant 0 : index
    %swap3A_35 = arith.constant 0 : index
    %swap3A_36 = vector.load %arg8[%swap3A, %swap3A_35] : memref<1000x1xf32, #tpu.memory_space<vmem>>, vector<1000x1xf32>
    tpu.vector_store %arg8[%swap3A, %swap3A_35], %logistic3A_34 {strides = array<i32>} : memref<1000x1xf32, #tpu.memory_space<vmem>>, vector<1000x1xf32>,
    return
  }
  func.func @transform_0(%arg0: i32) -> (i32, i32) {
    %c0_i32 = arith.constant 0 : i32
    %c0_i32_0 = arith.constant 0 : i32
    return %arg0, %c0_i32 : i32, i32
  }
  func.func @transform_1(%arg0: i32) -> (i32, i32) {
    %c0_i32 = arith.constant 0 : i32
    %c0_i32_0 = arith.constant 0 : i32
    return %arg0, %c0_i32 : i32, i32
  }
  func.func @transform_2(%arg0: i32) -> (i32, i32) {
    %c0_i32 = arith.constant 0 : i32
    %c0_i32_0 = arith.constant 0 : i32
    %c0_i32_1 = arith.constant 0 : i32
    return %c0_i32, %c0_i32_0 : i32, i32
  }
  func.func @transform_3(%arg0: i32) -> (i32, i32) {
    %c0_i32 = arith.constant 0 : i32
    %c0_i32_0 = arith.constant 0 : i32
    %c0_i32_1 = arith.constant 0 : i32
    return %c0_i32, %c0_i32_0 : i32, i32
  }
  func.func @transform_4(%arg0: i32) -> (i32, i32) {
    %c0_i32 = arith.constant 0 : i32
    %c0_i32_0 = arith.constant 0 : i32
    %c0_i32_1 = arith.constant 0 : i32
    return %c0_i32, %c0_i32_0 : i32, i32
  }
  func.func @transform_5(%arg0: i32) -> (i32, i32) {
    %c0_i32 = arith.constant 0 : i32
    %c0_i32_0 = arith.constant 0 : i32
    %c0_i32_1 = arith.constant 0 : i32
    return %c0_i32, %c0_i32_0 : i32, i32
  }
  func.func @transform_6(%arg0: i32) -> (i32, i32) {
    %c0_i32 = arith.constant 0 : i32
    %c0_i32_0 = arith.constant 0 : i32
    %c0_i32_1 = arith.constant 0 : i32
    return %c0_i32, %c0_i32_0 : i32, i32
  }
  func.func @transform_7(%arg0: i32) -> (i32, i32) {
    %c0_i32 = arith.constant 0 : i32
    %c0_i32_0 = arith.constant 0 : i32
    return %arg0, %c0_i32 : i32, i32
  }
}

</mosaic_0001>

<sc_bundles>
// kernel: kernel.5.cloned.1.call-start
scs
__scs_entry_jumppad:
0x0: {  	(pc) =	sbr.rel $0x88, $3  }
0x1: {  	(tag) =	ssettag $0x0;
	lr =	simm.s32 $0x1  }
0x2: {  	[smem:$0x3F96] =	sst lr;
	_ =	strace $0xD0000000  }
0x3: {  	_ = 	snop  }
0x4: {  	_ = 	snop  }
0x5: {  	_ = 	snop  }
0x6: {  	_ = 	snop  }
0x7: {  	_ = 	snop  }
__scs_overlays_trampoline_lowered:
0x8: {  	[smem:$0x3FA5] =	sst s0  }
0x9: {  	[smem:$0x3FA6] =	sst s1  }
0xa: {  	[smem:$0x3FA7] =	sst s2  }
0xb: {  	[smem:$0x3FA8] =	sst s3  }
0xc: {  	[smem:$0x3FA9] =	sst s4  }
0xd: {  	[smem:$0x3FAA] =	sst s5  }
0xe: {  	[smem:$0x3FAB] =	sst s6  }
0xf: {  	[smem:$0x3FAC] =	sst s7  }
0x10: {  	[smem:$0x3FAD] =	sst s8  }
0x11: {  	[smem:$0x3FAE] =	sst s9;
	s0 =	simm.s32 @!p0 $0x0  }
0x12: {  	s1 =	sld [smem:$0x3F94];
	s0 =	simm.s32 @p0 $0x1  }
0x13: {  	[smem:$0x3FAF] =	sst s0;
	s0 =	simm.s32 @!p1 $0x0  }
0x14: {  	s2 =	sld [smem:$0x3F93];
	s0 =	simm.s32 @p1 $0x1  }
0x15: {  	[smem:$0x3FB0] =	sst s0;
	s0 =	simm.s32 @!p2 $0x0  }
0x16: {  	s3 =	sld [smem:$0x3FDB];
	s0 =	simm.s32 @p2 $0x1  }
0x17: {  	s4 =	simm.s32 $0x1BF5;
	[smem:$0x3FB2] =	sst s0  }
0x18: {  	s0 =	sld [smem:$0x3F95];
	_ =	swait.ge [sflag:s4], $0x0  }
0x19: {  	s7 =	sld [smem:$0x3F96]  }
0x1a: {  	s8 =	sadd.s32 $0xFFFFE003, lr  }
0x1b: {  	s9 =	sadd.s32 $0xFFFFFEF7, lr;
	s5 =	simm.s32 $0xFFFFFFFF;
	p2 =	slt.u32 s8, $0xFFFFF086  }
0x1c: {  	p1 =	slt.u32 s9, $0xF7A;
	s5 =	simm.s32 @!p2 $0x0  }
0x1d: {  	s5 =	simm.s32 @p1 $0x1;
	p0 =	seq.s32 s7, s2  }
0x1e: {  	s7 =	smul.u32 @!p0 $0xF7A, s2;
	p2 =	seq.s32 @!p0 s5, $0x0  }
0x1f: {  	s9 =	smul.u32 $0xF7A, s1;
	s8 =	simm.s32 @!p0 $0x1BF5;
	p2 =	por !p2, p0  }
0x20: {  	[sflag:s8] =	ssyncset.s32 @!p0 $0xFFFFF086;
	s6 =	sadd.s32 @!p0 s3, s7;
	s7 =	simm.s32 @!p0 $0x108  }
0x21: {  	s3 =	sadd.s32 s3, s9;
	s6 =	sadd.s32 @!p0 $0x88, s6;
	s7 =	simm.s32 @p2 $0x1082  }
0x22: {  	[simem:s7], [sflag:s8] =	dma.local @!p0 [hbm:s6], $0xF7A  }
0x23: {  	s9 =	sor.u32 $0xD0000000, s2;
	s6 =	simm.s32 $0x108;
	_ =	swait.ge @!p0 [sflag:s8], $0x0  }
0x24: {  	s3 =	sadd.s32 $0x88, s3;
	s6 =	simm.s32 @!p1 $0x1082;
	[sflag:s4] =	ssyncset.s32 $0xFFFFF086  }
0x25: {  	[simem:s6], [sflag:s4] =	dma.local [hbm:s3], $0xF7A  }
0x26: {  	[smem:$0x3F96] =	sst s1;
	(tag) =	ssettag s2;
	_ =	strace s9  }
0x27: {  	s1 =	sld [smem:$0x3FA6]  }
0x28: {  	s2 =	sld [smem:$0x3FA7]  }
0x29: {  	s4 =	sld [smem:$0x3FA9]  }
0x2a: {  	p0 =	seq.s32 s5, $0x0;
	s5 =	sld [smem:$0x3FAA]  }
0x2b: {  	s6 =	sld [smem:$0x3FAB]  }
0x2c: {  	s7 =	sld [smem:$0x3FAC]  }
0x2d: {  	s3 =	simm.s32 $0x108;
	s8 =	sld [smem:$0x3FAD]  }
0x2e: {  	s3 =	simm.s32 @!p0 $0x1082;
	s9 =	sld [smem:$0x3FAE]  }
0x2f: {  	lr =	sadd.s32 s0, s3;
	s0 =	sld [smem:$0x3FA5]  }
0x30: {  	s3 =	sld [smem:$0x3FA8]  }
0x31: {  	[smem:$0x3FB1] =	sst s10  }
0x32: {  	s10 =	sld [smem:$0x3FAF];
	_ =	sdelay $0x3  }
0x33: {  	p0 =	seq.s32 s10, $0x1;
	s10 =	sld [smem:$0x3FB1];
	_ =	sdelay $0x3  }
0x34: {  	[smem:$0x3FB1] =	sst s10  }
0x35: {  	s10 =	sld [smem:$0x3FB0];
	_ =	sdelay $0x3  }
0x36: {  	p1 =	seq.s32 s10, $0x1;
	s10 =	sld [smem:$0x3FB1];
	_ =	sdelay $0x3  }
0x37: {  	[smem:$0x3FB1] =	sst s10  }
0x38: {  	s10 =	sld [smem:$0x3FB2]  }
0x39: {  	_ = 	snop;
	(pc) =	sbr.ind lr, $3  }
0x3a: {  	_ = 	snop  }
0x3b: {  	_ = 	snop  }
0x3c: {  	p2 =	seq.s32 s10, $0x1;
	s10 =	sld [smem:$0x3FB1]  }
0x3d: {  	_ =	shalt  }
0x3e: {  	_ =	shalt  }
0x3f: {  	_ =	shalt  }
0x40: {  	_ =	shalt  }
0x41: {  	_ =	shalt  }
0x42: {  	_ =	shalt  }
0x43: {  	_ =	shalt  }
0x44: {  	_ =	shalt  }
0x45: {  	_ =	shalt  }
0x46: {  	_ =	shalt  }
0x47: {  	_ =	shalt  }
0x48: {  	_ =	shalt  }
0x49: {  	_ =	shalt  }
0x4a: {  	_ =	shalt  }
0x4b: {  	_ =	shalt  }
0x4c: {  	_ =	shalt  }
0x4d: {  	_ =	shalt  }
0x4e: {  	_ =	shalt  }
0x4f: {  	_ =	shalt  }
0x50: {  	_ =	shalt  }
0x51: {  	_ =	shalt  }
0x52: {  	_ =	shalt  }
0x53: {  	_ =	shalt  }
0x54: {  	_ =	shalt  }
0x55: {  	_ =	shalt  }
0x56: {  	_ =	shalt  }
0x57: {  	_ =	shalt  }
0x58: {  	_ =	shalt  }
0x59: {  	_ =	shalt  }
0x5a: {  	_ =	shalt  }
0x5b: {  	_ =	shalt  }
0x5c: {  	_ =	shalt  }
0x5d: {  	_ =	shalt  }
0x5e: {  	_ =	shalt  }
0x5f: {  	_ =	shalt  }
0x60: {  	_ =	shalt  }
0x61: {  	_ =	shalt  }
0x62: {  	_ =	shalt  }
0x63: {  	_ =	shalt  }
0x64: {  	_ =	shalt  }
0x65: {  	_ =	shalt  }
0x66: {  	_ =	shalt  }
0x67: {  	_ =	shalt  }
0x68: {  	_ =	shalt  }
0x69: {  	_ =	shalt  }
0x6a: {  	_ =	shalt  }
0x6b: {  	_ =	shalt  }
0x6c: {  	_ =	shalt  }
0x6d: {  	_ =	shalt  }
0x6e: {  	_ =	shalt  }
0x6f: {  	_ =	shalt  }
0x70: {  	_ =	shalt  }
0x71: {  	_ =	shalt  }
0x72: {  	_ =	shalt  }
0x73: {  	_ =	shalt  }
0x74: {  	_ =	shalt  }
0x75: {  	_ =	shalt  }
0x76: {  	_ =	shalt  }
0x77: {  	_ =	shalt  }
0x78: {  	_ =	shalt  }
0x79: {  	_ =	shalt  }
0x7a: {  	_ =	shalt  }
0x7b: {  	_ =	shalt  }
0x7c: {  	_ =	shalt  }
0x7d: {  	_ =	shalt  }
0x7e: {  	_ =	shalt  }
0x7f: {  	_ =	shalt  }
0x80: {  	_ =	shalt  }
0x81: {  	_ =	shalt  }
0x82: {  	_ =	shalt  }
0x83: {  	_ =	shalt  }
0x84: {  	_ =	shalt  }
0x85: {  	_ =	shalt  }
0x86: {  	_ =	shalt  }
0x87: {  	_ =	shalt  }
.Lfunc_end0:
.L_simem_size_0:
called_computation_lowered:
.L_overlay_start_0:
0x88: {  	s2 =	sld [smem:$0x3FD9]  }
0x89: {  	s3 =	sld [smem:$0x3FFE];
	_ =	sdelay $0x1  }
0x8a: {  	s1 =	srdreg.scid  }
0x8b: {  	s0 =	sand.u32 $0x1, s1  }
0x8c: {  	s17 =	sshll.u32 s0, $0xA;
	s2 =	sadd.s32 s3, s2  }
0x8d: {  	s2 =	sadd.s32 s2, s17  }
0x8e: {  	[smem:$0x3FBD] =	sst s2  }
0x8f: {  	_ = 	snop  }
0x90: {  	s2 =	sld [smem:$0x3FC7]  }
0x91: {  	s18 =	sld [smem:$0x3FD0];
	(tm) =	ssettm $0x1  }
0x92: {  	s4 =	sld [smem:$0x3FFB];
	_ =	sdelay $0x3  }
0x93: {  	_ =	strace s4  }
0x94: {  	s4 =	sld [smem:$0x3FFC];
	_ =	sdelay $0x3  }
0x95: {  	_ =	strace s4  }
0x96: {  	s4 =	sld [smem:$0x3FFD];
	_ =	sdelay $0x3  }
0x97: {  	_ =	strace s4  }
0x98: {  	_ =	strace $0x8FFFFFFF  }
0x99: {  	s19 =	sld [smem:$0x3FDB];
	_ =	sdelay $0x1  }
0x9a: {  	s5 =	simm.s32 $_scs_section_size  }
0x9b: {  	s6 =	simm.s32 $_size__tile_overlayer_lowered;
	s7 =	simm.s32 $_tile_overlayer_lowered  }
0x9c: {  	s22 =	simm.s32 $0x1BFF;
	s21 =	sshll.u32 s7, $0x1;
	s4 =	sadd.s32 s5, s19  }
0x9d: {  	s8 =	simm.s32 $0x0;
	s20 =	sshll.u32 s6, $0x1;
	s6 =	sadd.s32 s21, s4  }
0x9e: {  	[timem:s8], [sflag:s22] =	dma.local [hbm:s6], s20  }
0x9f: {  	_ =	swait.ge [sflag:s22], s20  }
0xa0: {  	s5 =	ssub.s32 $0x0, s20;
	[sflag:s22] =	ssyncset.done $0x0  }
0xa1: {  	[sflag:s22] =	ssyncadd.s32 s5;
	_ =	sdelay $0x1  }
0xa2: {  	s23 =	simm.s32 $0x1B8B  }
0xa3: {  	_ =	swait.ge [sflag:s23], $0x1  }
0xa4: {  	[sflag:s23] =	ssyncset.done $0x0  }
0xa5: {  	s25 =	simm.s32 $0x1B8E;
	s24 =	sld [smem:$0x3FFE];
	[sflag:s23] =	ssyncadd.s32 $0xFFFFFFFF  }
0xa6: {  	s26 =	simm.s32 $execute0_lowered;
	[smem:$0x3FD2] =	sst s25  }
0xa7: {  	s6 =	sshll.u32 s26, $0x1;
	_ =	strace $0x80000046;
	[dreg:$0x1] =	wrdreg $0xFFFFFFFF  }
0xa8: {  	s28 =	simm.s32 $_size_execute0_lowered;
	s4 =	sadd.s32 s4, s6;
	[dreg:$0x0] =	wrdreg $0x0  }
0xa9: {  	s6 =	sshll.u32 s28, $0x1;
	[dreg:$0x2] =	wrdreg s4  }
0xaa: {  	[dreg:$0x3] =	wrdreg s6  }
0xab: {  	[dreg:$0x4] =	wrdreg $0xC0  }
0xac: {  	_ =	task [dreg:s8], $0x5FFFF  }
0xad: {  	[dreg:$0x1] =	wrdreg $0xFFFFFFFF  }
0xae: {  	[dreg:$0x0] =	wrdreg $0x60  }
0xaf: {  	[dreg:$0x2] =	wrdreg s24  }
0xb0: {  	[dreg:$0x3] =	wrdreg s2  }
0xb1: {  	[dreg:$0x4] =	wrdreg s18  }
0xb2: {  	[dreg:$0x5] =	wrdreg $0x9  }
0xb3: {  	_ =	task.clear_ibuf [dreg:s8], $0x6FFFF;
	_ =	strace $0x90000046  }
0xb4: {  	s29 =	simm.s32 $0x9;
	_ =	strace $0x80000048  }
0xb5: {  	_ =	swait.ge [sflag:s29], $0x1  }
0xb6: {  	[sflag:s29] =	ssyncadd.s32 $0xFFFFFFFF  }
0xb7: {  	_ =	strace $0x90000048  }
0xb8: {  	_ =	sfence  }
0xb9: {  	s30 =	sld [smem:$0x0];
	_ =	sdelay $0x2  }
0xba: {  	s31 =	sshll.u32 s1, $0xD;
	s1 =	sshrl.u32 s1, $0x2  }
0xbb: {  	s3 =	sand.u32 $0x4000, s31;
	s1 =	sadd.s32 s1, s30  }
0xbc: {  	s0 =	sor.u32 s3, s0;
	s1 =	sshll.u32 s1, $0x11  }
0xbd: {  	s0 =	sor.u32 s1, s0  }
0xbe: {  	s0 =	sadd.s32 $0x8F2B, s0  }
0xbf: {  	[sflag:s0] =	ssyncadd.remote.s32 $0x1  }
0xc0: {  	_ =	sfence.sel $0xFFFF  }
0xc1: {  	[dreg:$0x0] =	wrdreg $0xFFFFFFFF;
	(pc) =	sbr.abs _section_cstart, $3  }
0xc2: {  	[dreg:$0x1] =	wrdreg $0xFFFFFFFF  }
0xc3: {  	_ =	task.clear_ibuf [dreg:s8], $0x2FFFF;
	_ =	strace $0x9FFFFFFF  }
0xc4: {  	(tm) =	ssettm $0x7FFFFFFF  }
0xc5: {  	_ =	shalt  }
tec
execute0_lowered:
.L_overlay_start_1:
0x0: {  	(tag) =	ssettag $0x1  }
0x1: {  	s0 =	srdreg.scid  }
0x2: {  	s2 =	stileid.u32;
	s1 =	rddreg [dreg:$0x0]  }
0x3: {  	s4 =	simm.s32 $0x0;
	s29 =	simm.s32 $0x15500;
	s30 =	simm.s32 $0x18700  }
0x4: {  	v1 =	vimm.s32 $0xFFEDCBA9;
	s31 =	simm.s32 $0x1B900;
	s3 =	sshll.u32 s2, $0x1;
	s2 =	rddreg [dreg:$0x1]  }
0x5: {  	v2 =	vimm.s32 $0x87654321;
	v3 =	vimm.s32 $0xEDCBA987;
	s28 =	simm.s32 $0x7680;
	s0 =	sand.u32 $0x1, s0;
	[smem:$0x7FF] =	sst s4  }
0x6: {  	v4 =	vimm.s32 $0x65432100;
	s9 =	sadd.s32 $0x1000, s1;
	s13 =	sadd.s32 $0x3BE00, s1;
	s23 =	sadd.s32 $0x28520, s1  }
0x7: {  	v1 =	vunpack.c.l.s4.s8 v1;
	v2 =	vunpack.c.l.s4.s8 v2;
	v3 =	vunpack.c.l.s4.s8 v3;
	s3 =	sor.u32 s0, s3;
	_ =	strace $0x80000047;
	s0 =	ssub.s32 $0x2, s0  }
0x8: {  	v10 =	vimm.s32 $0xE40000;
	v4 =	vunpack.c.l.s4.s8 v4;
	[dreg:$0x8] =	wrdreg s23;
	s24 =	sadd.s32 $0x320, s2;
	s5 =	sshll.u32 s3, $0x2  }
0x9: {  	s7 =	smul.u32 $0x1388, s3;
	s3 =	sshllo.u32 s3, $0x2;
	v7 =	vunpack.c.0.s8.s32 v1;
	v8 =	vunpack.c.0.s8.s32 v2;
	v9 =	vunpack.c.0.s8.s32 v3;
	s6 =	sor.u32 $0x1, s5  }
0xa: {  	s23 =	simm.s32 $0xED00;
	s11 =	sshrl.u32 s0, $0x1;
	v0 =	vmov s5;
	s8 =	sor.u32 $0x2, s5;
	v3 =	vmov s3;
	v5 =	vmov s6  }
0xb: {  	[dreg:$0xa] =	wrdreg s24;
	s24 =	simm.s32 $0x11480;
	s12 =	smul.u32 $0x4E2, s3;
	v6 =	vmov s8;
	v1 =	vbroadcast v5, $0x0;
	v5 =	vunpack.c.0.s8.s32 v4  }
0xc: {  	s5 =	sadd.s32 $0x32000, s1;
	s0 =	ssub.s32 s0, s11;
	s10 =	smul.u32 $0x4E2, s6;
	v2 =	vbroadcast v6, $0x0;
	v4 =	vcombine.low v8, v7;
	v6 =	vand.u32 $0xF, v9  }
0xd: {  	s3 =	simm.s32 $0x3;
	s8 =	smul.u32 $0x4E2, s8;
	s6 =	sadd.s32 $0x28200, s1;
	v7 =	vimm.s32 $0xDCBA9876;
	v5 =	vcombine.low v5, v6;
	v6 =	vimm.s32 $0x54321000  }
0xe: {  	s19 =	sadd.s32 s9, s7;
	s1 =	sadd.s32 $0x32320, s1;
	s25 =	sadd.s32 s13, s7;
	v8 =	vunpack.c.l.s4.s8 v6;
	v6 =	vunpack.c.l.s4.s8 v7;
	v7 =	vimm.s32 $0xBA987654  }
0xf: {  	v10 =	vunpack.c.l.s2.s4 v10;
	s18 =	smax.u32 s0, $0x1;
	s0 =	simm.s32 $0x2;
	[dreg:$0x4] =	wrdreg s19;
	v9 =	vimm.s32 $0x32100000;
	v7 =	vunpack.c.l.s4.s8 v7  }
0x10: {  	vm0 =	vcmask $0x3F3C;
	vm1 =	vcmask $0x3F04;
	s7 =	simm.s32 $0x4;
	s22 =	sadd.s32 s9, s12;
	[dreg:$0x9] =	wrdreg s1;
	v9 =	vunpack.c.l.s4.s8 v9  }
0x11: {  	v10 =	vunpack.c.l.s4.s8 v10;
	[dreg:$0xb] =	wrdreg s25;
	s17 =	sadd.s32 s13, s12;
	s19 =	simm.s32 $0x1D200;
	v11 =	vunpack.c.0.s8.s32 v6;
	v12 =	vunpack.c.0.s8.s32 v7  }
0x12: {  	vm2 =	vcmask $0x3F08;
	vm4 =	vcmask $0x3F30;
	s1 =	simm.s32 $0x1;
	s25 =	simm.s32 $0x2780;
	s20 =	sadd.s32 s9, s10;
	v9 =	vunpack.c.0.s8.s32 v9  }
.Ltmp0:
0x13: {  	v10 =	vunpack.c.0.s8.s32 v10;
	s21 =	sadd.s32 s9, s8;
	[dreg:$0x7] =	wrdreg s22;
	v7 =	vand.u32 $0xF, v11;
	v11 =	vand.u32 $0xF, v12;
	(pc) =	sbr.rel .LBB2_1-.Ltmp0, $4  }
0x14: {  	s26 =	sadd.s32 s13, s10;
	s16 =	sadd.s32 s13, s8;
	[dreg:$0x5] =	wrdreg s20;
	v8 =	vunpack.c.0.s8.s32 v8;
	v9 =	vcombine.low v9, v11;
	v11 =	vimm.s32 $0x7060504  }
0x15: {  	vm3 =	vcmask $0x3F10;
	v0 =	vbroadcast v0, $0x0;
	s22 =	simm.s32 $0xC580;
	s8 =	simm.s32 $0x5;
	[dreg:$0x6] =	wrdreg s21;
	v11 =	vunpack.c.0.s8.s32 v11  }
0x16: {  	v10 =	vand.u32 $0x3, v10;
	s9 =	simm.s32 $0x6;
	s10 =	simm.s32 $0x0;
	[dreg:$0xc] =	wrdreg s26;
	v6 =	vimm.f32 $+Inf;
	v7 =	vcombine.low v8, v7  }
0x17: {  	s20 =	simm.s32 $0x7;
	s21 =	simm.s32 $0x9E00;
	s26 =	simm.s32 $0x4F00;
	v8 =	vlaneseq.u32;
	v10 =	vsel vm4, v11, v10;
	vm4 =	vcmask $0x3F20  }
.LBB2_42:
0x18: {  	s11 =	rddreg [dreg:$0xb]  }
0x19: {  	[hbm4b:s11+s4] =	stream.linear.scatter [tilespmem:s4], [sflag:$0x7], $0x2710, $0x38;
	[tilespmem:$0x1D280] =	vst v63  }
0x1a: {  	_ =	swait.ge [sflag:s20], $0x2710  }
0x1b: {  	[sflag:s20] =	ssyncset.done $0x0  }
0x1c: {  	s15 =	rddreg [dreg:$0xc];
	[sflag:s20] =	ssyncadd.s32 $0xFFFFD8F0  }
0x1d: {  	[hbm4b:s15+s4] =	stream.linear.scatter [tilespmem:s25], [sflag:$0x7], $0x2710, $0x38;
	[tilespmem:$0x1D280] =	vst v63  }
0x1e: {  	_ =	swait.ge [sflag:s20], $0x2710  }
0x1f: {  	[sflag:s20] =	ssyncset.done $0x0  }
0x20: {  	[sflag:s20] =	ssyncadd.s32 $0xFFFFD8F0  }
0x21: {  	[hbm4b:s16+s4] =	stream.linear.scatter [tilespmem:s26], [sflag:$0x7], $0x2710, $0x38;
	[tilespmem:$0x1D280] =	vst v63  }
0x22: {  	s10 =	sadd.s32 $0x1, s10;
	_ =	swait.ge [sflag:s20], $0x2710  }
0x23: {  	p0 =	sne.s32 s10, s18;
	[sflag:s20] =	ssyncset.done $0x0  }
.Ltmp1:
0x24: {  	[sflag:s20] =	ssyncadd.s32 $0xFFFFD8F0;
	(pc) =	sbr.rel @!p0 .LBB2_43-.Ltmp1, $4  }
0x25: {  	[hbm4b:s17+s4] =	stream.linear.scatter [tilespmem:s28], [sflag:$0x7], $0x2710, $0x38;
	[tilespmem:$0x1D280] =	vst v63  }
0x26: {  	_ =	swait.ge [sflag:s20], $0x2710  }
0x27: {  	[sflag:s20] =	ssyncset.done $0x0  }
0x28: {  	[sflag:s20] =	ssyncadd.s32 $0xFFFFD8F0  }
.LBB2_1:
0x29: {  	s11 =	rddreg [dreg:$0x2]  }
0x2a: {  	[tilespmem:s19], [sflag:$0x7] =	stream.linear.gather [hbm4b:s11+s4], $0x80, $0x38;
	[tilespmem:$0x1D280] =	vst v63  }
0x2b: {  	_ =	swait.ge [sflag:s20], $0x80  }
0x2c: {  	[sflag:s20] =	ssyncset.done $0x0  }
0x2d: {  	s12 =	rddreg [dreg:$0x4];
	[sflag:s20] =	ssyncadd.s32 $0xFFFFFF80  }
0x2e: {  	[tilespmem:s21], [sflag:$0x7] =	stream.linear.gather [hbm4b:s12+s4], $0x2710, $0x38;
	[tilespmem:$0x1D280] =	vst v63  }
0x2f: {  	_ =	swait.ge [sflag:s20], $0x2710  }
0x30: {  	[sflag:s20] =	ssyncset.done $0x0  }
0x31: {  	s13 =	rddreg [dreg:$0x5];
	[sflag:s20] =	ssyncadd.s32 $0xFFFFD8F0  }
0x32: {  	[tilespmem:s22], [sflag:$0x7] =	stream.linear.gather [hbm4b:s13+s4], $0x2710, $0x38;
	[tilespmem:$0x1D280] =	vst v63  }
0x33: {  	_ =	swait.ge [sflag:s20], $0x2710  }
0x34: {  	[sflag:s20] =	ssyncset.done $0x0  }
0x35: {  	s14 =	rddreg [dreg:$0x6];
	[sflag:s20] =	ssyncadd.s32 $0xFFFFD8F0  }
0x36: {  	[tilespmem:s23], [sflag:$0x7] =	stream.linear.gather [hbm4b:s14+s4], $0x2710, $0x38;
	[tilespmem:$0x1D280] =	vst v63  }
0x37: {  	_ =	swait.ge [sflag:s20], $0x2710  }
0x38: {  	[sflag:s20] =	ssyncset.done $0x0  }
0x39: {  	s15 =	rddreg [dreg:$0x7];
	[sflag:s20] =	ssyncadd.s32 $0xFFFFD8F0  }
0x3a: {  	[tilespmem:s24], [sflag:$0x7] =	stream.linear.gather [hbm4b:s15+s4], $0x2710, $0x38;
	[tilespmem:$0x1D280] =	vst v63  }
0x3b: {  	_ =	swait.ge [sflag:s20], $0x2710  }
0x3c: {  	[sflag:s20] =	ssyncset.done $0x0  }
0x3d: {  	[sflag:s20] =	ssyncadd.s32 $0xFFFFD8F0  }
0x3e: {  	v11 =	vld.idx.msk [tilespmem:v0+s19+$0x0], $0xffff  }
0x3f: {  	v12 =	vld.idx.msk [tilespmem:v1+s19+$0x0], $0xffff  }
0x40: {  	v13 =	vld.idx.msk [tilespmem:v2+s19+$0x0], $0xffff  }
0x41: {  	s11 =	simm.s32 $0x0;
	s12 =	simm.s32 $0x40;
	v14 =	vld.idx.msk [tilespmem:v3+s19+$0x0], $0xffff  }
.LBB2_2:
0x42: {  	p0 =	sne.s32 s12, $0x9C00;
	[tilespmem:s11+$0x7680] =	vst v6;
	s13 =	smov.u32 s12;
	s12 =	sadd.s32 $0x40, s12  }
.Ltmp2:
0x43: {  	[tilespmem:s11+$0x4F00] =	vst v6;
	(pc) =	sbr.rel @p0 .LBB2_2-.Ltmp2, $3  }
0x44: {  	[tilespmem:s11+$0x0] =	vst v6  }
0x45: {  	[tilespmem:s11+$0x2780] =	vst v6;
	_ =	sdelay $0x1  }
0x46: {  	s11 =	sshra.s32 s13, $0x2  }
0x47: {  	[tilespmem:s11+$0x7680] =	vst v6  }
0x48: {  	[tilespmem:s11+$0x4F00] =	vst v6  }
0x49: {  	[tilespmem:s11+$0x0] =	vst v6  }
0x4a: {  	[tilespmem:s11+$0x2780] =	vst v6;
	s11 =	simm.s32 $0x0;
	s12 =	simm.s32 $0x13C00  }
0x4b: {  	[tilespmem:s12], [sflag:$0x1] =	stream.linear.gather [hbm4b:s6+s11], $0x1900, $0x38;
	[tilespmem:$0x1D280] =	vst v63  }
0x4c: {  	s14 =	simm.s32 $0x16E00  }
0x4d: {  	[tilespmem:s14], [sflag:$0x2] =	stream.linear.gather [hbm4b:s5+s11], $0x1900, $0x38;
	[tilespmem:$0x1D280] =	vst v63  }
0x4e: {  	s15 =	simm.s32 $0x1A000  }
0x4f: {  	[tilespmem:s15], [sflag:$0x3] =	stream.linear.gather [hbm4b:s2+s11], $0x1900, $0x38;
	[tilespmem:$0x1D280] =	vst v63  }
0x50: {  	s13 =	rddreg [dreg:$0x8]  }
0x51: {  	[tilespmem:s29], [sflag:$0x4] =	stream.linear.gather [hbm4b:s13+s11], $0x1900, $0x38;
	[tilespmem:$0x1D280] =	vst v63  }
0x52: {  	s14 =	rddreg [dreg:$0x9]  }
0x53: {  	[tilespmem:s30], [sflag:$0x5] =	stream.linear.gather [hbm4b:s14+s11], $0x1900, $0x38;
	[tilespmem:$0x1D280] =	vst v63  }
0x54: {  	s15 =	rddreg [dreg:$0xa]  }
0x55: {  	[tilespmem:s31], [sflag:$0x6] =	stream.linear.gather [hbm4b:s15+s11], $0x1900, $0x38;
	[tilespmem:$0x1D280] =	vst v63  }
.LBB2_4:
0x56: {  	_ =	swait.ge [sflag:s1], $0x1900  }
0x57: {  	[sflag:s1] =	ssyncset.done $0x0  }
0x58: {  	[sflag:s1] =	ssyncadd.s32 $0xFFFFE700  }
0x59: {  	_ =	swait.ge [sflag:s0], $0x1900  }
.Ltmp3:
0x5a: {  	[sflag:s0] =	ssyncset.done $0x0;
	(pc) =	sbr.rel .LBB2_5-.Ltmp3, $4  }
0x5b: {  	[sflag:s0] =	ssyncadd.s32 $0xFFFFE700  }
0x5c: {  	_ =	swait.ge [sflag:s3], $0x1900  }
0x5d: {  	[sflag:s3] =	ssyncset.done $0x0  }
0x5e: {  	s12 =	simm.s32 $0x0;
	[sflag:s3] =	ssyncadd.s32 $0xFFFFE700  }
.LBB2_21:
0x5f: {  	s12 =	sadd.s32 $0x200, s12  }
0x60: {  	p0 =	sne.s32 s12, $0x6400  }
.Ltmp4:
0x61: {  	_ = 	snop;
	(pc) =	sbr.rel @!p0 .LBB2_22-.Ltmp4, $1  }
0x62: {  	_ =	sdelay $0x3  }
.LBB2_5:
0x63: {  	s13 =	sshra.s32 s12, $0x2  }
0x64: {  	v15 =	vld [tilespmem:s13+$0x16E00]  }
0x65: {  	v17 =	vld [tilespmem:s13+$0x13C00];
	_ =	sdelay $0x4  }
0x66: {  	(xrf1) =	vunique.msk.u32 $0xffff, v17  }
0x67: {  	v16 =	vld [tilespmem:s13+$0x1A000];
	_ =	sdelay $0x1  }
0x68: {  	v18 =	vld.idx.msk [tilespmem:v15+s21+$0x0], $0xffff;
	_ =	sdelay $0x1  }
0x69: {  	v19 =	vld.idx.msk [tilespmem:v17+s4+$0x0], $0xffff  }
0x6a: {  	v20 =	vmul.f32 v16, v11;
	_ =	sdelay $0x1  }
0x6b: {  	v18 =	vadd.f32 v18, v20;
	_ =	sdelay $0x1  }
0x6c: {  	v18 =	vmin.f32 v19, v18  }
0x6d: {  	[tilespmem:v17+s4+$0x0] =	vst.idx.msk $0xffff, v18  }
0x6e: {  	v18 =	vld.idx.msk [tilespmem:v15+s22+$0x0], $0xffff;
	_ =	sdelay $0x1  }
0x6f: {  	v19 =	vld.idx.msk [tilespmem:v17+s25+$0x0], $0xffff;
	_, v61, vm5 =	vpop (xrf1)  }
0x70: {  	v60 =	vmul.f32 v16, v12;
	v20 =	vmpcnt.ones.xlane vm5;
	_ =	sdelay $0x1  }
0x71: {  	v18 =	vadd.f32 v18, v60;
	(v2sf) =	vpush v20, $0x0;
	_ =	sdelay $0x1  }
0x72: {  	v18 =	vmin.f32 v19, v18  }
0x73: {  	[tilespmem:v17+s25+$0x0] =	vst.idx.msk $0xffff, v18  }
0x74: {  	v18 =	vld.idx.msk [tilespmem:v15+s23+$0x0], $0xffff;
	_ =	sdelay $0x1  }
0x75: {  	v19 =	vld.idx.msk [tilespmem:v17+s26+$0x0], $0xffff  }
0x76: {  	v62 =	vmul.f32 v16, v13;
	_ =	sdelay $0x1  }
0x77: {  	v18 =	vadd.f32 v18, v62;
	_ =	sdelay $0x1  }
0x78: {  	v18 =	vmin.f32 v19, v18  }
0x79: {  	[tilespmem:v17+s26+$0x0] =	vst.idx.msk $0xffff, v18  }
0x7a: {  	v18 =	vld.idx.msk [tilespmem:v15+s24+$0x0], $0xffff;
	_ =	sdelay $0x1  }
0x7b: {  	v19 =	vld.idx.msk [tilespmem:v17+s28+$0x0], $0xffff;
	s14 =	spop (v2sf)  }
0x7c: {  	v63 =	vmul.f32 v16, v14;
	p0 =	sgt.s32 s14, $0xF  }
.Ltmp5:
0x7d: {  	_ = 	snop;
	(pc) =	sbr.rel @p0 .LBB2_7-.Ltmp5, $3  }
0x7e: {  	v18 =	vadd.f32 v18, v63;
	_ =	sdelay $0x1  }
0x7f: {  	v18 =	vmin.f32 v19, v18  }
0x80: {  	[tilespmem:v17+s28+$0x0] =	vst.idx.msk $0xffff, v18  }
0x81: {  	v17 =	vxor.u32 $0x80000000, v17  }
0x82: {  	(xrf1) =	vsort.ascd.msk.u32 $0xffff, v17, v8;
	_ =	sdelay $0xd  }
0x83: {  	v17, v18, _ =	vpop (xrf1)  }
0x84: {  	v15 =	vperm.xlane v15, v18;
	_ =	sdelay $0x5  }
0x85: {  	v19 =	vld.idx.msk [tilespmem:v15+s21+$0x0], $0xffff  }
0x86: {  	v16 =	vperm.xlane v16, v18;
	_ =	sdelay $0x1  }
0x87: {  	v18 =	vmul.f32 v16, v11;
	_ =	sdelay $0x1  }
0x88: {  	v17 =	vxor.u32 $0x80000000, v17;
	v18 =	vadd.f32 v19, v18  }
0x89: {  	v46 =	vperm.xlane v17, v5  }
0x8a: {  	v20 =	vperm.xlane v18, v5  }
0x8b: {  	vm5 =	veq.s32 v17, v46  }
0x8c: {  	vm5 =	vmand vm5, vm1;
	v47 =	vmin.f32 v18, v20  }
0x8d: {  	v48 =	vperm.xlane v17, v7;
	v18 =	vsel vm5, v47, v18  }
0x8e: {  	v19 =	vperm.xlane v18, v7  }
0x8f: {  	vm6 =	veq.s32 v17, v48  }
0x90: {  	vm6 =	vmand vm6, vm2;
	v19 =	vmin.f32 v18, v19  }
0x91: {  	v49 =	vperm.xlane v17, v9;
	v18 =	vsel vm6, v19, v18  }
0x92: {  	v50 =	vperm.xlane v17, v4;
	v21 =	vperm.xlane v18, v9  }
0x93: {  	vm7 =	veq.s32 v17, v49  }
0x94: {  	vm9 =	vne.s32 v17, v50;
	vm8 =	vmand vm7, vm3;
	v51 =	vmin.f32 v18, v21  }
0x95: {  	v52 =	vperm.xlane v17, v10;
	vm7 =	vmor vm9, vm0;
	v53 =	vld.idx.msk [tilespmem:v17+s4+$0x0], $0xffff;
	v18 =	vsel vm8, v51, v18  }
0x96: {  	v54 =	vperm.xlane v18, v10  }
0x97: {  	vm15 =	veq.s32 v17, v52  }
0x98: {  	vm9 =	vmand vm15, vm4;
	v55 =	vmin.f32 v18, v54  }
0x99: {  	v18 =	vsel vm9, v55, v18  }
0x9a: {  	v18 =	vmin.f32 v53, v18  }
0x9b: {  	[tilespmem:v17+s4+$0x0] =	vst.idx.msk vm7, v18  }
0x9c: {  	v18 =	vld.idx.msk [tilespmem:v15+s22+$0x0], $0xffff;
	_ =	sdelay $0x2  }
0x9d: {  	v56 =	vmul.f32 v16, v12;
	_ =	sdelay $0x1  }
0x9e: {  	v18 =	vadd.f32 v18, v56;
	_ =	sdelay $0x1  }
0x9f: {  	v19 =	vperm.xlane v18, v5;
	_ =	sdelay $0x1  }
0xa0: {  	v19 =	vmin.f32 v18, v19  }
0xa1: {  	v18 =	vsel vm5, v19, v18  }
0xa2: {  	v19 =	vperm.xlane v18, v7;
	_ =	sdelay $0x1  }
0xa3: {  	v19 =	vmin.f32 v18, v19  }
0xa4: {  	v18 =	vsel vm6, v19, v18  }
0xa5: {  	v19 =	vperm.xlane v18, v9;
	_ =	sdelay $0x1  }
0xa6: {  	v19 =	vmin.f32 v18, v19  }
0xa7: {  	v57 =	vld.idx.msk [tilespmem:v17+s25+$0x0], $0xffff;
	v18 =	vsel vm8, v19, v18  }
0xa8: {  	v58 =	vperm.xlane v18, v10;
	_ =	sdelay $0x1  }
0xa9: {  	v20 =	vmin.f32 v18, v58  }
0xaa: {  	v18 =	vsel vm9, v20, v18  }
0xab: {  	v18 =	vmin.f32 v57, v18  }
0xac: {  	[tilespmem:v17+s25+$0x0] =	vst.idx.msk vm7, v18  }
0xad: {  	v18 =	vld.idx.msk [tilespmem:v15+s23+$0x0], $0xffff;
	_ =	sdelay $0x2  }
0xae: {  	v59 =	vmul.f32 v16, v13;
	_ =	sdelay $0x1  }
0xaf: {  	v18 =	vadd.f32 v18, v59;
	_ =	sdelay $0x1  }
0xb0: {  	v19 =	vperm.xlane v18, v5;
	_ =	sdelay $0x1  }
0xb1: {  	v19 =	vmin.f32 v18, v19  }
0xb2: {  	v18 =	vsel vm5, v19, v18  }
0xb3: {  	v19 =	vperm.xlane v18, v7;
	_ =	sdelay $0x1  }
0xb4: {  	v19 =	vmin.f32 v18, v19  }
0xb5: {  	v18 =	vsel vm6, v19, v18  }
0xb6: {  	v19 =	vperm.xlane v18, v9;
	_ =	sdelay $0x1  }
0xb7: {  	v19 =	vmin.f32 v18, v19  }
0xb8: {  	v60 =	vld.idx.msk [tilespmem:v17+s26+$0x0], $0xffff;
	v18 =	vsel vm8, v19, v18  }
0xb9: {  	v61 =	vperm.xlane v18, v10;
	_ =	sdelay $0x1  }
0xba: {  	v20 =	vmin.f32 v18, v61  }
0xbb: {  	v18 =	vsel vm9, v20, v18  }
0xbc: {  	v18 =	vmin.f32 v60, v18  }
0xbd: {  	[tilespmem:v17+s26+$0x0] =	vst.idx.msk vm7, v18  }
0xbe: {  	v15 =	vld.idx.msk [tilespmem:v15+s24+$0x0], $0xffff;
	_ =	sdelay $0x2  }
0xbf: {  	v16 =	vmul.f32 v16, v14;
	_ =	sdelay $0x1  }
0xc0: {  	v15 =	vadd.f32 v15, v16;
	_ =	sdelay $0x1  }
0xc1: {  	v16 =	vperm.xlane v15, v5;
	_ =	sdelay $0x1  }
0xc2: {  	v16 =	vmin.f32 v15, v16  }
0xc3: {  	v15 =	vsel vm5, v16, v15  }
0xc4: {  	v16 =	vperm.xlane v15, v7;
	_ =	sdelay $0x1  }
0xc5: {  	v16 =	vmin.f32 v15, v16  }
0xc6: {  	v15 =	vsel vm6, v16, v15  }
0xc7: {  	v16 =	vperm.xlane v15, v9;
	_ =	sdelay $0x1  }
0xc8: {  	v16 =	vmin.f32 v15, v16  }
0xc9: {  	v62 =	vld.idx.msk [tilespmem:v17+s28+$0x0], $0xffff;
	v15 =	vsel vm8, v16, v15  }
0xca: {  	v63 =	vperm.xlane v15, v10;
	_ =	sdelay $0x1  }
0xcb: {  	v18 =	vmin.f32 v15, v63  }
0xcc: {  	v15 =	vsel vm9, v18, v15  }
0xcd: {  	v15 =	vmin.f32 v62, v15  }
0xce: {  	[tilespmem:v17+s28+$0x0] =	vst.idx.msk vm7, v15  }
.LBB2_7:
0xcf: {  	v15 =	vld [tilespmem:s13+$0x16E10]  }
0xd0: {  	v17 =	vld [tilespmem:s13+$0x13C10];
	_ =	sdelay $0x4  }
0xd1: {  	(xrf1) =	vunique.msk.u32 $0xffff, v17  }
0xd2: {  	v16 =	vld [tilespmem:s13+$0x1A010];
	_ =	sdelay $0x1  }
0xd3: {  	v18 =	vld.idx.msk [tilespmem:v15+s21+$0x0], $0xffff;
	_ =	sdelay $0x1  }
0xd4: {  	v19 =	vld.idx.msk [tilespmem:v17+s4+$0x0], $0xffff  }
0xd5: {  	v20 =	vmul.f32 v16, v11;
	_ =	sdelay $0x1  }
0xd6: {  	v18 =	vadd.f32 v18, v20;
	_ =	sdelay $0x1  }
0xd7: {  	v18 =	vmin.f32 v19, v18  }
0xd8: {  	[tilespmem:v17+s4+$0x0] =	vst.idx.msk $0xffff, v18  }
0xd9: {  	v18 =	vld.idx.msk [tilespmem:v15+s22+$0x0], $0xffff;
	_ =	sdelay $0x1  }
0xda: {  	v19 =	vld.idx.msk [tilespmem:v17+s25+$0x0], $0xffff;
	_, v61, vm5 =	vpop (xrf1)  }
0xdb: {  	v60 =	vmul.f32 v16, v12;
	v20 =	vmpcnt.ones.xlane vm5;
	_ =	sdelay $0x1  }
0xdc: {  	v18 =	vadd.f32 v18, v60;
	(v2sf) =	vpush v20, $0x0;
	_ =	sdelay $0x1  }
0xdd: {  	v18 =	vmin.f32 v19, v18  }
0xde: {  	[tilespmem:v17+s25+$0x0] =	vst.idx.msk $0xffff, v18  }
0xdf: {  	v18 =	vld.idx.msk [tilespmem:v15+s23+$0x0], $0xffff;
	_ =	sdelay $0x1  }
0xe0: {  	v19 =	vld.idx.msk [tilespmem:v17+s26+$0x0], $0xffff  }
0xe1: {  	v62 =	vmul.f32 v16, v13;
	_ =	sdelay $0x1  }
0xe2: {  	v18 =	vadd.f32 v18, v62;
	_ =	sdelay $0x1  }
0xe3: {  	v18 =	vmin.f32 v19, v18  }
0xe4: {  	[tilespmem:v17+s26+$0x0] =	vst.idx.msk $0xffff, v18  }
0xe5: {  	v18 =	vld.idx.msk [tilespmem:v15+s24+$0x0], $0xffff;
	_ =	sdelay $0x1  }
0xe6: {  	v19 =	vld.idx.msk [tilespmem:v17+s28+$0x0], $0xffff;
	s14 =	spop (v2sf)  }
0xe7: {  	v63 =	vmul.f32 v16, v14;
	p0 =	sgt.s32 s14, $0xF  }
.Ltmp6:
0xe8: {  	_ = 	snop;
	(pc) =	sbr.rel @p0 .LBB2_9-.Ltmp6, $3  }
0xe9: {  	v18 =	vadd.f32 v18, v63;
	_ =	sdelay $0x1  }
0xea: {  	v18 =	vmin.f32 v19, v18  }
0xeb: {  	[tilespmem:v17+s28+$0x0] =	vst.idx.msk $0xffff, v18  }
0xec: {  	v17 =	vxor.u32 $0x80000000, v17  }
0xed: {  	(xrf1) =	vsort.ascd.msk.u32 $0xffff, v17, v8;
	_ =	sdelay $0xd  }
0xee: {  	v17, v18, _ =	vpop (xrf1)  }
0xef: {  	v15 =	vperm.xlane v15, v18;
	_ =	sdelay $0x5  }
0xf0: {  	v19 =	vld.idx.msk [tilespmem:v15+s21+$0x0], $0xffff  }
0xf1: {  	v16 =	vperm.xlane v16, v18;
	_ =	sdelay $0x1  }
0xf2: {  	v18 =	vmul.f32 v16, v11;
	_ =	sdelay $0x1  }
0xf3: {  	v17 =	vxor.u32 $0x80000000, v17;
	v18 =	vadd.f32 v19, v18  }
0xf4: {  	v46 =	vperm.xlane v17, v5  }
0xf5: {  	v20 =	vperm.xlane v18, v5  }
0xf6: {  	vm5 =	veq.s32 v17, v46  }
0xf7: {  	vm5 =	vmand vm5, vm1;
	v47 =	vmin.f32 v18, v20  }
0xf8: {  	v48 =	vperm.xlane v17, v7;
	v18 =	vsel vm5, v47, v18  }
0xf9: {  	v19 =	vperm.xlane v18, v7  }
0xfa: {  	vm6 =	veq.s32 v17, v48  }
0xfb: {  	vm6 =	vmand vm6, vm2;
	v19 =	vmin.f32 v18, v19  }
0xfc: {  	v49 =	vperm.xlane v17, v9;
	v18 =	vsel vm6, v19, v18  }
0xfd: {  	v50 =	vperm.xlane v17, v4;
	v21 =	vperm.xlane v18, v9  }
0xfe: {  	vm7 =	veq.s32 v17, v49  }
0xff: {  	vm9 =	vne.s32 v17, v50;
	vm8 =	vmand vm7, vm3;
	v51 =	vmin.f32 v18, v21  }
0x100: {  	v52 =	vperm.xlane v17, v10;
	vm7 =	vmor vm9, vm0;
	v53 =	vld.idx.msk [tilespmem:v17+s4+$0x0], $0xffff;
	v18 =	vsel vm8, v51, v18  }
0x101: {  	v54 =	vperm.xlane v18, v10  }
0x102: {  	vm15 =	veq.s32 v17, v52  }
0x103: {  	vm9 =	vmand vm15, vm4;
	v55 =	vmin.f32 v18, v54  }
0x104: {  	v18 =	vsel vm9, v55, v18  }
0x105: {  	v18 =	vmin.f32 v53, v18  }
0x106: {  	[tilespmem:v17+s4+$0x0] =	vst.idx.msk vm7, v18  }
0x107: {  	v18 =	vld.idx.msk [tilespmem:v15+s22+$0x0], $0xffff;
	_ =	sdelay $0x2  }
0x108: {  	v56 =	vmul.f32 v16, v12;
	_ =	sdelay $0x1  }
0x109: {  	v18 =	vadd.f32 v18, v56;
	_ =	sdelay $0x1  }
0x10a: {  	v19 =	vperm.xlane v18, v5;
	_ =	sdelay $0x1  }
0x10b: {  	v19 =	vmin.f32 v18, v19  }
0x10c: {  	v18 =	vsel vm5, v19, v18  }
0x10d: {  	v19 =	vperm.xlane v18, v7;
	_ =	sdelay $0x1  }
0x10e: {  	v19 =	vmin.f32 v18, v19  }
0x10f: {  	v18 =	vsel vm6, v19, v18  }
0x110: {  	v19 =	vperm.xlane v18, v9;
	_ =	sdelay $0x1  }
0x111: {  	v19 =	vmin.f32 v18, v19  }
0x112: {  	v57 =	vld.idx.msk [tilespmem:v17+s25+$0x0], $0xffff;
	v18 =	vsel vm8, v19, v18  }
0x113: {  	v58 =	vperm.xlane v18, v10;
	_ =	sdelay $0x1  }
0x114: {  	v20 =	vmin.f32 v18, v58  }
0x115: {  	v18 =	vsel vm9, v20, v18  }
0x116: {  	v18 =	vmin.f32 v57, v18  }
0x117: {  	[tilespmem:v17+s25+$0x0] =	vst.idx.msk vm7, v18  }
0x118: {  	v18 =	vld.idx.msk [tilespmem:v15+s23+$0x0], $0xffff;
	_ =	sdelay $0x2  }
0x119: {  	v59 =	vmul.f32 v16, v13;
	_ =	sdelay $0x1  }
0x11a: {  	v18 =	vadd.f32 v18, v59;
	_ =	sdelay $0x1  }
0x11b: {  	v19 =	vperm.xlane v18, v5;
	_ =	sdelay $0x1  }
0x11c: {  	v19 =	vmin.f32 v18, v19  }
0x11d: {  	v18 =	vsel vm5, v19, v18  }
0x11e: {  	v19 =	vperm.xlane v18, v7;
	_ =	sdelay $0x1  }
0x11f: {  	v19 =	vmin.f32 v18, v19  }
0x120: {  	v18 =	vsel vm6, v19, v18  }
0x121: {  	v19 =	vperm.xlane v18, v9;
	_ =	sdelay $0x1  }
0x122: {  	v19 =	vmin.f32 v18, v19  }
0x123: {  	v60 =	vld.idx.msk [tilespmem:v17+s26+$0x0], $0xffff;
	v18 =	vsel vm8, v19, v18  }
0x124: {  	v61 =	vperm.xlane v18, v10;
	_ =	sdelay $0x1  }
0x125: {  	v20 =	vmin.f32 v18, v61  }
0x126: {  	v18 =	vsel vm9, v20, v18  }
0x127: {  	v18 =	vmin.f32 v60, v18  }
0x128: {  	[tilespmem:v17+s26+$0x0] =	vst.idx.msk vm7, v18  }
0x129: {  	v15 =	vld.idx.msk [tilespmem:v15+s24+$0x0], $0xffff;
	_ =	sdelay $0x2  }
0x12a: {  	v16 =	vmul.f32 v16, v14;
	_ =	sdelay $0x1  }
0x12b: {  	v15 =	vadd.f32 v15, v16;
	_ =	sdelay $0x1  }
0x12c: {  	v16 =	vperm.xlane v15, v5;
	_ =	sdelay $0x1  }
0x12d: {  	v16 =	vmin.f32 v15, v16  }
0x12e: {  	v15 =	vsel vm5, v16, v15  }
0x12f: {  	v16 =	vperm.xlane v15, v7;
	_ =	sdelay $0x1  }
0x130: {  	v16 =	vmin.f32 v15, v16  }
0x131: {  	v15 =	vsel vm6, v16, v15  }
0x132: {  	v16 =	vperm.xlane v15, v9;
	_ =	sdelay $0x1  }
0x133: {  	v16 =	vmin.f32 v15, v16  }
0x134: {  	v62 =	vld.idx.msk [tilespmem:v17+s28+$0x0], $0xffff;
	v15 =	vsel vm8, v16, v15  }
0x135: {  	v63 =	vperm.xlane v15, v10;
	_ =	sdelay $0x1  }
0x136: {  	v18 =	vmin.f32 v15, v63  }
0x137: {  	v15 =	vsel vm9, v18, v15  }
0x138: {  	v15 =	vmin.f32 v62, v15  }
0x139: {  	[tilespmem:v17+s28+$0x0] =	vst.idx.msk vm7, v15  }
.LBB2_9:
0x13a: {  	v15 =	vld [tilespmem:s13+$0x16E20]  }
0x13b: {  	v17 =	vld [tilespmem:s13+$0x13C20];
	_ =	sdelay $0x4  }
0x13c: {  	(xrf1) =	vunique.msk.u32 $0xffff, v17  }
0x13d: {  	v16 =	vld [tilespmem:s13+$0x1A020];
	_ =	sdelay $0x1  }
0x13e: {  	v18 =	vld.idx.msk [tilespmem:v15+s21+$0x0], $0xffff;
	_ =	sdelay $0x1  }
0x13f: {  	v19 =	vld.idx.msk [tilespmem:v17+s4+$0x0], $0xffff  }
0x140: {  	v20 =	vmul.f32 v16, v11;
	_ =	sdelay $0x1  }
0x141: {  	v18 =	vadd.f32 v18, v20;
	_ =	sdelay $0x1  }
0x142: {  	v18 =	vmin.f32 v19, v18  }
0x143: {  	[tilespmem:v17+s4+$0x0] =	vst.idx.msk $0xffff, v18  }
0x144: {  	v18 =	vld.idx.msk [tilespmem:v15+s22+$0x0], $0xffff;
	_ =	sdelay $0x1  }
0x145: {  	v19 =	vld.idx.msk [tilespmem:v17+s25+$0x0], $0xffff;
	_, v61, vm5 =	vpop (xrf1)  }
0x146: {  	v60 =	vmul.f32 v16, v12;
	v20 =	vmpcnt.ones.xlane vm5;
	_ =	sdelay $0x1  }
0x147: {  	v18 =	vadd.f32 v18, v60;
	(v2sf) =	vpush v20, $0x0;
	_ =	sdelay $0x1  }
0x148: {  	v18 =	vmin.f32 v19, v18  }
0x149: {  	[tilespmem:v17+s25+$0x0] =	vst.idx.msk $0xffff, v18  }
0x14a: {  	v18 =	vld.idx.msk [tilespmem:v15+s23+$0x0], $0xffff;
	_ =	sdelay $0x1  }
0x14b: {  	v19 =	vld.idx.msk [tilespmem:v17+s26+$0x0], $0xffff  }
0x14c: {  	v62 =	vmul.f32 v16, v13;
	_ =	sdelay $0x1  }
0x14d: {  	v18 =	vadd.f32 v18, v62;
	_ =	sdelay $0x1  }
0x14e: {  	v18 =	vmin.f32 v19, v18  }
0x14f: {  	[tilespmem:v17+s26+$0x0] =	vst.idx.msk $0xffff, v18  }
0x150: {  	v18 =	vld.idx.msk [tilespmem:v15+s24+$0x0], $0xffff;
	_ =	sdelay $0x1  }
0x151: {  	v19 =	vld.idx.msk [tilespmem:v17+s28+$0x0], $0xffff;
	s14 =	spop (v2sf)  }
0x152: {  	v63 =	vmul.f32 v16, v14;
	p0 =	sgt.s32 s14, $0xF  }
.Ltmp7:
0x153: {  	_ = 	snop;
	(pc) =	sbr.rel @p0 .LBB2_11-.Ltmp7, $3  }
0x154: {  	v18 =	vadd.f32 v18, v63;
	_ =	sdelay $0x1  }
0x155: {  	v18 =	vmin.f32 v19, v18  }
0x156: {  	[tilespmem:v17+s28+$0x0] =	vst.idx.msk $0xffff, v18  }
0x157: {  	v17 =	vxor.u32 $0x80000000, v17  }
0x158: {  	(xrf1) =	vsort.ascd.msk.u32 $0xffff, v17, v8;
	_ =	sdelay $0xd  }
0x159: {  	v17, v18, _ =	vpop (xrf1)  }
0x15a: {  	v15 =	vperm.xlane v15, v18;
	_ =	sdelay $0x5  }
0x15b: {  	v19 =	vld.idx.msk [tilespmem:v15+s21+$0x0], $0xffff  }
0x15c: {  	v16 =	vperm.xlane v16, v18;
	_ =	sdelay $0x1  }
0x15d: {  	v18 =	vmul.f32 v16, v11;
	_ =	sdelay $0x1  }
0x15e: {  	v17 =	vxor.u32 $0x80000000, v17;
	v18 =	vadd.f32 v19, v18  }
0x15f: {  	v46 =	vperm.xlane v17, v5  }
0x160: {  	v20 =	vperm.xlane v18, v5  }
0x161: {  	vm5 =	veq.s32 v17, v46  }
0x162: {  	vm5 =	vmand vm5, vm1;
	v47 =	vmin.f32 v18, v20  }
0x163: {  	v48 =	vperm.xlane v17, v7;
	v18 =	vsel vm5, v47, v18  }
0x164: {  	v19 =	vperm.xlane v18, v7  }
0x165: {  	vm6 =	veq.s32 v17, v48  }
0x166: {  	vm6 =	vmand vm6, vm2;
	v19 =	vmin.f32 v18, v19  }
0x167: {  	v49 =	vperm.xlane v17, v9;
	v18 =	vsel vm6, v19, v18  }
0x168: {  	v50 =	vperm.xlane v17, v4;
	v21 =	vperm.xlane v18, v9  }
0x169: {  	vm7 =	veq.s32 v17, v49  }
0x16a: {  	vm9 =	vne.s32 v17, v50;
	vm8 =	vmand vm7, vm3;
	v51 =	vmin.f32 v18, v21  }
0x16b: {  	v52 =	vperm.xlane v17, v10;
	vm7 =	vmor vm9, vm0;
	v53 =	vld.idx.msk [tilespmem:v17+s4+$0x0], $0xffff;
	v18 =	vsel vm8, v51, v18  }
0x16c: {  	v54 =	vperm.xlane v18, v10  }
0x16d: {  	vm15 =	veq.s32 v17, v52  }
0x16e: {  	vm9 =	vmand vm15, vm4;
	v55 =	vmin.f32 v18, v54  }
0x16f: {  	v18 =	vsel vm9, v55, v18  }
0x170: {  	v18 =	vmin.f32 v53, v18  }
0x171: {  	[tilespmem:v17+s4+$0x0] =	vst.idx.msk vm7, v18  }
0x172: {  	v18 =	vld.idx.msk [tilespmem:v15+s22+$0x0], $0xffff;
	_ =	sdelay $0x2  }
0x173: {  	v56 =	vmul.f32 v16, v12;
	_ =	sdelay $0x1  }
0x174: {  	v18 =	vadd.f32 v18, v56;
	_ =	sdelay $0x1  }
0x175: {  	v19 =	vperm.xlane v18, v5;
	_ =	sdelay $0x1  }
0x176: {  	v19 =	vmin.f32 v18, v19  }
0x177: {  	v18 =	vsel vm5, v19, v18  }
0x178: {  	v19 =	vperm.xlane v18, v7;
	_ =	sdelay $0x1  }
0x179: {  	v19 =	vmin.f32 v18, v19  }
0x17a: {  	v18 =	vsel vm6, v19, v18  }
0x17b: {  	v19 =	vperm.xlane v18, v9;
	_ =	sdelay $0x1  }
0x17c: {  	v19 =	vmin.f32 v18, v19  }
0x17d: {  	v57 =	vld.idx.msk [tilespmem:v17+s25+$0x0], $0xffff;
	v18 =	vsel vm8, v19, v18  }
0x17e: {  	v58 =	vperm.xlane v18, v10;
	_ =	sdelay $0x1  }
0x17f: {  	v20 =	vmin.f32 v18, v58  }
0x180: {  	v18 =	vsel vm9, v20, v18  }
0x181: {  	v18 =	vmin.f32 v57, v18  }
0x182: {  	[tilespmem:v17+s25+$0x0] =	vst.idx.msk vm7, v18  }
0x183: {  	v18 =	vld.idx.msk [tilespmem:v15+s23+$0x0], $0xffff;
	_ =	sdelay $0x2  }
0x184: {  	v59 =	vmul.f32 v16, v13;
	_ =	sdelay $0x1  }
0x185: {  	v18 =	vadd.f32 v18, v59;
	_ =	sdelay $0x1  }
0x186: {  	v19 =	vperm.xlane v18, v5;
	_ =	sdelay $0x1  }
0x187: {  	v19 =	vmin.f32 v18, v19  }
0x188: {  	v18 =	vsel vm5, v19, v18  }
0x189: {  	v19 =	vperm.xlane v18, v7;
	_ =	sdelay $0x1  }
0x18a: {  	v19 =	vmin.f32 v18, v19  }
0x18b: {  	v18 =	vsel vm6, v19, v18  }
0x18c: {  	v19 =	vperm.xlane v18, v9;
	_ =	sdelay $0x1  }
0x18d: {  	v19 =	vmin.f32 v18, v19  }
0x18e: {  	v60 =	vld.idx.msk [tilespmem:v17+s26+$0x0], $0xffff;
	v18 =	vsel vm8, v19, v18  }
0x18f: {  	v61 =	vperm.xlane v18, v10;
	_ =	sdelay $0x1  }
0x190: {  	v20 =	vmin.f32 v18, v61  }
0x191: {  	v18 =	vsel vm9, v20, v18  }
0x192: {  	v18 =	vmin.f32 v60, v18  }
0x193: {  	[tilespmem:v17+s26+$0x0] =	vst.idx.msk vm7, v18  }
0x194: {  	v15 =	vld.idx.msk [tilespmem:v15+s24+$0x0], $0xffff;
	_ =	sdelay $0x2  }
0x195: {  	v16 =	vmul.f32 v16, v14;
	_ =	sdelay $0x1  }
0x196: {  	v15 =	vadd.f32 v15, v16;
	_ =	sdelay $0x1  }
0x197: {  	v16 =	vperm.xlane v15, v5;
	_ =	sdelay $0x1  }
0x198: {  	v16 =	vmin.f32 v15, v16  }
0x199: {  	v15 =	vsel vm5, v16, v15  }
0x19a: {  	v16 =	vperm.xlane v15, v7;
	_ =	sdelay $0x1  }
0x19b: {  	v16 =	vmin.f32 v15, v16  }
0x19c: {  	v15 =	vsel vm6, v16, v15  }
0x19d: {  	v16 =	vperm.xlane v15, v9;
	_ =	sdelay $0x1  }
0x19e: {  	v16 =	vmin.f32 v15, v16  }
0x19f: {  	v62 =	vld.idx.msk [tilespmem:v17+s28+$0x0], $0xffff;
	v15 =	vsel vm8, v16, v15  }
0x1a0: {  	v63 =	vperm.xlane v15, v10;
	_ =	sdelay $0x1  }
0x1a1: {  	v18 =	vmin.f32 v15, v63  }
0x1a2: {  	v15 =	vsel vm9, v18, v15  }
0x1a3: {  	v15 =	vmin.f32 v62, v15  }
0x1a4: {  	[tilespmem:v17+s28+$0x0] =	vst.idx.msk vm7, v15  }
.LBB2_11:
0x1a5: {  	v15 =	vld [tilespmem:s13+$0x16E30]  }
0x1a6: {  	v17 =	vld [tilespmem:s13+$0x13C30];
	_ =	sdelay $0x4  }
0x1a7: {  	(xrf1) =	vunique.msk.u32 $0xffff, v17  }
0x1a8: {  	v16 =	vld [tilespmem:s13+$0x1A030];
	_ =	sdelay $0x1  }
0x1a9: {  	v18 =	vld.idx.msk [tilespmem:v15+s21+$0x0], $0xffff;
	_ =	sdelay $0x1  }
0x1aa: {  	v19 =	vld.idx.msk [tilespmem:v17+s4+$0x0], $0xffff  }
0x1ab: {  	v20 =	vmul.f32 v16, v11;
	_ =	sdelay $0x1  }
0x1ac: {  	v18 =	vadd.f32 v18, v20;
	_ =	sdelay $0x1  }
0x1ad: {  	v18 =	vmin.f32 v19, v18  }
0x1ae: {  	[tilespmem:v17+s4+$0x0] =	vst.idx.msk $0xffff, v18  }
0x1af: {  	v18 =	vld.idx.msk [tilespmem:v15+s22+$0x0], $0xffff;
	_ =	sdelay $0x1  }
0x1b0: {  	v19 =	vld.idx.msk [tilespmem:v17+s25+$0x0], $0xffff;
	_, v61, vm5 =	vpop (xrf1)  }
0x1b1: {  	v60 =	vmul.f32 v16, v12;
	v20 =	vmpcnt.ones.xlane vm5;
	_ =	sdelay $0x1  }
0x1b2: {  	v18 =	vadd.f32 v18, v60;
	(v2sf) =	vpush v20, $0x0;
	_ =	sdelay $0x1  }
0x1b3: {  	v18 =	vmin.f32 v19, v18  }
0x1b4: {  	[tilespmem:v17+s25+$0x0] =	vst.idx.msk $0xffff, v18  }
0x1b5: {  	v18 =	vld.idx.msk [tilespmem:v15+s23+$0x0], $0xffff;
	_ =	sdelay $0x1  }
0x1b6: {  	v19 =	vld.idx.msk [tilespmem:v17+s26+$0x0], $0xffff  }
0x1b7: {  	v62 =	vmul.f32 v16, v13;
	_ =	sdelay $0x1  }
0x1b8: {  	v18 =	vadd.f32 v18, v62;
	_ =	sdelay $0x1  }
0x1b9: {  	v18 =	vmin.f32 v19, v18  }
0x1ba: {  	[tilespmem:v17+s26+$0x0] =	vst.idx.msk $0xffff, v18  }
0x1bb: {  	v18 =	vld.idx.msk [tilespmem:v15+s24+$0x0], $0xffff;
	_ =	sdelay $0x1  }
0x1bc: {  	v19 =	vld.idx.msk [tilespmem:v17+s28+$0x0], $0xffff;
	s14 =	spop (v2sf)  }
0x1bd: {  	v63 =	vmul.f32 v16, v14;
	p0 =	sgt.s32 s14, $0xF  }
.Ltmp8:
0x1be: {  	_ = 	snop;
	(pc) =	sbr.rel @p0 .LBB2_13-.Ltmp8, $3  }
0x1bf: {  	v18 =	vadd.f32 v18, v63;
	_ =	sdelay $0x1  }
0x1c0: {  	v18 =	vmin.f32 v19, v18  }
0x1c1: {  	[tilespmem:v17+s28+$0x0] =	vst.idx.msk $0xffff, v18  }
0x1c2: {  	v17 =	vxor.u32 $0x80000000, v17  }
0x1c3: {  	(xrf1) =	vsort.ascd.msk.u32 $0xffff, v17, v8;
	_ =	sdelay $0xd  }
0x1c4: {  	v17, v18, _ =	vpop (xrf1)  }
0x1c5: {  	v15 =	vperm.xlane v15, v18;
	_ =	sdelay $0x5  }
0x1c6: {  	v19 =	vld.idx.msk [tilespmem:v15+s21+$0x0], $0xffff  }
0x1c7: {  	v16 =	vperm.xlane v16, v18;
	_ =	sdelay $0x1  }
0x1c8: {  	v18 =	vmul.f32 v16, v11;
	_ =	sdelay $0x1  }
0x1c9: {  	v17 =	vxor.u32 $0x80000000, v17;
	v18 =	vadd.f32 v19, v18  }
0x1ca: {  	v46 =	vperm.xlane v17, v5  }
0x1cb: {  	v20 =	vperm.xlane v18, v5  }
0x1cc: {  	vm5 =	veq.s32 v17, v46  }
0x1cd: {  	vm5 =	vmand vm5, vm1;
	v47 =	vmin.f32 v18, v20  }
0x1ce: {  	v48 =	vperm.xlane v17, v7;
	v18 =	vsel vm5, v47, v18  }
0x1cf: {  	v19 =	vperm.xlane v18, v7  }
0x1d0: {  	vm6 =	veq.s32 v17, v48  }
0x1d1: {  	vm6 =	vmand vm6, vm2;
	v19 =	vmin.f32 v18, v19  }
0x1d2: {  	v49 =	vperm.xlane v17, v9;
	v18 =	vsel vm6, v19, v18  }
0x1d3: {  	v50 =	vperm.xlane v17, v4;
	v21 =	vperm.xlane v18, v9  }
0x1d4: {  	vm7 =	veq.s32 v17, v49  }
0x1d5: {  	vm9 =	vne.s32 v17, v50;
	vm8 =	vmand vm7, vm3;
	v51 =	vmin.f32 v18, v21  }
0x1d6: {  	v52 =	vperm.xlane v17, v10;
	vm7 =	vmor vm9, vm0;
	v53 =	vld.idx.msk [tilespmem:v17+s4+$0x0], $0xffff;
	v18 =	vsel vm8, v51, v18  }
0x1d7: {  	v54 =	vperm.xlane v18, v10  }
0x1d8: {  	vm15 =	veq.s32 v17, v52  }
0x1d9: {  	vm9 =	vmand vm15, vm4;
	v55 =	vmin.f32 v18, v54  }
0x1da: {  	v18 =	vsel vm9, v55, v18  }
0x1db: {  	v18 =	vmin.f32 v53, v18  }
0x1dc: {  	[tilespmem:v17+s4+$0x0] =	vst.idx.msk vm7, v18  }
0x1dd: {  	v18 =	vld.idx.msk [tilespmem:v15+s22+$0x0], $0xffff;
	_ =	sdelay $0x2  }
0x1de: {  	v56 =	vmul.f32 v16, v12;
	_ =	sdelay $0x1  }
0x1df: {  	v18 =	vadd.f32 v18, v56;
	_ =	sdelay $0x1  }
0x1e0: {  	v19 =	vperm.xlane v18, v5;
	_ =	sdelay $0x1  }
0x1e1: {  	v19 =	vmin.f32 v18, v19  }
0x1e2: {  	v18 =	vsel vm5, v19, v18  }
0x1e3: {  	v19 =	vperm.xlane v18, v7;
	_ =	sdelay $0x1  }
0x1e4: {  	v19 =	vmin.f32 v18, v19  }
0x1e5: {  	v18 =	vsel vm6, v19, v18  }
0x1e6: {  	v19 =	vperm.xlane v18, v9;
	_ =	sdelay $0x1  }
0x1e7: {  	v19 =	vmin.f32 v18, v19  }
0x1e8: {  	v57 =	vld.idx.msk [tilespmem:v17+s25+$0x0], $0xffff;
	v18 =	vsel vm8, v19, v18  }
0x1e9: {  	v58 =	vperm.xlane v18, v10;
	_ =	sdelay $0x1  }
0x1ea: {  	v20 =	vmin.f32 v18, v58  }
0x1eb: {  	v18 =	vsel vm9, v20, v18  }
0x1ec: {  	v18 =	vmin.f32 v57, v18  }
0x1ed: {  	[tilespmem:v17+s25+$0x0] =	vst.idx.msk vm7, v18  }
0x1ee: {  	v18 =	vld.idx.msk [tilespmem:v15+s23+$0x0], $0xffff;
	_ =	sdelay $0x2  }
0x1ef: {  	v59 =	vmul.f32 v16, v13;
	_ =	sdelay $0x1  }
0x1f0: {  	v18 =	vadd.f32 v18, v59;
	_ =	sdelay $0x1  }
0x1f1: {  	v19 =	vperm.xlane v18, v5;
	_ =	sdelay $0x1  }
0x1f2: {  	v19 =	vmin.f32 v18, v19  }
0x1f3: {  	v18 =	vsel vm5, v19, v18  }
0x1f4: {  	v19 =	vperm.xlane v18, v7;
	_ =	sdelay $0x1  }
0x1f5: {  	v19 =	vmin.f32 v18, v19  }
0x1f6: {  	v18 =	vsel vm6, v19, v18  }
0x1f7: {  	v19 =	vperm.xlane v18, v9;
	_ =	sdelay $0x1  }
0x1f8: {  	v19 =	vmin.f32 v18, v19  }
0x1f9: {  	v60 =	vld.idx.msk [tilespmem:v17+s26+$0x0], $0xffff;
	v18 =	vsel vm8, v19, v18  }
0x1fa: {  	v61 =	vperm.xlane v18, v10;
	_ =	sdelay $0x1  }
0x1fb: {  	v20 =	vmin.f32 v18, v61  }
0x1fc: {  	v18 =	vsel vm9, v20, v18  }
0x1fd: {  	v18 =	vmin.f32 v60, v18  }
0x1fe: {  	[tilespmem:v17+s26+$0x0] =	vst.idx.msk vm7, v18  }
0x1ff: {  	v15 =	vld.idx.msk [tilespmem:v15+s24+$0x0], $0xffff;
	_ =	sdelay $0x2  }
0x200: {  	v16 =	vmul.f32 v16, v14;
	_ =	sdelay $0x1  }
0x201: {  	v15 =	vadd.f32 v15, v16;
	_ =	sdelay $0x1  }
0x202: {  	v16 =	vperm.xlane v15, v5;
	_ =	sdelay $0x1  }
0x203: {  	v16 =	vmin.f32 v15, v16  }
0x204: {  	v15 =	vsel vm5, v16, v15  }
0x205: {  	v16 =	vperm.xlane v15, v7;
	_ =	sdelay $0x1  }
0x206: {  	v16 =	vmin.f32 v15, v16  }
0x207: {  	v15 =	vsel vm6, v16, v15  }
0x208: {  	v16 =	vperm.xlane v15, v9;
	_ =	sdelay $0x1  }
0x209: {  	v16 =	vmin.f32 v15, v16  }
0x20a: {  	v62 =	vld.idx.msk [tilespmem:v17+s28+$0x0], $0xffff;
	v15 =	vsel vm8, v16, v15  }
0x20b: {  	v63 =	vperm.xlane v15, v10;
	_ =	sdelay $0x1  }
0x20c: {  	v18 =	vmin.f32 v15, v63  }
0x20d: {  	v15 =	vsel vm9, v18, v15  }
0x20e: {  	v15 =	vmin.f32 v62, v15  }
0x20f: {  	[tilespmem:v17+s28+$0x0] =	vst.idx.msk vm7, v15  }
.LBB2_13:
0x210: {  	v15 =	vld [tilespmem:s13+$0x16E40]  }
0x211: {  	v17 =	vld [tilespmem:s13+$0x13C40];
	_ =	sdelay $0x4  }
0x212: {  	(xrf1) =	vunique.msk.u32 $0xffff, v17  }
0x213: {  	v16 =	vld [tilespmem:s13+$0x1A040];
	_ =	sdelay $0x1  }
0x214: {  	v18 =	vld.idx.msk [tilespmem:v15+s21+$0x0], $0xffff;
	_ =	sdelay $0x1  }
0x215: {  	v19 =	vld.idx.msk [tilespmem:v17+s4+$0x0], $0xffff  }
0x216: {  	v20 =	vmul.f32 v16, v11;
	_ =	sdelay $0x1  }
0x217: {  	v18 =	vadd.f32 v18, v20;
	_ =	sdelay $0x1  }
0x218: {  	v18 =	vmin.f32 v19, v18  }
0x219: {  	[tilespmem:v17+s4+$0x0] =	vst.idx.msk $0xffff, v18  }
0x21a: {  	v18 =	vld.idx.msk [tilespmem:v15+s22+$0x0], $0xffff;
	_ =	sdelay $0x1  }
0x21b: {  	v19 =	vld.idx.msk [tilespmem:v17+s25+$0x0], $0xffff;
	_, v61, vm5 =	vpop (xrf1)  }
0x21c: {  	v60 =	vmul.f32 v16, v12;
	v20 =	vmpcnt.ones.xlane vm5;
	_ =	sdelay $0x1  }
0x21d: {  	v18 =	vadd.f32 v18, v60;
	(v2sf) =	vpush v20, $0x0;
	_ =	sdelay $0x1  }
0x21e: {  	v18 =	vmin.f32 v19, v18  }
0x21f: {  	[tilespmem:v17+s25+$0x0] =	vst.idx.msk $0xffff, v18  }
0x220: {  	v18 =	vld.idx.msk [tilespmem:v15+s23+$0x0], $0xffff;
	_ =	sdelay $0x1  }
0x221: {  	v19 =	vld.idx.msk [tilespmem:v17+s26+$0x0], $0xffff  }
0x222: {  	v62 =	vmul.f32 v16, v13;
	_ =	sdelay $0x1  }
0x223: {  	v18 =	vadd.f32 v18, v62;
	_ =	sdelay $0x1  }
0x224: {  	v18 =	vmin.f32 v19, v18  }
0x225: {  	[tilespmem:v17+s26+$0x0] =	vst.idx.msk $0xffff, v18  }
0x226: {  	v18 =	vld.idx.msk [tilespmem:v15+s24+$0x0], $0xffff;
	_ =	sdelay $0x1  }
0x227: {  	v19 =	vld.idx.msk [tilespmem:v17+s28+$0x0], $0xffff;
	s14 =	spop (v2sf)  }
0x228: {  	v63 =	vmul.f32 v16, v14;
	p0 =	sgt.s32 s14, $0xF  }
.Ltmp9:
0x229: {  	_ = 	snop;
	(pc) =	sbr.rel @p0 .LBB2_15-.Ltmp9, $3  }
0x22a: {  	v18 =	vadd.f32 v18, v63;
	_ =	sdelay $0x1  }
0x22b: {  	v18 =	vmin.f32 v19, v18  }
0x22c: {  	[tilespmem:v17+s28+$0x0] =	vst.idx.msk $0xffff, v18  }
0x22d: {  	v17 =	vxor.u32 $0x80000000, v17  }
0x22e: {  	(xrf1) =	vsort.ascd.msk.u32 $0xffff, v17, v8;
	_ =	sdelay $0xd  }
0x22f: {  	v17, v18, _ =	vpop (xrf1)  }
0x230: {  	v15 =	vperm.xlane v15, v18;
	_ =	sdelay $0x5  }
0x231: {  	v19 =	vld.idx.msk [tilespmem:v15+s21+$0x0], $0xffff  }
0x232: {  	v16 =	vperm.xlane v16, v18;
	_ =	sdelay $0x1  }
0x233: {  	v18 =	vmul.f32 v16, v11;
	_ =	sdelay $0x1  }
0x234: {  	v17 =	vxor.u32 $0x80000000, v17;
	v18 =	vadd.f32 v19, v18  }
0x235: {  	v46 =	vperm.xlane v17, v5  }
0x236: {  	v20 =	vperm.xlane v18, v5  }
0x237: {  	vm5 =	veq.s32 v17, v46  }
0x238: {  	vm5 =	vmand vm5, vm1;
	v47 =	vmin.f32 v18, v20  }
0x239: {  	v48 =	vperm.xlane v17, v7;
	v18 =	vsel vm5, v47, v18  }
0x23a: {  	v19 =	vperm.xlane v18, v7  }
0x23b: {  	vm6 =	veq.s32 v17, v48  }
0x23c: {  	vm6 =	vmand vm6, vm2;
	v19 =	vmin.f32 v18, v19  }
0x23d: {  	v49 =	vperm.xlane v17, v9;
	v18 =	vsel vm6, v19, v18  }
0x23e: {  	v50 =	vperm.xlane v17, v4;
	v21 =	vperm.xlane v18, v9  }
0x23f: {  	vm7 =	veq.s32 v17, v49  }
0x240: {  	vm9 =	vne.s32 v17, v50;
	vm8 =	vmand vm7, vm3;
	v51 =	vmin.f32 v18, v21  }
0x241: {  	v52 =	vperm.xlane v17, v10;
	vm7 =	vmor vm9, vm0;
	v53 =	vld.idx.msk [tilespmem:v17+s4+$0x0], $0xffff;
	v18 =	vsel vm8, v51, v18  }
0x242: {  	v54 =	vperm.xlane v18, v10  }
0x243: {  	vm15 =	veq.s32 v17, v52  }
0x244: {  	vm9 =	vmand vm15, vm4;
	v55 =	vmin.f32 v18, v54  }
0x245: {  	v18 =	vsel vm9, v55, v18  }
0x246: {  	v18 =	vmin.f32 v53, v18  }
0x247: {  	[tilespmem:v17+s4+$0x0] =	vst.idx.msk vm7, v18  }
0x248: {  	v18 =	vld.idx.msk [tilespmem:v15+s22+$0x0], $0xffff;
	_ =	sdelay $0x2  }
0x249: {  	v56 =	vmul.f32 v16, v12;
	_ =	sdelay $0x1  }
0x24a: {  	v18 =	vadd.f32 v18, v56;
	_ =	sdelay $0x1  }
0x24b: {  	v19 =	vperm.xlane v18, v5;
	_ =	sdelay $0x1  }
0x24c: {  	v19 =	vmin.f32 v18, v19  }
0x24d: {  	v18 =	vsel vm5, v19, v18  }
0x24e: {  	v19 =	vperm.xlane v18, v7;
	_ =	sdelay $0x1  }
0x24f: {  	v19 =	vmin.f32 v18, v19  }
0x250: {  	v18 =	vsel vm6, v19, v18  }
0x251: {  	v19 =	vperm.xlane v18, v9;
	_ =	sdelay $0x1  }
0x252: {  	v19 =	vmin.f32 v18, v19  }
0x253: {  	v57 =	vld.idx.msk [tilespmem:v17+s25+$0x0], $0xffff;
	v18 =	vsel vm8, v19, v18  }
0x254: {  	v58 =	vperm.xlane v18, v10;
	_ =	sdelay $0x1  }
0x255: {  	v20 =	vmin.f32 v18, v58  }
0x256: {  	v18 =	vsel vm9, v20, v18  }
0x257: {  	v18 =	vmin.f32 v57, v18  }
0x258: {  	[tilespmem:v17+s25+$0x0] =	vst.idx.msk vm7, v18  }
0x259: {  	v18 =	vld.idx.msk [tilespmem:v15+s23+$0x0], $0xffff;
	_ =	sdelay $0x2  }
0x25a: {  	v59 =	vmul.f32 v16, v13;
	_ =	sdelay $0x1  }
0x25b: {  	v18 =	vadd.f32 v18, v59;
	_ =	sdelay $0x1  }
0x25c: {  	v19 =	vperm.xlane v18, v5;
	_ =	sdelay $0x1  }
0x25d: {  	v19 =	vmin.f32 v18, v19  }
0x25e: {  	v18 =	vsel vm5, v19, v18  }
0x25f: {  	v19 =	vperm.xlane v18, v7;
	_ =	sdelay $0x1  }
0x260: {  	v19 =	vmin.f32 v18, v19  }
0x261: {  	v18 =	vsel vm6, v19, v18  }
0x262: {  	v19 =	vperm.xlane v18, v9;
	_ =	sdelay $0x1  }
0x263: {  	v19 =	vmin.f32 v18, v19  }
0x264: {  	v60 =	vld.idx.msk [tilespmem:v17+s26+$0x0], $0xffff;
	v18 =	vsel vm8, v19, v18  }
0x265: {  	v61 =	vperm.xlane v18, v10;
	_ =	sdelay $0x1  }
0x266: {  	v20 =	vmin.f32 v18, v61  }
0x267: {  	v18 =	vsel vm9, v20, v18  }
0x268: {  	v18 =	vmin.f32 v60, v18  }
0x269: {  	[tilespmem:v17+s26+$0x0] =	vst.idx.msk vm7, v18  }
0x26a: {  	v15 =	vld.idx.msk [tilespmem:v15+s24+$0x0], $0xffff;
	_ =	sdelay $0x2  }
0x26b: {  	v16 =	vmul.f32 v16, v14;
	_ =	sdelay $0x1  }
0x26c: {  	v15 =	vadd.f32 v15, v16;
	_ =	sdelay $0x1  }
0x26d: {  	v16 =	vperm.xlane v15, v5;
	_ =	sdelay $0x1  }
0x26e: {  	v16 =	vmin.f32 v15, v16  }
0x26f: {  	v15 =	vsel vm5, v16, v15  }
0x270: {  	v16 =	vperm.xlane v15, v7;
	_ =	sdelay $0x1  }
0x271: {  	v16 =	vmin.f32 v15, v16  }
0x272: {  	v15 =	vsel vm6, v16, v15  }
0x273: {  	v16 =	vperm.xlane v15, v9;
	_ =	sdelay $0x1  }
0x274: {  	v16 =	vmin.f32 v15, v16  }
0x275: {  	v62 =	vld.idx.msk [tilespmem:v17+s28+$0x0], $0xffff;
	v15 =	vsel vm8, v16, v15  }
0x276: {  	v63 =	vperm.xlane v15, v10;
	_ =	sdelay $0x1  }
0x277: {  	v18 =	vmin.f32 v15, v63  }
0x278: {  	v15 =	vsel vm9, v18, v15  }
0x279: {  	v15 =	vmin.f32 v62, v15  }
0x27a: {  	[tilespmem:v17+s28+$0x0] =	vst.idx.msk vm7, v15  }
.LBB2_15:
0x27b: {  	v15 =	vld [tilespmem:s13+$0x16E50]  }
0x27c: {  	v17 =	vld [tilespmem:s13+$0x13C50];
	_ =	sdelay $0x4  }
0x27d: {  	(xrf1) =	vunique.msk.u32 $0xffff, v17  }
0x27e: {  	v16 =	vld [tilespmem:s13+$0x1A050];
	_ =	sdelay $0x1  }
0x27f: {  	v18 =	vld.idx.msk [tilespmem:v15+s21+$0x0], $0xffff;
	_ =	sdelay $0x1  }
0x280: {  	v19 =	vld.idx.msk [tilespmem:v17+s4+$0x0], $0xffff  }
0x281: {  	v20 =	vmul.f32 v16, v11;
	_ =	sdelay $0x1  }
0x282: {  	v18 =	vadd.f32 v18, v20;
	_ =	sdelay $0x1  }
0x283: {  	v18 =	vmin.f32 v19, v18  }
0x284: {  	[tilespmem:v17+s4+$0x0] =	vst.idx.msk $0xffff, v18  }
0x285: {  	v18 =	vld.idx.msk [tilespmem:v15+s22+$0x0], $0xffff;
	_ =	sdelay $0x1  }
0x286: {  	v19 =	vld.idx.msk [tilespmem:v17+s25+$0x0], $0xffff;
	_, v61, vm5 =	vpop (xrf1)  }
0x287: {  	v60 =	vmul.f32 v16, v12;
	v20 =	vmpcnt.ones.xlane vm5;
	_ =	sdelay $0x1  }
0x288: {  	v18 =	vadd.f32 v18, v60;
	(v2sf) =	vpush v20, $0x0;
	_ =	sdelay $0x1  }
0x289: {  	v18 =	vmin.f32 v19, v18  }
0x28a: {  	[tilespmem:v17+s25+$0x0] =	vst.idx.msk $0xffff, v18  }
0x28b: {  	v18 =	vld.idx.msk [tilespmem:v15+s23+$0x0], $0xffff;
	_ =	sdelay $0x1  }
0x28c: {  	v19 =	vld.idx.msk [tilespmem:v17+s26+$0x0], $0xffff  }
0x28d: {  	v62 =	vmul.f32 v16, v13;
	_ =	sdelay $0x1  }
0x28e: {  	v18 =	vadd.f32 v18, v62;
	_ =	sdelay $0x1  }
0x28f: {  	v18 =	vmin.f32 v19, v18  }
0x290: {  	[tilespmem:v17+s26+$0x0] =	vst.idx.msk $0xffff, v18  }
0x291: {  	v18 =	vld.idx.msk [tilespmem:v15+s24+$0x0], $0xffff;
	_ =	sdelay $0x1  }
0x292: {  	v19 =	vld.idx.msk [tilespmem:v17+s28+$0x0], $0xffff;
	s14 =	spop (v2sf)  }
0x293: {  	v63 =	vmul.f32 v16, v14;
	p0 =	sgt.s32 s14, $0xF  }
.Ltmp10:
0x294: {  	_ = 	snop;
	(pc) =	sbr.rel @p0 .LBB2_17-.Ltmp10, $3  }
0x295: {  	v18 =	vadd.f32 v18, v63;
	_ =	sdelay $0x1  }
0x296: {  	v18 =	vmin.f32 v19, v18  }
0x297: {  	[tilespmem:v17+s28+$0x0] =	vst.idx.msk $0xffff, v18  }
0x298: {  	v17 =	vxor.u32 $0x80000000, v17  }
0x299: {  	(xrf1) =	vsort.ascd.msk.u32 $0xffff, v17, v8;
	_ =	sdelay $0xd  }
0x29a: {  	v17, v18, _ =	vpop (xrf1)  }
0x29b: {  	v15 =	vperm.xlane v15, v18;
	_ =	sdelay $0x5  }
0x29c: {  	v19 =	vld.idx.msk [tilespmem:v15+s21+$0x0], $0xffff  }
0x29d: {  	v16 =	vperm.xlane v16, v18;
	_ =	sdelay $0x1  }
0x29e: {  	v18 =	vmul.f32 v16, v11;
	_ =	sdelay $0x1  }
0x29f: {  	v17 =	vxor.u32 $0x80000000, v17;
	v18 =	vadd.f32 v19, v18  }
0x2a0: {  	v46 =	vperm.xlane v17, v5  }
0x2a1: {  	v20 =	vperm.xlane v18, v5  }
0x2a2: {  	vm5 =	veq.s32 v17, v46  }
0x2a3: {  	vm5 =	vmand vm5, vm1;
	v47 =	vmin.f32 v18, v20  }
0x2a4: {  	v48 =	vperm.xlane v17, v7;
	v18 =	vsel vm5, v47, v18  }
0x2a5: {  	v19 =	vperm.xlane v18, v7  }
0x2a6: {  	vm6 =	veq.s32 v17, v48  }
0x2a7: {  	vm6 =	vmand vm6, vm2;
	v19 =	vmin.f32 v18, v19  }
0x2a8: {  	v49 =	vperm.xlane v17, v9;
	v18 =	vsel vm6, v19, v18  }
0x2a9: {  	v50 =	vperm.xlane v17, v4;
	v21 =	vperm.xlane v18, v9  }
0x2aa: {  	vm7 =	veq.s32 v17, v49  }
0x2ab: {  	vm9 =	vne.s32 v17, v50;
	vm8 =	vmand vm7, vm3;
	v51 =	vmin.f32 v18, v21  }
0x2ac: {  	v52 =	vperm.xlane v17, v10;
	vm7 =	vmor vm9, vm0;
	v53 =	vld.idx.msk [tilespmem:v17+s4+$0x0], $0xffff;
	v18 =	vsel vm8, v51, v18  }
0x2ad: {  	v54 =	vperm.xlane v18, v10  }
0x2ae: {  	vm15 =	veq.s32 v17, v52  }
0x2af: {  	vm9 =	vmand vm15, vm4;
	v55 =	vmin.f32 v18, v54  }
0x2b0: {  	v18 =	vsel vm9, v55, v18  }
0x2b1: {  	v18 =	vmin.f32 v53, v18  }
0x2b2: {  	[tilespmem:v17+s4+$0x0] =	vst.idx.msk vm7, v18  }
0x2b3: {  	v18 =	vld.idx.msk [tilespmem:v15+s22+$0x0], $0xffff;
	_ =	sdelay $0x2  }
0x2b4: {  	v56 =	vmul.f32 v16, v12;
	_ =	sdelay $0x1  }
0x2b5: {  	v18 =	vadd.f32 v18, v56;
	_ =	sdelay $0x1  }
0x2b6: {  	v19 =	vperm.xlane v18, v5;
	_ =	sdelay $0x1  }
0x2b7: {  	v19 =	vmin.f32 v18, v19  }
0x2b8: {  	v18 =	vsel vm5, v19, v18  }
0x2b9: {  	v19 =	vperm.xlane v18, v7;
	_ =	sdelay $0x1  }
0x2ba: {  	v19 =	vmin.f32 v18, v19  }
0x2bb: {  	v18 =	vsel vm6, v19, v18  }
0x2bc: {  	v19 =	vperm.xlane v18, v9;
	_ =	sdelay $0x1  }
0x2bd: {  	v19 =	vmin.f32 v18, v19  }
0x2be: {  	v57 =	vld.idx.msk [tilespmem:v17+s25+$0x0], $0xffff;
	v18 =	vsel vm8, v19, v18  }
0x2bf: {  	v58 =	vperm.xlane v18, v10;
	_ =	sdelay $0x1  }
0x2c0: {  	v20 =	vmin.f32 v18, v58  }
0x2c1: {  	v18 =	vsel vm9, v20, v18  }
0x2c2: {  	v18 =	vmin.f32 v57, v18  }
0x2c3: {  	[tilespmem:v17+s25+$0x0] =	vst.idx.msk vm7, v18  }
0x2c4: {  	v18 =	vld.idx.msk [tilespmem:v15+s23+$0x0], $0xffff;
	_ =	sdelay $0x2  }
0x2c5: {  	v59 =	vmul.f32 v16, v13;
	_ =	sdelay $0x1  }
0x2c6: {  	v18 =	vadd.f32 v18, v59;
	_ =	sdelay $0x1  }
0x2c7: {  	v19 =	vperm.xlane v18, v5;
	_ =	sdelay $0x1  }
0x2c8: {  	v19 =	vmin.f32 v18, v19  }
0x2c9: {  	v18 =	vsel vm5, v19, v18  }
0x2ca: {  	v19 =	vperm.xlane v18, v7;
	_ =	sdelay $0x1  }
0x2cb: {  	v19 =	vmin.f32 v18, v19  }
0x2cc: {  	v18 =	vsel vm6, v19, v18  }
0x2cd: {  	v19 =	vperm.xlane v18, v9;
	_ =	sdelay $0x1  }
0x2ce: {  	v19 =	vmin.f32 v18, v19  }
0x2cf: {  	v60 =	vld.idx.msk [tilespmem:v17+s26+$0x0], $0xffff;
	v18 =	vsel vm8, v19, v18  }
0x2d0: {  	v61 =	vperm.xlane v18, v10;
	_ =	sdelay $0x1  }
0x2d1: {  	v20 =	vmin.f32 v18, v61  }
0x2d2: {  	v18 =	vsel vm9, v20, v18  }
0x2d3: {  	v18 =	vmin.f32 v60, v18  }
0x2d4: {  	[tilespmem:v17+s26+$0x0] =	vst.idx.msk vm7, v18  }
0x2d5: {  	v15 =	vld.idx.msk [tilespmem:v15+s24+$0x0], $0xffff;
	_ =	sdelay $0x2  }
0x2d6: {  	v16 =	vmul.f32 v16, v14;
	_ =	sdelay $0x1  }
0x2d7: {  	v15 =	vadd.f32 v15, v16;
	_ =	sdelay $0x1  }
0x2d8: {  	v16 =	vperm.xlane v15, v5;
	_ =	sdelay $0x1  }
0x2d9: {  	v16 =	vmin.f32 v15, v16  }
0x2da: {  	v15 =	vsel vm5, v16, v15  }
0x2db: {  	v16 =	vperm.xlane v15, v7;
	_ =	sdelay $0x1  }
0x2dc: {  	v16 =	vmin.f32 v15, v16  }
0x2dd: {  	v15 =	vsel vm6, v16, v15  }
0x2de: {  	v16 =	vperm.xlane v15, v9;
	_ =	sdelay $0x1  }
0x2df: {  	v16 =	vmin.f32 v15, v16  }
0x2e0: {  	v62 =	vld.idx.msk [tilespmem:v17+s28+$0x0], $0xffff;
	v15 =	vsel vm8, v16, v15  }
0x2e1: {  	v63 =	vperm.xlane v15, v10;
	_ =	sdelay $0x1  }
0x2e2: {  	v18 =	vmin.f32 v15, v63  }
0x2e3: {  	v15 =	vsel vm9, v18, v15  }
0x2e4: {  	v15 =	vmin.f32 v62, v15  }
0x2e5: {  	[tilespmem:v17+s28+$0x0] =	vst.idx.msk vm7, v15  }
.LBB2_17:
0x2e6: {  	v15 =	vld [tilespmem:s13+$0x16E60]  }
0x2e7: {  	v17 =	vld [tilespmem:s13+$0x13C60];
	_ =	sdelay $0x4  }
0x2e8: {  	(xrf1) =	vunique.msk.u32 $0xffff, v17  }
0x2e9: {  	v16 =	vld [tilespmem:s13+$0x1A060];
	_ =	sdelay $0x1  }
0x2ea: {  	v18 =	vld.idx.msk [tilespmem:v15+s21+$0x0], $0xffff;
	_ =	sdelay $0x1  }
0x2eb: {  	v19 =	vld.idx.msk [tilespmem:v17+s4+$0x0], $0xffff  }
0x2ec: {  	v20 =	vmul.f32 v16, v11;
	_ =	sdelay $0x1  }
0x2ed: {  	v18 =	vadd.f32 v18, v20;
	_ =	sdelay $0x1  }
0x2ee: {  	v18 =	vmin.f32 v19, v18  }
0x2ef: {  	[tilespmem:v17+s4+$0x0] =	vst.idx.msk $0xffff, v18  }
0x2f0: {  	v18 =	vld.idx.msk [tilespmem:v15+s22+$0x0], $0xffff;
	_ =	sdelay $0x1  }
0x2f1: {  	v19 =	vld.idx.msk [tilespmem:v17+s25+$0x0], $0xffff;
	_, v61, vm5 =	vpop (xrf1)  }
0x2f2: {  	v60 =	vmul.f32 v16, v12;
	v20 =	vmpcnt.ones.xlane vm5;
	_ =	sdelay $0x1  }
0x2f3: {  	v18 =	vadd.f32 v18, v60;
	(v2sf) =	vpush v20, $0x0;
	_ =	sdelay $0x1  }
0x2f4: {  	v18 =	vmin.f32 v19, v18  }
0x2f5: {  	[tilespmem:v17+s25+$0x0] =	vst.idx.msk $0xffff, v18  }
0x2f6: {  	v18 =	vld.idx.msk [tilespmem:v15+s23+$0x0], $0xffff;
	_ =	sdelay $0x1  }
0x2f7: {  	v19 =	vld.idx.msk [tilespmem:v17+s26+$0x0], $0xffff  }
0x2f8: {  	v62 =	vmul.f32 v16, v13;
	_ =	sdelay $0x1  }
0x2f9: {  	v18 =	vadd.f32 v18, v62;
	_ =	sdelay $0x1  }
0x2fa: {  	v18 =	vmin.f32 v19, v18  }
0x2fb: {  	[tilespmem:v17+s26+$0x0] =	vst.idx.msk $0xffff, v18  }
0x2fc: {  	v18 =	vld.idx.msk [tilespmem:v15+s24+$0x0], $0xffff;
	_ =	sdelay $0x1  }
0x2fd: {  	v19 =	vld.idx.msk [tilespmem:v17+s28+$0x0], $0xffff;
	s14 =	spop (v2sf)  }
0x2fe: {  	v63 =	vmul.f32 v16, v14;
	p0 =	sgt.s32 s14, $0xF  }
.Ltmp11:
0x2ff: {  	_ = 	snop;
	(pc) =	sbr.rel @p0 .LBB2_19-.Ltmp11, $3  }
0x300: {  	v18 =	vadd.f32 v18, v63;
	_ =	sdelay $0x1  }
0x301: {  	v18 =	vmin.f32 v19, v18  }
0x302: {  	[tilespmem:v17+s28+$0x0] =	vst.idx.msk $0xffff, v18  }
0x303: {  	v17 =	vxor.u32 $0x80000000, v17  }
0x304: {  	(xrf1) =	vsort.ascd.msk.u32 $0xffff, v17, v8;
	_ =	sdelay $0xd  }
0x305: {  	v17, v18, _ =	vpop (xrf1)  }
0x306: {  	v15 =	vperm.xlane v15, v18;
	_ =	sdelay $0x5  }
0x307: {  	v19 =	vld.idx.msk [tilespmem:v15+s21+$0x0], $0xffff  }
0x308: {  	v16 =	vperm.xlane v16, v18;
	_ =	sdelay $0x1  }
0x309: {  	v18 =	vmul.f32 v16, v11;
	_ =	sdelay $0x1  }
0x30a: {  	v17 =	vxor.u32 $0x80000000, v17;
	v18 =	vadd.f32 v19, v18  }
0x30b: {  	v46 =	vperm.xlane v17, v5  }
0x30c: {  	v20 =	vperm.xlane v18, v5  }
0x30d: {  	vm5 =	veq.s32 v17, v46  }
0x30e: {  	vm5 =	vmand vm5, vm1;
	v47 =	vmin.f32 v18, v20  }
0x30f: {  	v48 =	vperm.xlane v17, v7;
	v18 =	vsel vm5, v47, v18  }
0x310: {  	v19 =	vperm.xlane v18, v7  }
0x311: {  	vm6 =	veq.s32 v17, v48  }
0x312: {  	vm6 =	vmand vm6, vm2;
	v19 =	vmin.f32 v18, v19  }
0x313: {  	v49 =	vperm.xlane v17, v9;
	v18 =	vsel vm6, v19, v18  }
0x314: {  	v50 =	vperm.xlane v17, v4;
	v21 =	vperm.xlane v18, v9  }
0x315: {  	vm7 =	veq.s32 v17, v49  }
0x316: {  	vm9 =	vne.s32 v17, v50;
	vm8 =	vmand vm7, vm3;
	v51 =	vmin.f32 v18, v21  }
0x317: {  	v52 =	vperm.xlane v17, v10;
	vm7 =	vmor vm9, vm0;
	v53 =	vld.idx.msk [tilespmem:v17+s4+$0x0], $0xffff;
	v18 =	vsel vm8, v51, v18  }
0x318: {  	v54 =	vperm.xlane v18, v10  }
0x319: {  	vm15 =	veq.s32 v17, v52  }
0x31a: {  	vm9 =	vmand vm15, vm4;
	v55 =	vmin.f32 v18, v54  }
0x31b: {  	v18 =	vsel vm9, v55, v18  }
0x31c: {  	v18 =	vmin.f32 v53, v18  }
0x31d: {  	[tilespmem:v17+s4+$0x0] =	vst.idx.msk vm7, v18  }
0x31e: {  	v18 =	vld.idx.msk [tilespmem:v15+s22+$0x0], $0xffff;
	_ =	sdelay $0x2  }
0x31f: {  	v56 =	vmul.f32 v16, v12;
	_ =	sdelay $0x1  }
0x320: {  	v18 =	vadd.f32 v18, v56;
	_ =	sdelay $0x1  }
0x321: {  	v19 =	vperm.xlane v18, v5;
	_ =	sdelay $0x1  }
0x322: {  	v19 =	vmin.f32 v18, v19  }
0x323: {  	v18 =	vsel vm5, v19, v18  }
0x324: {  	v19 =	vperm.xlane v18, v7;
	_ =	sdelay $0x1  }
0x325: {  	v19 =	vmin.f32 v18, v19  }
0x326: {  	v18 =	vsel vm6, v19, v18  }
0x327: {  	v19 =	vperm.xlane v18, v9;
	_ =	sdelay $0x1  }
0x328: {  	v19 =	vmin.f32 v18, v19  }
0x329: {  	v57 =	vld.idx.msk [tilespmem:v17+s25+$0x0], $0xffff;
	v18 =	vsel vm8, v19, v18  }
0x32a: {  	v58 =	vperm.xlane v18, v10;
	_ =	sdelay $0x1  }
0x32b: {  	v20 =	vmin.f32 v18, v58  }
0x32c: {  	v18 =	vsel vm9, v20, v18  }
0x32d: {  	v18 =	vmin.f32 v57, v18  }
0x32e: {  	[tilespmem:v17+s25+$0x0] =	vst.idx.msk vm7, v18  }
0x32f: {  	v18 =	vld.idx.msk [tilespmem:v15+s23+$0x0], $0xffff;
	_ =	sdelay $0x2  }
0x330: {  	v59 =	vmul.f32 v16, v13;
	_ =	sdelay $0x1  }
0x331: {  	v18 =	vadd.f32 v18, v59;
	_ =	sdelay $0x1  }
0x332: {  	v19 =	vperm.xlane v18, v5;
	_ =	sdelay $0x1  }
0x333: {  	v19 =	vmin.f32 v18, v19  }
0x334: {  	v18 =	vsel vm5, v19, v18  }
0x335: {  	v19 =	vperm.xlane v18, v7;
	_ =	sdelay $0x1  }
0x336: {  	v19 =	vmin.f32 v18, v19  }
0x337: {  	v18 =	vsel vm6, v19, v18  }
0x338: {  	v19 =	vperm.xlane v18, v9;
	_ =	sdelay $0x1  }
0x339: {  	v19 =	vmin.f32 v18, v19  }
0x33a: {  	v60 =	vld.idx.msk [tilespmem:v17+s26+$0x0], $0xffff;
	v18 =	vsel vm8, v19, v18  }
0x33b: {  	v61 =	vperm.xlane v18, v10;
	_ =	sdelay $0x1  }
0x33c: {  	v20 =	vmin.f32 v18, v61  }
0x33d: {  	v18 =	vsel vm9, v20, v18  }
0x33e: {  	v18 =	vmin.f32 v60, v18  }
0x33f: {  	[tilespmem:v17+s26+$0x0] =	vst.idx.msk vm7, v18  }
0x340: {  	v15 =	vld.idx.msk [tilespmem:v15+s24+$0x0], $0xffff;
	_ =	sdelay $0x2  }
0x341: {  	v16 =	vmul.f32 v16, v14;
	_ =	sdelay $0x1  }
0x342: {  	v15 =	vadd.f32 v15, v16;
	_ =	sdelay $0x1  }
0x343: {  	v16 =	vperm.xlane v15, v5;
	_ =	sdelay $0x1  }
0x344: {  	v16 =	vmin.f32 v15, v16  }
0x345: {  	v15 =	vsel vm5, v16, v15  }
0x346: {  	v16 =	vperm.xlane v15, v7;
	_ =	sdelay $0x1  }
0x347: {  	v16 =	vmin.f32 v15, v16  }
0x348: {  	v15 =	vsel vm6, v16, v15  }
0x349: {  	v16 =	vperm.xlane v15, v9;
	_ =	sdelay $0x1  }
0x34a: {  	v16 =	vmin.f32 v15, v16  }
0x34b: {  	v62 =	vld.idx.msk [tilespmem:v17+s28+$0x0], $0xffff;
	v15 =	vsel vm8, v16, v15  }
0x34c: {  	v63 =	vperm.xlane v15, v10;
	_ =	sdelay $0x1  }
0x34d: {  	v18 =	vmin.f32 v15, v63  }
0x34e: {  	v15 =	vsel vm9, v18, v15  }
0x34f: {  	v15 =	vmin.f32 v62, v15  }
0x350: {  	[tilespmem:v17+s28+$0x0] =	vst.idx.msk vm7, v15  }
.LBB2_19:
0x351: {  	v15 =	vld [tilespmem:s13+$0x16E70]  }
0x352: {  	v17 =	vld [tilespmem:s13+$0x13C70];
	_ =	sdelay $0x4  }
0x353: {  	(xrf1) =	vunique.msk.u32 $0xffff, v17  }
0x354: {  	v16 =	vld [tilespmem:s13+$0x1A070];
	_ =	sdelay $0x1  }
0x355: {  	v18 =	vld.idx.msk [tilespmem:v15+s21+$0x0], $0xffff;
	_ =	sdelay $0x1  }
0x356: {  	v19 =	vld.idx.msk [tilespmem:v17+s4+$0x0], $0xffff  }
0x357: {  	v20 =	vmul.f32 v16, v11;
	_ =	sdelay $0x1  }
0x358: {  	v18 =	vadd.f32 v18, v20;
	_ =	sdelay $0x1  }
0x359: {  	v18 =	vmin.f32 v19, v18  }
0x35a: {  	[tilespmem:v17+s4+$0x0] =	vst.idx.msk $0xffff, v18  }
0x35b: {  	v18 =	vld.idx.msk [tilespmem:v15+s22+$0x0], $0xffff;
	_ =	sdelay $0x1  }
0x35c: {  	v19 =	vld.idx.msk [tilespmem:v17+s25+$0x0], $0xffff;
	_, v61, vm5 =	vpop (xrf1)  }
0x35d: {  	v60 =	vmul.f32 v16, v12;
	v20 =	vmpcnt.ones.xlane vm5;
	_ =	sdelay $0x1  }
0x35e: {  	v18 =	vadd.f32 v18, v60;
	(v2sf) =	vpush v20, $0x0;
	_ =	sdelay $0x1  }
0x35f: {  	v18 =	vmin.f32 v19, v18  }
0x360: {  	[tilespmem:v17+s25+$0x0] =	vst.idx.msk $0xffff, v18  }
0x361: {  	v18 =	vld.idx.msk [tilespmem:v15+s23+$0x0], $0xffff;
	_ =	sdelay $0x1  }
0x362: {  	v19 =	vld.idx.msk [tilespmem:v17+s26+$0x0], $0xffff  }
0x363: {  	v62 =	vmul.f32 v16, v13;
	_ =	sdelay $0x1  }
0x364: {  	v18 =	vadd.f32 v18, v62;
	_ =	sdelay $0x1  }
0x365: {  	v18 =	vmin.f32 v19, v18  }
0x366: {  	[tilespmem:v17+s26+$0x0] =	vst.idx.msk $0xffff, v18  }
0x367: {  	v18 =	vld.idx.msk [tilespmem:v15+s24+$0x0], $0xffff;
	_ =	sdelay $0x1  }
0x368: {  	v19 =	vld.idx.msk [tilespmem:v17+s28+$0x0], $0xffff;
	s15 =	spop (v2sf)  }
0x369: {  	v63 =	vmul.f32 v16, v14;
	p0 =	sgt.s32 s15, $0xF  }
.Ltmp12:
0x36a: {  	_ = 	snop;
	(pc) =	sbr.rel @p0 .LBB2_21-.Ltmp12, $3  }
0x36b: {  	v18 =	vadd.f32 v18, v63;
	_ =	sdelay $0x1  }
0x36c: {  	v18 =	vmin.f32 v19, v18  }
0x36d: {  	[tilespmem:v17+s28+$0x0] =	vst.idx.msk $0xffff, v18  }
0x36e: {  	v17 =	vxor.u32 $0x80000000, v17  }
0x36f: {  	(xrf1) =	vsort.ascd.msk.u32 $0xffff, v17, v8;
	_ =	sdelay $0xd  }
0x370: {  	v17, v18, _ =	vpop (xrf1)  }
0x371: {  	v15 =	vperm.xlane v15, v18;
	_ =	sdelay $0x5  }
0x372: {  	v19 =	vld.idx.msk [tilespmem:v15+s21+$0x0], $0xffff  }
0x373: {  	v16 =	vperm.xlane v16, v18;
	_ =	sdelay $0x1  }
0x374: {  	v18 =	vmul.f32 v16, v11;
	_ =	sdelay $0x1  }
0x375: {  	v17 =	vxor.u32 $0x80000000, v17;
	v18 =	vadd.f32 v19, v18  }
0x376: {  	v46 =	vperm.xlane v17, v5  }
0x377: {  	v20 =	vperm.xlane v18, v5  }
0x378: {  	vm5 =	veq.s32 v17, v46  }
0x379: {  	vm5 =	vmand vm5, vm1;
	v47 =	vmin.f32 v18, v20  }
0x37a: {  	v48 =	vperm.xlane v17, v7;
	v18 =	vsel vm5, v47, v18  }
0x37b: {  	v19 =	vperm.xlane v18, v7  }
0x37c: {  	vm6 =	veq.s32 v17, v48  }
0x37d: {  	vm6 =	vmand vm6, vm2;
	v19 =	vmin.f32 v18, v19  }
0x37e: {  	v49 =	vperm.xlane v17, v9;
	v18 =	vsel vm6, v19, v18  }
0x37f: {  	v50 =	vperm.xlane v17, v4;
	v21 =	vperm.xlane v18, v9  }
0x380: {  	vm7 =	veq.s32 v17, v49  }
0x381: {  	vm9 =	vne.s32 v17, v50;
	vm8 =	vmand vm7, vm3;
	v51 =	vmin.f32 v18, v21  }
0x382: {  	v52 =	vperm.xlane v17, v10;
	vm7 =	vmor vm9, vm0;
	v53 =	vld.idx.msk [tilespmem:v17+s4+$0x0], $0xffff;
	v18 =	vsel vm8, v51, v18  }
0x383: {  	v54 =	vperm.xlane v18, v10  }
0x384: {  	vm15 =	veq.s32 v17, v52  }
0x385: {  	vm9 =	vmand vm15, vm4;
	v55 =	vmin.f32 v18, v54  }
0x386: {  	v18 =	vsel vm9, v55, v18  }
0x387: {  	v18 =	vmin.f32 v53, v18  }
0x388: {  	[tilespmem:v17+s4+$0x0] =	vst.idx.msk vm7, v18  }
0x389: {  	v18 =	vld.idx.msk [tilespmem:v15+s22+$0x0], $0xffff;
	_ =	sdelay $0x2  }
0x38a: {  	v56 =	vmul.f32 v16, v12;
	_ =	sdelay $0x1  }
0x38b: {  	v18 =	vadd.f32 v18, v56;
	_ =	sdelay $0x1  }
0x38c: {  	v19 =	vperm.xlane v18, v5;
	_ =	sdelay $0x1  }
0x38d: {  	v19 =	vmin.f32 v18, v19  }
0x38e: {  	v18 =	vsel vm5, v19, v18  }
0x38f: {  	v19 =	vperm.xlane v18, v7;
	_ =	sdelay $0x1  }
0x390: {  	v19 =	vmin.f32 v18, v19  }
0x391: {  	v18 =	vsel vm6, v19, v18  }
0x392: {  	v19 =	vperm.xlane v18, v9;
	_ =	sdelay $0x1  }
0x393: {  	v19 =	vmin.f32 v18, v19  }
0x394: {  	v57 =	vld.idx.msk [tilespmem:v17+s25+$0x0], $0xffff;
	v18 =	vsel vm8, v19, v18  }
0x395: {  	v58 =	vperm.xlane v18, v10;
	_ =	sdelay $0x1  }
0x396: {  	v20 =	vmin.f32 v18, v58  }
0x397: {  	v18 =	vsel vm9, v20, v18  }
0x398: {  	v18 =	vmin.f32 v57, v18  }
0x399: {  	[tilespmem:v17+s25+$0x0] =	vst.idx.msk vm7, v18  }
0x39a: {  	v18 =	vld.idx.msk [tilespmem:v15+s23+$0x0], $0xffff;
	_ =	sdelay $0x2  }
0x39b: {  	v59 =	vmul.f32 v16, v13;
	_ =	sdelay $0x1  }
0x39c: {  	v18 =	vadd.f32 v18, v59;
	_ =	sdelay $0x1  }
0x39d: {  	v19 =	vperm.xlane v18, v5;
	_ =	sdelay $0x1  }
0x39e: {  	v19 =	vmin.f32 v18, v19  }
0x39f: {  	v18 =	vsel vm5, v19, v18  }
0x3a0: {  	v19 =	vperm.xlane v18, v7;
	_ =	sdelay $0x1  }
0x3a1: {  	v19 =	vmin.f32 v18, v19  }
0x3a2: {  	v18 =	vsel vm6, v19, v18  }
0x3a3: {  	v19 =	vperm.xlane v18, v9;
	_ =	sdelay $0x1  }
0x3a4: {  	v19 =	vmin.f32 v18, v19  }
0x3a5: {  	v60 =	vld.idx.msk [tilespmem:v17+s26+$0x0], $0xffff;
	v18 =	vsel vm8, v19, v18  }
0x3a6: {  	v61 =	vperm.xlane v18, v10;
	_ =	sdelay $0x1  }
0x3a7: {  	v20 =	vmin.f32 v18, v61  }
0x3a8: {  	v18 =	vsel vm9, v20, v18  }
0x3a9: {  	v18 =	vmin.f32 v60, v18  }
0x3aa: {  	[tilespmem:v17+s26+$0x0] =	vst.idx.msk vm7, v18  }
0x3ab: {  	v15 =	vld.idx.msk [tilespmem:v15+s24+$0x0], $0xffff;
	_ =	sdelay $0x2  }
0x3ac: {  	v16 =	vmul.f32 v16, v14;
	_ =	sdelay $0x1  }
0x3ad: {  	v15 =	vadd.f32 v15, v16;
	_ =	sdelay $0x1  }
0x3ae: {  	v16 =	vperm.xlane v15, v5;
	_ =	sdelay $0x1  }
0x3af: {  	v16 =	vmin.f32 v15, v16  }
0x3b0: {  	v15 =	vsel vm5, v16, v15  }
0x3b1: {  	v16 =	vperm.xlane v15, v7;
	_ =	sdelay $0x1  }
0x3b2: {  	v16 =	vmin.f32 v15, v16  }
0x3b3: {  	v15 =	vsel vm6, v16, v15  }
0x3b4: {  	v16 =	vperm.xlane v15, v9;
	_ =	sdelay $0x1  }
0x3b5: {  	v16 =	vmin.f32 v15, v16  }
0x3b6: {  	v62 =	vld.idx.msk [tilespmem:v17+s28+$0x0], $0xffff;
	v15 =	vsel vm8, v16, v15  }
0x3b7: {  	v63 =	vperm.xlane v15, v10  }
.Ltmp13:
0x3b8: {  	_ = 	snop;
	(pc) =	sbr.rel .LBB2_21-.Ltmp13, $4  }
0x3b9: {  	v18 =	vmin.f32 v15, v63  }
0x3ba: {  	v15 =	vsel vm9, v18, v15  }
0x3bb: {  	v15 =	vmin.f32 v62, v15  }
0x3bc: {  	[tilespmem:v17+s28+$0x0] =	vst.idx.msk vm7, v15  }
.LBB2_22:
0x3bd: {  	p0 =	seq.s32 s11, $0x18  }
0x3be: {  	s12 =	smul.u32 @!p0 $0x3200, s11;
	_ =	sdelay $0x1  }
0x3bf: {  	s12 =	sshrl.u32 @!p0 s12, $0x3  }
0x3c0: {  	s12 =	sadd.s32 @!p0 $0x640, s12  }
0x3c1: {  	s14 =	simm.s32 @!p0 $0x0;
	s15 =	simm.s32 @!p0 $0x13C00;
	s13 =	sadd.s32 @!p0 s6, s12  }
0x3c2: {  	[tilespmem:s15], [sflag:$0x1] =	stream.linear.gather @!p0 [hbm4b:s13+s14], $0x1900, $0x38;
	[tilespmem:$0x1D280] =	vst v63  }
0x3c3: {  	s13 =	sadd.s32 @!p0 s5, s12;
	s15 =	simm.s32 @!p0 $0x16E00  }
0x3c4: {  	[tilespmem:s15], [sflag:$0x2] =	stream.linear.gather @!p0 [hbm4b:s13+s14], $0x1900, $0x38;
	[tilespmem:$0x1D280] =	vst v63  }
0x3c5: {  	s12 =	sadd.s32 @!p0 s2, s12;
	s13 =	simm.s32 @!p0 $0x1A000  }
0x3c6: {  	[tilespmem:s13], [sflag:$0x3] =	stream.linear.gather @!p0 [hbm4b:s12+s14], $0x1900, $0x38;
	[tilespmem:$0x1D280] =	vst v63  }
0x3c7: {  	_ =	swait.ge [sflag:s7], $0x1900  }
0x3c8: {  	[sflag:s7] =	ssyncset.done $0x0  }
0x3c9: {  	[sflag:s7] =	ssyncadd.s32 $0xFFFFE700  }
0x3ca: {  	_ =	swait.ge [sflag:s8], $0x1900  }
.Ltmp14:
0x3cb: {  	[sflag:s8] =	ssyncset.done $0x0;
	(pc) =	sbr.rel .LBB2_23-.Ltmp14, $4  }
0x3cc: {  	[sflag:s8] =	ssyncadd.s32 $0xFFFFE700  }
0x3cd: {  	_ =	swait.ge [sflag:s9], $0x1900  }
0x3ce: {  	[sflag:s9] =	ssyncset.done $0x0  }
0x3cf: {  	s12 =	simm.s32 $0x0;
	[sflag:s9] =	ssyncadd.s32 $0xFFFFE700  }
.LBB2_39:
0x3d0: {  	s12 =	sadd.s32 $0x200, s12  }
0x3d1: {  	p1 =	sne.s32 s12, $0x6400  }
.Ltmp15:
0x3d2: {  	_ = 	snop;
	(pc) =	sbr.rel @!p1 .LBB2_40-.Ltmp15, $1  }
0x3d3: {  	_ =	sdelay $0x3  }
.LBB2_23:
0x3d4: {  	s13 =	sshra.s32 s12, $0x2  }
0x3d5: {  	v15 =	vld [tilespmem:s13+$0x18700]  }
0x3d6: {  	v17 =	vld [tilespmem:s13+$0x15500];
	_ =	sdelay $0x4  }
0x3d7: {  	(xrf1) =	vunique.msk.u32 $0xffff, v17  }
0x3d8: {  	v16 =	vld [tilespmem:s13+$0x1B900];
	_ =	sdelay $0x1  }
0x3d9: {  	v18 =	vld.idx.msk [tilespmem:v15+s21+$0x0], $0xffff;
	_ =	sdelay $0x1  }
0x3da: {  	v19 =	vld.idx.msk [tilespmem:v17+s4+$0x0], $0xffff  }
0x3db: {  	v20 =	vmul.f32 v16, v11;
	_ =	sdelay $0x1  }
0x3dc: {  	v18 =	vadd.f32 v18, v20;
	_ =	sdelay $0x1  }
0x3dd: {  	v18 =	vmin.f32 v19, v18  }
0x3de: {  	[tilespmem:v17+s4+$0x0] =	vst.idx.msk $0xffff, v18  }
0x3df: {  	v18 =	vld.idx.msk [tilespmem:v15+s22+$0x0], $0xffff;
	_ =	sdelay $0x1  }
0x3e0: {  	v19 =	vld.idx.msk [tilespmem:v17+s25+$0x0], $0xffff;
	_, v61, vm5 =	vpop (xrf1)  }
0x3e1: {  	v60 =	vmul.f32 v16, v12;
	v20 =	vmpcnt.ones.xlane vm5;
	_ =	sdelay $0x1  }
0x3e2: {  	v18 =	vadd.f32 v18, v60;
	(v2sf) =	vpush v20, $0x0;
	_ =	sdelay $0x1  }
0x3e3: {  	v18 =	vmin.f32 v19, v18  }
0x3e4: {  	[tilespmem:v17+s25+$0x0] =	vst.idx.msk $0xffff, v18  }
0x3e5: {  	v18 =	vld.idx.msk [tilespmem:v15+s23+$0x0], $0xffff;
	_ =	sdelay $0x1  }
0x3e6: {  	v19 =	vld.idx.msk [tilespmem:v17+s26+$0x0], $0xffff  }
0x3e7: {  	v62 =	vmul.f32 v16, v13;
	_ =	sdelay $0x1  }
0x3e8: {  	v18 =	vadd.f32 v18, v62;
	_ =	sdelay $0x1  }
0x3e9: {  	v18 =	vmin.f32 v19, v18  }
0x3ea: {  	[tilespmem:v17+s26+$0x0] =	vst.idx.msk $0xffff, v18  }
0x3eb: {  	v18 =	vld.idx.msk [tilespmem:v15+s24+$0x0], $0xffff;
	_ =	sdelay $0x1  }
0x3ec: {  	v19 =	vld.idx.msk [tilespmem:v17+s28+$0x0], $0xffff;
	s14 =	spop (v2sf)  }
0x3ed: {  	v63 =	vmul.f32 v16, v14;
	p1 =	sgt.s32 s14, $0xF  }
.Ltmp16:
0x3ee: {  	_ = 	snop;
	(pc) =	sbr.rel @p1 .LBB2_25-.Ltmp16, $3  }
0x3ef: {  	v18 =	vadd.f32 v18, v63;
	_ =	sdelay $0x1  }
0x3f0: {  	v18 =	vmin.f32 v19, v18  }
0x3f1: {  	[tilespmem:v17+s28+$0x0] =	vst.idx.msk $0xffff, v18  }
0x3f2: {  	v17 =	vxor.u32 $0x80000000, v17  }
0x3f3: {  	(xrf1) =	vsort.ascd.msk.u32 $0xffff, v17, v8;
	_ =	sdelay $0xd  }
0x3f4: {  	v17, v18, _ =	vpop (xrf1)  }
0x3f5: {  	v15 =	vperm.xlane v15, v18;
	_ =	sdelay $0x5  }
0x3f6: {  	v19 =	vld.idx.msk [tilespmem:v15+s21+$0x0], $0xffff  }
0x3f7: {  	v16 =	vperm.xlane v16, v18;
	_ =	sdelay $0x1  }
0x3f8: {  	v18 =	vmul.f32 v16, v11;
	_ =	sdelay $0x1  }
0x3f9: {  	v17 =	vxor.u32 $0x80000000, v17;
	v18 =	vadd.f32 v19, v18  }
0x3fa: {  	v46 =	vperm.xlane v17, v5  }
0x3fb: {  	v20 =	vperm.xlane v18, v5  }
0x3fc: {  	vm5 =	veq.s32 v17, v46  }
0x3fd: {  	vm5 =	vmand vm5, vm1;
	v47 =	vmin.f32 v18, v20  }
0x3fe: {  	v48 =	vperm.xlane v17, v7;
	v18 =	vsel vm5, v47, v18  }
0x3ff: {  	v19 =	vperm.xlane v18, v7  }
0x400: {  	vm6 =	veq.s32 v17, v48  }
0x401: {  	vm6 =	vmand vm6, vm2;
	v19 =	vmin.f32 v18, v19  }
0x402: {  	v49 =	vperm.xlane v17, v9;
	v18 =	vsel vm6, v19, v18  }
0x403: {  	v50 =	vperm.xlane v17, v4;
	v21 =	vperm.xlane v18, v9  }
0x404: {  	vm7 =	veq.s32 v17, v49  }
0x405: {  	vm9 =	vne.s32 v17, v50;
	vm8 =	vmand vm7, vm3;
	v51 =	vmin.f32 v18, v21  }
0x406: {  	v52 =	vperm.xlane v17, v10;
	vm7 =	vmor vm9, vm0;
	v53 =	vld.idx.msk [tilespmem:v17+s4+$0x0], $0xffff;
	v18 =	vsel vm8, v51, v18  }
0x407: {  	v54 =	vperm.xlane v18, v10  }
0x408: {  	vm15 =	veq.s32 v17, v52  }
0x409: {  	vm9 =	vmand vm15, vm4;
	v55 =	vmin.f32 v18, v54  }
0x40a: {  	v18 =	vsel vm9, v55, v18  }
0x40b: {  	v18 =	vmin.f32 v53, v18  }
0x40c: {  	[tilespmem:v17+s4+$0x0] =	vst.idx.msk vm7, v18  }
0x40d: {  	v18 =	vld.idx.msk [tilespmem:v15+s22+$0x0], $0xffff;
	_ =	sdelay $0x2  }
0x40e: {  	v56 =	vmul.f32 v16, v12;
	_ =	sdelay $0x1  }
0x40f: {  	v18 =	vadd.f32 v18, v56;
	_ =	sdelay $0x1  }
0x410: {  	v19 =	vperm.xlane v18, v5;
	_ =	sdelay $0x1  }
0x411: {  	v19 =	vmin.f32 v18, v19  }
0x412: {  	v18 =	vsel vm5, v19, v18  }
0x413: {  	v19 =	vperm.xlane v18, v7;
	_ =	sdelay $0x1  }
0x414: {  	v19 =	vmin.f32 v18, v19  }
0x415: {  	v18 =	vsel vm6, v19, v18  }
0x416: {  	v19 =	vperm.xlane v18, v9;
	_ =	sdelay $0x1  }
0x417: {  	v19 =	vmin.f32 v18, v19  }
0x418: {  	v57 =	vld.idx.msk [tilespmem:v17+s25+$0x0], $0xffff;
	v18 =	vsel vm8, v19, v18  }
0x419: {  	v58 =	vperm.xlane v18, v10;
	_ =	sdelay $0x1  }
0x41a: {  	v20 =	vmin.f32 v18, v58  }
0x41b: {  	v18 =	vsel vm9, v20, v18  }
0x41c: {  	v18 =	vmin.f32 v57, v18  }
0x41d: {  	[tilespmem:v17+s25+$0x0] =	vst.idx.msk vm7, v18  }
0x41e: {  	v18 =	vld.idx.msk [tilespmem:v15+s23+$0x0], $0xffff;
	_ =	sdelay $0x2  }
0x41f: {  	v59 =	vmul.f32 v16, v13;
	_ =	sdelay $0x1  }
0x420: {  	v18 =	vadd.f32 v18, v59;
	_ =	sdelay $0x1  }
0x421: {  	v19 =	vperm.xlane v18, v5;
	_ =	sdelay $0x1  }
0x422: {  	v19 =	vmin.f32 v18, v19  }
0x423: {  	v18 =	vsel vm5, v19, v18  }
0x424: {  	v19 =	vperm.xlane v18, v7;
	_ =	sdelay $0x1  }
0x425: {  	v19 =	vmin.f32 v18, v19  }
0x426: {  	v18 =	vsel vm6, v19, v18  }
0x427: {  	v19 =	vperm.xlane v18, v9;
	_ =	sdelay $0x1  }
0x428: {  	v19 =	vmin.f32 v18, v19  }
0x429: {  	v60 =	vld.idx.msk [tilespmem:v17+s26+$0x0], $0xffff;
	v18 =	vsel vm8, v19, v18  }
0x42a: {  	v61 =	vperm.xlane v18, v10;
	_ =	sdelay $0x1  }
0x42b: {  	v20 =	vmin.f32 v18, v61  }
0x42c: {  	v18 =	vsel vm9, v20, v18  }
0x42d: {  	v18 =	vmin.f32 v60, v18  }
0x42e: {  	[tilespmem:v17+s26+$0x0] =	vst.idx.msk vm7, v18  }
0x42f: {  	v15 =	vld.idx.msk [tilespmem:v15+s24+$0x0], $0xffff;
	_ =	sdelay $0x2  }
0x430: {  	v16 =	vmul.f32 v16, v14;
	_ =	sdelay $0x1  }
0x431: {  	v15 =	vadd.f32 v15, v16;
	_ =	sdelay $0x1  }
0x432: {  	v16 =	vperm.xlane v15, v5;
	_ =	sdelay $0x1  }
0x433: {  	v16 =	vmin.f32 v15, v16  }
0x434: {  	v15 =	vsel vm5, v16, v15  }
0x435: {  	v16 =	vperm.xlane v15, v7;
	_ =	sdelay $0x1  }
0x436: {  	v16 =	vmin.f32 v15, v16  }
0x437: {  	v15 =	vsel vm6, v16, v15  }
0x438: {  	v16 =	vperm.xlane v15, v9;
	_ =	sdelay $0x1  }
0x439: {  	v16 =	vmin.f32 v15, v16  }
0x43a: {  	v62 =	vld.idx.msk [tilespmem:v17+s28+$0x0], $0xffff;
	v15 =	vsel vm8, v16, v15  }
0x43b: {  	v63 =	vperm.xlane v15, v10;
	_ =	sdelay $0x1  }
0x43c: {  	v18 =	vmin.f32 v15, v63  }
0x43d: {  	v15 =	vsel vm9, v18, v15  }
0x43e: {  	v15 =	vmin.f32 v62, v15  }
0x43f: {  	[tilespmem:v17+s28+$0x0] =	vst.idx.msk vm7, v15  }
.LBB2_25:
0x440: {  	v15 =	vld [tilespmem:s13+$0x18710]  }
0x441: {  	v17 =	vld [tilespmem:s13+$0x15510];
	_ =	sdelay $0x4  }
0x442: {  	(xrf1) =	vunique.msk.u32 $0xffff, v17  }
0x443: {  	v16 =	vld [tilespmem:s13+$0x1B910];
	_ =	sdelay $0x1  }
0x444: {  	v18 =	vld.idx.msk [tilespmem:v15+s21+$0x0], $0xffff;
	_ =	sdelay $0x1  }
0x445: {  	v19 =	vld.idx.msk [tilespmem:v17+s4+$0x0], $0xffff  }
0x446: {  	v20 =	vmul.f32 v16, v11;
	_ =	sdelay $0x1  }
0x447: {  	v18 =	vadd.f32 v18, v20;
	_ =	sdelay $0x1  }
0x448: {  	v18 =	vmin.f32 v19, v18  }
0x449: {  	[tilespmem:v17+s4+$0x0] =	vst.idx.msk $0xffff, v18  }
0x44a: {  	v18 =	vld.idx.msk [tilespmem:v15+s22+$0x0], $0xffff;
	_ =	sdelay $0x1  }
0x44b: {  	v19 =	vld.idx.msk [tilespmem:v17+s25+$0x0], $0xffff;
	_, v61, vm5 =	vpop (xrf1)  }
0x44c: {  	v60 =	vmul.f32 v16, v12;
	v20 =	vmpcnt.ones.xlane vm5;
	_ =	sdelay $0x1  }
0x44d: {  	v18 =	vadd.f32 v18, v60;
	(v2sf) =	vpush v20, $0x0;
	_ =	sdelay $0x1  }
0x44e: {  	v18 =	vmin.f32 v19, v18  }
0x44f: {  	[tilespmem:v17+s25+$0x0] =	vst.idx.msk $0xffff, v18  }
0x450: {  	v18 =	vld.idx.msk [tilespmem:v15+s23+$0x0], $0xffff;
	_ =	sdelay $0x1  }
0x451: {  	v19 =	vld.idx.msk [tilespmem:v17+s26+$0x0], $0xffff  }
0x452: {  	v62 =	vmul.f32 v16, v13;
	_ =	sdelay $0x1  }
0x453: {  	v18 =	vadd.f32 v18, v62;
	_ =	sdelay $0x1  }
0x454: {  	v18 =	vmin.f32 v19, v18  }
0x455: {  	[tilespmem:v17+s26+$0x0] =	vst.idx.msk $0xffff, v18  }
0x456: {  	v18 =	vld.idx.msk [tilespmem:v15+s24+$0x0], $0xffff;
	_ =	sdelay $0x1  }
0x457: {  	v19 =	vld.idx.msk [tilespmem:v17+s28+$0x0], $0xffff;
	s14 =	spop (v2sf)  }
0x458: {  	v63 =	vmul.f32 v16, v14;
	p1 =	sgt.s32 s14, $0xF  }
.Ltmp17:
0x459: {  	_ = 	snop;
	(pc) =	sbr.rel @p1 .LBB2_27-.Ltmp17, $3  }
0x45a: {  	v18 =	vadd.f32 v18, v63;
	_ =	sdelay $0x1  }
0x45b: {  	v18 =	vmin.f32 v19, v18  }
0x45c: {  	[tilespmem:v17+s28+$0x0] =	vst.idx.msk $0xffff, v18  }
0x45d: {  	v17 =	vxor.u32 $0x80000000, v17  }
0x45e: {  	(xrf1) =	vsort.ascd.msk.u32 $0xffff, v17, v8;
	_ =	sdelay $0xd  }
0x45f: {  	v17, v18, _ =	vpop (xrf1)  }
0x460: {  	v15 =	vperm.xlane v15, v18;
	_ =	sdelay $0x5  }
0x461: {  	v19 =	vld.idx.msk [tilespmem:v15+s21+$0x0], $0xffff  }
0x462: {  	v16 =	vperm.xlane v16, v18;
	_ =	sdelay $0x1  }
0x463: {  	v18 =	vmul.f32 v16, v11;
	_ =	sdelay $0x1  }
0x464: {  	v17 =	vxor.u32 $0x80000000, v17;
	v18 =	vadd.f32 v19, v18  }
0x465: {  	v46 =	vperm.xlane v17, v5  }
0x466: {  	v20 =	vperm.xlane v18, v5  }
0x467: {  	vm5 =	veq.s32 v17, v46  }
0x468: {  	vm5 =	vmand vm5, vm1;
	v47 =	vmin.f32 v18, v20  }
0x469: {  	v48 =	vperm.xlane v17, v7;
	v18 =	vsel vm5, v47, v18  }
0x46a: {  	v19 =	vperm.xlane v18, v7  }
0x46b: {  	vm6 =	veq.s32 v17, v48  }
0x46c: {  	vm6 =	vmand vm6, vm2;
	v19 =	vmin.f32 v18, v19  }
0x46d: {  	v49 =	vperm.xlane v17, v9;
	v18 =	vsel vm6, v19, v18  }
0x46e: {  	v50 =	vperm.xlane v17, v4;
	v21 =	vperm.xlane v18, v9  }
0x46f: {  	vm7 =	veq.s32 v17, v49  }
0x470: {  	vm9 =	vne.s32 v17, v50;
	vm8 =	vmand vm7, vm3;
	v51 =	vmin.f32 v18, v21  }
0x471: {  	v52 =	vperm.xlane v17, v10;
	vm7 =	vmor vm9, vm0;
	v53 =	vld.idx.msk [tilespmem:v17+s4+$0x0], $0xffff;
	v18 =	vsel vm8, v51, v18  }
0x472: {  	v54 =	vperm.xlane v18, v10  }
0x473: {  	vm15 =	veq.s32 v17, v52  }
0x474: {  	vm9 =	vmand vm15, vm4;
	v55 =	vmin.f32 v18, v54  }
0x475: {  	v18 =	vsel vm9, v55, v18  }
0x476: {  	v18 =	vmin.f32 v53, v18  }
0x477: {  	[tilespmem:v17+s4+$0x0] =	vst.idx.msk vm7, v18  }
0x478: {  	v18 =	vld.idx.msk [tilespmem:v15+s22+$0x0], $0xffff;
	_ =	sdelay $0x2  }
0x479: {  	v56 =	vmul.f32 v16, v12;
	_ =	sdelay $0x1  }
0x47a: {  	v18 =	vadd.f32 v18, v56;
	_ =	sdelay $0x1  }
0x47b: {  	v19 =	vperm.xlane v18, v5;
	_ =	sdelay $0x1  }
0x47c: {  	v19 =	vmin.f32 v18, v19  }
0x47d: {  	v18 =	vsel vm5, v19, v18  }
0x47e: {  	v19 =	vperm.xlane v18, v7;
	_ =	sdelay $0x1  }
0x47f: {  	v19 =	vmin.f32 v18, v19  }
0x480: {  	v18 =	vsel vm6, v19, v18  }
0x481: {  	v19 =	vperm.xlane v18, v9;
	_ =	sdelay $0x1  }
0x482: {  	v19 =	vmin.f32 v18, v19  }
0x483: {  	v57 =	vld.idx.msk [tilespmem:v17+s25+$0x0], $0xffff;
	v18 =	vsel vm8, v19, v18  }
0x484: {  	v58 =	vperm.xlane v18, v10;
	_ =	sdelay $0x1  }
0x485: {  	v20 =	vmin.f32 v18, v58  }
0x486: {  	v18 =	vsel vm9, v20, v18  }
0x487: {  	v18 =	vmin.f32 v57, v18  }
0x488: {  	[tilespmem:v17+s25+$0x0] =	vst.idx.msk vm7, v18  }
0x489: {  	v18 =	vld.idx.msk [tilespmem:v15+s23+$0x0], $0xffff;
	_ =	sdelay $0x2  }
0x48a: {  	v59 =	vmul.f32 v16, v13;
	_ =	sdelay $0x1  }
0x48b: {  	v18 =	vadd.f32 v18, v59;
	_ =	sdelay $0x1  }
0x48c: {  	v19 =	vperm.xlane v18, v5;
	_ =	sdelay $0x1  }
0x48d: {  	v19 =	vmin.f32 v18, v19  }
0x48e: {  	v18 =	vsel vm5, v19, v18  }
0x48f: {  	v19 =	vperm.xlane v18, v7;
	_ =	sdelay $0x1  }
0x490: {  	v19 =	vmin.f32 v18, v19  }
0x491: {  	v18 =	vsel vm6, v19, v18  }
0x492: {  	v19 =	vperm.xlane v18, v9;
	_ =	sdelay $0x1  }
0x493: {  	v19 =	vmin.f32 v18, v19  }
0x494: {  	v60 =	vld.idx.msk [tilespmem:v17+s26+$0x0], $0xffff;
	v18 =	vsel vm8, v19, v18  }
0x495: {  	v61 =	vperm.xlane v18, v10;
	_ =	sdelay $0x1  }
0x496: {  	v20 =	vmin.f32 v18, v61  }
0x497: {  	v18 =	vsel vm9, v20, v18  }
0x498: {  	v18 =	vmin.f32 v60, v18  }
0x499: {  	[tilespmem:v17+s26+$0x0] =	vst.idx.msk vm7, v18  }
0x49a: {  	v15 =	vld.idx.msk [tilespmem:v15+s24+$0x0], $0xffff;
	_ =	sdelay $0x2  }
0x49b: {  	v16 =	vmul.f32 v16, v14;
	_ =	sdelay $0x1  }
0x49c: {  	v15 =	vadd.f32 v15, v16;
	_ =	sdelay $0x1  }
0x49d: {  	v16 =	vperm.xlane v15, v5;
	_ =	sdelay $0x1  }
0x49e: {  	v16 =	vmin.f32 v15, v16  }
0x49f: {  	v15 =	vsel vm5, v16, v15  }
0x4a0: {  	v16 =	vperm.xlane v15, v7;
	_ =	sdelay $0x1  }
0x4a1: {  	v16 =	vmin.f32 v15, v16  }
0x4a2: {  	v15 =	vsel vm6, v16, v15  }
0x4a3: {  	v16 =	vperm.xlane v15, v9;
	_ =	sdelay $0x1  }
0x4a4: {  	v16 =	vmin.f32 v15, v16  }
0x4a5: {  	v62 =	vld.idx.msk [tilespmem:v17+s28+$0x0], $0xffff;
	v15 =	vsel vm8, v16, v15  }
0x4a6: {  	v63 =	vperm.xlane v15, v10;
	_ =	sdelay $0x1  }
0x4a7: {  	v18 =	vmin.f32 v15, v63  }
0x4a8: {  	v15 =	vsel vm9, v18, v15  }
0x4a9: {  	v15 =	vmin.f32 v62, v15  }
0x4aa: {  	[tilespmem:v17+s28+$0x0] =	vst.idx.msk vm7, v15  }
.LBB2_27:
0x4ab: {  	v15 =	vld [tilespmem:s13+$0x18720]  }
0x4ac: {  	v17 =	vld [tilespmem:s13+$0x15520];
	_ =	sdelay $0x4  }
0x4ad: {  	(xrf1) =	vunique.msk.u32 $0xffff, v17  }
0x4ae: {  	v16 =	vld [tilespmem:s13+$0x1B920];
	_ =	sdelay $0x1  }
0x4af: {  	v18 =	vld.idx.msk [tilespmem:v15+s21+$0x0], $0xffff;
	_ =	sdelay $0x1  }
0x4b0: {  	v19 =	vld.idx.msk [tilespmem:v17+s4+$0x0], $0xffff  }
0x4b1: {  	v20 =	vmul.f32 v16, v11;
	_ =	sdelay $0x1  }
0x4b2: {  	v18 =	vadd.f32 v18, v20;
	_ =	sdelay $0x1  }
0x4b3: {  	v18 =	vmin.f32 v19, v18  }
0x4b4: {  	[tilespmem:v17+s4+$0x0] =	vst.idx.msk $0xffff, v18  }
0x4b5: {  	v18 =	vld.idx.msk [tilespmem:v15+s22+$0x0], $0xffff;
	_ =	sdelay $0x1  }
0x4b6: {  	v19 =	vld.idx.msk [tilespmem:v17+s25+$0x0], $0xffff;
	_, v61, vm5 =	vpop (xrf1)  }
0x4b7: {  	v60 =	vmul.f32 v16, v12;
	v20 =	vmpcnt.ones.xlane vm5;
	_ =	sdelay $0x1  }
0x4b8: {  	v18 =	vadd.f32 v18, v60;
	(v2sf) =	vpush v20, $0x0;
	_ =	sdelay $0x1  }
0x4b9: {  	v18 =	vmin.f32 v19, v18  }
0x4ba: {  	[tilespmem:v17+s25+$0x0] =	vst.idx.msk $0xffff, v18  }
0x4bb: {  	v18 =	vld.idx.msk [tilespmem:v15+s23+$0x0], $0xffff;
	_ =	sdelay $0x1  }
0x4bc: {  	v19 =	vld.idx.msk [tilespmem:v17+s26+$0x0], $0xffff  }
0x4bd: {  	v62 =	vmul.f32 v16, v13;
	_ =	sdelay $0x1  }
0x4be: {  	v18 =	vadd.f32 v18, v62;
	_ =	sdelay $0x1  }
0x4bf: {  	v18 =	vmin.f32 v19, v18  }
0x4c0: {  	[tilespmem:v17+s26+$0x0] =	vst.idx.msk $0xffff, v18  }
0x4c1: {  	v18 =	vld.idx.msk [tilespmem:v15+s24+$0x0], $0xffff;
	_ =	sdelay $0x1  }
0x4c2: {  	v19 =	vld.idx.msk [tilespmem:v17+s28+$0x0], $0xffff;
	s14 =	spop (v2sf)  }
0x4c3: {  	v63 =	vmul.f32 v16, v14;
	p1 =	sgt.s32 s14, $0xF  }
.Ltmp18:
0x4c4: {  	_ = 	snop;
	(pc) =	sbr.rel @p1 .LBB2_29-.Ltmp18, $3  }
0x4c5: {  	v18 =	vadd.f32 v18, v63;
	_ =	sdelay $0x1  }
0x4c6: {  	v18 =	vmin.f32 v19, v18  }
0x4c7: {  	[tilespmem:v17+s28+$0x0] =	vst.idx.msk $0xffff, v18  }
0x4c8: {  	v17 =	vxor.u32 $0x80000000, v17  }
0x4c9: {  	(xrf1) =	vsort.ascd.msk.u32 $0xffff, v17, v8;
	_ =	sdelay $0xd  }
0x4ca: {  	v17, v18, _ =	vpop (xrf1)  }
0x4cb: {  	v15 =	vperm.xlane v15, v18;
	_ =	sdelay $0x5  }
0x4cc: {  	v19 =	vld.idx.msk [tilespmem:v15+s21+$0x0], $0xffff  }
0x4cd: {  	v16 =	vperm.xlane v16, v18;
	_ =	sdelay $0x1  }
0x4ce: {  	v18 =	vmul.f32 v16, v11;
	_ =	sdelay $0x1  }
0x4cf: {  	v17 =	vxor.u32 $0x80000000, v17;
	v18 =	vadd.f32 v19, v18  }
0x4d0: {  	v46 =	vperm.xlane v17, v5  }
0x4d1: {  	v20 =	vperm.xlane v18, v5  }
0x4d2: {  	vm5 =	veq.s32 v17, v46  }
0x4d3: {  	vm5 =	vmand vm5, vm1;
	v47 =	vmin.f32 v18, v20  }
0x4d4: {  	v48 =	vperm.xlane v17, v7;
	v18 =	vsel vm5, v47, v18  }
0x4d5: {  	v19 =	vperm.xlane v18, v7  }
0x4d6: {  	vm6 =	veq.s32 v17, v48  }
0x4d7: {  	vm6 =	vmand vm6, vm2;
	v19 =	vmin.f32 v18, v19  }
0x4d8: {  	v49 =	vperm.xlane v17, v9;
	v18 =	vsel vm6, v19, v18  }
0x4d9: {  	v50 =	vperm.xlane v17, v4;
	v21 =	vperm.xlane v18, v9  }
0x4da: {  	vm7 =	veq.s32 v17, v49  }
0x4db: {  	vm9 =	vne.s32 v17, v50;
	vm8 =	vmand vm7, vm3;
	v51 =	vmin.f32 v18, v21  }
0x4dc: {  	v52 =	vperm.xlane v17, v10;
	vm7 =	vmor vm9, vm0;
	v53 =	vld.idx.msk [tilespmem:v17+s4+$0x0], $0xffff;
	v18 =	vsel vm8, v51, v18  }
0x4dd: {  	v54 =	vperm.xlane v18, v10  }
0x4de: {  	vm15 =	veq.s32 v17, v52  }
0x4df: {  	vm9 =	vmand vm15, vm4;
	v55 =	vmin.f32 v18, v54  }
0x4e0: {  	v18 =	vsel vm9, v55, v18  }
0x4e1: {  	v18 =	vmin.f32 v53, v18  }
0x4e2: {  	[tilespmem:v17+s4+$0x0] =	vst.idx.msk vm7, v18  }
0x4e3: {  	v18 =	vld.idx.msk [tilespmem:v15+s22+$0x0], $0xffff;
	_ =	sdelay $0x2  }
0x4e4: {  	v56 =	vmul.f32 v16, v12;
	_ =	sdelay $0x1  }
0x4e5: {  	v18 =	vadd.f32 v18, v56;
	_ =	sdelay $0x1  }
0x4e6: {  	v19 =	vperm.xlane v18, v5;
	_ =	sdelay $0x1  }
0x4e7: {  	v19 =	vmin.f32 v18, v19  }
0x4e8: {  	v18 =	vsel vm5, v19, v18  }
0x4e9: {  	v19 =	vperm.xlane v18, v7;
	_ =	sdelay $0x1  }
0x4ea: {  	v19 =	vmin.f32 v18, v19  }
0x4eb: {  	v18 =	vsel vm6, v19, v18  }
0x4ec: {  	v19 =	vperm.xlane v18, v9;
	_ =	sdelay $0x1  }
0x4ed: {  	v19 =	vmin.f32 v18, v19  }
0x4ee: {  	v57 =	vld.idx.msk [tilespmem:v17+s25+$0x0], $0xffff;
	v18 =	vsel vm8, v19, v18  }
0x4ef: {  	v58 =	vperm.xlane v18, v10;
	_ =	sdelay $0x1  }
0x4f0: {  	v20 =	vmin.f32 v18, v58  }
0x4f1: {  	v18 =	vsel vm9, v20, v18  }
0x4f2: {  	v18 =	vmin.f32 v57, v18  }
0x4f3: {  	[tilespmem:v17+s25+$0x0] =	vst.idx.msk vm7, v18  }
0x4f4: {  	v18 =	vld.idx.msk [tilespmem:v15+s23+$0x0], $0xffff;
	_ =	sdelay $0x2  }
0x4f5: {  	v59 =	vmul.f32 v16, v13;
	_ =	sdelay $0x1  }
0x4f6: {  	v18 =	vadd.f32 v18, v59;
	_ =	sdelay $0x1  }
0x4f7: {  	v19 =	vperm.xlane v18, v5;
	_ =	sdelay $0x1  }
0x4f8: {  	v19 =	vmin.f32 v18, v19  }
0x4f9: {  	v18 =	vsel vm5, v19, v18  }
0x4fa: {  	v19 =	vperm.xlane v18, v7;
	_ =	sdelay $0x1  }
0x4fb: {  	v19 =	vmin.f32 v18, v19  }
0x4fc: {  	v18 =	vsel vm6, v19, v18  }
0x4fd: {  	v19 =	vperm.xlane v18, v9;
	_ =	sdelay $0x1  }
0x4fe: {  	v19 =	vmin.f32 v18, v19  }
0x4ff: {  	v60 =	vld.idx.msk [tilespmem:v17+s26+$0x0], $0xffff;
	v18 =	vsel vm8, v19, v18  }
0x500: {  	v61 =	vperm.xlane v18, v10;
	_ =	sdelay $0x1  }
0x501: {  	v20 =	vmin.f32 v18, v61  }
0x502: {  	v18 =	vsel vm9, v20, v18  }
0x503: {  	v18 =	vmin.f32 v60, v18  }
0x504: {  	[tilespmem:v17+s26+$0x0] =	vst.idx.msk vm7, v18  }
0x505: {  	v15 =	vld.idx.msk [tilespmem:v15+s24+$0x0], $0xffff;
	_ =	sdelay $0x2  }
0x506: {  	v16 =	vmul.f32 v16, v14;
	_ =	sdelay $0x1  }
0x507: {  	v15 =	vadd.f32 v15, v16;
	_ =	sdelay $0x1  }
0x508: {  	v16 =	vperm.xlane v15, v5;
	_ =	sdelay $0x1  }
0x509: {  	v16 =	vmin.f32 v15, v16  }
0x50a: {  	v15 =	vsel vm5, v16, v15  }
0x50b: {  	v16 =	vperm.xlane v15, v7;
	_ =	sdelay $0x1  }
0x50c: {  	v16 =	vmin.f32 v15, v16  }
0x50d: {  	v15 =	vsel vm6, v16, v15  }
0x50e: {  	v16 =	vperm.xlane v15, v9;
	_ =	sdelay $0x1  }
0x50f: {  	v16 =	vmin.f32 v15, v16  }
0x510: {  	v62 =	vld.idx.msk [tilespmem:v17+s28+$0x0], $0xffff;
	v15 =	vsel vm8, v16, v15  }
0x511: {  	v63 =	vperm.xlane v15, v10;
	_ =	sdelay $0x1  }
0x512: {  	v18 =	vmin.f32 v15, v63  }
0x513: {  	v15 =	vsel vm9, v18, v15  }
0x514: {  	v15 =	vmin.f32 v62, v15  }
0x515: {  	[tilespmem:v17+s28+$0x0] =	vst.idx.msk vm7, v15  }
.LBB2_29:
0x516: {  	v15 =	vld [tilespmem:s13+$0x18730]  }
0x517: {  	v17 =	vld [tilespmem:s13+$0x15530];
	_ =	sdelay $0x4  }
0x518: {  	(xrf1) =	vunique.msk.u32 $0xffff, v17  }
0x519: {  	v16 =	vld [tilespmem:s13+$0x1B930];
	_ =	sdelay $0x1  }
0x51a: {  	v18 =	vld.idx.msk [tilespmem:v15+s21+$0x0], $0xffff;
	_ =	sdelay $0x1  }
0x51b: {  	v19 =	vld.idx.msk [tilespmem:v17+s4+$0x0], $0xffff  }
0x51c: {  	v20 =	vmul.f32 v16, v11;
	_ =	sdelay $0x1  }
0x51d: {  	v18 =	vadd.f32 v18, v20;
	_ =	sdelay $0x1  }
0x51e: {  	v18 =	vmin.f32 v19, v18  }
0x51f: {  	[tilespmem:v17+s4+$0x0] =	vst.idx.msk $0xffff, v18  }
0x520: {  	v18 =	vld.idx.msk [tilespmem:v15+s22+$0x0], $0xffff;
	_ =	sdelay $0x1  }
0x521: {  	v19 =	vld.idx.msk [tilespmem:v17+s25+$0x0], $0xffff;
	_, v61, vm5 =	vpop (xrf1)  }
0x522: {  	v60 =	vmul.f32 v16, v12;
	v20 =	vmpcnt.ones.xlane vm5;
	_ =	sdelay $0x1  }
0x523: {  	v18 =	vadd.f32 v18, v60;
	(v2sf) =	vpush v20, $0x0;
	_ =	sdelay $0x1  }
0x524: {  	v18 =	vmin.f32 v19, v18  }
0x525: {  	[tilespmem:v17+s25+$0x0] =	vst.idx.msk $0xffff, v18  }
0x526: {  	v18 =	vld.idx.msk [tilespmem:v15+s23+$0x0], $0xffff;
	_ =	sdelay $0x1  }
0x527: {  	v19 =	vld.idx.msk [tilespmem:v17+s26+$0x0], $0xffff  }
0x528: {  	v62 =	vmul.f32 v16, v13;
	_ =	sdelay $0x1  }
0x529: {  	v18 =	vadd.f32 v18, v62;
	_ =	sdelay $0x1  }
0x52a: {  	v18 =	vmin.f32 v19, v18  }
0x52b: {  	[tilespmem:v17+s26+$0x0] =	vst.idx.msk $0xffff, v18  }
0x52c: {  	v18 =	vld.idx.msk [tilespmem:v15+s24+$0x0], $0xffff;
	_ =	sdelay $0x1  }
0x52d: {  	v19 =	vld.idx.msk [tilespmem:v17+s28+$0x0], $0xffff;
	s14 =	spop (v2sf)  }
0x52e: {  	v63 =	vmul.f32 v16, v14;
	p1 =	sgt.s32 s14, $0xF  }
.Ltmp19:
0x52f: {  	_ = 	snop;
	(pc) =	sbr.rel @p1 .LBB2_31-.Ltmp19, $3  }
0x530: {  	v18 =	vadd.f32 v18, v63;
	_ =	sdelay $0x1  }
0x531: {  	v18 =	vmin.f32 v19, v18  }
0x532: {  	[tilespmem:v17+s28+$0x0] =	vst.idx.msk $0xffff, v18  }
0x533: {  	v17 =	vxor.u32 $0x80000000, v17  }
0x534: {  	(xrf1) =	vsort.ascd.msk.u32 $0xffff, v17, v8;
	_ =	sdelay $0xd  }
0x535: {  	v17, v18, _ =	vpop (xrf1)  }
0x536: {  	v15 =	vperm.xlane v15, v18;
	_ =	sdelay $0x5  }
0x537: {  	v19 =	vld.idx.msk [tilespmem:v15+s21+$0x0], $0xffff  }
0x538: {  	v16 =	vperm.xlane v16, v18;
	_ =	sdelay $0x1  }
0x539: {  	v18 =	vmul.f32 v16, v11;
	_ =	sdelay $0x1  }
0x53a: {  	v17 =	vxor.u32 $0x80000000, v17;
	v18 =	vadd.f32 v19, v18  }
0x53b: {  	v46 =	vperm.xlane v17, v5  }
0x53c: {  	v20 =	vperm.xlane v18, v5  }
0x53d: {  	vm5 =	veq.s32 v17, v46  }
0x53e: {  	vm5 =	vmand vm5, vm1;
	v47 =	vmin.f32 v18, v20  }
0x53f: {  	v48 =	vperm.xlane v17, v7;
	v18 =	vsel vm5, v47, v18  }
0x540: {  	v19 =	vperm.xlane v18, v7  }
0x541: {  	vm6 =	veq.s32 v17, v48  }
0x542: {  	vm6 =	vmand vm6, vm2;
	v19 =	vmin.f32 v18, v19  }
0x543: {  	v49 =	vperm.xlane v17, v9;
	v18 =	vsel vm6, v19, v18  }
0x544: {  	v50 =	vperm.xlane v17, v4;
	v21 =	vperm.xlane v18, v9  }
0x545: {  	vm7 =	veq.s32 v17, v49  }
0x546: {  	vm9 =	vne.s32 v17, v50;
	vm8 =	vmand vm7, vm3;
	v51 =	vmin.f32 v18, v21  }
0x547: {  	v52 =	vperm.xlane v17, v10;
	vm7 =	vmor vm9, vm0;
	v53 =	vld.idx.msk [tilespmem:v17+s4+$0x0], $0xffff;
	v18 =	vsel vm8, v51, v18  }
0x548: {  	v54 =	vperm.xlane v18, v10  }
0x549: {  	vm15 =	veq.s32 v17, v52  }
0x54a: {  	vm9 =	vmand vm15, vm4;
	v55 =	vmin.f32 v18, v54  }
0x54b: {  	v18 =	vsel vm9, v55, v18  }
0x54c: {  	v18 =	vmin.f32 v53, v18  }
0x54d: {  	[tilespmem:v17+s4+$0x0] =	vst.idx.msk vm7, v18  }
0x54e: {  	v18 =	vld.idx.msk [tilespmem:v15+s22+$0x0], $0xffff;
	_ =	sdelay $0x2  }
0x54f: {  	v56 =	vmul.f32 v16, v12;
	_ =	sdelay $0x1  }
0x550: {  	v18 =	vadd.f32 v18, v56;
	_ =	sdelay $0x1  }
0x551: {  	v19 =	vperm.xlane v18, v5;
	_ =	sdelay $0x1  }
0x552: {  	v19 =	vmin.f32 v18, v19  }
0x553: {  	v18 =	vsel vm5, v19, v18  }
0x554: {  	v19 =	vperm.xlane v18, v7;
	_ =	sdelay $0x1  }
0x555: {  	v19 =	vmin.f32 v18, v19  }
0x556: {  	v18 =	vsel vm6, v19, v18  }
0x557: {  	v19 =	vperm.xlane v18, v9;
	_ =	sdelay $0x1  }
0x558: {  	v19 =	vmin.f32 v18, v19  }
0x559: {  	v57 =	vld.idx.msk [tilespmem:v17+s25+$0x0], $0xffff;
	v18 =	vsel vm8, v19, v18  }
0x55a: {  	v58 =	vperm.xlane v18, v10;
	_ =	sdelay $0x1  }
0x55b: {  	v20 =	vmin.f32 v18, v58  }
0x55c: {  	v18 =	vsel vm9, v20, v18  }
0x55d: {  	v18 =	vmin.f32 v57, v18  }
0x55e: {  	[tilespmem:v17+s25+$0x0] =	vst.idx.msk vm7, v18  }
0x55f: {  	v18 =	vld.idx.msk [tilespmem:v15+s23+$0x0], $0xffff;
	_ =	sdelay $0x2  }
0x560: {  	v59 =	vmul.f32 v16, v13;
	_ =	sdelay $0x1  }
0x561: {  	v18 =	vadd.f32 v18, v59;
	_ =	sdelay $0x1  }
0x562: {  	v19 =	vperm.xlane v18, v5;
	_ =	sdelay $0x1  }
0x563: {  	v19 =	vmin.f32 v18, v19  }
0x564: {  	v18 =	vsel vm5, v19, v18  }
0x565: {  	v19 =	vperm.xlane v18, v7;
	_ =	sdelay $0x1  }
0x566: {  	v19 =	vmin.f32 v18, v19  }
0x567: {  	v18 =	vsel vm6, v19, v18  }
0x568: {  	v19 =	vperm.xlane v18, v9;
	_ =	sdelay $0x1  }
0x569: {  	v19 =	vmin.f32 v18, v19  }
0x56a: {  	v60 =	vld.idx.msk [tilespmem:v17+s26+$0x0], $0xffff;
	v18 =	vsel vm8, v19, v18  }
0x56b: {  	v61 =	vperm.xlane v18, v10;
	_ =	sdelay $0x1  }
0x56c: {  	v20 =	vmin.f32 v18, v61  }
0x56d: {  	v18 =	vsel vm9, v20, v18  }
0x56e: {  	v18 =	vmin.f32 v60, v18  }
0x56f: {  	[tilespmem:v17+s26+$0x0] =	vst.idx.msk vm7, v18  }
0x570: {  	v15 =	vld.idx.msk [tilespmem:v15+s24+$0x0], $0xffff;
	_ =	sdelay $0x2  }
0x571: {  	v16 =	vmul.f32 v16, v14;
	_ =	sdelay $0x1  }
0x572: {  	v15 =	vadd.f32 v15, v16;
	_ =	sdelay $0x1  }
0x573: {  	v16 =	vperm.xlane v15, v5;
	_ =	sdelay $0x1  }
0x574: {  	v16 =	vmin.f32 v15, v16  }
0x575: {  	v15 =	vsel vm5, v16, v15  }
0x576: {  	v16 =	vperm.xlane v15, v7;
	_ =	sdelay $0x1  }
0x577: {  	v16 =	vmin.f32 v15, v16  }
0x578: {  	v15 =	vsel vm6, v16, v15  }
0x579: {  	v16 =	vperm.xlane v15, v9;
	_ =	sdelay $0x1  }
0x57a: {  	v16 =	vmin.f32 v15, v16  }
0x57b: {  	v62 =	vld.idx.msk [tilespmem:v17+s28+$0x0], $0xffff;
	v15 =	vsel vm8, v16, v15  }
0x57c: {  	v63 =	vperm.xlane v15, v10;
	_ =	sdelay $0x1  }
0x57d: {  	v18 =	vmin.f32 v15, v63  }
0x57e: {  	v15 =	vsel vm9, v18, v15  }
0x57f: {  	v15 =	vmin.f32 v62, v15  }
0x580: {  	[tilespmem:v17+s28+$0x0] =	vst.idx.msk vm7, v15  }
.LBB2_31:
0x581: {  	v15 =	vld [tilespmem:s13+$0x18740]  }
0x582: {  	v17 =	vld [tilespmem:s13+$0x15540];
	_ =	sdelay $0x4  }
0x583: {  	(xrf1) =	vunique.msk.u32 $0xffff, v17  }
0x584: {  	v16 =	vld [tilespmem:s13+$0x1B940];
	_ =	sdelay $0x1  }
0x585: {  	v18 =	vld.idx.msk [tilespmem:v15+s21+$0x0], $0xffff;
	_ =	sdelay $0x1  }
0x586: {  	v19 =	vld.idx.msk [tilespmem:v17+s4+$0x0], $0xffff  }
0x587: {  	v20 =	vmul.f32 v16, v11;
	_ =	sdelay $0x1  }
0x588: {  	v18 =	vadd.f32 v18, v20;
	_ =	sdelay $0x1  }
0x589: {  	v18 =	vmin.f32 v19, v18  }
0x58a: {  	[tilespmem:v17+s4+$0x0] =	vst.idx.msk $0xffff, v18  }
0x58b: {  	v18 =	vld.idx.msk [tilespmem:v15+s22+$0x0], $0xffff;
	_ =	sdelay $0x1  }
0x58c: {  	v19 =	vld.idx.msk [tilespmem:v17+s25+$0x0], $0xffff;
	_, v61, vm5 =	vpop (xrf1)  }
0x58d: {  	v60 =	vmul.f32 v16, v12;
	v20 =	vmpcnt.ones.xlane vm5;
	_ =	sdelay $0x1  }
0x58e: {  	v18 =	vadd.f32 v18, v60;
	(v2sf) =	vpush v20, $0x0;
	_ =	sdelay $0x1  }
0x58f: {  	v18 =	vmin.f32 v19, v18  }
0x590: {  	[tilespmem:v17+s25+$0x0] =	vst.idx.msk $0xffff, v18  }
0x591: {  	v18 =	vld.idx.msk [tilespmem:v15+s23+$0x0], $0xffff;
	_ =	sdelay $0x1  }
0x592: {  	v19 =	vld.idx.msk [tilespmem:v17+s26+$0x0], $0xffff  }
0x593: {  	v62 =	vmul.f32 v16, v13;
	_ =	sdelay $0x1  }
0x594: {  	v18 =	vadd.f32 v18, v62;
	_ =	sdelay $0x1  }
0x595: {  	v18 =	vmin.f32 v19, v18  }
0x596: {  	[tilespmem:v17+s26+$0x0] =	vst.idx.msk $0xffff, v18  }
0x597: {  	v18 =	vld.idx.msk [tilespmem:v15+s24+$0x0], $0xffff;
	_ =	sdelay $0x1  }
0x598: {  	v19 =	vld.idx.msk [tilespmem:v17+s28+$0x0], $0xffff;
	s14 =	spop (v2sf)  }
0x599: {  	v63 =	vmul.f32 v16, v14;
	p1 =	sgt.s32 s14, $0xF  }
.Ltmp20:
0x59a: {  	_ = 	snop;
	(pc) =	sbr.rel @p1 .LBB2_33-.Ltmp20, $3  }
0x59b: {  	v18 =	vadd.f32 v18, v63;
	_ =	sdelay $0x1  }
0x59c: {  	v18 =	vmin.f32 v19, v18  }
0x59d: {  	[tilespmem:v17+s28+$0x0] =	vst.idx.msk $0xffff, v18  }
0x59e: {  	v17 =	vxor.u32 $0x80000000, v17  }
0x59f: {  	(xrf1) =	vsort.ascd.msk.u32 $0xffff, v17, v8;
	_ =	sdelay $0xd  }
0x5a0: {  	v17, v18, _ =	vpop (xrf1)  }
0x5a1: {  	v15 =	vperm.xlane v15, v18;
	_ =	sdelay $0x5  }
0x5a2: {  	v19 =	vld.idx.msk [tilespmem:v15+s21+$0x0], $0xffff  }
0x5a3: {  	v16 =	vperm.xlane v16, v18;
	_ =	sdelay $0x1  }
0x5a4: {  	v18 =	vmul.f32 v16, v11;
	_ =	sdelay $0x1  }
0x5a5: {  	v17 =	vxor.u32 $0x80000000, v17;
	v18 =	vadd.f32 v19, v18  }
0x5a6: {  	v46 =	vperm.xlane v17, v5  }
0x5a7: {  	v20 =	vperm.xlane v18, v5  }
0x5a8: {  	vm5 =	veq.s32 v17, v46  }
0x5a9: {  	vm5 =	vmand vm5, vm1;
	v47 =	vmin.f32 v18, v20  }
0x5aa: {  	v48 =	vperm.xlane v17, v7;
	v18 =	vsel vm5, v47, v18  }
0x5ab: {  	v19 =	vperm.xlane v18, v7  }
0x5ac: {  	vm6 =	veq.s32 v17, v48  }
0x5ad: {  	vm6 =	vmand vm6, vm2;
	v19 =	vmin.f32 v18, v19  }
0x5ae: {  	v49 =	vperm.xlane v17, v9;
	v18 =	vsel vm6, v19, v18  }
0x5af: {  	v50 =	vperm.xlane v17, v4;
	v21 =	vperm.xlane v18, v9  }
0x5b0: {  	vm7 =	veq.s32 v17, v49  }
0x5b1: {  	vm9 =	vne.s32 v17, v50;
	vm8 =	vmand vm7, vm3;
	v51 =	vmin.f32 v18, v21  }
0x5b2: {  	v52 =	vperm.xlane v17, v10;
	vm7 =	vmor vm9, vm0;
	v53 =	vld.idx.msk [tilespmem:v17+s4+$0x0], $0xffff;
	v18 =	vsel vm8, v51, v18  }
0x5b3: {  	v54 =	vperm.xlane v18, v10  }
0x5b4: {  	vm15 =	veq.s32 v17, v52  }
0x5b5: {  	vm9 =	vmand vm15, vm4;
	v55 =	vmin.f32 v18, v54  }
0x5b6: {  	v18 =	vsel vm9, v55, v18  }
0x5b7: {  	v18 =	vmin.f32 v53, v18  }
0x5b8: {  	[tilespmem:v17+s4+$0x0] =	vst.idx.msk vm7, v18  }
0x5b9: {  	v18 =	vld.idx.msk [tilespmem:v15+s22+$0x0], $0xffff;
	_ =	sdelay $0x2  }
0x5ba: {  	v56 =	vmul.f32 v16, v12;
	_ =	sdelay $0x1  }
0x5bb: {  	v18 =	vadd.f32 v18, v56;
	_ =	sdelay $0x1  }
0x5bc: {  	v19 =	vperm.xlane v18, v5;
	_ =	sdelay $0x1  }
0x5bd: {  	v19 =	vmin.f32 v18, v19  }
0x5be: {  	v18 =	vsel vm5, v19, v18  }
0x5bf: {  	v19 =	vperm.xlane v18, v7;
	_ =	sdelay $0x1  }
0x5c0: {  	v19 =	vmin.f32 v18, v19  }
0x5c1: {  	v18 =	vsel vm6, v19, v18  }
0x5c2: {  	v19 =	vperm.xlane v18, v9;
	_ =	sdelay $0x1  }
0x5c3: {  	v19 =	vmin.f32 v18, v19  }
0x5c4: {  	v57 =	vld.idx.msk [tilespmem:v17+s25+$0x0], $0xffff;
	v18 =	vsel vm8, v19, v18  }
0x5c5: {  	v58 =	vperm.xlane v18, v10;
	_ =	sdelay $0x1  }
0x5c6: {  	v20 =	vmin.f32 v18, v58  }
0x5c7: {  	v18 =	vsel vm9, v20, v18  }
0x5c8: {  	v18 =	vmin.f32 v57, v18  }
0x5c9: {  	[tilespmem:v17+s25+$0x0] =	vst.idx.msk vm7, v18  }
0x5ca: {  	v18 =	vld.idx.msk [tilespmem:v15+s23+$0x0], $0xffff;
	_ =	sdelay $0x2  }
0x5cb: {  	v59 =	vmul.f32 v16, v13;
	_ =	sdelay $0x1  }
0x5cc: {  	v18 =	vadd.f32 v18, v59;
	_ =	sdelay $0x1  }
0x5cd: {  	v19 =	vperm.xlane v18, v5;
	_ =	sdelay $0x1  }
0x5ce: {  	v19 =	vmin.f32 v18, v19  }
0x5cf: {  	v18 =	vsel vm5, v19, v18  }
0x5d0: {  	v19 =	vperm.xlane v18, v7;
	_ =	sdelay $0x1  }
0x5d1: {  	v19 =	vmin.f32 v18, v19  }
0x5d2: {  	v18 =	vsel vm6, v19, v18  }
0x5d3: {  	v19 =	vperm.xlane v18, v9;
	_ =	sdelay $0x1  }
0x5d4: {  	v19 =	vmin.f32 v18, v19  }
0x5d5: {  	v60 =	vld.idx.msk [tilespmem:v17+s26+$0x0], $0xffff;
	v18 =	vsel vm8, v19, v18  }
0x5d6: {  	v61 =	vperm.xlane v18, v10;
	_ =	sdelay $0x1  }
0x5d7: {  	v20 =	vmin.f32 v18, v61  }
0x5d8: {  	v18 =	vsel vm9, v20, v18  }
0x5d9: {  	v18 =	vmin.f32 v60, v18  }
0x5da: {  	[tilespmem:v17+s26+$0x0] =	vst.idx.msk vm7, v18  }
0x5db: {  	v15 =	vld.idx.msk [tilespmem:v15+s24+$0x0], $0xffff;
	_ =	sdelay $0x2  }
0x5dc: {  	v16 =	vmul.f32 v16, v14;
	_ =	sdelay $0x1  }
0x5dd: {  	v15 =	vadd.f32 v15, v16;
	_ =	sdelay $0x1  }
0x5de: {  	v16 =	vperm.xlane v15, v5;
	_ =	sdelay $0x1  }
0x5df: {  	v16 =	vmin.f32 v15, v16  }
0x5e0: {  	v15 =	vsel vm5, v16, v15  }
0x5e1: {  	v16 =	vperm.xlane v15, v7;
	_ =	sdelay $0x1  }
0x5e2: {  	v16 =	vmin.f32 v15, v16  }
0x5e3: {  	v15 =	vsel vm6, v16, v15  }
0x5e4: {  	v16 =	vperm.xlane v15, v9;
	_ =	sdelay $0x1  }
0x5e5: {  	v16 =	vmin.f32 v15, v16  }
0x5e6: {  	v62 =	vld.idx.msk [tilespmem:v17+s28+$0x0], $0xffff;
	v15 =	vsel vm8, v16, v15  }
0x5e7: {  	v63 =	vperm.xlane v15, v10;
	_ =	sdelay $0x1  }
0x5e8: {  	v18 =	vmin.f32 v15, v63  }
0x5e9: {  	v15 =	vsel vm9, v18, v15  }
0x5ea: {  	v15 =	vmin.f32 v62, v15  }
0x5eb: {  	[tilespmem:v17+s28+$0x0] =	vst.idx.msk vm7, v15  }
.LBB2_33:
0x5ec: {  	v15 =	vld [tilespmem:s13+$0x18750]  }
0x5ed: {  	v17 =	vld [tilespmem:s13+$0x15550];
	_ =	sdelay $0x4  }
0x5ee: {  	(xrf1) =	vunique.msk.u32 $0xffff, v17  }
0x5ef: {  	v16 =	vld [tilespmem:s13+$0x1B950];
	_ =	sdelay $0x1  }
0x5f0: {  	v18 =	vld.idx.msk [tilespmem:v15+s21+$0x0], $0xffff;
	_ =	sdelay $0x1  }
0x5f1: {  	v19 =	vld.idx.msk [tilespmem:v17+s4+$0x0], $0xffff  }
0x5f2: {  	v20 =	vmul.f32 v16, v11;
	_ =	sdelay $0x1  }
0x5f3: {  	v18 =	vadd.f32 v18, v20;
	_ =	sdelay $0x1  }
0x5f4: {  	v18 =	vmin.f32 v19, v18  }
0x5f5: {  	[tilespmem:v17+s4+$0x0] =	vst.idx.msk $0xffff, v18  }
0x5f6: {  	v18 =	vld.idx.msk [tilespmem:v15+s22+$0x0], $0xffff;
	_ =	sdelay $0x1  }
0x5f7: {  	v19 =	vld.idx.msk [tilespmem:v17+s25+$0x0], $0xffff;
	_, v61, vm5 =	vpop (xrf1)  }
0x5f8: {  	v60 =	vmul.f32 v16, v12;
	v20 =	vmpcnt.ones.xlane vm5;
	_ =	sdelay $0x1  }
0x5f9: {  	v18 =	vadd.f32 v18, v60;
	(v2sf) =	vpush v20, $0x0;
	_ =	sdelay $0x1  }
0x5fa: {  	v18 =	vmin.f32 v19, v18  }
0x5fb: {  	[tilespmem:v17+s25+$0x0] =	vst.idx.msk $0xffff, v18  }
0x5fc: {  	v18 =	vld.idx.msk [tilespmem:v15+s23+$0x0], $0xffff;
	_ =	sdelay $0x1  }
0x5fd: {  	v19 =	vld.idx.msk [tilespmem:v17+s26+$0x0], $0xffff  }
0x5fe: {  	v62 =	vmul.f32 v16, v13;
	_ =	sdelay $0x1  }
0x5ff: {  	v18 =	vadd.f32 v18, v62;
	_ =	sdelay $0x1  }
0x600: {  	v18 =	vmin.f32 v19, v18  }
0x601: {  	[tilespmem:v17+s26+$0x0] =	vst.idx.msk $0xffff, v18  }
0x602: {  	v18 =	vld.idx.msk [tilespmem:v15+s24+$0x0], $0xffff;
	_ =	sdelay $0x1  }
0x603: {  	v19 =	vld.idx.msk [tilespmem:v17+s28+$0x0], $0xffff;
	s14 =	spop (v2sf)  }
0x604: {  	v63 =	vmul.f32 v16, v14;
	p1 =	sgt.s32 s14, $0xF  }
.Ltmp21:
0x605: {  	_ = 	snop;
	(pc) =	sbr.rel @p1 .LBB2_35-.Ltmp21, $3  }
0x606: {  	v18 =	vadd.f32 v18, v63;
	_ =	sdelay $0x1  }
0x607: {  	v18 =	vmin.f32 v19, v18  }
0x608: {  	[tilespmem:v17+s28+$0x0] =	vst.idx.msk $0xffff, v18  }
0x609: {  	v17 =	vxor.u32 $0x80000000, v17  }
0x60a: {  	(xrf1) =	vsort.ascd.msk.u32 $0xffff, v17, v8;
	_ =	sdelay $0xd  }
0x60b: {  	v17, v18, _ =	vpop (xrf1)  }
0x60c: {  	v15 =	vperm.xlane v15, v18;
	_ =	sdelay $0x5  }
0x60d: {  	v19 =	vld.idx.msk [tilespmem:v15+s21+$0x0], $0xffff  }
0x60e: {  	v16 =	vperm.xlane v16, v18;
	_ =	sdelay $0x1  }
0x60f: {  	v18 =	vmul.f32 v16, v11;
	_ =	sdelay $0x1  }
0x610: {  	v17 =	vxor.u32 $0x80000000, v17;
	v18 =	vadd.f32 v19, v18  }
0x611: {  	v46 =	vperm.xlane v17, v5  }
0x612: {  	v20 =	vperm.xlane v18, v5  }
0x613: {  	vm5 =	veq.s32 v17, v46  }
0x614: {  	vm5 =	vmand vm5, vm1;
	v47 =	vmin.f32 v18, v20  }
0x615: {  	v48 =	vperm.xlane v17, v7;
	v18 =	vsel vm5, v47, v18  }
0x616: {  	v19 =	vperm.xlane v18, v7  }
0x617: {  	vm6 =	veq.s32 v17, v48  }
0x618: {  	vm6 =	vmand vm6, vm2;
	v19 =	vmin.f32 v18, v19  }
0x619: {  	v49 =	vperm.xlane v17, v9;
	v18 =	vsel vm6, v19, v18  }
0x61a: {  	v50 =	vperm.xlane v17, v4;
	v21 =	vperm.xlane v18, v9  }
0x61b: {  	vm7 =	veq.s32 v17, v49  }
0x61c: {  	vm9 =	vne.s32 v17, v50;
	vm8 =	vmand vm7, vm3;
	v51 =	vmin.f32 v18, v21  }
0x61d: {  	v52 =	vperm.xlane v17, v10;
	vm7 =	vmor vm9, vm0;
	v53 =	vld.idx.msk [tilespmem:v17+s4+$0x0], $0xffff;
	v18 =	vsel vm8, v51, v18  }
0x61e: {  	v54 =	vperm.xlane v18, v10  }
0x61f: {  	vm15 =	veq.s32 v17, v52  }
0x620: {  	vm9 =	vmand vm15, vm4;
	v55 =	vmin.f32 v18, v54  }
0x621: {  	v18 =	vsel vm9, v55, v18  }
0x622: {  	v18 =	vmin.f32 v53, v18  }
0x623: {  	[tilespmem:v17+s4+$0x0] =	vst.idx.msk vm7, v18  }
0x624: {  	v18 =	vld.idx.msk [tilespmem:v15+s22+$0x0], $0xffff;
	_ =	sdelay $0x2  }
0x625: {  	v56 =	vmul.f32 v16, v12;
	_ =	sdelay $0x1  }
0x626: {  	v18 =	vadd.f32 v18, v56;
	_ =	sdelay $0x1  }
0x627: {  	v19 =	vperm.xlane v18, v5;
	_ =	sdelay $0x1  }
0x628: {  	v19 =	vmin.f32 v18, v19  }
0x629: {  	v18 =	vsel vm5, v19, v18  }
0x62a: {  	v19 =	vperm.xlane v18, v7;
	_ =	sdelay $0x1  }
0x62b: {  	v19 =	vmin.f32 v18, v19  }
0x62c: {  	v18 =	vsel vm6, v19, v18  }
0x62d: {  	v19 =	vperm.xlane v18, v9;
	_ =	sdelay $0x1  }
0x62e: {  	v19 =	vmin.f32 v18, v19  }
0x62f: {  	v57 =	vld.idx.msk [tilespmem:v17+s25+$0x0], $0xffff;
	v18 =	vsel vm8, v19, v18  }
0x630: {  	v58 =	vperm.xlane v18, v10;
	_ =	sdelay $0x1  }
0x631: {  	v20 =	vmin.f32 v18, v58  }
0x632: {  	v18 =	vsel vm9, v20, v18  }
0x633: {  	v18 =	vmin.f32 v57, v18  }
0x634: {  	[tilespmem:v17+s25+$0x0] =	vst.idx.msk vm7, v18  }
0x635: {  	v18 =	vld.idx.msk [tilespmem:v15+s23+$0x0], $0xffff;
	_ =	sdelay $0x2  }
0x636: {  	v59 =	vmul.f32 v16, v13;
	_ =	sdelay $0x1  }
0x637: {  	v18 =	vadd.f32 v18, v59;
	_ =	sdelay $0x1  }
0x638: {  	v19 =	vperm.xlane v18, v5;
	_ =	sdelay $0x1  }
0x639: {  	v19 =	vmin.f32 v18, v19  }
0x63a: {  	v18 =	vsel vm5, v19, v18  }
0x63b: {  	v19 =	vperm.xlane v18, v7;
	_ =	sdelay $0x1  }
0x63c: {  	v19 =	vmin.f32 v18, v19  }
0x63d: {  	v18 =	vsel vm6, v19, v18  }
0x63e: {  	v19 =	vperm.xlane v18, v9;
	_ =	sdelay $0x1  }
0x63f: {  	v19 =	vmin.f32 v18, v19  }
0x640: {  	v60 =	vld.idx.msk [tilespmem:v17+s26+$0x0], $0xffff;
	v18 =	vsel vm8, v19, v18  }
0x641: {  	v61 =	vperm.xlane v18, v10;
	_ =	sdelay $0x1  }
0x642: {  	v20 =	vmin.f32 v18, v61  }
0x643: {  	v18 =	vsel vm9, v20, v18  }
0x644: {  	v18 =	vmin.f32 v60, v18  }
0x645: {  	[tilespmem:v17+s26+$0x0] =	vst.idx.msk vm7, v18  }
0x646: {  	v15 =	vld.idx.msk [tilespmem:v15+s24+$0x0], $0xffff;
	_ =	sdelay $0x2  }
0x647: {  	v16 =	vmul.f32 v16, v14;
	_ =	sdelay $0x1  }
0x648: {  	v15 =	vadd.f32 v15, v16;
	_ =	sdelay $0x1  }
0x649: {  	v16 =	vperm.xlane v15, v5;
	_ =	sdelay $0x1  }
0x64a: {  	v16 =	vmin.f32 v15, v16  }
0x64b: {  	v15 =	vsel vm5, v16, v15  }
0x64c: {  	v16 =	vperm.xlane v15, v7;
	_ =	sdelay $0x1  }
0x64d: {  	v16 =	vmin.f32 v15, v16  }
0x64e: {  	v15 =	vsel vm6, v16, v15  }
0x64f: {  	v16 =	vperm.xlane v15, v9;
	_ =	sdelay $0x1  }
0x650: {  	v16 =	vmin.f32 v15, v16  }
0x651: {  	v62 =	vld.idx.msk [tilespmem:v17+s28+$0x0], $0xffff;
	v15 =	vsel vm8, v16, v15  }
0x652: {  	v63 =	vperm.xlane v15, v10;
	_ =	sdelay $0x1  }
0x653: {  	v18 =	vmin.f32 v15, v63  }
0x654: {  	v15 =	vsel vm9, v18, v15  }
0x655: {  	v15 =	vmin.f32 v62, v15  }
0x656: {  	[tilespmem:v17+s28+$0x0] =	vst.idx.msk vm7, v15  }
.LBB2_35:
0x657: {  	v15 =	vld [tilespmem:s13+$0x18760]  }
0x658: {  	v17 =	vld [tilespmem:s13+$0x15560];
	_ =	sdelay $0x4  }
0x659: {  	(xrf1) =	vunique.msk.u32 $0xffff, v17  }
0x65a: {  	v16 =	vld [tilespmem:s13+$0x1B960];
	_ =	sdelay $0x1  }
0x65b: {  	v18 =	vld.idx.msk [tilespmem:v15+s21+$0x0], $0xffff;
	_ =	sdelay $0x1  }
0x65c: {  	v19 =	vld.idx.msk [tilespmem:v17+s4+$0x0], $0xffff  }
0x65d: {  	v20 =	vmul.f32 v16, v11;
	_ =	sdelay $0x1  }
0x65e: {  	v18 =	vadd.f32 v18, v20;
	_ =	sdelay $0x1  }
0x65f: {  	v18 =	vmin.f32 v19, v18  }
0x660: {  	[tilespmem:v17+s4+$0x0] =	vst.idx.msk $0xffff, v18  }
0x661: {  	v18 =	vld.idx.msk [tilespmem:v15+s22+$0x0], $0xffff;
	_ =	sdelay $0x1  }
0x662: {  	v19 =	vld.idx.msk [tilespmem:v17+s25+$0x0], $0xffff;
	_, v61, vm5 =	vpop (xrf1)  }
0x663: {  	v60 =	vmul.f32 v16, v12;
	v20 =	vmpcnt.ones.xlane vm5;
	_ =	sdelay $0x1  }
0x664: {  	v18 =	vadd.f32 v18, v60;
	(v2sf) =	vpush v20, $0x0;
	_ =	sdelay $0x1  }
0x665: {  	v18 =	vmin.f32 v19, v18  }
0x666: {  	[tilespmem:v17+s25+$0x0] =	vst.idx.msk $0xffff, v18  }
0x667: {  	v18 =	vld.idx.msk [tilespmem:v15+s23+$0x0], $0xffff;
	_ =	sdelay $0x1  }
0x668: {  	v19 =	vld.idx.msk [tilespmem:v17+s26+$0x0], $0xffff  }
0x669: {  	v62 =	vmul.f32 v16, v13;
	_ =	sdelay $0x1  }
0x66a: {  	v18 =	vadd.f32 v18, v62;
	_ =	sdelay $0x1  }
0x66b: {  	v18 =	vmin.f32 v19, v18  }
0x66c: {  	[tilespmem:v17+s26+$0x0] =	vst.idx.msk $0xffff, v18  }
0x66d: {  	v18 =	vld.idx.msk [tilespmem:v15+s24+$0x0], $0xffff;
	_ =	sdelay $0x1  }
0x66e: {  	v19 =	vld.idx.msk [tilespmem:v17+s28+$0x0], $0xffff;
	s14 =	spop (v2sf)  }
0x66f: {  	v63 =	vmul.f32 v16, v14;
	p1 =	sgt.s32 s14, $0xF  }
.Ltmp22:
0x670: {  	_ = 	snop;
	(pc) =	sbr.rel @p1 .LBB2_37-.Ltmp22, $3  }
0x671: {  	v18 =	vadd.f32 v18, v63;
	_ =	sdelay $0x1  }
0x672: {  	v18 =	vmin.f32 v19, v18  }
0x673: {  	[tilespmem:v17+s28+$0x0] =	vst.idx.msk $0xffff, v18  }
0x674: {  	v17 =	vxor.u32 $0x80000000, v17  }
0x675: {  	(xrf1) =	vsort.ascd.msk.u32 $0xffff, v17, v8;
	_ =	sdelay $0xd  }
0x676: {  	v17, v18, _ =	vpop (xrf1)  }
0x677: {  	v15 =	vperm.xlane v15, v18;
	_ =	sdelay $0x5  }
0x678: {  	v19 =	vld.idx.msk [tilespmem:v15+s21+$0x0], $0xffff  }
0x679: {  	v16 =	vperm.xlane v16, v18;
	_ =	sdelay $0x1  }
0x67a: {  	v18 =	vmul.f32 v16, v11;
	_ =	sdelay $0x1  }
0x67b: {  	v17 =	vxor.u32 $0x80000000, v17;
	v18 =	vadd.f32 v19, v18  }
0x67c: {  	v46 =	vperm.xlane v17, v5  }
0x67d: {  	v20 =	vperm.xlane v18, v5  }
0x67e: {  	vm5 =	veq.s32 v17, v46  }
0x67f: {  	vm5 =	vmand vm5, vm1;
	v47 =	vmin.f32 v18, v20  }
0x680: {  	v48 =	vperm.xlane v17, v7;
	v18 =	vsel vm5, v47, v18  }
0x681: {  	v19 =	vperm.xlane v18, v7  }
0x682: {  	vm6 =	veq.s32 v17, v48  }
0x683: {  	vm6 =	vmand vm6, vm2;
	v19 =	vmin.f32 v18, v19  }
0x684: {  	v49 =	vperm.xlane v17, v9;
	v18 =	vsel vm6, v19, v18  }
0x685: {  	v50 =	vperm.xlane v17, v4;
	v21 =	vperm.xlane v18, v9  }
0x686: {  	vm7 =	veq.s32 v17, v49  }
0x687: {  	vm9 =	vne.s32 v17, v50;
	vm8 =	vmand vm7, vm3;
	v51 =	vmin.f32 v18, v21  }
0x688: {  	v52 =	vperm.xlane v17, v10;
	vm7 =	vmor vm9, vm0;
	v53 =	vld.idx.msk [tilespmem:v17+s4+$0x0], $0xffff;
	v18 =	vsel vm8, v51, v18  }
0x689: {  	v54 =	vperm.xlane v18, v10  }
0x68a: {  	vm15 =	veq.s32 v17, v52  }
0x68b: {  	vm9 =	vmand vm15, vm4;
	v55 =	vmin.f32 v18, v54  }
0x68c: {  	v18 =	vsel vm9, v55, v18  }
0x68d: {  	v18 =	vmin.f32 v53, v18  }
0x68e: {  	[tilespmem:v17+s4+$0x0] =	vst.idx.msk vm7, v18  }
0x68f: {  	v18 =	vld.idx.msk [tilespmem:v15+s22+$0x0], $0xffff;
	_ =	sdelay $0x2  }
0x690: {  	v56 =	vmul.f32 v16, v12;
	_ =	sdelay $0x1  }
0x691: {  	v18 =	vadd.f32 v18, v56;
	_ =	sdelay $0x1  }
0x692: {  	v19 =	vperm.xlane v18, v5;
	_ =	sdelay $0x1  }
0x693: {  	v19 =	vmin.f32 v18, v19  }
0x694: {  	v18 =	vsel vm5, v19, v18  }
0x695: {  	v19 =	vperm.xlane v18, v7;
	_ =	sdelay $0x1  }
0x696: {  	v19 =	vmin.f32 v18, v19  }
0x697: {  	v18 =	vsel vm6, v19, v18  }
0x698: {  	v19 =	vperm.xlane v18, v9;
	_ =	sdelay $0x1  }
0x699: {  	v19 =	vmin.f32 v18, v19  }
0x69a: {  	v57 =	vld.idx.msk [tilespmem:v17+s25+$0x0], $0xffff;
	v18 =	vsel vm8, v19, v18  }
0x69b: {  	v58 =	vperm.xlane v18, v10;
	_ =	sdelay $0x1  }
0x69c: {  	v20 =	vmin.f32 v18, v58  }
0x69d: {  	v18 =	vsel vm9, v20, v18  }
0x69e: {  	v18 =	vmin.f32 v57, v18  }
0x69f: {  	[tilespmem:v17+s25+$0x0] =	vst.idx.msk vm7, v18  }
0x6a0: {  	v18 =	vld.idx.msk [tilespmem:v15+s23+$0x0], $0xffff;
	_ =	sdelay $0x2  }
0x6a1: {  	v59 =	vmul.f32 v16, v13;
	_ =	sdelay $0x1  }
0x6a2: {  	v18 =	vadd.f32 v18, v59;
	_ =	sdelay $0x1  }
0x6a3: {  	v19 =	vperm.xlane v18, v5;
	_ =	sdelay $0x1  }
0x6a4: {  	v19 =	vmin.f32 v18, v19  }
0x6a5: {  	v18 =	vsel vm5, v19, v18  }
0x6a6: {  	v19 =	vperm.xlane v18, v7;
	_ =	sdelay $0x1  }
0x6a7: {  	v19 =	vmin.f32 v18, v19  }
0x6a8: {  	v18 =	vsel vm6, v19, v18  }
0x6a9: {  	v19 =	vperm.xlane v18, v9;
	_ =	sdelay $0x1  }
0x6aa: {  	v19 =	vmin.f32 v18, v19  }
0x6ab: {  	v60 =	vld.idx.msk [tilespmem:v17+s26+$0x0], $0xffff;
	v18 =	vsel vm8, v19, v18  }
0x6ac: {  	v61 =	vperm.xlane v18, v10;
	_ =	sdelay $0x1  }
0x6ad: {  	v20 =	vmin.f32 v18, v61  }
0x6ae: {  	v18 =	vsel vm9, v20, v18  }
0x6af: {  	v18 =	vmin.f32 v60, v18  }
0x6b0: {  	[tilespmem:v17+s26+$0x0] =	vst.idx.msk vm7, v18  }
0x6b1: {  	v15 =	vld.idx.msk [tilespmem:v15+s24+$0x0], $0xffff;
	_ =	sdelay $0x2  }
0x6b2: {  	v16 =	vmul.f32 v16, v14;
	_ =	sdelay $0x1  }
0x6b3: {  	v15 =	vadd.f32 v15, v16;
	_ =	sdelay $0x1  }
0x6b4: {  	v16 =	vperm.xlane v15, v5;
	_ =	sdelay $0x1  }
0x6b5: {  	v16 =	vmin.f32 v15, v16  }
0x6b6: {  	v15 =	vsel vm5, v16, v15  }
0x6b7: {  	v16 =	vperm.xlane v15, v7;
	_ =	sdelay $0x1  }
0x6b8: {  	v16 =	vmin.f32 v15, v16  }
0x6b9: {  	v15 =	vsel vm6, v16, v15  }
0x6ba: {  	v16 =	vperm.xlane v15, v9;
	_ =	sdelay $0x1  }
0x6bb: {  	v16 =	vmin.f32 v15, v16  }
0x6bc: {  	v62 =	vld.idx.msk [tilespmem:v17+s28+$0x0], $0xffff;
	v15 =	vsel vm8, v16, v15  }
0x6bd: {  	v63 =	vperm.xlane v15, v10;
	_ =	sdelay $0x1  }
0x6be: {  	v18 =	vmin.f32 v15, v63  }
0x6bf: {  	v15 =	vsel vm9, v18, v15  }
0x6c0: {  	v15 =	vmin.f32 v62, v15  }
0x6c1: {  	[tilespmem:v17+s28+$0x0] =	vst.idx.msk vm7, v15  }
.LBB2_37:
0x6c2: {  	v15 =	vld [tilespmem:s13+$0x18770]  }
0x6c3: {  	v17 =	vld [tilespmem:s13+$0x15570];
	_ =	sdelay $0x4  }
0x6c4: {  	(xrf1) =	vunique.msk.u32 $0xffff, v17  }
0x6c5: {  	v16 =	vld [tilespmem:s13+$0x1B970];
	_ =	sdelay $0x1  }
0x6c6: {  	v18 =	vld.idx.msk [tilespmem:v15+s21+$0x0], $0xffff;
	_ =	sdelay $0x1  }
0x6c7: {  	v19 =	vld.idx.msk [tilespmem:v17+s4+$0x0], $0xffff  }
0x6c8: {  	v20 =	vmul.f32 v16, v11;
	_ =	sdelay $0x1  }
0x6c9: {  	v18 =	vadd.f32 v18, v20;
	_ =	sdelay $0x1  }
0x6ca: {  	v18 =	vmin.f32 v19, v18  }
0x6cb: {  	[tilespmem:v17+s4+$0x0] =	vst.idx.msk $0xffff, v18  }
0x6cc: {  	v18 =	vld.idx.msk [tilespmem:v15+s22+$0x0], $0xffff;
	_ =	sdelay $0x1  }
0x6cd: {  	v19 =	vld.idx.msk [tilespmem:v17+s25+$0x0], $0xffff;
	_, v61, vm5 =	vpop (xrf1)  }
0x6ce: {  	v60 =	vmul.f32 v16, v12;
	v20 =	vmpcnt.ones.xlane vm5;
	_ =	sdelay $0x1  }
0x6cf: {  	v18 =	vadd.f32 v18, v60;
	(v2sf) =	vpush v20, $0x0;
	_ =	sdelay $0x1  }
0x6d0: {  	v18 =	vmin.f32 v19, v18  }
0x6d1: {  	[tilespmem:v17+s25+$0x0] =	vst.idx.msk $0xffff, v18  }
0x6d2: {  	v18 =	vld.idx.msk [tilespmem:v15+s23+$0x0], $0xffff;
	_ =	sdelay $0x1  }
0x6d3: {  	v19 =	vld.idx.msk [tilespmem:v17+s26+$0x0], $0xffff  }
0x6d4: {  	v62 =	vmul.f32 v16, v13;
	_ =	sdelay $0x1  }
0x6d5: {  	v18 =	vadd.f32 v18, v62;
	_ =	sdelay $0x1  }
0x6d6: {  	v18 =	vmin.f32 v19, v18  }
0x6d7: {  	[tilespmem:v17+s26+$0x0] =	vst.idx.msk $0xffff, v18  }
0x6d8: {  	v18 =	vld.idx.msk [tilespmem:v15+s24+$0x0], $0xffff;
	_ =	sdelay $0x1  }
0x6d9: {  	v19 =	vld.idx.msk [tilespmem:v17+s28+$0x0], $0xffff;
	s15 =	spop (v2sf)  }
0x6da: {  	v63 =	vmul.f32 v16, v14;
	p1 =	sgt.s32 s15, $0xF  }
.Ltmp23:
0x6db: {  	_ = 	snop;
	(pc) =	sbr.rel @p1 .LBB2_39-.Ltmp23, $3  }
0x6dc: {  	v18 =	vadd.f32 v18, v63;
	_ =	sdelay $0x1  }
0x6dd: {  	v18 =	vmin.f32 v19, v18  }
0x6de: {  	[tilespmem:v17+s28+$0x0] =	vst.idx.msk $0xffff, v18  }
0x6df: {  	v17 =	vxor.u32 $0x80000000, v17  }
0x6e0: {  	(xrf1) =	vsort.ascd.msk.u32 $0xffff, v17, v8;
	_ =	sdelay $0xd  }
0x6e1: {  	v17, v18, _ =	vpop (xrf1)  }
0x6e2: {  	v15 =	vperm.xlane v15, v18;
	_ =	sdelay $0x5  }
0x6e3: {  	v19 =	vld.idx.msk [tilespmem:v15+s21+$0x0], $0xffff  }
0x6e4: {  	v16 =	vperm.xlane v16, v18;
	_ =	sdelay $0x1  }
0x6e5: {  	v18 =	vmul.f32 v16, v11;
	_ =	sdelay $0x1  }
0x6e6: {  	v17 =	vxor.u32 $0x80000000, v17;
	v18 =	vadd.f32 v19, v18  }
0x6e7: {  	v46 =	vperm.xlane v17, v5  }
0x6e8: {  	v20 =	vperm.xlane v18, v5  }
0x6e9: {  	vm5 =	veq.s32 v17, v46  }
0x6ea: {  	vm5 =	vmand vm5, vm1;
	v47 =	vmin.f32 v18, v20  }
0x6eb: {  	v48 =	vperm.xlane v17, v7;
	v18 =	vsel vm5, v47, v18  }
0x6ec: {  	v19 =	vperm.xlane v18, v7  }
0x6ed: {  	vm6 =	veq.s32 v17, v48  }
0x6ee: {  	vm6 =	vmand vm6, vm2;
	v19 =	vmin.f32 v18, v19  }
0x6ef: {  	v49 =	vperm.xlane v17, v9;
	v18 =	vsel vm6, v19, v18  }
0x6f0: {  	v50 =	vperm.xlane v17, v4;
	v21 =	vperm.xlane v18, v9  }
0x6f1: {  	vm7 =	veq.s32 v17, v49  }
0x6f2: {  	vm9 =	vne.s32 v17, v50;
	vm8 =	vmand vm7, vm3;
	v51 =	vmin.f32 v18, v21  }
0x6f3: {  	v52 =	vperm.xlane v17, v10;
	vm7 =	vmor vm9, vm0;
	v53 =	vld.idx.msk [tilespmem:v17+s4+$0x0], $0xffff;
	v18 =	vsel vm8, v51, v18  }
0x6f4: {  	v54 =	vperm.xlane v18, v10  }
0x6f5: {  	vm15 =	veq.s32 v17, v52  }
0x6f6: {  	vm9 =	vmand vm15, vm4;
	v55 =	vmin.f32 v18, v54  }
0x6f7: {  	v18 =	vsel vm9, v55, v18  }
0x6f8: {  	v18 =	vmin.f32 v53, v18  }
0x6f9: {  	[tilespmem:v17+s4+$0x0] =	vst.idx.msk vm7, v18  }
0x6fa: {  	v18 =	vld.idx.msk [tilespmem:v15+s22+$0x0], $0xffff;
	_ =	sdelay $0x2  }
0x6fb: {  	v56 =	vmul.f32 v16, v12;
	_ =	sdelay $0x1  }
0x6fc: {  	v18 =	vadd.f32 v18, v56;
	_ =	sdelay $0x1  }
0x6fd: {  	v19 =	vperm.xlane v18, v5;
	_ =	sdelay $0x1  }
0x6fe: {  	v19 =	vmin.f32 v18, v19  }
0x6ff: {  	v18 =	vsel vm5, v19, v18  }
0x700: {  	v19 =	vperm.xlane v18, v7;
	_ =	sdelay $0x1  }
0x701: {  	v19 =	vmin.f32 v18, v19  }
0x702: {  	v18 =	vsel vm6, v19, v18  }
0x703: {  	v19 =	vperm.xlane v18, v9;
	_ =	sdelay $0x1  }
0x704: {  	v19 =	vmin.f32 v18, v19  }
0x705: {  	v57 =	vld.idx.msk [tilespmem:v17+s25+$0x0], $0xffff;
	v18 =	vsel vm8, v19, v18  }
0x706: {  	v58 =	vperm.xlane v18, v10;
	_ =	sdelay $0x1  }
0x707: {  	v20 =	vmin.f32 v18, v58  }
0x708: {  	v18 =	vsel vm9, v20, v18  }
0x709: {  	v18 =	vmin.f32 v57, v18  }
0x70a: {  	[tilespmem:v17+s25+$0x0] =	vst.idx.msk vm7, v18  }
0x70b: {  	v18 =	vld.idx.msk [tilespmem:v15+s23+$0x0], $0xffff;
	_ =	sdelay $0x2  }
0x70c: {  	v59 =	vmul.f32 v16, v13;
	_ =	sdelay $0x1  }
0x70d: {  	v18 =	vadd.f32 v18, v59;
	_ =	sdelay $0x1  }
0x70e: {  	v19 =	vperm.xlane v18, v5;
	_ =	sdelay $0x1  }
0x70f: {  	v19 =	vmin.f32 v18, v19  }
0x710: {  	v18 =	vsel vm5, v19, v18  }
0x711: {  	v19 =	vperm.xlane v18, v7;
	_ =	sdelay $0x1  }
0x712: {  	v19 =	vmin.f32 v18, v19  }
0x713: {  	v18 =	vsel vm6, v19, v18  }
0x714: {  	v19 =	vperm.xlane v18, v9;
	_ =	sdelay $0x1  }
0x715: {  	v19 =	vmin.f32 v18, v19  }
0x716: {  	v60 =	vld.idx.msk [tilespmem:v17+s26+$0x0], $0xffff;
	v18 =	vsel vm8, v19, v18  }
0x717: {  	v61 =	vperm.xlane v18, v10;
	_ =	sdelay $0x1  }
0x718: {  	v20 =	vmin.f32 v18, v61  }
0x719: {  	v18 =	vsel vm9, v20, v18  }
0x71a: {  	v18 =	vmin.f32 v60, v18  }
0x71b: {  	[tilespmem:v17+s26+$0x0] =	vst.idx.msk vm7, v18  }
0x71c: {  	v15 =	vld.idx.msk [tilespmem:v15+s24+$0x0], $0xffff;
	_ =	sdelay $0x2  }
0x71d: {  	v16 =	vmul.f32 v16, v14;
	_ =	sdelay $0x1  }
0x71e: {  	v15 =	vadd.f32 v15, v16;
	_ =	sdelay $0x1  }
0x71f: {  	v16 =	vperm.xlane v15, v5;
	_ =	sdelay $0x1  }
0x720: {  	v16 =	vmin.f32 v15, v16  }
0x721: {  	v15 =	vsel vm5, v16, v15  }
0x722: {  	v16 =	vperm.xlane v15, v7;
	_ =	sdelay $0x1  }
0x723: {  	v16 =	vmin.f32 v15, v16  }
0x724: {  	v15 =	vsel vm6, v16, v15  }
0x725: {  	v16 =	vperm.xlane v15, v9;
	_ =	sdelay $0x1  }
0x726: {  	v16 =	vmin.f32 v15, v16  }
0x727: {  	v62 =	vld.idx.msk [tilespmem:v17+s28+$0x0], $0xffff;
	v15 =	vsel vm8, v16, v15  }
0x728: {  	v63 =	vperm.xlane v15, v10  }
.Ltmp24:
0x729: {  	_ = 	snop;
	(pc) =	sbr.rel .LBB2_39-.Ltmp24, $4  }
0x72a: {  	v18 =	vmin.f32 v15, v63  }
0x72b: {  	v15 =	vsel vm9, v18, v15  }
0x72c: {  	v15 =	vmin.f32 v62, v15  }
0x72d: {  	[tilespmem:v17+s28+$0x0] =	vst.idx.msk vm7, v15  }
.LBB2_40:
.Ltmp25:
0x72e: {  	(pc) =	sbr.rel @p0 .LBB2_42-.Ltmp25, $1  }
0x72f: {  	_ =	sdelay $0x3  }
0x730: {  	s12 =	smul.u32 $0x3200, s11;
	_ =	sdelay $0x1  }
0x731: {  	s12 =	sshrl.u32 s12, $0x3  }
0x732: {  	s12 =	sadd.s32 $0x960, s12  }
0x733: {  	s13 =	sadd.s32 s6, s12  }
0x734: {  	[tilespmem:s29], [sflag:$0x4] =	stream.linear.gather [hbm4b:s13+s4], $0x1900, $0x38;
	[tilespmem:$0x1D280] =	vst v63  }
.Ltmp26:
0x735: {  	_ = 	snop;
	(pc) =	sbr.rel .LBB2_4-.Ltmp26, $4  }
0x736: {  	s15 =	sadd.s32 s5, s12  }
0x737: {  	[tilespmem:s30], [sflag:$0x5] =	stream.linear.gather [hbm4b:s15+s4], $0x1900, $0x38;
	[tilespmem:$0x1D280] =	vst v63  }
0x738: {  	s11 =	sadd.s32 $0x1, s11;
	s12 =	sadd.s32 s2, s12  }
0x739: {  	[tilespmem:s31], [sflag:$0x6] =	stream.linear.gather [hbm4b:s12+s4], $0x1900, $0x38;
	[tilespmem:$0x1D280] =	vst v63  }
.LBB2_43:
0x73a: {  	_ =	sfence.sel $0x180000  }
0x73b: {  	[bflag:$0x0] =	sbarrier.arrive $0xFFFF  }
0x73c: {  	_ =	strace $0x90000047  }
0x73d: {  	s0 =	stileid.u32;
	[bflag:$0x2] =	sbarrier.arrive $0xFFFF  }
0x73e: {  	p0 =	sne.s32 s0, $0x0;
	s0 =	rddreg [dreg:$0x3]  }
0x73f: {  	s0 =	sadd.s32 @!p0 $0x100000, s0  }
0x740: {  	[sflag:s0] =	ssyncadd.tile.s32 @!p0 $0x1;
	_ =	shalt  }
.Lfunc_end2:
_tile_overlayer_lowered:
.L_overlay_start_2:
0x741: {  	(tag) =	ssettag $0x2  }
0x742: {  	s0 =	rddreg [dreg:$0x0];
	s2 =	stileid.u32  }
0x743: {  	s1 =	rddreg [dreg:$0x1];
	p0 =	sne.s32 s2, $0x0  }
0x744: {  	s3 =	rddreg [dreg:$0x2];
	[bflag:$0x3] =	sbarrier.arrive $0xFFFF;
	s2 =	simm.s32 @!p0 $0x1C07  }
0x745: {  	[timem:s3], [sflag:s2] =	dma.local @!p0 [hbm:s0], s1  }
0x746: {  	s0 =	simm.s32 @!p0 $0x7  }
0x747: {  	_ =	swait.ge @!p0 [sflag:s0], s1  }
0x748: {  	s1 =	ssub.s32 @!p0 $0x0, s1;
	[sflag:s0] =	ssyncset.done @!p0 $0x0  }
0x749: {  	[sflag:s0] =	ssyncadd.s32 @!p0 s1  }
0x74a: {  	[bflag:$0x3] =	sbarrier.arrive $0xFFFF  }
0x74b: {  	_ =	shalt  }

</sc_bundles>
